<compile_context>
chip_gen: v7x
topology: tpu7x:2x2x1
jax: 0.10.2.dev20260603
libtpu: 0.0.44.dev20260713+nightly
codegen_flags: <defaults>
</compile_context>

<pallas_src>
import functools

import jax
import jax.numpy as jnp
from jax import lax
from jax.experimental import pallas as pl
from jax.experimental.pallas import tpu as pltpu
from jax.experimental.pallas import tpu_sc as plsc

BATCH = 4
SEQ = 8192
DIM = 768

NC = 2
NS = 16
NW = NC * NS
POS_PER_W = SEQ // NW
R = 32
NSUB = POS_PER_W // R
LANES = 16


def _add_chunk(buf, pos):

    @plsc.parallel_loop(0, R, step=1)
    def body(r):
        for c in range(0, DIM, LANES):
            plsc.addupdate(buf.at[r, pl.ds(c, LANES)],
                           pos[r, pl.ds(c, LANES)])


def _sc_kernel(x_hbm, w_hbm, out_hbm,
               buf0, buf1, buf2, buf3, pos_v,
               sem_ld0, sem_ld1, sem_ld2, sem_ld3,
               sem_st0, sem_st1, sem_st2, sem_st3, sem_p):
    w = lax.axis_index("s") * NC + lax.axis_index("c")
    base = w * POS_PER_W

    bufs = (buf0, buf1, buf2, buf3)
    ld_sems = (sem_ld0, sem_ld1, sem_ld2, sem_ld3)
    st_sems = (sem_st0, sem_st1, sem_st2, sem_st3)

    def wait_ld(k):
        pltpu.make_async_copy(x_hbm.at[0, pl.ds(0, R)], bufs[k],
                              ld_sems[k]).wait()

    def wait_st(k):
        pltpu.make_async_copy(bufs[k], out_hbm.at[0, pl.ds(0, R)],
                              st_sems[k]).wait()

    def wait_pos():
        pltpu.make_async_copy(w_hbm.at[pl.ds(0, R)], pos_v, sem_p).wait()

    pltpu.async_copy(w_hbm.at[pl.ds(base, R)], pos_v, sem_p)
    pltpu.async_copy(x_hbm.at[0, pl.ds(base, R)], bufs[0], ld_sems[0])
    pltpu.async_copy(x_hbm.at[1, pl.ds(base, R)], bufs[1], ld_sems[1])

    def t_body(t, carry):
        row0 = base + t * R
        wait_pos()
        for b in range(BATCH):
            wait_ld(b)
            if b < 2:
                j = b + 2

                @pl.when(t > 0)
                def _free():
                    wait_st(j)
                pltpu.async_copy(x_hbm.at[j, pl.ds(row0, R)], bufs[j],
                                 ld_sems[j])
            else:
                j = b - 2

                @pl.when(t + 1 < NSUB)
                def _next():
                    wait_st(j)
                    pltpu.async_copy(x_hbm.at[j, pl.ds(row0 + R, R)],
                                     bufs[j], ld_sems[j])
            _add_chunk(bufs[b], pos_v)
            if b == BATCH - 1:
                @pl.when(t + 1 < NSUB)
                def _pos_next():
                    pltpu.async_copy(w_hbm.at[pl.ds(row0 + R, R)], pos_v,
                                     sem_p)
            pltpu.async_copy(bufs[b], out_hbm.at[b, pl.ds(row0, R)],
                             st_sems[b])
        return carry

    lax.fori_loop(0, NSUB, t_body, 0)
    for k in range(BATCH):
        wait_st(k)


@jax.jit
def kernel(x, pos_embed_weight):
    mesh = plsc.VectorSubcoreMesh(core_axis_name="c", subcore_axis_name="s",
                                  num_cores=NC, num_subcores=NS)
    run = functools.partial(
        pl.kernel,
        out_type=jax.ShapeDtypeStruct((BATCH, SEQ, DIM), jnp.float32),
        mesh=mesh,
        scratch_types=[
            pltpu.VMEM((R, DIM), jnp.float32),
            pltpu.VMEM((R, DIM), jnp.float32),
            pltpu.VMEM((R, DIM), jnp.float32),
            pltpu.VMEM((R, DIM), jnp.float32),
            pltpu.VMEM((R, DIM), jnp.float32),
            pltpu.SemaphoreType.DMA,
            pltpu.SemaphoreType.DMA,
            pltpu.SemaphoreType.DMA,
            pltpu.SemaphoreType.DMA,
            pltpu.SemaphoreType.DMA,
            pltpu.SemaphoreType.DMA,
            pltpu.SemaphoreType.DMA,
            pltpu.SemaphoreType.DMA,
            pltpu.SemaphoreType.DMA,
        ],
    )(_sc_kernel)
    return run(x, pos_embed_weight)

# --- scband reference (transcript-rebuilt; emitter-appended) ---
"""Pipeline reference for scband-positional-embedding-31473520345098 (READ-ONLY COPY).

The authoritative reference and input builder live on the scoring server;
editing this copy changes nothing except your own understanding.
"""

import jax, jax.numpy as jnp
import numpy as np

DIM = 768
MAX_SEQ_LENGTH = 8192
BATCH = 4
SEQ_LEN = 8192

def setup_inputs(seed: int = 0) -> dict:
    key = jax.random.key(seed)
    k1, k2 = jax.random.split(key)
    x = jax.random.normal(k1, (BATCH, SEQ_LEN, DIM), dtype=jnp.float32)
    pos_embed_weight = jax.random.normal(k2, (MAX_SEQ_LENGTH, DIM), dtype=jnp.float32)
    return {"x": x, "pos_embed_weight": pos_embed_weight}

def reference(x, pos_embed_weight):
    seq_len = x.shape[1]
    positions = jnp.arange(seq_len)[None, :]  # [1, S]
    pos_embedding = jnp.take(pos_embed_weight, positions, axis=0)  # [1, S, dim]
    return x + pos_embedding

if __name__ == "__main__":
    import jax
    _d = setup_inputs()
    print(jax.jit(kernel)(*tuple(_d.values())))

</pallas_src>

<mosaic_0001>
#map = affine_map<(d0, d1) -> (0, 0, 0)>
#map1 = affine_map<(d0, d1) -> (0, 0)>
module attributes {stable_mosaic.version = 14 : i64} {
  func.func @_sc_kernel(%arg0: i32, %arg1: i32, %arg2: memref<4x8192x768xf32, #tpu.memory_space<hbm>>, %arg3: memref<8192x768xf32, #tpu.memory_space<hbm>>, %arg4: memref<4x8192x768xf32, #tpu.memory_space<hbm>>, %arg5: memref<32x768xf32, #tpu.memory_space<vmem>>, %arg6: memref<32x768xf32, #tpu.memory_space<vmem>>, %arg7: memref<32x768xf32, #tpu.memory_space<vmem>>, %arg8: memref<32x768xf32, #tpu.memory_space<vmem>>, %arg9: memref<32x768xf32, #tpu.memory_space<vmem>>, %arg10: memref<!tpu.dma_semaphore, #tpu.memory_space<semaphore_mem>>, %arg11: memref<!tpu.dma_semaphore, #tpu.memory_space<semaphore_mem>>, %arg12: memref<!tpu.dma_semaphore, #tpu.memory_space<semaphore_mem>>, %arg13: memref<!tpu.dma_semaphore, #tpu.memory_space<semaphore_mem>>, %arg14: memref<!tpu.dma_semaphore, #tpu.memory_space<semaphore_mem>>, %arg15: memref<!tpu.dma_semaphore, #tpu.memory_space<semaphore_mem>>, %arg16: memref<!tpu.dma_semaphore, #tpu.memory_space<semaphore_mem>>, %arg17: memref<!tpu.dma_semaphore, #tpu.memory_space<semaphore_mem>>, %arg18: memref<!tpu.dma_semaphore, #tpu.memory_space<semaphore_mem>>) attributes {dimension_semantics = [#tpu.dimension_semantics<core_parallel>, #tpu.dimension_semantics<subcore_parallel>], iteration_bounds = array<i64: 2, 16>, scalar_prefetch = 0 : i64, scratch_operands = 14 : i64, tpu.core_type = #tpu.core_type<sc_vector_subcore>, window_params = [{transform_indices = #map}, {transform_indices = #map1}, {transform_indices = #map}]} {
    %mul3A = arith.constant 2 : i32
    %mul3A_0 = arith.muli %arg1, %mul3A : i32
    %add3A = arith.addi %mul3A_0, %arg0 : i32
    %mul3A_1 = arith.constant 256 : i32
    %mul3A_2 = arith.muli %add3A, %mul3A_1 : i32
    %dma_start3A = arith.constant 0 : i32
    %dma_start3A_3 = tpu.memref_slice %arg3[%mul3A_2, %dma_start3A] : memref<8192x768xf32, #tpu.memory_space<hbm>> -> memref<32x768xf32, #tpu.memory_space<hbm>>
    %dma_start3A_4 = arith.constant 0 : i32
    %dma_start3A_5 = tpu.memref_slice %arg3[%mul3A_2, %dma_start3A_4] : memref<8192x768xf32, #tpu.memory_space<hbm>> -> memref<32x768xf32, #tpu.memory_space<hbm>>
    tpu.enqueue_dma source(%dma_start3A_5 : memref<32x768xf32, #tpu.memory_space<hbm>>) target(%arg9 : memref<32x768xf32, #tpu.memory_space<vmem>>) target_semaphore(%arg18 : memref<!tpu.dma_semaphore, #tpu.memory_space<semaphore_mem>>)
    %dma_start3A_6 = arith.constant 0 : i32
    %dma_start3A_7 = arith.constant 0 : i32
    %dma_start3A_8 = tpu.memref_slice %arg2[%dma_start3A_6, %mul3A_2, %dma_start3A_7] : memref<4x8192x768xf32, #tpu.memory_space<hbm>> -> memref<1x32x768xf32, #tpu.memory_space<hbm>>
    %dma_start3A_9 = tpu.memref_squeeze %dma_start3A_8 : memref<1x32x768xf32, #tpu.memory_space<hbm>> -> memref<32x768xf32, #tpu.memory_space<hbm>>
    %dma_start3A_10 = arith.constant 0 : i32
    %dma_start3A_11 = tpu.memref_slice %arg2[%dma_start3A_6, %mul3A_2, %dma_start3A_10] : memref<4x8192x768xf32, #tpu.memory_space<hbm>> -> memref<1x32x768xf32, #tpu.memory_space<hbm>>
    %dma_start3A_12 = tpu.memref_squeeze %dma_start3A_11 : memref<1x32x768xf32, #tpu.memory_space<hbm>> -> memref<32x768xf32, #tpu.memory_space<hbm>>
    tpu.enqueue_dma source(%dma_start3A_12 : memref<32x768xf32, #tpu.memory_space<hbm>>) target(%arg5 : memref<32x768xf32, #tpu.memory_space<vmem>>) target_semaphore(%arg10 : memref<!tpu.dma_semaphore, #tpu.memory_space<semaphore_mem>>)
    %dma_start3A_13 = arith.constant 1 : i32
    %dma_start3A_14 = arith.constant 0 : i32
    %dma_start3A_15 = tpu.memref_slice %arg2[%dma_start3A_13, %mul3A_2, %dma_start3A_14] : memref<4x8192x768xf32, #tpu.memory_space<hbm>> -> memref<1x32x768xf32, #tpu.memory_space<hbm>>
    %dma_start3A_16 = tpu.memref_squeeze %dma_start3A_15 : memref<1x32x768xf32, #tpu.memory_space<hbm>> -> memref<32x768xf32, #tpu.memory_space<hbm>>
    %dma_start3A_17 = arith.constant 0 : i32
    %dma_start3A_18 = tpu.memref_slice %arg2[%dma_start3A_13, %mul3A_2, %dma_start3A_17] : memref<4x8192x768xf32, #tpu.memory_space<hbm>> -> memref<1x32x768xf32, #tpu.memory_space<hbm>>
    %dma_start3A_19 = tpu.memref_squeeze %dma_start3A_18 : memref<1x32x768xf32, #tpu.memory_space<hbm>> -> memref<32x768xf32, #tpu.memory_space<hbm>>
    tpu.enqueue_dma source(%dma_start3A_19 : memref<32x768xf32, #tpu.memory_space<hbm>>) target(%arg6 : memref<32x768xf32, #tpu.memory_space<vmem>>) target_semaphore(%arg11 : memref<!tpu.dma_semaphore, #tpu.memory_space<semaphore_mem>>)
    %scan3A = arith.constant 0 : i32
    %scan3A_20 = arith.constant 0 : i32
    %scan3A_21 = arith.constant 8 : i32
    %scan3A_22 = arith.addi %scan3A_20, %scan3A_21 : i32
    %scan3A_23 = arith.constant 1 : i32
    scf.for %scan3A_60 = %scan3A_20 to %scan3A_22 step %scan3A_23  : i32 {
      %mul3A_61 = arith.constant 32 : i32
      %mul3A_62 = arith.muli %scan3A_60, %mul3A_61 : i32
      %add3A_63 = arith.addi %mul3A_2, %mul3A_62 : i32
      %dma_wait3A_64 = arith.constant 0 : i32
      %dma_wait3A_65 = arith.constant 0 : i32
      %dma_wait3A_66 = tpu.memref_slice %arg3[%dma_wait3A_64, %dma_wait3A_65] : memref<8192x768xf32, #tpu.memory_space<hbm>> -> memref<32x768xf32, #tpu.memory_space<hbm>>
      %dma_wait3A_67 = arith.constant 0 : i32
      %dma_wait3A_68 = arith.constant 0 : i32
      %dma_wait3A_69 = tpu.memref_slice %arg3[%dma_wait3A_67, %dma_wait3A_68] : memref<8192x768xf32, #tpu.memory_space<hbm>> -> memref<32x768xf32, #tpu.memory_space<hbm>>
      tpu.wait_dma2 semaphore(%arg18 : memref<!tpu.dma_semaphore, #tpu.memory_space<semaphore_mem>>) src(%dma_wait3A_69 : memref<32x768xf32, #tpu.memory_space<hbm>>) dst(%arg9 : memref<32x768xf32, #tpu.memory_space<vmem>>)
      %dma_wait3A_70 = arith.constant 0 : i32
      %dma_wait3A_71 = arith.constant 0 : i32
      %dma_wait3A_72 = arith.constant 0 : i32
      %dma_wait3A_73 = tpu.memref_slice %arg2[%dma_wait3A_70, %dma_wait3A_71, %dma_wait3A_72] : memref<4x8192x768xf32, #tpu.memory_space<hbm>> -> memref<1x32x768xf32, #tpu.memory_space<hbm>>
      %dma_wait3A_74 = tpu.memref_squeeze %dma_wait3A_73 : memref<1x32x768xf32, #tpu.memory_space<hbm>> -> memref<32x768xf32, #tpu.memory_space<hbm>>
      %dma_wait3A_75 = arith.constant 0 : i32
      %dma_wait3A_76 = arith.constant 0 : i32
      %dma_wait3A_77 = tpu.memref_slice %arg2[%dma_wait3A_70, %dma_wait3A_75, %dma_wait3A_76] : memref<4x8192x768xf32, #tpu.memory_space<hbm>> -> memref<1x32x768xf32, #tpu.memory_space<hbm>>
      %dma_wait3A_78 = tpu.memref_squeeze %dma_wait3A_77 : memref<1x32x768xf32, #tpu.memory_space<hbm>> -> memref<32x768xf32, #tpu.memory_space<hbm>>
      tpu.wait_dma2 semaphore(%arg10 : memref<!tpu.dma_semaphore, #tpu.memory_space<semaphore_mem>>) src(%dma_wait3A_78 : memref<32x768xf32, #tpu.memory_space<hbm>>) dst(%arg5 : memref<32x768xf32, #tpu.memory_space<vmem>>)
      %gt3A = arith.constant 0 : i32
      %gt3A_79 = arith.cmpi sgt, %scan3A_60, %gt3A : i32
      %convert_element_type3A = arith.extui %gt3A_79 : i1 to i32
      %cond3A = arith.constant 0 : i32
      %cond3A_80 = arith.cmpi ne, %convert_element_type3A, %cond3A : i32
      scf.if %cond3A_80 {
        %dma_wait3A_186 = arith.constant 0 : i32
        %dma_wait3A_187 = arith.constant 0 : i32
        %dma_wait3A_188 = arith.constant 0 : i32
        %dma_wait3A_189 = tpu.memref_slice %arg4[%dma_wait3A_186, %dma_wait3A_187, %dma_wait3A_188] : memref<4x8192x768xf32, #tpu.memory_space<hbm>> -> memref<1x32x768xf32, #tpu.memory_space<hbm>>
        %dma_wait3A_190 = tpu.memref_squeeze %dma_wait3A_189 : memref<1x32x768xf32, #tpu.memory_space<hbm>> -> memref<32x768xf32, #tpu.memory_space<hbm>>
        %dma_wait3A_191 = arith.constant 0 : i32
        %dma_wait3A_192 = arith.constant 0 : i32
        %dma_wait3A_193 = tpu.memref_slice %arg4[%dma_wait3A_186, %dma_wait3A_191, %dma_wait3A_192] : memref<4x8192x768xf32, #tpu.memory_space<hbm>> -> memref<1x32x768xf32, #tpu.memory_space<hbm>>
        %dma_wait3A_194 = tpu.memref_squeeze %dma_wait3A_193 : memref<1x32x768xf32, #tpu.memory_space<hbm>> -> memref<32x768xf32, #tpu.memory_space<hbm>>
        tpu.wait_dma2 semaphore(%arg16 : memref<!tpu.dma_semaphore, #tpu.memory_space<semaphore_mem>>) src(%arg7 : memref<32x768xf32, #tpu.memory_space<vmem>>) dst(%dma_wait3A_194 : memref<32x768xf32, #tpu.memory_space<hbm>>)
      } else {
      }
      %dma_start3A_81 = arith.constant 2 : i32
      %dma_start3A_82 = arith.constant 0 : i32
      %dma_start3A_83 = tpu.memref_slice %arg2[%dma_start3A_81, %add3A_63, %dma_start3A_82] : memref<4x8192x768xf32, #tpu.memory_space<hbm>> -> memref<1x32x768xf32, #tpu.memory_space<hbm>>
      %dma_start3A_84 = tpu.memref_squeeze %dma_start3A_83 : memref<1x32x768xf32, #tpu.memory_space<hbm>> -> memref<32x768xf32, #tpu.memory_space<hbm>>
      %dma_start3A_85 = arith.constant 0 : i32
      %dma_start3A_86 = tpu.memref_slice %arg2[%dma_start3A_81, %add3A_63, %dma_start3A_85] : memref<4x8192x768xf32, #tpu.memory_space<hbm>> -> memref<1x32x768xf32, #tpu.memory_space<hbm>>
      %dma_start3A_87 = tpu.memref_squeeze %dma_start3A_86 : memref<1x32x768xf32, #tpu.memory_space<hbm>> -> memref<32x768xf32, #tpu.memory_space<hbm>>
      tpu.enqueue_dma source(%dma_start3A_87 : memref<32x768xf32, #tpu.memory_space<hbm>>) target(%arg7 : memref<32x768xf32, #tpu.memory_space<vmem>>) target_semaphore(%arg12 : memref<!tpu.dma_semaphore, #tpu.memory_space<semaphore_mem>>)
      %parallel_loop3A = arith.constant 0 : i32
      %parallel_loop3A_88 = arith.constant 32 : i32
      %parallel_loop3A_89 = arith.constant 1 : i32
      scf.for %parallel_loop3A_186 = %parallel_loop3A to %parallel_loop3A_88 step %parallel_loop3A_89  : i32 {
        %parallel_loop3A_187 = arith.index_cast %parallel_loop3A_186 : i32 to index
        %parallel_loop3A_188 = arith.constant 0 : index
        %parallel_loop3A_189 = tpu.vector_load %arg9[%parallel_loop3A_187, %parallel_loop3A_188] {strides = array<i32>} : memref<32x768xf32, #tpu.memory_space<vmem>>, vector<1x16xf32>,
        %parallel_loop3A_190 = vector.shape_cast %parallel_loop3A_189 : vector<1x16xf32> to vector<16xf32>
        %parallel_loop3A_191 = arith.index_cast %parallel_loop3A_186 : i32 to index
        %parallel_loop3A_192 = arith.constant 0 : index
        %parallel_loop3A_193 = tpu.vector_load %arg5[%parallel_loop3A_191, %parallel_loop3A_192] {strides = array<i32>} : memref<32x768xf32, #tpu.memory_space<vmem>>, vector<1x16xf32>,
        %parallel_loop3A_194 = vector.shape_cast %parallel_loop3A_193 : vector<1x16xf32> to vector<16xf32>
        %parallel_loop3A_195 = vector.shape_cast %parallel_loop3A_190 : vector<16xf32> to vector<1x16xf32>
        tpu.vector_store %arg5[%parallel_loop3A_191, %parallel_loop3A_192], %parallel_loop3A_195 {add = true, strides = array<i32>} : memref<32x768xf32, #tpu.memory_space<vmem>>, vector<1x16xf32>,
        %parallel_loop3A_196 = arith.index_cast %parallel_loop3A_186 : i32 to index
        %parallel_loop3A_197 = arith.constant 16 : index
        %parallel_loop3A_198 = tpu.vector_load %arg9[%parallel_loop3A_196, %parallel_loop3A_197] {strides = array<i32>} : memref<32x768xf32, #tpu.memory_space<vmem>>, vector<1x16xf32>,
        %parallel_loop3A_199 = vector.shape_cast %parallel_loop3A_198 : vector<1x16xf32> to vector<16xf32>
        %parallel_loop3A_200 = arith.index_cast %parallel_loop3A_186 : i32 to index
        %parallel_loop3A_201 = arith.constant 16 : index
        %parallel_loop3A_202 = tpu.vector_load %arg5[%parallel_loop3A_200, %parallel_loop3A_201] {strides = array<i32>} : memref<32x768xf32, #tpu.memory_space<vmem>>, vector<1x16xf32>,
        %parallel_loop3A_203 = vector.shape_cast %parallel_loop3A_202 : vector<1x16xf32> to vector<16xf32>
        %parallel_loop3A_204 = vector.shape_cast %parallel_loop3A_199 : vector<16xf32> to vector<1x16xf32>
        tpu.vector_store %arg5[%parallel_loop3A_200, %parallel_loop3A_201], %parallel_loop3A_204 {add = true, strides = array<i32>} : memref<32x768xf32, #tpu.memory_space<vmem>>, vector<1x16xf32>,
        %parallel_loop3A_205 = arith.index_cast %parallel_loop3A_186 : i32 to index
        %parallel_loop3A_206 = arith.constant 32 : index
        %parallel_loop3A_207 = tpu.vector_load %arg9[%parallel_loop3A_205, %parallel_loop3A_206] {strides = array<i32>} : memref<32x768xf32, #tpu.memory_space<vmem>>, vector<1x16xf32>,
        %parallel_loop3A_208 = vector.shape_cast %parallel_loop3A_207 : vector<1x16xf32> to vector<16xf32>
        %parallel_loop3A_209 = arith.index_cast %parallel_loop3A_186 : i32 to index
        %parallel_loop3A_210 = arith.constant 32 : index
        %parallel_loop3A_211 = tpu.vector_load %arg5[%parallel_loop3A_209, %parallel_loop3A_210] {strides = array<i32>} : memref<32x768xf32, #tpu.memory_space<vmem>>, vector<1x16xf32>,
        %parallel_loop3A_212 = vector.shape_cast %parallel_loop3A_211 : vector<1x16xf32> to vector<16xf32>
        %parallel_loop3A_213 = vector.shape_cast %parallel_loop3A_208 : vector<16xf32> to vector<1x16xf32>
        tpu.vector_store %arg5[%parallel_loop3A_209, %parallel_loop3A_210], %parallel_loop3A_213 {add = true, strides = array<i32>} : memref<32x768xf32, #tpu.memory_space<vmem>>, vector<1x16xf32>,
        %parallel_loop3A_214 = arith.index_cast %parallel_loop3A_186 : i32 to index
        %parallel_loop3A_215 = arith.constant 48 : index
        %parallel_loop3A_216 = tpu.vector_load %arg9[%parallel_loop3A_214, %parallel_loop3A_215] {strides = array<i32>} : memref<32x768xf32, #tpu.memory_space<vmem>>, vector<1x16xf32>,
        %parallel_loop3A_217 = vector.shape_cast %parallel_loop3A_216 : vector<1x16xf32> to vector<16xf32>
        %parallel_loop3A_218 = arith.index_cast %parallel_loop3A_186 : i32 to index
        %parallel_loop3A_219 = arith.constant 48 : index
        %parallel_loop3A_220 = tpu.vector_load %arg5[%parallel_loop3A_218, %parallel_loop3A_219] {strides = array<i32>} : memref<32x768xf32, #tpu.memory_space<vmem>>, vector<1x16xf32>,
        %parallel_loop3A_221 = vector.shape_cast %parallel_loop3A_220 : vector<1x16xf32> to vector<16xf32>
        %parallel_loop3A_222 = vector.shape_cast %parallel_loop3A_217 : vector<16xf32> to vector<1x16xf32>
        tpu.vector_store %arg5[%parallel_loop3A_218, %parallel_loop3A_219], %parallel_loop3A_222 {add = true, strides = array<i32>} : memref<32x768xf32, #tpu.memory_space<vmem>>, vector<1x16xf32>,
        %parallel_loop3A_223 = arith.index_cast %parallel_loop3A_186 : i32 to index
        %parallel_loop3A_224 = arith.constant 64 : index
        %parallel_loop3A_225 = tpu.vector_load %arg9[%parallel_loop3A_223, %parallel_loop3A_224] {strides = array<i32>} : memref<32x768xf32, #tpu.memory_space<vmem>>, vector<1x16xf32>,
        %parallel_loop3A_226 = vector.shape_cast %parallel_loop3A_225 : vector<1x16xf32> to vector<16xf32>
        %parallel_loop3A_227 = arith.index_cast %parallel_loop3A_186 : i32 to index
        %parallel_loop3A_228 = arith.constant 64 : index
        %parallel_loop3A_229 = tpu.vector_load %arg5[%parallel_loop3A_227, %parallel_loop3A_228] {strides = array<i32>} : memref<32x768xf32, #tpu.memory_space<vmem>>, vector<1x16xf32>,
        %parallel_loop3A_230 = vector.shape_cast %parallel_loop3A_229 : vector<1x16xf32> to vector<16xf32>
        %parallel_loop3A_231 = vector.shape_cast %parallel_loop3A_226 : vector<16xf32> to vector<1x16xf32>
        tpu.vector_store %arg5[%parallel_loop3A_227, %parallel_loop3A_228], %parallel_loop3A_231 {add = true, strides = array<i32>} : memref<32x768xf32, #tpu.memory_space<vmem>>, vector<1x16xf32>,
        %parallel_loop3A_232 = arith.index_cast %parallel_loop3A_186 : i32 to index
        %parallel_loop3A_233 = arith.constant 80 : index
        %parallel_loop3A_234 = tpu.vector_load %arg9[%parallel_loop3A_232, %parallel_loop3A_233] {strides = array<i32>} : memref<32x768xf32, #tpu.memory_space<vmem>>, vector<1x16xf32>,
        %parallel_loop3A_235 = vector.shape_cast %parallel_loop3A_234 : vector<1x16xf32> to vector<16xf32>
        %parallel_loop3A_236 = arith.index_cast %parallel_loop3A_186 : i32 to index
        %parallel_loop3A_237 = arith.constant 80 : index
        %parallel_loop3A_238 = tpu.vector_load %arg5[%parallel_loop3A_236, %parallel_loop3A_237] {strides = array<i32>} : memref<32x768xf32, #tpu.memory_space<vmem>>, vector<1x16xf32>,
        %parallel_loop3A_239 = vector.shape_cast %parallel_loop3A_238 : vector<1x16xf32> to vector<16xf32>
        %parallel_loop3A_240 = vector.shape_cast %parallel_loop3A_235 : vector<16xf32> to vector<1x16xf32>
        tpu.vector_store %arg5[%parallel_loop3A_236, %parallel_loop3A_237], %parallel_loop3A_240 {add = true, strides = array<i32>} : memref<32x768xf32, #tpu.memory_space<vmem>>, vector<1x16xf32>,
        %parallel_loop3A_241 = arith.index_cast %parallel_loop3A_186 : i32 to index
        %parallel_loop3A_242 = arith.constant 96 : index
        %parallel_loop3A_243 = tpu.vector_load %arg9[%parallel_loop3A_241, %parallel_loop3A_242] {strides = array<i32>} : memref<32x768xf32, #tpu.memory_space<vmem>>, vector<1x16xf32>,
        %parallel_loop3A_244 = vector.shape_cast %parallel_loop3A_243 : vector<1x16xf32> to vector<16xf32>
        %parallel_loop3A_245 = arith.index_cast %parallel_loop3A_186 : i32 to index
        %parallel_loop3A_246 = arith.constant 96 : index
        %parallel_loop3A_247 = tpu.vector_load %arg5[%parallel_loop3A_245, %parallel_loop3A_246] {strides = array<i32>} : memref<32x768xf32, #tpu.memory_space<vmem>>, vector<1x16xf32>,
        %parallel_loop3A_248 = vector.shape_cast %parallel_loop3A_247 : vector<1x16xf32> to vector<16xf32>
        %parallel_loop3A_249 = vector.shape_cast %parallel_loop3A_244 : vector<16xf32> to vector<1x16xf32>
        tpu.vector_store %arg5[%parallel_loop3A_245, %parallel_loop3A_246], %parallel_loop3A_249 {add = true, strides = array<i32>} : memref<32x768xf32, #tpu.memory_space<vmem>>, vector<1x16xf32>,
        %parallel_loop3A_250 = arith.index_cast %parallel_loop3A_186 : i32 to index
        %parallel_loop3A_251 = arith.constant 112 : index
        %parallel_loop3A_252 = tpu.vector_load %arg9[%parallel_loop3A_250, %parallel_loop3A_251] {strides = array<i32>} : memref<32x768xf32, #tpu.memory_space<vmem>>, vector<1x16xf32>,
        %parallel_loop3A_253 = vector.shape_cast %parallel_loop3A_252 : vector<1x16xf32> to vector<16xf32>
        %parallel_loop3A_254 = arith.index_cast %parallel_loop3A_186 : i32 to index
        %parallel_loop3A_255 = arith.constant 112 : index
        %parallel_loop3A_256 = tpu.vector_load %arg5[%parallel_loop3A_254, %parallel_loop3A_255] {strides = array<i32>} : memref<32x768xf32, #tpu.memory_space<vmem>>, vector<1x16xf32>,
        %parallel_loop3A_257 = vector.shape_cast %parallel_loop3A_256 : vector<1x16xf32> to vector<16xf32>
        %parallel_loop3A_258 = vector.shape_cast %parallel_loop3A_253 : vector<16xf32> to vector<1x16xf32>
        tpu.vector_store %arg5[%parallel_loop3A_254, %parallel_loop3A_255], %parallel_loop3A_258 {add = true, strides = array<i32>} : memref<32x768xf32, #tpu.memory_space<vmem>>, vector<1x16xf32>,
        %parallel_loop3A_259 = arith.index_cast %parallel_loop3A_186 : i32 to index
        %parallel_loop3A_260 = arith.constant 128 : index
        %parallel_loop3A_261 = tpu.vector_load %arg9[%parallel_loop3A_259, %parallel_loop3A_260] {strides = array<i32>} : memref<32x768xf32, #tpu.memory_space<vmem>>, vector<1x16xf32>,
        %parallel_loop3A_262 = vector.shape_cast %parallel_loop3A_261 : vector<1x16xf32> to vector<16xf32>
        %parallel_loop3A_263 = arith.index_cast %parallel_loop3A_186 : i32 to index
        %parallel_loop3A_264 = arith.constant 128 : index
        %parallel_loop3A_265 = tpu.vector_load %arg5[%parallel_loop3A_263, %parallel_loop3A_264] {strides = array<i32>} : memref<32x768xf32, #tpu.memory_space<vmem>>, vector<1x16xf32>,
        %parallel_loop3A_266 = vector.shape_cast %parallel_loop3A_265 : vector<1x16xf32> to vector<16xf32>
        %parallel_loop3A_267 = vector.shape_cast %parallel_loop3A_262 : vector<16xf32> to vector<1x16xf32>
        tpu.vector_store %arg5[%parallel_loop3A_263, %parallel_loop3A_264], %parallel_loop3A_267 {add = true, strides = array<i32>} : memref<32x768xf32, #tpu.memory_space<vmem>>, vector<1x16xf32>,
        %parallel_loop3A_268 = arith.index_cast %parallel_loop3A_186 : i32 to index
        %parallel_loop3A_269 = arith.constant 144 : index
        %parallel_loop3A_270 = tpu.vector_load %arg9[%parallel_loop3A_268, %parallel_loop3A_269] {strides = array<i32>} : memref<32x768xf32, #tpu.memory_space<vmem>>, vector<1x16xf32>,
        %parallel_loop3A_271 = vector.shape_cast %parallel_loop3A_270 : vector<1x16xf32> to vector<16xf32>
        %parallel_loop3A_272 = arith.index_cast %parallel_loop3A_186 : i32 to index
        %parallel_loop3A_273 = arith.constant 144 : index
        %parallel_loop3A_274 = tpu.vector_load %arg5[%parallel_loop3A_272, %parallel_loop3A_273] {strides = array<i32>} : memref<32x768xf32, #tpu.memory_space<vmem>>, vector<1x16xf32>,
        %parallel_loop3A_275 = vector.shape_cast %parallel_loop3A_274 : vector<1x16xf32> to vector<16xf32>
        %parallel_loop3A_276 = vector.shape_cast %parallel_loop3A_271 : vector<16xf32> to vector<1x16xf32>
        tpu.vector_store %arg5[%parallel_loop3A_272, %parallel_loop3A_273], %parallel_loop3A_276 {add = true, strides = array<i32>} : memref<32x768xf32, #tpu.memory_space<vmem>>, vector<1x16xf32>,
        %parallel_loop3A_277 = arith.index_cast %parallel_loop3A_186 : i32 to index
        %parallel_loop3A_278 = arith.constant 160 : index
        %parallel_loop3A_279 = tpu.vector_load %arg9[%parallel_loop3A_277, %parallel_loop3A_278] {strides = array<i32>} : memref<32x768xf32, #tpu.memory_space<vmem>>, vector<1x16xf32>,
        %parallel_loop3A_280 = vector.shape_cast %parallel_loop3A_279 : vector<1x16xf32> to vector<16xf32>
        %parallel_loop3A_281 = arith.index_cast %parallel_loop3A_186 : i32 to index
        %parallel_loop3A_282 = arith.constant 160 : index
        %parallel_loop3A_283 = tpu.vector_load %arg5[%parallel_loop3A_281, %parallel_loop3A_282] {strides = array<i32>} : memref<32x768xf32, #tpu.memory_space<vmem>>, vector<1x16xf32>,
        %parallel_loop3A_284 = vector.shape_cast %parallel_loop3A_283 : vector<1x16xf32> to vector<16xf32>
        %parallel_loop3A_285 = vector.shape_cast %parallel_loop3A_280 : vector<16xf32> to vector<1x16xf32>
        tpu.vector_store %arg5[%parallel_loop3A_281, %parallel_loop3A_282], %parallel_loop3A_285 {add = true, strides = array<i32>} : memref<32x768xf32, #tpu.memory_space<vmem>>, vector<1x16xf32>,
        %parallel_loop3A_286 = arith.index_cast %parallel_loop3A_186 : i32 to index
        %parallel_loop3A_287 = arith.constant 176 : index
        %parallel_loop3A_288 = tpu.vector_load %arg9[%parallel_loop3A_286, %parallel_loop3A_287] {strides = array<i32>} : memref<32x768xf32, #tpu.memory_space<vmem>>, vector<1x16xf32>,
        %parallel_loop3A_289 = vector.shape_cast %parallel_loop3A_288 : vector<1x16xf32> to vector<16xf32>
        %parallel_loop3A_290 = arith.index_cast %parallel_loop3A_186 : i32 to index
        %parallel_loop3A_291 = arith.constant 176 : index
        %parallel_loop3A_292 = tpu.vector_load %arg5[%parallel_loop3A_290, %parallel_loop3A_291] {strides = array<i32>} : memref<32x768xf32, #tpu.memory_space<vmem>>, vector<1x16xf32>,
        %parallel_loop3A_293 = vector.shape_cast %parallel_loop3A_292 : vector<1x16xf32> to vector<16xf32>
        %parallel_loop3A_294 = vector.shape_cast %parallel_loop3A_289 : vector<16xf32> to vector<1x16xf32>
        tpu.vector_store %arg5[%parallel_loop3A_290, %parallel_loop3A_291], %parallel_loop3A_294 {add = true, strides = array<i32>} : memref<32x768xf32, #tpu.memory_space<vmem>>, vector<1x16xf32>,
        %parallel_loop3A_295 = arith.index_cast %parallel_loop3A_186 : i32 to index
        %parallel_loop3A_296 = arith.constant 192 : index
        %parallel_loop3A_297 = tpu.vector_load %arg9[%parallel_loop3A_295, %parallel_loop3A_296] {strides = array<i32>} : memref<32x768xf32, #tpu.memory_space<vmem>>, vector<1x16xf32>,
        %parallel_loop3A_298 = vector.shape_cast %parallel_loop3A_297 : vector<1x16xf32> to vector<16xf32>
        %parallel_loop3A_299 = arith.index_cast %parallel_loop3A_186 : i32 to index
        %parallel_loop3A_300 = arith.constant 192 : index
        %parallel_loop3A_301 = tpu.vector_load %arg5[%parallel_loop3A_299, %parallel_loop3A_300] {strides = array<i32>} : memref<32x768xf32, #tpu.memory_space<vmem>>, vector<1x16xf32>,
        %parallel_loop3A_302 = vector.shape_cast %parallel_loop3A_301 : vector<1x16xf32> to vector<16xf32>
        %parallel_loop3A_303 = vector.shape_cast %parallel_loop3A_298 : vector<16xf32> to vector<1x16xf32>
        tpu.vector_store %arg5[%parallel_loop3A_299, %parallel_loop3A_300], %parallel_loop3A_303 {add = true, strides = array<i32>} : memref<32x768xf32, #tpu.memory_space<vmem>>, vector<1x16xf32>,
        %parallel_loop3A_304 = arith.index_cast %parallel_loop3A_186 : i32 to index
        %parallel_loop3A_305 = arith.constant 208 : index
        %parallel_loop3A_306 = tpu.vector_load %arg9[%parallel_loop3A_304, %parallel_loop3A_305] {strides = array<i32>} : memref<32x768xf32, #tpu.memory_space<vmem>>, vector<1x16xf32>,
        %parallel_loop3A_307 = vector.shape_cast %parallel_loop3A_306 : vector<1x16xf32> to vector<16xf32>
        %parallel_loop3A_308 = arith.index_cast %parallel_loop3A_186 : i32 to index
        %parallel_loop3A_309 = arith.constant 208 : index
        %parallel_loop3A_310 = tpu.vector_load %arg5[%parallel_loop3A_308, %parallel_loop3A_309] {strides = array<i32>} : memref<32x768xf32, #tpu.memory_space<vmem>>, vector<1x16xf32>,
        %parallel_loop3A_311 = vector.shape_cast %parallel_loop3A_310 : vector<1x16xf32> to vector<16xf32>
        %parallel_loop3A_312 = vector.shape_cast %parallel_loop3A_307 : vector<16xf32> to vector<1x16xf32>
        tpu.vector_store %arg5[%parallel_loop3A_308, %parallel_loop3A_309], %parallel_loop3A_312 {add = true, strides = array<i32>} : memref<32x768xf32, #tpu.memory_space<vmem>>, vector<1x16xf32>,
        %parallel_loop3A_313 = arith.index_cast %parallel_loop3A_186 : i32 to index
        %parallel_loop3A_314 = arith.constant 224 : index
        %parallel_loop3A_315 = tpu.vector_load %arg9[%parallel_loop3A_313, %parallel_loop3A_314] {strides = array<i32>} : memref<32x768xf32, #tpu.memory_space<vmem>>, vector<1x16xf32>,
        %parallel_loop3A_316 = vector.shape_cast %parallel_loop3A_315 : vector<1x16xf32> to vector<16xf32>
        %parallel_loop3A_317 = arith.index_cast %parallel_loop3A_186 : i32 to index
        %parallel_loop3A_318 = arith.constant 224 : index
        %parallel_loop3A_319 = tpu.vector_load %arg5[%parallel_loop3A_317, %parallel_loop3A_318] {strides = array<i32>} : memref<32x768xf32, #tpu.memory_space<vmem>>, vector<1x16xf32>,
        %parallel_loop3A_320 = vector.shape_cast %parallel_loop3A_319 : vector<1x16xf32> to vector<16xf32>
        %parallel_loop3A_321 = vector.shape_cast %parallel_loop3A_316 : vector<16xf32> to vector<1x16xf32>
        tpu.vector_store %arg5[%parallel_loop3A_317, %parallel_loop3A_318], %parallel_loop3A_321 {add = true, strides = array<i32>} : memref<32x768xf32, #tpu.memory_space<vmem>>, vector<1x16xf32>,
        %parallel_loop3A_322 = arith.index_cast %parallel_loop3A_186 : i32 to index
        %parallel_loop3A_323 = arith.constant 240 : index
        %parallel_loop3A_324 = tpu.vector_load %arg9[%parallel_loop3A_322, %parallel_loop3A_323] {strides = array<i32>} : memref<32x768xf32, #tpu.memory_space<vmem>>, vector<1x16xf32>,
        %parallel_loop3A_325 = vector.shape_cast %parallel_loop3A_324 : vector<1x16xf32> to vector<16xf32>
        %parallel_loop3A_326 = arith.index_cast %parallel_loop3A_186 : i32 to index
        %parallel_loop3A_327 = arith.constant 240 : index
        %parallel_loop3A_328 = tpu.vector_load %arg5[%parallel_loop3A_326, %parallel_loop3A_327] {strides = array<i32>} : memref<32x768xf32, #tpu.memory_space<vmem>>, vector<1x16xf32>,
        %parallel_loop3A_329 = vector.shape_cast %parallel_loop3A_328 : vector<1x16xf32> to vector<16xf32>
        %parallel_loop3A_330 = vector.shape_cast %parallel_loop3A_325 : vector<16xf32> to vector<1x16xf32>
        tpu.vector_store %arg5[%parallel_loop3A_326, %parallel_loop3A_327], %parallel_loop3A_330 {add = true, strides = array<i32>} : memref<32x768xf32, #tpu.memory_space<vmem>>, vector<1x16xf32>,
        %parallel_loop3A_331 = arith.index_cast %parallel_loop3A_186 : i32 to index
        %parallel_loop3A_332 = arith.constant 256 : index
        %parallel_loop3A_333 = tpu.vector_load %arg9[%parallel_loop3A_331, %parallel_loop3A_332] {strides = array<i32>} : memref<32x768xf32, #tpu.memory_space<vmem>>, vector<1x16xf32>,
        %parallel_loop3A_334 = vector.shape_cast %parallel_loop3A_333 : vector<1x16xf32> to vector<16xf32>
        %parallel_loop3A_335 = arith.index_cast %parallel_loop3A_186 : i32 to index
        %parallel_loop3A_336 = arith.constant 256 : index
        %parallel_loop3A_337 = tpu.vector_load %arg5[%parallel_loop3A_335, %parallel_loop3A_336] {strides = array<i32>} : memref<32x768xf32, #tpu.memory_space<vmem>>, vector<1x16xf32>,
        %parallel_loop3A_338 = vector.shape_cast %parallel_loop3A_337 : vector<1x16xf32> to vector<16xf32>
        %parallel_loop3A_339 = vector.shape_cast %parallel_loop3A_334 : vector<16xf32> to vector<1x16xf32>
        tpu.vector_store %arg5[%parallel_loop3A_335, %parallel_loop3A_336], %parallel_loop3A_339 {add = true, strides = array<i32>} : memref<32x768xf32, #tpu.memory_space<vmem>>, vector<1x16xf32>,
        %parallel_loop3A_340 = arith.index_cast %parallel_loop3A_186 : i32 to index
        %parallel_loop3A_341 = arith.constant 272 : index
        %parallel_loop3A_342 = tpu.vector_load %arg9[%parallel_loop3A_340, %parallel_loop3A_341] {strides = array<i32>} : memref<32x768xf32, #tpu.memory_space<vmem>>, vector<1x16xf32>,
        %parallel_loop3A_343 = vector.shape_cast %parallel_loop3A_342 : vector<1x16xf32> to vector<16xf32>
        %parallel_loop3A_344 = arith.index_cast %parallel_loop3A_186 : i32 to index
        %parallel_loop3A_345 = arith.constant 272 : index
        %parallel_loop3A_346 = tpu.vector_load %arg5[%parallel_loop3A_344, %parallel_loop3A_345] {strides = array<i32>} : memref<32x768xf32, #tpu.memory_space<vmem>>, vector<1x16xf32>,
        %parallel_loop3A_347 = vector.shape_cast %parallel_loop3A_346 : vector<1x16xf32> to vector<16xf32>
        %parallel_loop3A_348 = vector.shape_cast %parallel_loop3A_343 : vector<16xf32> to vector<1x16xf32>
        tpu.vector_store %arg5[%parallel_loop3A_344, %parallel_loop3A_345], %parallel_loop3A_348 {add = true, strides = array<i32>} : memref<32x768xf32, #tpu.memory_space<vmem>>, vector<1x16xf32>,
        %parallel_loop3A_349 = arith.index_cast %parallel_loop3A_186 : i32 to index
        %parallel_loop3A_350 = arith.constant 288 : index
        %parallel_loop3A_351 = tpu.vector_load %arg9[%parallel_loop3A_349, %parallel_loop3A_350] {strides = array<i32>} : memref<32x768xf32, #tpu.memory_space<vmem>>, vector<1x16xf32>,
        %parallel_loop3A_352 = vector.shape_cast %parallel_loop3A_351 : vector<1x16xf32> to vector<16xf32>
        %parallel_loop3A_353 = arith.index_cast %parallel_loop3A_186 : i32 to index
        %parallel_loop3A_354 = arith.constant 288 : index
        %parallel_loop3A_355 = tpu.vector_load %arg5[%parallel_loop3A_353, %parallel_loop3A_354] {strides = array<i32>} : memref<32x768xf32, #tpu.memory_space<vmem>>, vector<1x16xf32>,
        %parallel_loop3A_356 = vector.shape_cast %parallel_loop3A_355 : vector<1x16xf32> to vector<16xf32>
        %parallel_loop3A_357 = vector.shape_cast %parallel_loop3A_352 : vector<16xf32> to vector<1x16xf32>
        tpu.vector_store %arg5[%parallel_loop3A_353, %parallel_loop3A_354], %parallel_loop3A_357 {add = true, strides = array<i32>} : memref<32x768xf32, #tpu.memory_space<vmem>>, vector<1x16xf32>,
        %parallel_loop3A_358 = arith.index_cast %parallel_loop3A_186 : i32 to index
        %parallel_loop3A_359 = arith.constant 304 : index
        %parallel_loop3A_360 = tpu.vector_load %arg9[%parallel_loop3A_358, %parallel_loop3A_359] {strides = array<i32>} : memref<32x768xf32, #tpu.memory_space<vmem>>, vector<1x16xf32>,
        %parallel_loop3A_361 = vector.shape_cast %parallel_loop3A_360 : vector<1x16xf32> to vector<16xf32>
        %parallel_loop3A_362 = arith.index_cast %parallel_loop3A_186 : i32 to index
        %parallel_loop3A_363 = arith.constant 304 : index
        %parallel_loop3A_364 = tpu.vector_load %arg5[%parallel_loop3A_362, %parallel_loop3A_363] {strides = array<i32>} : memref<32x768xf32, #tpu.memory_space<vmem>>, vector<1x16xf32>,
        %parallel_loop3A_365 = vector.shape_cast %parallel_loop3A_364 : vector<1x16xf32> to vector<16xf32>
        %parallel_loop3A_366 = vector.shape_cast %parallel_loop3A_361 : vector<16xf32> to vector<1x16xf32>
        tpu.vector_store %arg5[%parallel_loop3A_362, %parallel_loop3A_363], %parallel_loop3A_366 {add = true, strides = array<i32>} : memref<32x768xf32, #tpu.memory_space<vmem>>, vector<1x16xf32>,
        %parallel_loop3A_367 = arith.index_cast %parallel_loop3A_186 : i32 to index
        %parallel_loop3A_368 = arith.constant 320 : index
        %parallel_loop3A_369 = tpu.vector_load %arg9[%parallel_loop3A_367, %parallel_loop3A_368] {strides = array<i32>} : memref<32x768xf32, #tpu.memory_space<vmem>>, vector<1x16xf32>,
        %parallel_loop3A_370 = vector.shape_cast %parallel_loop3A_369 : vector<1x16xf32> to vector<16xf32>
        %parallel_loop3A_371 = arith.index_cast %parallel_loop3A_186 : i32 to index
        %parallel_loop3A_372 = arith.constant 320 : index
        %parallel_loop3A_373 = tpu.vector_load %arg5[%parallel_loop3A_371, %parallel_loop3A_372] {strides = array<i32>} : memref<32x768xf32, #tpu.memory_space<vmem>>, vector<1x16xf32>,
        %parallel_loop3A_374 = vector.shape_cast %parallel_loop3A_373 : vector<1x16xf32> to vector<16xf32>
        %parallel_loop3A_375 = vector.shape_cast %parallel_loop3A_370 : vector<16xf32> to vector<1x16xf32>
        tpu.vector_store %arg5[%parallel_loop3A_371, %parallel_loop3A_372], %parallel_loop3A_375 {add = true, strides = array<i32>} : memref<32x768xf32, #tpu.memory_space<vmem>>, vector<1x16xf32>,
        %parallel_loop3A_376 = arith.index_cast %parallel_loop3A_186 : i32 to index
        %parallel_loop3A_377 = arith.constant 336 : index
        %parallel_loop3A_378 = tpu.vector_load %arg9[%parallel_loop3A_376, %parallel_loop3A_377] {strides = array<i32>} : memref<32x768xf32, #tpu.memory_space<vmem>>, vector<1x16xf32>,
        %parallel_loop3A_379 = vector.shape_cast %parallel_loop3A_378 : vector<1x16xf32> to vector<16xf32>
        %parallel_loop3A_380 = arith.index_cast %parallel_loop3A_186 : i32 to index
        %parallel_loop3A_381 = arith.constant 336 : index
        %parallel_loop3A_382 = tpu.vector_load %arg5[%parallel_loop3A_380, %parallel_loop3A_381] {strides = array<i32>} : memref<32x768xf32, #tpu.memory_space<vmem>>, vector<1x16xf32>,
        %parallel_loop3A_383 = vector.shape_cast %parallel_loop3A_382 : vector<1x16xf32> to vector<16xf32>
        %parallel_loop3A_384 = vector.shape_cast %parallel_loop3A_379 : vector<16xf32> to vector<1x16xf32>
        tpu.vector_store %arg5[%parallel_loop3A_380, %parallel_loop3A_381], %parallel_loop3A_384 {add = true, strides = array<i32>} : memref<32x768xf32, #tpu.memory_space<vmem>>, vector<1x16xf32>,
        %parallel_loop3A_385 = arith.index_cast %parallel_loop3A_186 : i32 to index
        %parallel_loop3A_386 = arith.constant 352 : index
        %parallel_loop3A_387 = tpu.vector_load %arg9[%parallel_loop3A_385, %parallel_loop3A_386] {strides = array<i32>} : memref<32x768xf32, #tpu.memory_space<vmem>>, vector<1x16xf32>,
        %parallel_loop3A_388 = vector.shape_cast %parallel_loop3A_387 : vector<1x16xf32> to vector<16xf32>
        %parallel_loop3A_389 = arith.index_cast %parallel_loop3A_186 : i32 to index
        %parallel_loop3A_390 = arith.constant 352 : index
        %parallel_loop3A_391 = tpu.vector_load %arg5[%parallel_loop3A_389, %parallel_loop3A_390] {strides = array<i32>} : memref<32x768xf32, #tpu.memory_space<vmem>>, vector<1x16xf32>,
        %parallel_loop3A_392 = vector.shape_cast %parallel_loop3A_391 : vector<1x16xf32> to vector<16xf32>
        %parallel_loop3A_393 = vector.shape_cast %parallel_loop3A_388 : vector<16xf32> to vector<1x16xf32>
        tpu.vector_store %arg5[%parallel_loop3A_389, %parallel_loop3A_390], %parallel_loop3A_393 {add = true, strides = array<i32>} : memref<32x768xf32, #tpu.memory_space<vmem>>, vector<1x16xf32>,
        %parallel_loop3A_394 = arith.index_cast %parallel_loop3A_186 : i32 to index
        %parallel_loop3A_395 = arith.constant 368 : index
        %parallel_loop3A_396 = tpu.vector_load %arg9[%parallel_loop3A_394, %parallel_loop3A_395] {strides = array<i32>} : memref<32x768xf32, #tpu.memory_space<vmem>>, vector<1x16xf32>,
        %parallel_loop3A_397 = vector.shape_cast %parallel_loop3A_396 : vector<1x16xf32> to vector<16xf32>
        %parallel_loop3A_398 = arith.index_cast %parallel_loop3A_186 : i32 to index
        %parallel_loop3A_399 = arith.constant 368 : index
        %parallel_loop3A_400 = tpu.vector_load %arg5[%parallel_loop3A_398, %parallel_loop3A_399] {strides = array<i32>} : memref<32x768xf32, #tpu.memory_space<vmem>>, vector<1x16xf32>,
        %parallel_loop3A_401 = vector.shape_cast %parallel_loop3A_400 : vector<1x16xf32> to vector<16xf32>
        %parallel_loop3A_402 = vector.shape_cast %parallel_loop3A_397 : vector<16xf32> to vector<1x16xf32>
        tpu.vector_store %arg5[%parallel_loop3A_398, %parallel_loop3A_399], %parallel_loop3A_402 {add = true, strides = array<i32>} : memref<32x768xf32, #tpu.memory_space<vmem>>, vector<1x16xf32>,
        %parallel_loop3A_403 = arith.index_cast %parallel_loop3A_186 : i32 to index
        %parallel_loop3A_404 = arith.constant 384 : index
        %parallel_loop3A_405 = tpu.vector_load %arg9[%parallel_loop3A_403, %parallel_loop3A_404] {strides = array<i32>} : memref<32x768xf32, #tpu.memory_space<vmem>>, vector<1x16xf32>,
        %parallel_loop3A_406 = vector.shape_cast %parallel_loop3A_405 : vector<1x16xf32> to vector<16xf32>
        %parallel_loop3A_407 = arith.index_cast %parallel_loop3A_186 : i32 to index
        %parallel_loop3A_408 = arith.constant 384 : index
        %parallel_loop3A_409 = tpu.vector_load %arg5[%parallel_loop3A_407, %parallel_loop3A_408] {strides = array<i32>} : memref<32x768xf32, #tpu.memory_space<vmem>>, vector<1x16xf32>,
        %parallel_loop3A_410 = vector.shape_cast %parallel_loop3A_409 : vector<1x16xf32> to vector<16xf32>
        %parallel_loop3A_411 = vector.shape_cast %parallel_loop3A_406 : vector<16xf32> to vector<1x16xf32>
        tpu.vector_store %arg5[%parallel_loop3A_407, %parallel_loop3A_408], %parallel_loop3A_411 {add = true, strides = array<i32>} : memref<32x768xf32, #tpu.memory_space<vmem>>, vector<1x16xf32>,
        %parallel_loop3A_412 = arith.index_cast %parallel_loop3A_186 : i32 to index
        %parallel_loop3A_413 = arith.constant 400 : index
        %parallel_loop3A_414 = tpu.vector_load %arg9[%parallel_loop3A_412, %parallel_loop3A_413] {strides = array<i32>} : memref<32x768xf32, #tpu.memory_space<vmem>>, vector<1x16xf32>,
        %parallel_loop3A_415 = vector.shape_cast %parallel_loop3A_414 : vector<1x16xf32> to vector<16xf32>
        %parallel_loop3A_416 = arith.index_cast %parallel_loop3A_186 : i32 to index
        %parallel_loop3A_417 = arith.constant 400 : index
        %parallel_loop3A_418 = tpu.vector_load %arg5[%parallel_loop3A_416, %parallel_loop3A_417] {strides = array<i32>} : memref<32x768xf32, #tpu.memory_space<vmem>>, vector<1x16xf32>,
        %parallel_loop3A_419 = vector.shape_cast %parallel_loop3A_418 : vector<1x16xf32> to vector<16xf32>
        %parallel_loop3A_420 = vector.shape_cast %parallel_loop3A_415 : vector<16xf32> to vector<1x16xf32>
        tpu.vector_store %arg5[%parallel_loop3A_416, %parallel_loop3A_417], %parallel_loop3A_420 {add = true, strides = array<i32>} : memref<32x768xf32, #tpu.memory_space<vmem>>, vector<1x16xf32>,
        %parallel_loop3A_421 = arith.index_cast %parallel_loop3A_186 : i32 to index
        %parallel_loop3A_422 = arith.constant 416 : index
        %parallel_loop3A_423 = tpu.vector_load %arg9[%parallel_loop3A_421, %parallel_loop3A_422] {strides = array<i32>} : memref<32x768xf32, #tpu.memory_space<vmem>>, vector<1x16xf32>,
        %parallel_loop3A_424 = vector.shape_cast %parallel_loop3A_423 : vector<1x16xf32> to vector<16xf32>
        %parallel_loop3A_425 = arith.index_cast %parallel_loop3A_186 : i32 to index
        %parallel_loop3A_426 = arith.constant 416 : index
        %parallel_loop3A_427 = tpu.vector_load %arg5[%parallel_loop3A_425, %parallel_loop3A_426] {strides = array<i32>} : memref<32x768xf32, #tpu.memory_space<vmem>>, vector<1x16xf32>,
        %parallel_loop3A_428 = vector.shape_cast %parallel_loop3A_427 : vector<1x16xf32> to vector<16xf32>
        %parallel_loop3A_429 = vector.shape_cast %parallel_loop3A_424 : vector<16xf32> to vector<1x16xf32>
        tpu.vector_store %arg5[%parallel_loop3A_425, %parallel_loop3A_426], %parallel_loop3A_429 {add = true, strides = array<i32>} : memref<32x768xf32, #tpu.memory_space<vmem>>, vector<1x16xf32>,
        %parallel_loop3A_430 = arith.index_cast %parallel_loop3A_186 : i32 to index
        %parallel_loop3A_431 = arith.constant 432 : index
        %parallel_loop3A_432 = tpu.vector_load %arg9[%parallel_loop3A_430, %parallel_loop3A_431] {strides = array<i32>} : memref<32x768xf32, #tpu.memory_space<vmem>>, vector<1x16xf32>,
        %parallel_loop3A_433 = vector.shape_cast %parallel_loop3A_432 : vector<1x16xf32> to vector<16xf32>
        %parallel_loop3A_434 = arith.index_cast %parallel_loop3A_186 : i32 to index
        %parallel_loop3A_435 = arith.constant 432 : index
        %parallel_loop3A_436 = tpu.vector_load %arg5[%parallel_loop3A_434, %parallel_loop3A_435] {strides = array<i32>} : memref<32x768xf32, #tpu.memory_space<vmem>>, vector<1x16xf32>,
        %parallel_loop3A_437 = vector.shape_cast %parallel_loop3A_436 : vector<1x16xf32> to vector<16xf32>
        %parallel_loop3A_438 = vector.shape_cast %parallel_loop3A_433 : vector<16xf32> to vector<1x16xf32>
        tpu.vector_store %arg5[%parallel_loop3A_434, %parallel_loop3A_435], %parallel_loop3A_438 {add = true, strides = array<i32>} : memref<32x768xf32, #tpu.memory_space<vmem>>, vector<1x16xf32>,
        %parallel_loop3A_439 = arith.index_cast %parallel_loop3A_186 : i32 to index
        %parallel_loop3A_440 = arith.constant 448 : index
        %parallel_loop3A_441 = tpu.vector_load %arg9[%parallel_loop3A_439, %parallel_loop3A_440] {strides = array<i32>} : memref<32x768xf32, #tpu.memory_space<vmem>>, vector<1x16xf32>,
        %parallel_loop3A_442 = vector.shape_cast %parallel_loop3A_441 : vector<1x16xf32> to vector<16xf32>
        %parallel_loop3A_443 = arith.index_cast %parallel_loop3A_186 : i32 to index
        %parallel_loop3A_444 = arith.constant 448 : index
        %parallel_loop3A_445 = tpu.vector_load %arg5[%parallel_loop3A_443, %parallel_loop3A_444] {strides = array<i32>} : memref<32x768xf32, #tpu.memory_space<vmem>>, vector<1x16xf32>,
        %parallel_loop3A_446 = vector.shape_cast %parallel_loop3A_445 : vector<1x16xf32> to vector<16xf32>
        %parallel_loop3A_447 = vector.shape_cast %parallel_loop3A_442 : vector<16xf32> to vector<1x16xf32>
        tpu.vector_store %arg5[%parallel_loop3A_443, %parallel_loop3A_444], %parallel_loop3A_447 {add = true, strides = array<i32>} : memref<32x768xf32, #tpu.memory_space<vmem>>, vector<1x16xf32>,
        %parallel_loop3A_448 = arith.index_cast %parallel_loop3A_186 : i32 to index
        %parallel_loop3A_449 = arith.constant 464 : index
        %parallel_loop3A_450 = tpu.vector_load %arg9[%parallel_loop3A_448, %parallel_loop3A_449] {strides = array<i32>} : memref<32x768xf32, #tpu.memory_space<vmem>>, vector<1x16xf32>,
        %parallel_loop3A_451 = vector.shape_cast %parallel_loop3A_450 : vector<1x16xf32> to vector<16xf32>
        %parallel_loop3A_452 = arith.index_cast %parallel_loop3A_186 : i32 to index
        %parallel_loop3A_453 = arith.constant 464 : index
        %parallel_loop3A_454 = tpu.vector_load %arg5[%parallel_loop3A_452, %parallel_loop3A_453] {strides = array<i32>} : memref<32x768xf32, #tpu.memory_space<vmem>>, vector<1x16xf32>,
        %parallel_loop3A_455 = vector.shape_cast %parallel_loop3A_454 : vector<1x16xf32> to vector<16xf32>
        %parallel_loop3A_456 = vector.shape_cast %parallel_loop3A_451 : vector<16xf32> to vector<1x16xf32>
        tpu.vector_store %arg5[%parallel_loop3A_452, %parallel_loop3A_453], %parallel_loop3A_456 {add = true, strides = array<i32>} : memref<32x768xf32, #tpu.memory_space<vmem>>, vector<1x16xf32>,
        %parallel_loop3A_457 = arith.index_cast %parallel_loop3A_186 : i32 to index
        %parallel_loop3A_458 = arith.constant 480 : index
        %parallel_loop3A_459 = tpu.vector_load %arg9[%parallel_loop3A_457, %parallel_loop3A_458] {strides = array<i32>} : memref<32x768xf32, #tpu.memory_space<vmem>>, vector<1x16xf32>,
        %parallel_loop3A_460 = vector.shape_cast %parallel_loop3A_459 : vector<1x16xf32> to vector<16xf32>
        %parallel_loop3A_461 = arith.index_cast %parallel_loop3A_186 : i32 to index
        %parallel_loop3A_462 = arith.constant 480 : index
        %parallel_loop3A_463 = tpu.vector_load %arg5[%parallel_loop3A_461, %parallel_loop3A_462] {strides = array<i32>} : memref<32x768xf32, #tpu.memory_space<vmem>>, vector<1x16xf32>,
        %parallel_loop3A_464 = vector.shape_cast %parallel_loop3A_463 : vector<1x16xf32> to vector<16xf32>
        %parallel_loop3A_465 = vector.shape_cast %parallel_loop3A_460 : vector<16xf32> to vector<1x16xf32>
        tpu.vector_store %arg5[%parallel_loop3A_461, %parallel_loop3A_462], %parallel_loop3A_465 {add = true, strides = array<i32>} : memref<32x768xf32, #tpu.memory_space<vmem>>, vector<1x16xf32>,
        %parallel_loop3A_466 = arith.index_cast %parallel_loop3A_186 : i32 to index
        %parallel_loop3A_467 = arith.constant 496 : index
        %parallel_loop3A_468 = tpu.vector_load %arg9[%parallel_loop3A_466, %parallel_loop3A_467] {strides = array<i32>} : memref<32x768xf32, #tpu.memory_space<vmem>>, vector<1x16xf32>,
        %parallel_loop3A_469 = vector.shape_cast %parallel_loop3A_468 : vector<1x16xf32> to vector<16xf32>
        %parallel_loop3A_470 = arith.index_cast %parallel_loop3A_186 : i32 to index
        %parallel_loop3A_471 = arith.constant 496 : index
        %parallel_loop3A_472 = tpu.vector_load %arg5[%parallel_loop3A_470, %parallel_loop3A_471] {strides = array<i32>} : memref<32x768xf32, #tpu.memory_space<vmem>>, vector<1x16xf32>,
        %parallel_loop3A_473 = vector.shape_cast %parallel_loop3A_472 : vector<1x16xf32> to vector<16xf32>
        %parallel_loop3A_474 = vector.shape_cast %parallel_loop3A_469 : vector<16xf32> to vector<1x16xf32>
        tpu.vector_store %arg5[%parallel_loop3A_470, %parallel_loop3A_471], %parallel_loop3A_474 {add = true, strides = array<i32>} : memref<32x768xf32, #tpu.memory_space<vmem>>, vector<1x16xf32>,
        %parallel_loop3A_475 = arith.index_cast %parallel_loop3A_186 : i32 to index
        %parallel_loop3A_476 = arith.constant 512 : index
        %parallel_loop3A_477 = tpu.vector_load %arg9[%parallel_loop3A_475, %parallel_loop3A_476] {strides = array<i32>} : memref<32x768xf32, #tpu.memory_space<vmem>>, vector<1x16xf32>,
        %parallel_loop3A_478 = vector.shape_cast %parallel_loop3A_477 : vector<1x16xf32> to vector<16xf32>
        %parallel_loop3A_479 = arith.index_cast %parallel_loop3A_186 : i32 to index
        %parallel_loop3A_480 = arith.constant 512 : index
        %parallel_loop3A_481 = tpu.vector_load %arg5[%parallel_loop3A_479, %parallel_loop3A_480] {strides = array<i32>} : memref<32x768xf32, #tpu.memory_space<vmem>>, vector<1x16xf32>,
        %parallel_loop3A_482 = vector.shape_cast %parallel_loop3A_481 : vector<1x16xf32> to vector<16xf32>
        %parallel_loop3A_483 = vector.shape_cast %parallel_loop3A_478 : vector<16xf32> to vector<1x16xf32>
        tpu.vector_store %arg5[%parallel_loop3A_479, %parallel_loop3A_480], %parallel_loop3A_483 {add = true, strides = array<i32>} : memref<32x768xf32, #tpu.memory_space<vmem>>, vector<1x16xf32>,
        %parallel_loop3A_484 = arith.index_cast %parallel_loop3A_186 : i32 to index
        %parallel_loop3A_485 = arith.constant 528 : index
        %parallel_loop3A_486 = tpu.vector_load %arg9[%parallel_loop3A_484, %parallel_loop3A_485] {strides = array<i32>} : memref<32x768xf32, #tpu.memory_space<vmem>>, vector<1x16xf32>,
        %parallel_loop3A_487 = vector.shape_cast %parallel_loop3A_486 : vector<1x16xf32> to vector<16xf32>
        %parallel_loop3A_488 = arith.index_cast %parallel_loop3A_186 : i32 to index
        %parallel_loop3A_489 = arith.constant 528 : index
        %parallel_loop3A_490 = tpu.vector_load %arg5[%parallel_loop3A_488, %parallel_loop3A_489] {strides = array<i32>} : memref<32x768xf32, #tpu.memory_space<vmem>>, vector<1x16xf32>,
        %parallel_loop3A_491 = vector.shape_cast %parallel_loop3A_490 : vector<1x16xf32> to vector<16xf32>
        %parallel_loop3A_492 = vector.shape_cast %parallel_loop3A_487 : vector<16xf32> to vector<1x16xf32>
        tpu.vector_store %arg5[%parallel_loop3A_488, %parallel_loop3A_489], %parallel_loop3A_492 {add = true, strides = array<i32>} : memref<32x768xf32, #tpu.memory_space<vmem>>, vector<1x16xf32>,
        %parallel_loop3A_493 = arith.index_cast %parallel_loop3A_186 : i32 to index
        %parallel_loop3A_494 = arith.constant 544 : index
        %parallel_loop3A_495 = tpu.vector_load %arg9[%parallel_loop3A_493, %parallel_loop3A_494] {strides = array<i32>} : memref<32x768xf32, #tpu.memory_space<vmem>>, vector<1x16xf32>,
        %parallel_loop3A_496 = vector.shape_cast %parallel_loop3A_495 : vector<1x16xf32> to vector<16xf32>
        %parallel_loop3A_497 = arith.index_cast %parallel_loop3A_186 : i32 to index
        %parallel_loop3A_498 = arith.constant 544 : index
        %parallel_loop3A_499 = tpu.vector_load %arg5[%parallel_loop3A_497, %parallel_loop3A_498] {strides = array<i32>} : memref<32x768xf32, #tpu.memory_space<vmem>>, vector<1x16xf32>,
        %parallel_loop3A_500 = vector.shape_cast %parallel_loop3A_499 : vector<1x16xf32> to vector<16xf32>
        %parallel_loop3A_501 = vector.shape_cast %parallel_loop3A_496 : vector<16xf32> to vector<1x16xf32>
        tpu.vector_store %arg5[%parallel_loop3A_497, %parallel_loop3A_498], %parallel_loop3A_501 {add = true, strides = array<i32>} : memref<32x768xf32, #tpu.memory_space<vmem>>, vector<1x16xf32>,
        %parallel_loop3A_502 = arith.index_cast %parallel_loop3A_186 : i32 to index
        %parallel_loop3A_503 = arith.constant 560 : index
        %parallel_loop3A_504 = tpu.vector_load %arg9[%parallel_loop3A_502, %parallel_loop3A_503] {strides = array<i32>} : memref<32x768xf32, #tpu.memory_space<vmem>>, vector<1x16xf32>,
        %parallel_loop3A_505 = vector.shape_cast %parallel_loop3A_504 : vector<1x16xf32> to vector<16xf32>
        %parallel_loop3A_506 = arith.index_cast %parallel_loop3A_186 : i32 to index
        %parallel_loop3A_507 = arith.constant 560 : index
        %parallel_loop3A_508 = tpu.vector_load %arg5[%parallel_loop3A_506, %parallel_loop3A_507] {strides = array<i32>} : memref<32x768xf32, #tpu.memory_space<vmem>>, vector<1x16xf32>,
        %parallel_loop3A_509 = vector.shape_cast %parallel_loop3A_508 : vector<1x16xf32> to vector<16xf32>
        %parallel_loop3A_510 = vector.shape_cast %parallel_loop3A_505 : vector<16xf32> to vector<1x16xf32>
        tpu.vector_store %arg5[%parallel_loop3A_506, %parallel_loop3A_507], %parallel_loop3A_510 {add = true, strides = array<i32>} : memref<32x768xf32, #tpu.memory_space<vmem>>, vector<1x16xf32>,
        %parallel_loop3A_511 = arith.index_cast %parallel_loop3A_186 : i32 to index
        %parallel_loop3A_512 = arith.constant 576 : index
        %parallel_loop3A_513 = tpu.vector_load %arg9[%parallel_loop3A_511, %parallel_loop3A_512] {strides = array<i32>} : memref<32x768xf32, #tpu.memory_space<vmem>>, vector<1x16xf32>,
        %parallel_loop3A_514 = vector.shape_cast %parallel_loop3A_513 : vector<1x16xf32> to vector<16xf32>
        %parallel_loop3A_515 = arith.index_cast %parallel_loop3A_186 : i32 to index
        %parallel_loop3A_516 = arith.constant 576 : index
        %parallel_loop3A_517 = tpu.vector_load %arg5[%parallel_loop3A_515, %parallel_loop3A_516] {strides = array<i32>} : memref<32x768xf32, #tpu.memory_space<vmem>>, vector<1x16xf32>,
        %parallel_loop3A_518 = vector.shape_cast %parallel_loop3A_517 : vector<1x16xf32> to vector<16xf32>
        %parallel_loop3A_519 = vector.shape_cast %parallel_loop3A_514 : vector<16xf32> to vector<1x16xf32>
        tpu.vector_store %arg5[%parallel_loop3A_515, %parallel_loop3A_516], %parallel_loop3A_519 {add = true, strides = array<i32>} : memref<32x768xf32, #tpu.memory_space<vmem>>, vector<1x16xf32>,
        %parallel_loop3A_520 = arith.index_cast %parallel_loop3A_186 : i32 to index
        %parallel_loop3A_521 = arith.constant 592 : index
        %parallel_loop3A_522 = tpu.vector_load %arg9[%parallel_loop3A_520, %parallel_loop3A_521] {strides = array<i32>} : memref<32x768xf32, #tpu.memory_space<vmem>>, vector<1x16xf32>,
        %parallel_loop3A_523 = vector.shape_cast %parallel_loop3A_522 : vector<1x16xf32> to vector<16xf32>
        %parallel_loop3A_524 = arith.index_cast %parallel_loop3A_186 : i32 to index
        %parallel_loop3A_525 = arith.constant 592 : index
        %parallel_loop3A_526 = tpu.vector_load %arg5[%parallel_loop3A_524, %parallel_loop3A_525] {strides = array<i32>} : memref<32x768xf32, #tpu.memory_space<vmem>>, vector<1x16xf32>,
        %parallel_loop3A_527 = vector.shape_cast %parallel_loop3A_526 : vector<1x16xf32> to vector<16xf32>
        %parallel_loop3A_528 = vector.shape_cast %parallel_loop3A_523 : vector<16xf32> to vector<1x16xf32>
        tpu.vector_store %arg5[%parallel_loop3A_524, %parallel_loop3A_525], %parallel_loop3A_528 {add = true, strides = array<i32>} : memref<32x768xf32, #tpu.memory_space<vmem>>, vector<1x16xf32>,
        %parallel_loop3A_529 = arith.index_cast %parallel_loop3A_186 : i32 to index
        %parallel_loop3A_530 = arith.constant 608 : index
        %parallel_loop3A_531 = tpu.vector_load %arg9[%parallel_loop3A_529, %parallel_loop3A_530] {strides = array<i32>} : memref<32x768xf32, #tpu.memory_space<vmem>>, vector<1x16xf32>,
        %parallel_loop3A_532 = vector.shape_cast %parallel_loop3A_531 : vector<1x16xf32> to vector<16xf32>
        %parallel_loop3A_533 = arith.index_cast %parallel_loop3A_186 : i32 to index
        %parallel_loop3A_534 = arith.constant 608 : index
        %parallel_loop3A_535 = tpu.vector_load %arg5[%parallel_loop3A_533, %parallel_loop3A_534] {strides = array<i32>} : memref<32x768xf32, #tpu.memory_space<vmem>>, vector<1x16xf32>,
        %parallel_loop3A_536 = vector.shape_cast %parallel_loop3A_535 : vector<1x16xf32> to vector<16xf32>
        %parallel_loop3A_537 = vector.shape_cast %parallel_loop3A_532 : vector<16xf32> to vector<1x16xf32>
        tpu.vector_store %arg5[%parallel_loop3A_533, %parallel_loop3A_534], %parallel_loop3A_537 {add = true, strides = array<i32>} : memref<32x768xf32, #tpu.memory_space<vmem>>, vector<1x16xf32>,
        %parallel_loop3A_538 = arith.index_cast %parallel_loop3A_186 : i32 to index
        %parallel_loop3A_539 = arith.constant 624 : index
        %parallel_loop3A_540 = tpu.vector_load %arg9[%parallel_loop3A_538, %parallel_loop3A_539] {strides = array<i32>} : memref<32x768xf32, #tpu.memory_space<vmem>>, vector<1x16xf32>,
        %parallel_loop3A_541 = vector.shape_cast %parallel_loop3A_540 : vector<1x16xf32> to vector<16xf32>
        %parallel_loop3A_542 = arith.index_cast %parallel_loop3A_186 : i32 to index
        %parallel_loop3A_543 = arith.constant 624 : index
        %parallel_loop3A_544 = tpu.vector_load %arg5[%parallel_loop3A_542, %parallel_loop3A_543] {strides = array<i32>} : memref<32x768xf32, #tpu.memory_space<vmem>>, vector<1x16xf32>,
        %parallel_loop3A_545 = vector.shape_cast %parallel_loop3A_544 : vector<1x16xf32> to vector<16xf32>
        %parallel_loop3A_546 = vector.shape_cast %parallel_loop3A_541 : vector<16xf32> to vector<1x16xf32>
        tpu.vector_store %arg5[%parallel_loop3A_542, %parallel_loop3A_543], %parallel_loop3A_546 {add = true, strides = array<i32>} : memref<32x768xf32, #tpu.memory_space<vmem>>, vector<1x16xf32>,
        %parallel_loop3A_547 = arith.index_cast %parallel_loop3A_186 : i32 to index
        %parallel_loop3A_548 = arith.constant 640 : index
        %parallel_loop3A_549 = tpu.vector_load %arg9[%parallel_loop3A_547, %parallel_loop3A_548] {strides = array<i32>} : memref<32x768xf32, #tpu.memory_space<vmem>>, vector<1x16xf32>,
        %parallel_loop3A_550 = vector.shape_cast %parallel_loop3A_549 : vector<1x16xf32> to vector<16xf32>
        %parallel_loop3A_551 = arith.index_cast %parallel_loop3A_186 : i32 to index
        %parallel_loop3A_552 = arith.constant 640 : index
        %parallel_loop3A_553 = tpu.vector_load %arg5[%parallel_loop3A_551, %parallel_loop3A_552] {strides = array<i32>} : memref<32x768xf32, #tpu.memory_space<vmem>>, vector<1x16xf32>,
        %parallel_loop3A_554 = vector.shape_cast %parallel_loop3A_553 : vector<1x16xf32> to vector<16xf32>
        %parallel_loop3A_555 = vector.shape_cast %parallel_loop3A_550 : vector<16xf32> to vector<1x16xf32>
        tpu.vector_store %arg5[%parallel_loop3A_551, %parallel_loop3A_552], %parallel_loop3A_555 {add = true, strides = array<i32>} : memref<32x768xf32, #tpu.memory_space<vmem>>, vector<1x16xf32>,
        %parallel_loop3A_556 = arith.index_cast %parallel_loop3A_186 : i32 to index
        %parallel_loop3A_557 = arith.constant 656 : index
        %parallel_loop3A_558 = tpu.vector_load %arg9[%parallel_loop3A_556, %parallel_loop3A_557] {strides = array<i32>} : memref<32x768xf32, #tpu.memory_space<vmem>>, vector<1x16xf32>,
        %parallel_loop3A_559 = vector.shape_cast %parallel_loop3A_558 : vector<1x16xf32> to vector<16xf32>
        %parallel_loop3A_560 = arith.index_cast %parallel_loop3A_186 : i32 to index
        %parallel_loop3A_561 = arith.constant 656 : index
        %parallel_loop3A_562 = tpu.vector_load %arg5[%parallel_loop3A_560, %parallel_loop3A_561] {strides = array<i32>} : memref<32x768xf32, #tpu.memory_space<vmem>>, vector<1x16xf32>,
        %parallel_loop3A_563 = vector.shape_cast %parallel_loop3A_562 : vector<1x16xf32> to vector<16xf32>
        %parallel_loop3A_564 = vector.shape_cast %parallel_loop3A_559 : vector<16xf32> to vector<1x16xf32>
        tpu.vector_store %arg5[%parallel_loop3A_560, %parallel_loop3A_561], %parallel_loop3A_564 {add = true, strides = array<i32>} : memref<32x768xf32, #tpu.memory_space<vmem>>, vector<1x16xf32>,
        %parallel_loop3A_565 = arith.index_cast %parallel_loop3A_186 : i32 to index
        %parallel_loop3A_566 = arith.constant 672 : index
        %parallel_loop3A_567 = tpu.vector_load %arg9[%parallel_loop3A_565, %parallel_loop3A_566] {strides = array<i32>} : memref<32x768xf32, #tpu.memory_space<vmem>>, vector<1x16xf32>,
        %parallel_loop3A_568 = vector.shape_cast %parallel_loop3A_567 : vector<1x16xf32> to vector<16xf32>
        %parallel_loop3A_569 = arith.index_cast %parallel_loop3A_186 : i32 to index
        %parallel_loop3A_570 = arith.constant 672 : index
        %parallel_loop3A_571 = tpu.vector_load %arg5[%parallel_loop3A_569, %parallel_loop3A_570] {strides = array<i32>} : memref<32x768xf32, #tpu.memory_space<vmem>>, vector<1x16xf32>,
        %parallel_loop3A_572 = vector.shape_cast %parallel_loop3A_571 : vector<1x16xf32> to vector<16xf32>
        %parallel_loop3A_573 = vector.shape_cast %parallel_loop3A_568 : vector<16xf32> to vector<1x16xf32>
        tpu.vector_store %arg5[%parallel_loop3A_569, %parallel_loop3A_570], %parallel_loop3A_573 {add = true, strides = array<i32>} : memref<32x768xf32, #tpu.memory_space<vmem>>, vector<1x16xf32>,
        %parallel_loop3A_574 = arith.index_cast %parallel_loop3A_186 : i32 to index
        %parallel_loop3A_575 = arith.constant 688 : index
        %parallel_loop3A_576 = tpu.vector_load %arg9[%parallel_loop3A_574, %parallel_loop3A_575] {strides = array<i32>} : memref<32x768xf32, #tpu.memory_space<vmem>>, vector<1x16xf32>,
        %parallel_loop3A_577 = vector.shape_cast %parallel_loop3A_576 : vector<1x16xf32> to vector<16xf32>
        %parallel_loop3A_578 = arith.index_cast %parallel_loop3A_186 : i32 to index
        %parallel_loop3A_579 = arith.constant 688 : index
        %parallel_loop3A_580 = tpu.vector_load %arg5[%parallel_loop3A_578, %parallel_loop3A_579] {strides = array<i32>} : memref<32x768xf32, #tpu.memory_space<vmem>>, vector<1x16xf32>,
        %parallel_loop3A_581 = vector.shape_cast %parallel_loop3A_580 : vector<1x16xf32> to vector<16xf32>
        %parallel_loop3A_582 = vector.shape_cast %parallel_loop3A_577 : vector<16xf32> to vector<1x16xf32>
        tpu.vector_store %arg5[%parallel_loop3A_578, %parallel_loop3A_579], %parallel_loop3A_582 {add = true, strides = array<i32>} : memref<32x768xf32, #tpu.memory_space<vmem>>, vector<1x16xf32>,
        %parallel_loop3A_583 = arith.index_cast %parallel_loop3A_186 : i32 to index
        %parallel_loop3A_584 = arith.constant 704 : index
        %parallel_loop3A_585 = tpu.vector_load %arg9[%parallel_loop3A_583, %parallel_loop3A_584] {strides = array<i32>} : memref<32x768xf32, #tpu.memory_space<vmem>>, vector<1x16xf32>,
        %parallel_loop3A_586 = vector.shape_cast %parallel_loop3A_585 : vector<1x16xf32> to vector<16xf32>
        %parallel_loop3A_587 = arith.index_cast %parallel_loop3A_186 : i32 to index
        %parallel_loop3A_588 = arith.constant 704 : index
        %parallel_loop3A_589 = tpu.vector_load %arg5[%parallel_loop3A_587, %parallel_loop3A_588] {strides = array<i32>} : memref<32x768xf32, #tpu.memory_space<vmem>>, vector<1x16xf32>,
        %parallel_loop3A_590 = vector.shape_cast %parallel_loop3A_589 : vector<1x16xf32> to vector<16xf32>
        %parallel_loop3A_591 = vector.shape_cast %parallel_loop3A_586 : vector<16xf32> to vector<1x16xf32>
        tpu.vector_store %arg5[%parallel_loop3A_587, %parallel_loop3A_588], %parallel_loop3A_591 {add = true, strides = array<i32>} : memref<32x768xf32, #tpu.memory_space<vmem>>, vector<1x16xf32>,
        %parallel_loop3A_592 = arith.index_cast %parallel_loop3A_186 : i32 to index
        %parallel_loop3A_593 = arith.constant 720 : index
        %parallel_loop3A_594 = tpu.vector_load %arg9[%parallel_loop3A_592, %parallel_loop3A_593] {strides = array<i32>} : memref<32x768xf32, #tpu.memory_space<vmem>>, vector<1x16xf32>,
        %parallel_loop3A_595 = vector.shape_cast %parallel_loop3A_594 : vector<1x16xf32> to vector<16xf32>
        %parallel_loop3A_596 = arith.index_cast %parallel_loop3A_186 : i32 to index
        %parallel_loop3A_597 = arith.constant 720 : index
        %parallel_loop3A_598 = tpu.vector_load %arg5[%parallel_loop3A_596, %parallel_loop3A_597] {strides = array<i32>} : memref<32x768xf32, #tpu.memory_space<vmem>>, vector<1x16xf32>,
        %parallel_loop3A_599 = vector.shape_cast %parallel_loop3A_598 : vector<1x16xf32> to vector<16xf32>
        %parallel_loop3A_600 = vector.shape_cast %parallel_loop3A_595 : vector<16xf32> to vector<1x16xf32>
        tpu.vector_store %arg5[%parallel_loop3A_596, %parallel_loop3A_597], %parallel_loop3A_600 {add = true, strides = array<i32>} : memref<32x768xf32, #tpu.memory_space<vmem>>, vector<1x16xf32>,
        %parallel_loop3A_601 = arith.index_cast %parallel_loop3A_186 : i32 to index
        %parallel_loop3A_602 = arith.constant 736 : index
        %parallel_loop3A_603 = tpu.vector_load %arg9[%parallel_loop3A_601, %parallel_loop3A_602] {strides = array<i32>} : memref<32x768xf32, #tpu.memory_space<vmem>>, vector<1x16xf32>,
        %parallel_loop3A_604 = vector.shape_cast %parallel_loop3A_603 : vector<1x16xf32> to vector<16xf32>
        %parallel_loop3A_605 = arith.index_cast %parallel_loop3A_186 : i32 to index
        %parallel_loop3A_606 = arith.constant 736 : index
        %parallel_loop3A_607 = tpu.vector_load %arg5[%parallel_loop3A_605, %parallel_loop3A_606] {strides = array<i32>} : memref<32x768xf32, #tpu.memory_space<vmem>>, vector<1x16xf32>,
        %parallel_loop3A_608 = vector.shape_cast %parallel_loop3A_607 : vector<1x16xf32> to vector<16xf32>
        %parallel_loop3A_609 = vector.shape_cast %parallel_loop3A_604 : vector<16xf32> to vector<1x16xf32>
        tpu.vector_store %arg5[%parallel_loop3A_605, %parallel_loop3A_606], %parallel_loop3A_609 {add = true, strides = array<i32>} : memref<32x768xf32, #tpu.memory_space<vmem>>, vector<1x16xf32>,
        %parallel_loop3A_610 = arith.index_cast %parallel_loop3A_186 : i32 to index
        %parallel_loop3A_611 = arith.constant 752 : index
        %parallel_loop3A_612 = tpu.vector_load %arg9[%parallel_loop3A_610, %parallel_loop3A_611] {strides = array<i32>} : memref<32x768xf32, #tpu.memory_space<vmem>>, vector<1x16xf32>,
        %parallel_loop3A_613 = vector.shape_cast %parallel_loop3A_612 : vector<1x16xf32> to vector<16xf32>
        %parallel_loop3A_614 = arith.index_cast %parallel_loop3A_186 : i32 to index
        %parallel_loop3A_615 = arith.constant 752 : index
        %parallel_loop3A_616 = tpu.vector_load %arg5[%parallel_loop3A_614, %parallel_loop3A_615] {strides = array<i32>} : memref<32x768xf32, #tpu.memory_space<vmem>>, vector<1x16xf32>,
        %parallel_loop3A_617 = vector.shape_cast %parallel_loop3A_616 : vector<1x16xf32> to vector<16xf32>
        %parallel_loop3A_618 = vector.shape_cast %parallel_loop3A_613 : vector<16xf32> to vector<1x16xf32>
        tpu.vector_store %arg5[%parallel_loop3A_614, %parallel_loop3A_615], %parallel_loop3A_618 {add = true, strides = array<i32>} : memref<32x768xf32, #tpu.memory_space<vmem>>, vector<1x16xf32>,
      } {sc.loop_unroll_factor = 1 : i64, sc.parallel_access}
      %dma_start3A_90 = arith.constant 0 : i32
      %dma_start3A_91 = arith.constant 0 : i32
      %dma_start3A_92 = tpu.memref_slice %arg4[%dma_start3A_90, %add3A_63, %dma_start3A_91] : memref<4x8192x768xf32, #tpu.memory_space<hbm>> -> memref<1x32x768xf32, #tpu.memory_space<hbm>>
      %dma_start3A_93 = tpu.memref_squeeze %dma_start3A_92 : memref<1x32x768xf32, #tpu.memory_space<hbm>> -> memref<32x768xf32, #tpu.memory_space<hbm>>
      %dma_start3A_94 = arith.constant 0 : i32
      %dma_start3A_95 = tpu.memref_slice %arg4[%dma_start3A_90, %add3A_63, %dma_start3A_94] : memref<4x8192x768xf32, #tpu.memory_space<hbm>> -> memref<1x32x768xf32, #tpu.memory_space<hbm>>
      %dma_start3A_96 = tpu.memref_squeeze %dma_start3A_95 : memref<1x32x768xf32, #tpu.memory_space<hbm>> -> memref<32x768xf32, #tpu.memory_space<hbm>>
      tpu.enqueue_dma source(%arg5 : memref<32x768xf32, #tpu.memory_space<vmem>>) target(%dma_start3A_96 : memref<32x768xf32, #tpu.memory_space<hbm>>) target_semaphore(%arg14 : memref<!tpu.dma_semaphore, #tpu.memory_space<semaphore_mem>>)
      %dma_wait3A_97 = arith.constant 0 : i32
      %dma_wait3A_98 = arith.constant 0 : i32
      %dma_wait3A_99 = arith.constant 0 : i32
      %dma_wait3A_100 = tpu.memref_slice %arg2[%dma_wait3A_97, %dma_wait3A_98, %dma_wait3A_99] : memref<4x8192x768xf32, #tpu.memory_space<hbm>> -> memref<1x32x768xf32, #tpu.memory_space<hbm>>
      %dma_wait3A_101 = tpu.memref_squeeze %dma_wait3A_100 : memref<1x32x768xf32, #tpu.memory_space<hbm>> -> memref<32x768xf32, #tpu.memory_space<hbm>>
      %dma_wait3A_102 = arith.constant 0 : i32
      %dma_wait3A_103 = arith.constant 0 : i32
      %dma_wait3A_104 = tpu.memref_slice %arg2[%dma_wait3A_97, %dma_wait3A_102, %dma_wait3A_103] : memref<4x8192x768xf32, #tpu.memory_space<hbm>> -> memref<1x32x768xf32, #tpu.memory_space<hbm>>
      %dma_wait3A_105 = tpu.memref_squeeze %dma_wait3A_104 : memref<1x32x768xf32, #tpu.memory_space<hbm>> -> memref<32x768xf32, #tpu.memory_space<hbm>>
      tpu.wait_dma2 semaphore(%arg11 : memref<!tpu.dma_semaphore, #tpu.memory_space<semaphore_mem>>) src(%dma_wait3A_105 : memref<32x768xf32, #tpu.memory_space<hbm>>) dst(%arg6 : memref<32x768xf32, #tpu.memory_space<vmem>>)
      %gt3A_106 = arith.constant 0 : i32
      %gt3A_107 = arith.cmpi sgt, %scan3A_60, %gt3A_106 : i32
      %convert_element_type3A_108 = arith.extui %gt3A_107 : i1 to i32
      %cond3A_109 = arith.constant 0 : i32
      %cond3A_110 = arith.cmpi ne, %convert_element_type3A_108, %cond3A_109 : i32
      scf.if %cond3A_110 {
        %dma_wait3A_186 = arith.constant 0 : i32
        %dma_wait3A_187 = arith.constant 0 : i32
        %dma_wait3A_188 = arith.constant 0 : i32
        %dma_wait3A_189 = tpu.memref_slice %arg4[%dma_wait3A_186, %dma_wait3A_187, %dma_wait3A_188] : memref<4x8192x768xf32, #tpu.memory_space<hbm>> -> memref<1x32x768xf32, #tpu.memory_space<hbm>>
        %dma_wait3A_190 = tpu.memref_squeeze %dma_wait3A_189 : memref<1x32x768xf32, #tpu.memory_space<hbm>> -> memref<32x768xf32, #tpu.memory_space<hbm>>
        %dma_wait3A_191 = arith.constant 0 : i32
        %dma_wait3A_192 = arith.constant 0 : i32
        %dma_wait3A_193 = tpu.memref_slice %arg4[%dma_wait3A_186, %dma_wait3A_191, %dma_wait3A_192] : memref<4x8192x768xf32, #tpu.memory_space<hbm>> -> memref<1x32x768xf32, #tpu.memory_space<hbm>>
        %dma_wait3A_194 = tpu.memref_squeeze %dma_wait3A_193 : memref<1x32x768xf32, #tpu.memory_space<hbm>> -> memref<32x768xf32, #tpu.memory_space<hbm>>
        tpu.wait_dma2 semaphore(%arg17 : memref<!tpu.dma_semaphore, #tpu.memory_space<semaphore_mem>>) src(%arg8 : memref<32x768xf32, #tpu.memory_space<vmem>>) dst(%dma_wait3A_194 : memref<32x768xf32, #tpu.memory_space<hbm>>)
      } else {
      }
      %dma_start3A_111 = arith.constant 3 : i32
      %dma_start3A_112 = arith.constant 0 : i32
      %dma_start3A_113 = tpu.memref_slice %arg2[%dma_start3A_111, %add3A_63, %dma_start3A_112] : memref<4x8192x768xf32, #tpu.memory_space<hbm>> -> memref<1x32x768xf32, #tpu.memory_space<hbm>>
      %dma_start3A_114 = tpu.memref_squeeze %dma_start3A_113 : memref<1x32x768xf32, #tpu.memory_space<hbm>> -> memref<32x768xf32, #tpu.memory_space<hbm>>
      %dma_start3A_115 = arith.constant 0 : i32
      %dma_start3A_116 = tpu.memref_slice %arg2[%dma_start3A_111, %add3A_63, %dma_start3A_115] : memref<4x8192x768xf32, #tpu.memory_space<hbm>> -> memref<1x32x768xf32, #tpu.memory_space<hbm>>
      %dma_start3A_117 = tpu.memref_squeeze %dma_start3A_116 : memref<1x32x768xf32, #tpu.memory_space<hbm>> -> memref<32x768xf32, #tpu.memory_space<hbm>>
      tpu.enqueue_dma source(%dma_start3A_117 : memref<32x768xf32, #tpu.memory_space<hbm>>) target(%arg8 : memref<32x768xf32, #tpu.memory_space<vmem>>) target_semaphore(%arg13 : memref<!tpu.dma_semaphore, #tpu.memory_space<semaphore_mem>>)
      %parallel_loop3A_118 = arith.constant 0 : i32
      %parallel_loop3A_119 = arith.constant 32 : i32
      %parallel_loop3A_120 = arith.constant 1 : i32
      scf.for %parallel_loop3A_186 = %parallel_loop3A_118 to %parallel_loop3A_119 step %parallel_loop3A_120  : i32 {
        %parallel_loop3A_187 = arith.index_cast %parallel_loop3A_186 : i32 to index
        %parallel_loop3A_188 = arith.constant 0 : index
        %parallel_loop3A_189 = tpu.vector_load %arg9[%parallel_loop3A_187, %parallel_loop3A_188] {strides = array<i32>} : memref<32x768xf32, #tpu.memory_space<vmem>>, vector<1x16xf32>,
        %parallel_loop3A_190 = vector.shape_cast %parallel_loop3A_189 : vector<1x16xf32> to vector<16xf32>
        %parallel_loop3A_191 = arith.index_cast %parallel_loop3A_186 : i32 to index
        %parallel_loop3A_192 = arith.constant 0 : index
        %parallel_loop3A_193 = tpu.vector_load %arg6[%parallel_loop3A_191, %parallel_loop3A_192] {strides = array<i32>} : memref<32x768xf32, #tpu.memory_space<vmem>>, vector<1x16xf32>,
        %parallel_loop3A_194 = vector.shape_cast %parallel_loop3A_193 : vector<1x16xf32> to vector<16xf32>
        %parallel_loop3A_195 = vector.shape_cast %parallel_loop3A_190 : vector<16xf32> to vector<1x16xf32>
        tpu.vector_store %arg6[%parallel_loop3A_191, %parallel_loop3A_192], %parallel_loop3A_195 {add = true, strides = array<i32>} : memref<32x768xf32, #tpu.memory_space<vmem>>, vector<1x16xf32>,
        %parallel_loop3A_196 = arith.index_cast %parallel_loop3A_186 : i32 to index
        %parallel_loop3A_197 = arith.constant 16 : index
        %parallel_loop3A_198 = tpu.vector_load %arg9[%parallel_loop3A_196, %parallel_loop3A_197] {strides = array<i32>} : memref<32x768xf32, #tpu.memory_space<vmem>>, vector<1x16xf32>,
        %parallel_loop3A_199 = vector.shape_cast %parallel_loop3A_198 : vector<1x16xf32> to vector<16xf32>
        %parallel_loop3A_200 = arith.index_cast %parallel_loop3A_186 : i32 to index
        %parallel_loop3A_201 = arith.constant 16 : index
        %parallel_loop3A_202 = tpu.vector_load %arg6[%parallel_loop3A_200, %parallel_loop3A_201] {strides = array<i32>} : memref<32x768xf32, #tpu.memory_space<vmem>>, vector<1x16xf32>,
        %parallel_loop3A_203 = vector.shape_cast %parallel_loop3A_202 : vector<1x16xf32> to vector<16xf32>
        %parallel_loop3A_204 = vector.shape_cast %parallel_loop3A_199 : vector<16xf32> to vector<1x16xf32>
        tpu.vector_store %arg6[%parallel_loop3A_200, %parallel_loop3A_201], %parallel_loop3A_204 {add = true, strides = array<i32>} : memref<32x768xf32, #tpu.memory_space<vmem>>, vector<1x16xf32>,
        %parallel_loop3A_205 = arith.index_cast %parallel_loop3A_186 : i32 to index
        %parallel_loop3A_206 = arith.constant 32 : index
        %parallel_loop3A_207 = tpu.vector_load %arg9[%parallel_loop3A_205, %parallel_loop3A_206] {strides = array<i32>} : memref<32x768xf32, #tpu.memory_space<vmem>>, vector<1x16xf32>,
        %parallel_loop3A_208 = vector.shape_cast %parallel_loop3A_207 : vector<1x16xf32> to vector<16xf32>
        %parallel_loop3A_209 = arith.index_cast %parallel_loop3A_186 : i32 to index
        %parallel_loop3A_210 = arith.constant 32 : index
        %parallel_loop3A_211 = tpu.vector_load %arg6[%parallel_loop3A_209, %parallel_loop3A_210] {strides = array<i32>} : memref<32x768xf32, #tpu.memory_space<vmem>>, vector<1x16xf32>,
        %parallel_loop3A_212 = vector.shape_cast %parallel_loop3A_211 : vector<1x16xf32> to vector<16xf32>
        %parallel_loop3A_213 = vector.shape_cast %parallel_loop3A_208 : vector<16xf32> to vector<1x16xf32>
        tpu.vector_store %arg6[%parallel_loop3A_209, %parallel_loop3A_210], %parallel_loop3A_213 {add = true, strides = array<i32>} : memref<32x768xf32, #tpu.memory_space<vmem>>, vector<1x16xf32>,
        %parallel_loop3A_214 = arith.index_cast %parallel_loop3A_186 : i32 to index
        %parallel_loop3A_215 = arith.constant 48 : index
        %parallel_loop3A_216 = tpu.vector_load %arg9[%parallel_loop3A_214, %parallel_loop3A_215] {strides = array<i32>} : memref<32x768xf32, #tpu.memory_space<vmem>>, vector<1x16xf32>,
        %parallel_loop3A_217 = vector.shape_cast %parallel_loop3A_216 : vector<1x16xf32> to vector<16xf32>
        %parallel_loop3A_218 = arith.index_cast %parallel_loop3A_186 : i32 to index
        %parallel_loop3A_219 = arith.constant 48 : index
        %parallel_loop3A_220 = tpu.vector_load %arg6[%parallel_loop3A_218, %parallel_loop3A_219] {strides = array<i32>} : memref<32x768xf32, #tpu.memory_space<vmem>>, vector<1x16xf32>,
        %parallel_loop3A_221 = vector.shape_cast %parallel_loop3A_220 : vector<1x16xf32> to vector<16xf32>
        %parallel_loop3A_222 = vector.shape_cast %parallel_loop3A_217 : vector<16xf32> to vector<1x16xf32>
        tpu.vector_store %arg6[%parallel_loop3A_218, %parallel_loop3A_219], %parallel_loop3A_222 {add = true, strides = array<i32>} : memref<32x768xf32, #tpu.memory_space<vmem>>, vector<1x16xf32>,
        %parallel_loop3A_223 = arith.index_cast %parallel_loop3A_186 : i32 to index
        %parallel_loop3A_224 = arith.constant 64 : index
        %parallel_loop3A_225 = tpu.vector_load %arg9[%parallel_loop3A_223, %parallel_loop3A_224] {strides = array<i32>} : memref<32x768xf32, #tpu.memory_space<vmem>>, vector<1x16xf32>,
        %parallel_loop3A_226 = vector.shape_cast %parallel_loop3A_225 : vector<1x16xf32> to vector<16xf32>
        %parallel_loop3A_227 = arith.index_cast %parallel_loop3A_186 : i32 to index
        %parallel_loop3A_228 = arith.constant 64 : index
        %parallel_loop3A_229 = tpu.vector_load %arg6[%parallel_loop3A_227, %parallel_loop3A_228] {strides = array<i32>} : memref<32x768xf32, #tpu.memory_space<vmem>>, vector<1x16xf32>,
        %parallel_loop3A_230 = vector.shape_cast %parallel_loop3A_229 : vector<1x16xf32> to vector<16xf32>
        %parallel_loop3A_231 = vector.shape_cast %parallel_loop3A_226 : vector<16xf32> to vector<1x16xf32>
        tpu.vector_store %arg6[%parallel_loop3A_227, %parallel_loop3A_228], %parallel_loop3A_231 {add = true, strides = array<i32>} : memref<32x768xf32, #tpu.memory_space<vmem>>, vector<1x16xf32>,
        %parallel_loop3A_232 = arith.index_cast %parallel_loop3A_186 : i32 to index
        %parallel_loop3A_233 = arith.constant 80 : index
        %parallel_loop3A_234 = tpu.vector_load %arg9[%parallel_loop3A_232, %parallel_loop3A_233] {strides = array<i32>} : memref<32x768xf32, #tpu.memory_space<vmem>>, vector<1x16xf32>,
        %parallel_loop3A_235 = vector.shape_cast %parallel_loop3A_234 : vector<1x16xf32> to vector<16xf32>
        %parallel_loop3A_236 = arith.index_cast %parallel_loop3A_186 : i32 to index
        %parallel_loop3A_237 = arith.constant 80 : index
        %parallel_loop3A_238 = tpu.vector_load %arg6[%parallel_loop3A_236, %parallel_loop3A_237] {strides = array<i32>} : memref<32x768xf32, #tpu.memory_space<vmem>>, vector<1x16xf32>,
        %parallel_loop3A_239 = vector.shape_cast %parallel_loop3A_238 : vector<1x16xf32> to vector<16xf32>
        %parallel_loop3A_240 = vector.shape_cast %parallel_loop3A_235 : vector<16xf32> to vector<1x16xf32>
        tpu.vector_store %arg6[%parallel_loop3A_236, %parallel_loop3A_237], %parallel_loop3A_240 {add = true, strides = array<i32>} : memref<32x768xf32, #tpu.memory_space<vmem>>, vector<1x16xf32>,
        %parallel_loop3A_241 = arith.index_cast %parallel_loop3A_186 : i32 to index
        %parallel_loop3A_242 = arith.constant 96 : index
        %parallel_loop3A_243 = tpu.vector_load %arg9[%parallel_loop3A_241, %parallel_loop3A_242] {strides = array<i32>} : memref<32x768xf32, #tpu.memory_space<vmem>>, vector<1x16xf32>,
        %parallel_loop3A_244 = vector.shape_cast %parallel_loop3A_243 : vector<1x16xf32> to vector<16xf32>
        %parallel_loop3A_245 = arith.index_cast %parallel_loop3A_186 : i32 to index
        %parallel_loop3A_246 = arith.constant 96 : index
        %parallel_loop3A_247 = tpu.vector_load %arg6[%parallel_loop3A_245, %parallel_loop3A_246] {strides = array<i32>} : memref<32x768xf32, #tpu.memory_space<vmem>>, vector<1x16xf32>,
        %parallel_loop3A_248 = vector.shape_cast %parallel_loop3A_247 : vector<1x16xf32> to vector<16xf32>
        %parallel_loop3A_249 = vector.shape_cast %parallel_loop3A_244 : vector<16xf32> to vector<1x16xf32>
        tpu.vector_store %arg6[%parallel_loop3A_245, %parallel_loop3A_246], %parallel_loop3A_249 {add = true, strides = array<i32>} : memref<32x768xf32, #tpu.memory_space<vmem>>, vector<1x16xf32>,
        %parallel_loop3A_250 = arith.index_cast %parallel_loop3A_186 : i32 to index
        %parallel_loop3A_251 = arith.constant 112 : index
        %parallel_loop3A_252 = tpu.vector_load %arg9[%parallel_loop3A_250, %parallel_loop3A_251] {strides = array<i32>} : memref<32x768xf32, #tpu.memory_space<vmem>>, vector<1x16xf32>,
        %parallel_loop3A_253 = vector.shape_cast %parallel_loop3A_252 : vector<1x16xf32> to vector<16xf32>
        %parallel_loop3A_254 = arith.index_cast %parallel_loop3A_186 : i32 to index
        %parallel_loop3A_255 = arith.constant 112 : index
        %parallel_loop3A_256 = tpu.vector_load %arg6[%parallel_loop3A_254, %parallel_loop3A_255] {strides = array<i32>} : memref<32x768xf32, #tpu.memory_space<vmem>>, vector<1x16xf32>,
        %parallel_loop3A_257 = vector.shape_cast %parallel_loop3A_256 : vector<1x16xf32> to vector<16xf32>
        %parallel_loop3A_258 = vector.shape_cast %parallel_loop3A_253 : vector<16xf32> to vector<1x16xf32>
        tpu.vector_store %arg6[%parallel_loop3A_254, %parallel_loop3A_255], %parallel_loop3A_258 {add = true, strides = array<i32>} : memref<32x768xf32, #tpu.memory_space<vmem>>, vector<1x16xf32>,
        %parallel_loop3A_259 = arith.index_cast %parallel_loop3A_186 : i32 to index
        %parallel_loop3A_260 = arith.constant 128 : index
        %parallel_loop3A_261 = tpu.vector_load %arg9[%parallel_loop3A_259, %parallel_loop3A_260] {strides = array<i32>} : memref<32x768xf32, #tpu.memory_space<vmem>>, vector<1x16xf32>,
        %parallel_loop3A_262 = vector.shape_cast %parallel_loop3A_261 : vector<1x16xf32> to vector<16xf32>
        %parallel_loop3A_263 = arith.index_cast %parallel_loop3A_186 : i32 to index
        %parallel_loop3A_264 = arith.constant 128 : index
        %parallel_loop3A_265 = tpu.vector_load %arg6[%parallel_loop3A_263, %parallel_loop3A_264] {strides = array<i32>} : memref<32x768xf32, #tpu.memory_space<vmem>>, vector<1x16xf32>,
        %parallel_loop3A_266 = vector.shape_cast %parallel_loop3A_265 : vector<1x16xf32> to vector<16xf32>
        %parallel_loop3A_267 = vector.shape_cast %parallel_loop3A_262 : vector<16xf32> to vector<1x16xf32>
        tpu.vector_store %arg6[%parallel_loop3A_263, %parallel_loop3A_264], %parallel_loop3A_267 {add = true, strides = array<i32>} : memref<32x768xf32, #tpu.memory_space<vmem>>, vector<1x16xf32>,
        %parallel_loop3A_268 = arith.index_cast %parallel_loop3A_186 : i32 to index
        %parallel_loop3A_269 = arith.constant 144 : index
        %parallel_loop3A_270 = tpu.vector_load %arg9[%parallel_loop3A_268, %parallel_loop3A_269] {strides = array<i32>} : memref<32x768xf32, #tpu.memory_space<vmem>>, vector<1x16xf32>,
        %parallel_loop3A_271 = vector.shape_cast %parallel_loop3A_270 : vector<1x16xf32> to vector<16xf32>
        %parallel_loop3A_272 = arith.index_cast %parallel_loop3A_186 : i32 to index
        %parallel_loop3A_273 = arith.constant 144 : index
        %parallel_loop3A_274 = tpu.vector_load %arg6[%parallel_loop3A_272, %parallel_loop3A_273] {strides = array<i32>} : memref<32x768xf32, #tpu.memory_space<vmem>>, vector<1x16xf32>,
        %parallel_loop3A_275 = vector.shape_cast %parallel_loop3A_274 : vector<1x16xf32> to vector<16xf32>
        %parallel_loop3A_276 = vector.shape_cast %parallel_loop3A_271 : vector<16xf32> to vector<1x16xf32>
        tpu.vector_store %arg6[%parallel_loop3A_272, %parallel_loop3A_273], %parallel_loop3A_276 {add = true, strides = array<i32>} : memref<32x768xf32, #tpu.memory_space<vmem>>, vector<1x16xf32>,
        %parallel_loop3A_277 = arith.index_cast %parallel_loop3A_186 : i32 to index
        %parallel_loop3A_278 = arith.constant 160 : index
        %parallel_loop3A_279 = tpu.vector_load %arg9[%parallel_loop3A_277, %parallel_loop3A_278] {strides = array<i32>} : memref<32x768xf32, #tpu.memory_space<vmem>>, vector<1x16xf32>,
        %parallel_loop3A_280 = vector.shape_cast %parallel_loop3A_279 : vector<1x16xf32> to vector<16xf32>
        %parallel_loop3A_281 = arith.index_cast %parallel_loop3A_186 : i32 to index
        %parallel_loop3A_282 = arith.constant 160 : index
        %parallel_loop3A_283 = tpu.vector_load %arg6[%parallel_loop3A_281, %parallel_loop3A_282] {strides = array<i32>} : memref<32x768xf32, #tpu.memory_space<vmem>>, vector<1x16xf32>,
        %parallel_loop3A_284 = vector.shape_cast %parallel_loop3A_283 : vector<1x16xf32> to vector<16xf32>
        %parallel_loop3A_285 = vector.shape_cast %parallel_loop3A_280 : vector<16xf32> to vector<1x16xf32>
        tpu.vector_store %arg6[%parallel_loop3A_281, %parallel_loop3A_282], %parallel_loop3A_285 {add = true, strides = array<i32>} : memref<32x768xf32, #tpu.memory_space<vmem>>, vector<1x16xf32>,
        %parallel_loop3A_286 = arith.index_cast %parallel_loop3A_186 : i32 to index
        %parallel_loop3A_287 = arith.constant 176 : index
        %parallel_loop3A_288 = tpu.vector_load %arg9[%parallel_loop3A_286, %parallel_loop3A_287] {strides = array<i32>} : memref<32x768xf32, #tpu.memory_space<vmem>>, vector<1x16xf32>,
        %parallel_loop3A_289 = vector.shape_cast %parallel_loop3A_288 : vector<1x16xf32> to vector<16xf32>
        %parallel_loop3A_290 = arith.index_cast %parallel_loop3A_186 : i32 to index
        %parallel_loop3A_291 = arith.constant 176 : index
        %parallel_loop3A_292 = tpu.vector_load %arg6[%parallel_loop3A_290, %parallel_loop3A_291] {strides = array<i32>} : memref<32x768xf32, #tpu.memory_space<vmem>>, vector<1x16xf32>,
        %parallel_loop3A_293 = vector.shape_cast %parallel_loop3A_292 : vector<1x16xf32> to vector<16xf32>
        %parallel_loop3A_294 = vector.shape_cast %parallel_loop3A_289 : vector<16xf32> to vector<1x16xf32>
        tpu.vector_store %arg6[%parallel_loop3A_290, %parallel_loop3A_291], %parallel_loop3A_294 {add = true, strides = array<i32>} : memref<32x768xf32, #tpu.memory_space<vmem>>, vector<1x16xf32>,
        %parallel_loop3A_295 = arith.index_cast %parallel_loop3A_186 : i32 to index
        %parallel_loop3A_296 = arith.constant 192 : index
        %parallel_loop3A_297 = tpu.vector_load %arg9[%parallel_loop3A_295, %parallel_loop3A_296] {strides = array<i32>} : memref<32x768xf32, #tpu.memory_space<vmem>>, vector<1x16xf32>,
        %parallel_loop3A_298 = vector.shape_cast %parallel_loop3A_297 : vector<1x16xf32> to vector<16xf32>
        %parallel_loop3A_299 = arith.index_cast %parallel_loop3A_186 : i32 to index
        %parallel_loop3A_300 = arith.constant 192 : index
        %parallel_loop3A_301 = tpu.vector_load %arg6[%parallel_loop3A_299, %parallel_loop3A_300] {strides = array<i32>} : memref<32x768xf32, #tpu.memory_space<vmem>>, vector<1x16xf32>,
        %parallel_loop3A_302 = vector.shape_cast %parallel_loop3A_301 : vector<1x16xf32> to vector<16xf32>
        %parallel_loop3A_303 = vector.shape_cast %parallel_loop3A_298 : vector<16xf32> to vector<1x16xf32>
        tpu.vector_store %arg6[%parallel_loop3A_299, %parallel_loop3A_300], %parallel_loop3A_303 {add = true, strides = array<i32>} : memref<32x768xf32, #tpu.memory_space<vmem>>, vector<1x16xf32>,
        %parallel_loop3A_304 = arith.index_cast %parallel_loop3A_186 : i32 to index
        %parallel_loop3A_305 = arith.constant 208 : index
        %parallel_loop3A_306 = tpu.vector_load %arg9[%parallel_loop3A_304, %parallel_loop3A_305] {strides = array<i32>} : memref<32x768xf32, #tpu.memory_space<vmem>>, vector<1x16xf32>,
        %parallel_loop3A_307 = vector.shape_cast %parallel_loop3A_306 : vector<1x16xf32> to vector<16xf32>
        %parallel_loop3A_308 = arith.index_cast %parallel_loop3A_186 : i32 to index
        %parallel_loop3A_309 = arith.constant 208 : index
        %parallel_loop3A_310 = tpu.vector_load %arg6[%parallel_loop3A_308, %parallel_loop3A_309] {strides = array<i32>} : memref<32x768xf32, #tpu.memory_space<vmem>>, vector<1x16xf32>,
        %parallel_loop3A_311 = vector.shape_cast %parallel_loop3A_310 : vector<1x16xf32> to vector<16xf32>
        %parallel_loop3A_312 = vector.shape_cast %parallel_loop3A_307 : vector<16xf32> to vector<1x16xf32>
        tpu.vector_store %arg6[%parallel_loop3A_308, %parallel_loop3A_309], %parallel_loop3A_312 {add = true, strides = array<i32>} : memref<32x768xf32, #tpu.memory_space<vmem>>, vector<1x16xf32>,
        %parallel_loop3A_313 = arith.index_cast %parallel_loop3A_186 : i32 to index
        %parallel_loop3A_314 = arith.constant 224 : index
        %parallel_loop3A_315 = tpu.vector_load %arg9[%parallel_loop3A_313, %parallel_loop3A_314] {strides = array<i32>} : memref<32x768xf32, #tpu.memory_space<vmem>>, vector<1x16xf32>,
        %parallel_loop3A_316 = vector.shape_cast %parallel_loop3A_315 : vector<1x16xf32> to vector<16xf32>
        %parallel_loop3A_317 = arith.index_cast %parallel_loop3A_186 : i32 to index
        %parallel_loop3A_318 = arith.constant 224 : index
        %parallel_loop3A_319 = tpu.vector_load %arg6[%parallel_loop3A_317, %parallel_loop3A_318] {strides = array<i32>} : memref<32x768xf32, #tpu.memory_space<vmem>>, vector<1x16xf32>,
        %parallel_loop3A_320 = vector.shape_cast %parallel_loop3A_319 : vector<1x16xf32> to vector<16xf32>
        %parallel_loop3A_321 = vector.shape_cast %parallel_loop3A_316 : vector<16xf32> to vector<1x16xf32>
        tpu.vector_store %arg6[%parallel_loop3A_317, %parallel_loop3A_318], %parallel_loop3A_321 {add = true, strides = array<i32>} : memref<32x768xf32, #tpu.memory_space<vmem>>, vector<1x16xf32>,
        %parallel_loop3A_322 = arith.index_cast %parallel_loop3A_186 : i32 to index
        %parallel_loop3A_323 = arith.constant 240 : index
        %parallel_loop3A_324 = tpu.vector_load %arg9[%parallel_loop3A_322, %parallel_loop3A_323] {strides = array<i32>} : memref<32x768xf32, #tpu.memory_space<vmem>>, vector<1x16xf32>,
        %parallel_loop3A_325 = vector.shape_cast %parallel_loop3A_324 : vector<1x16xf32> to vector<16xf32>
        %parallel_loop3A_326 = arith.index_cast %parallel_loop3A_186 : i32 to index
        %parallel_loop3A_327 = arith.constant 240 : index
        %parallel_loop3A_328 = tpu.vector_load %arg6[%parallel_loop3A_326, %parallel_loop3A_327] {strides = array<i32>} : memref<32x768xf32, #tpu.memory_space<vmem>>, vector<1x16xf32>,
        %parallel_loop3A_329 = vector.shape_cast %parallel_loop3A_328 : vector<1x16xf32> to vector<16xf32>
        %parallel_loop3A_330 = vector.shape_cast %parallel_loop3A_325 : vector<16xf32> to vector<1x16xf32>
        tpu.vector_store %arg6[%parallel_loop3A_326, %parallel_loop3A_327], %parallel_loop3A_330 {add = true, strides = array<i32>} : memref<32x768xf32, #tpu.memory_space<vmem>>, vector<1x16xf32>,
        %parallel_loop3A_331 = arith.index_cast %parallel_loop3A_186 : i32 to index
        %parallel_loop3A_332 = arith.constant 256 : index
        %parallel_loop3A_333 = tpu.vector_load %arg9[%parallel_loop3A_331, %parallel_loop3A_332] {strides = array<i32>} : memref<32x768xf32, #tpu.memory_space<vmem>>, vector<1x16xf32>,
        %parallel_loop3A_334 = vector.shape_cast %parallel_loop3A_333 : vector<1x16xf32> to vector<16xf32>
        %parallel_loop3A_335 = arith.index_cast %parallel_loop3A_186 : i32 to index
        %parallel_loop3A_336 = arith.constant 256 : index
        %parallel_loop3A_337 = tpu.vector_load %arg6[%parallel_loop3A_335, %parallel_loop3A_336] {strides = array<i32>} : memref<32x768xf32, #tpu.memory_space<vmem>>, vector<1x16xf32>,
        %parallel_loop3A_338 = vector.shape_cast %parallel_loop3A_337 : vector<1x16xf32> to vector<16xf32>
        %parallel_loop3A_339 = vector.shape_cast %parallel_loop3A_334 : vector<16xf32> to vector<1x16xf32>
        tpu.vector_store %arg6[%parallel_loop3A_335, %parallel_loop3A_336], %parallel_loop3A_339 {add = true, strides = array<i32>} : memref<32x768xf32, #tpu.memory_space<vmem>>, vector<1x16xf32>,
        %parallel_loop3A_340 = arith.index_cast %parallel_loop3A_186 : i32 to index
        %parallel_loop3A_341 = arith.constant 272 : index
        %parallel_loop3A_342 = tpu.vector_load %arg9[%parallel_loop3A_340, %parallel_loop3A_341] {strides = array<i32>} : memref<32x768xf32, #tpu.memory_space<vmem>>, vector<1x16xf32>,
        %parallel_loop3A_343 = vector.shape_cast %parallel_loop3A_342 : vector<1x16xf32> to vector<16xf32>
        %parallel_loop3A_344 = arith.index_cast %parallel_loop3A_186 : i32 to index
        %parallel_loop3A_345 = arith.constant 272 : index
        %parallel_loop3A_346 = tpu.vector_load %arg6[%parallel_loop3A_344, %parallel_loop3A_345] {strides = array<i32>} : memref<32x768xf32, #tpu.memory_space<vmem>>, vector<1x16xf32>,
        %parallel_loop3A_347 = vector.shape_cast %parallel_loop3A_346 : vector<1x16xf32> to vector<16xf32>
        %parallel_loop3A_348 = vector.shape_cast %parallel_loop3A_343 : vector<16xf32> to vector<1x16xf32>
        tpu.vector_store %arg6[%parallel_loop3A_344, %parallel_loop3A_345], %parallel_loop3A_348 {add = true, strides = array<i32>} : memref<32x768xf32, #tpu.memory_space<vmem>>, vector<1x16xf32>,
        %parallel_loop3A_349 = arith.index_cast %parallel_loop3A_186 : i32 to index
        %parallel_loop3A_350 = arith.constant 288 : index
        %parallel_loop3A_351 = tpu.vector_load %arg9[%parallel_loop3A_349, %parallel_loop3A_350] {strides = array<i32>} : memref<32x768xf32, #tpu.memory_space<vmem>>, vector<1x16xf32>,
        %parallel_loop3A_352 = vector.shape_cast %parallel_loop3A_351 : vector<1x16xf32> to vector<16xf32>
        %parallel_loop3A_353 = arith.index_cast %parallel_loop3A_186 : i32 to index
        %parallel_loop3A_354 = arith.constant 288 : index
        %parallel_loop3A_355 = tpu.vector_load %arg6[%parallel_loop3A_353, %parallel_loop3A_354] {strides = array<i32>} : memref<32x768xf32, #tpu.memory_space<vmem>>, vector<1x16xf32>,
        %parallel_loop3A_356 = vector.shape_cast %parallel_loop3A_355 : vector<1x16xf32> to vector<16xf32>
        %parallel_loop3A_357 = vector.shape_cast %parallel_loop3A_352 : vector<16xf32> to vector<1x16xf32>
        tpu.vector_store %arg6[%parallel_loop3A_353, %parallel_loop3A_354], %parallel_loop3A_357 {add = true, strides = array<i32>} : memref<32x768xf32, #tpu.memory_space<vmem>>, vector<1x16xf32>,
        %parallel_loop3A_358 = arith.index_cast %parallel_loop3A_186 : i32 to index
        %parallel_loop3A_359 = arith.constant 304 : index
        %parallel_loop3A_360 = tpu.vector_load %arg9[%parallel_loop3A_358, %parallel_loop3A_359] {strides = array<i32>} : memref<32x768xf32, #tpu.memory_space<vmem>>, vector<1x16xf32>,
        %parallel_loop3A_361 = vector.shape_cast %parallel_loop3A_360 : vector<1x16xf32> to vector<16xf32>
        %parallel_loop3A_362 = arith.index_cast %parallel_loop3A_186 : i32 to index
        %parallel_loop3A_363 = arith.constant 304 : index
        %parallel_loop3A_364 = tpu.vector_load %arg6[%parallel_loop3A_362, %parallel_loop3A_363] {strides = array<i32>} : memref<32x768xf32, #tpu.memory_space<vmem>>, vector<1x16xf32>,
        %parallel_loop3A_365 = vector.shape_cast %parallel_loop3A_364 : vector<1x16xf32> to vector<16xf32>
        %parallel_loop3A_366 = vector.shape_cast %parallel_loop3A_361 : vector<16xf32> to vector<1x16xf32>
        tpu.vector_store %arg6[%parallel_loop3A_362, %parallel_loop3A_363], %parallel_loop3A_366 {add = true, strides = array<i32>} : memref<32x768xf32, #tpu.memory_space<vmem>>, vector<1x16xf32>,
        %parallel_loop3A_367 = arith.index_cast %parallel_loop3A_186 : i32 to index
        %parallel_loop3A_368 = arith.constant 320 : index
        %parallel_loop3A_369 = tpu.vector_load %arg9[%parallel_loop3A_367, %parallel_loop3A_368] {strides = array<i32>} : memref<32x768xf32, #tpu.memory_space<vmem>>, vector<1x16xf32>,
        %parallel_loop3A_370 = vector.shape_cast %parallel_loop3A_369 : vector<1x16xf32> to vector<16xf32>
        %parallel_loop3A_371 = arith.index_cast %parallel_loop3A_186 : i32 to index
        %parallel_loop3A_372 = arith.constant 320 : index
        %parallel_loop3A_373 = tpu.vector_load %arg6[%parallel_loop3A_371, %parallel_loop3A_372] {strides = array<i32>} : memref<32x768xf32, #tpu.memory_space<vmem>>, vector<1x16xf32>,
        %parallel_loop3A_374 = vector.shape_cast %parallel_loop3A_373 : vector<1x16xf32> to vector<16xf32>
        %parallel_loop3A_375 = vector.shape_cast %parallel_loop3A_370 : vector<16xf32> to vector<1x16xf32>
        tpu.vector_store %arg6[%parallel_loop3A_371, %parallel_loop3A_372], %parallel_loop3A_375 {add = true, strides = array<i32>} : memref<32x768xf32, #tpu.memory_space<vmem>>, vector<1x16xf32>,
        %parallel_loop3A_376 = arith.index_cast %parallel_loop3A_186 : i32 to index
        %parallel_loop3A_377 = arith.constant 336 : index
        %parallel_loop3A_378 = tpu.vector_load %arg9[%parallel_loop3A_376, %parallel_loop3A_377] {strides = array<i32>} : memref<32x768xf32, #tpu.memory_space<vmem>>, vector<1x16xf32>,
        %parallel_loop3A_379 = vector.shape_cast %parallel_loop3A_378 : vector<1x16xf32> to vector<16xf32>
        %parallel_loop3A_380 = arith.index_cast %parallel_loop3A_186 : i32 to index
        %parallel_loop3A_381 = arith.constant 336 : index
        %parallel_loop3A_382 = tpu.vector_load %arg6[%parallel_loop3A_380, %parallel_loop3A_381] {strides = array<i32>} : memref<32x768xf32, #tpu.memory_space<vmem>>, vector<1x16xf32>,
        %parallel_loop3A_383 = vector.shape_cast %parallel_loop3A_382 : vector<1x16xf32> to vector<16xf32>
        %parallel_loop3A_384 = vector.shape_cast %parallel_loop3A_379 : vector<16xf32> to vector<1x16xf32>
        tpu.vector_store %arg6[%parallel_loop3A_380, %parallel_loop3A_381], %parallel_loop3A_384 {add = true, strides = array<i32>} : memref<32x768xf32, #tpu.memory_space<vmem>>, vector<1x16xf32>,
        %parallel_loop3A_385 = arith.index_cast %parallel_loop3A_186 : i32 to index
        %parallel_loop3A_386 = arith.constant 352 : index
        %parallel_loop3A_387 = tpu.vector_load %arg9[%parallel_loop3A_385, %parallel_loop3A_386] {strides = array<i32>} : memref<32x768xf32, #tpu.memory_space<vmem>>, vector<1x16xf32>,
        %parallel_loop3A_388 = vector.shape_cast %parallel_loop3A_387 : vector<1x16xf32> to vector<16xf32>
        %parallel_loop3A_389 = arith.index_cast %parallel_loop3A_186 : i32 to index
        %parallel_loop3A_390 = arith.constant 352 : index
        %parallel_loop3A_391 = tpu.vector_load %arg6[%parallel_loop3A_389, %parallel_loop3A_390] {strides = array<i32>} : memref<32x768xf32, #tpu.memory_space<vmem>>, vector<1x16xf32>,
        %parallel_loop3A_392 = vector.shape_cast %parallel_loop3A_391 : vector<1x16xf32> to vector<16xf32>
        %parallel_loop3A_393 = vector.shape_cast %parallel_loop3A_388 : vector<16xf32> to vector<1x16xf32>
        tpu.vector_store %arg6[%parallel_loop3A_389, %parallel_loop3A_390], %parallel_loop3A_393 {add = true, strides = array<i32>} : memref<32x768xf32, #tpu.memory_space<vmem>>, vector<1x16xf32>,
        %parallel_loop3A_394 = arith.index_cast %parallel_loop3A_186 : i32 to index
        %parallel_loop3A_395 = arith.constant 368 : index
        %parallel_loop3A_396 = tpu.vector_load %arg9[%parallel_loop3A_394, %parallel_loop3A_395] {strides = array<i32>} : memref<32x768xf32, #tpu.memory_space<vmem>>, vector<1x16xf32>,
        %parallel_loop3A_397 = vector.shape_cast %parallel_loop3A_396 : vector<1x16xf32> to vector<16xf32>
        %parallel_loop3A_398 = arith.index_cast %parallel_loop3A_186 : i32 to index
        %parallel_loop3A_399 = arith.constant 368 : index
        %parallel_loop3A_400 = tpu.vector_load %arg6[%parallel_loop3A_398, %parallel_loop3A_399] {strides = array<i32>} : memref<32x768xf32, #tpu.memory_space<vmem>>, vector<1x16xf32>,
        %parallel_loop3A_401 = vector.shape_cast %parallel_loop3A_400 : vector<1x16xf32> to vector<16xf32>
        %parallel_loop3A_402 = vector.shape_cast %parallel_loop3A_397 : vector<16xf32> to vector<1x16xf32>
        tpu.vector_store %arg6[%parallel_loop3A_398, %parallel_loop3A_399], %parallel_loop3A_402 {add = true, strides = array<i32>} : memref<32x768xf32, #tpu.memory_space<vmem>>, vector<1x16xf32>,
        %parallel_loop3A_403 = arith.index_cast %parallel_loop3A_186 : i32 to index
        %parallel_loop3A_404 = arith.constant 384 : index
        %parallel_loop3A_405 = tpu.vector_load %arg9[%parallel_loop3A_403, %parallel_loop3A_404] {strides = array<i32>} : memref<32x768xf32, #tpu.memory_space<vmem>>, vector<1x16xf32>,
        %parallel_loop3A_406 = vector.shape_cast %parallel_loop3A_405 : vector<1x16xf32> to vector<16xf32>
        %parallel_loop3A_407 = arith.index_cast %parallel_loop3A_186 : i32 to index
        %parallel_loop3A_408 = arith.constant 384 : index
        %parallel_loop3A_409 = tpu.vector_load %arg6[%parallel_loop3A_407, %parallel_loop3A_408] {strides = array<i32>} : memref<32x768xf32, #tpu.memory_space<vmem>>, vector<1x16xf32>,
        %parallel_loop3A_410 = vector.shape_cast %parallel_loop3A_409 : vector<1x16xf32> to vector<16xf32>
        %parallel_loop3A_411 = vector.shape_cast %parallel_loop3A_406 : vector<16xf32> to vector<1x16xf32>
        tpu.vector_store %arg6[%parallel_loop3A_407, %parallel_loop3A_408], %parallel_loop3A_411 {add = true, strides = array<i32>} : memref<32x768xf32, #tpu.memory_space<vmem>>, vector<1x16xf32>,
        %parallel_loop3A_412 = arith.index_cast %parallel_loop3A_186 : i32 to index
        %parallel_loop3A_413 = arith.constant 400 : index
        %parallel_loop3A_414 = tpu.vector_load %arg9[%parallel_loop3A_412, %parallel_loop3A_413] {strides = array<i32>} : memref<32x768xf32, #tpu.memory_space<vmem>>, vector<1x16xf32>,
        %parallel_loop3A_415 = vector.shape_cast %parallel_loop3A_414 : vector<1x16xf32> to vector<16xf32>
        %parallel_loop3A_416 = arith.index_cast %parallel_loop3A_186 : i32 to index
        %parallel_loop3A_417 = arith.constant 400 : index
        %parallel_loop3A_418 = tpu.vector_load %arg6[%parallel_loop3A_416, %parallel_loop3A_417] {strides = array<i32>} : memref<32x768xf32, #tpu.memory_space<vmem>>, vector<1x16xf32>,
        %parallel_loop3A_419 = vector.shape_cast %parallel_loop3A_418 : vector<1x16xf32> to vector<16xf32>
        %parallel_loop3A_420 = vector.shape_cast %parallel_loop3A_415 : vector<16xf32> to vector<1x16xf32>
        tpu.vector_store %arg6[%parallel_loop3A_416, %parallel_loop3A_417], %parallel_loop3A_420 {add = true, strides = array<i32>} : memref<32x768xf32, #tpu.memory_space<vmem>>, vector<1x16xf32>,
        %parallel_loop3A_421 = arith.index_cast %parallel_loop3A_186 : i32 to index
        %parallel_loop3A_422 = arith.constant 416 : index
        %parallel_loop3A_423 = tpu.vector_load %arg9[%parallel_loop3A_421, %parallel_loop3A_422] {strides = array<i32>} : memref<32x768xf32, #tpu.memory_space<vmem>>, vector<1x16xf32>,
        %parallel_loop3A_424 = vector.shape_cast %parallel_loop3A_423 : vector<1x16xf32> to vector<16xf32>
        %parallel_loop3A_425 = arith.index_cast %parallel_loop3A_186 : i32 to index
        %parallel_loop3A_426 = arith.constant 416 : index
        %parallel_loop3A_427 = tpu.vector_load %arg6[%parallel_loop3A_425, %parallel_loop3A_426] {strides = array<i32>} : memref<32x768xf32, #tpu.memory_space<vmem>>, vector<1x16xf32>,
        %parallel_loop3A_428 = vector.shape_cast %parallel_loop3A_427 : vector<1x16xf32> to vector<16xf32>
        %parallel_loop3A_429 = vector.shape_cast %parallel_loop3A_424 : vector<16xf32> to vector<1x16xf32>
        tpu.vector_store %arg6[%parallel_loop3A_425, %parallel_loop3A_426], %parallel_loop3A_429 {add = true, strides = array<i32>} : memref<32x768xf32, #tpu.memory_space<vmem>>, vector<1x16xf32>,
        %parallel_loop3A_430 = arith.index_cast %parallel_loop3A_186 : i32 to index
        %parallel_loop3A_431 = arith.constant 432 : index
        %parallel_loop3A_432 = tpu.vector_load %arg9[%parallel_loop3A_430, %parallel_loop3A_431] {strides = array<i32>} : memref<32x768xf32, #tpu.memory_space<vmem>>, vector<1x16xf32>,
        %parallel_loop3A_433 = vector.shape_cast %parallel_loop3A_432 : vector<1x16xf32> to vector<16xf32>
        %parallel_loop3A_434 = arith.index_cast %parallel_loop3A_186 : i32 to index
        %parallel_loop3A_435 = arith.constant 432 : index
        %parallel_loop3A_436 = tpu.vector_load %arg6[%parallel_loop3A_434, %parallel_loop3A_435] {strides = array<i32>} : memref<32x768xf32, #tpu.memory_space<vmem>>, vector<1x16xf32>,
        %parallel_loop3A_437 = vector.shape_cast %parallel_loop3A_436 : vector<1x16xf32> to vector<16xf32>
        %parallel_loop3A_438 = vector.shape_cast %parallel_loop3A_433 : vector<16xf32> to vector<1x16xf32>
        tpu.vector_store %arg6[%parallel_loop3A_434, %parallel_loop3A_435], %parallel_loop3A_438 {add = true, strides = array<i32>} : memref<32x768xf32, #tpu.memory_space<vmem>>, vector<1x16xf32>,
        %parallel_loop3A_439 = arith.index_cast %parallel_loop3A_186 : i32 to index
        %parallel_loop3A_440 = arith.constant 448 : index
        %parallel_loop3A_441 = tpu.vector_load %arg9[%parallel_loop3A_439, %parallel_loop3A_440] {strides = array<i32>} : memref<32x768xf32, #tpu.memory_space<vmem>>, vector<1x16xf32>,
        %parallel_loop3A_442 = vector.shape_cast %parallel_loop3A_441 : vector<1x16xf32> to vector<16xf32>
        %parallel_loop3A_443 = arith.index_cast %parallel_loop3A_186 : i32 to index
        %parallel_loop3A_444 = arith.constant 448 : index
        %parallel_loop3A_445 = tpu.vector_load %arg6[%parallel_loop3A_443, %parallel_loop3A_444] {strides = array<i32>} : memref<32x768xf32, #tpu.memory_space<vmem>>, vector<1x16xf32>,
        %parallel_loop3A_446 = vector.shape_cast %parallel_loop3A_445 : vector<1x16xf32> to vector<16xf32>
        %parallel_loop3A_447 = vector.shape_cast %parallel_loop3A_442 : vector<16xf32> to vector<1x16xf32>
        tpu.vector_store %arg6[%parallel_loop3A_443, %parallel_loop3A_444], %parallel_loop3A_447 {add = true, strides = array<i32>} : memref<32x768xf32, #tpu.memory_space<vmem>>, vector<1x16xf32>,
        %parallel_loop3A_448 = arith.index_cast %parallel_loop3A_186 : i32 to index
        %parallel_loop3A_449 = arith.constant 464 : index
        %parallel_loop3A_450 = tpu.vector_load %arg9[%parallel_loop3A_448, %parallel_loop3A_449] {strides = array<i32>} : memref<32x768xf32, #tpu.memory_space<vmem>>, vector<1x16xf32>,
        %parallel_loop3A_451 = vector.shape_cast %parallel_loop3A_450 : vector<1x16xf32> to vector<16xf32>
        %parallel_loop3A_452 = arith.index_cast %parallel_loop3A_186 : i32 to index
        %parallel_loop3A_453 = arith.constant 464 : index
        %parallel_loop3A_454 = tpu.vector_load %arg6[%parallel_loop3A_452, %parallel_loop3A_453] {strides = array<i32>} : memref<32x768xf32, #tpu.memory_space<vmem>>, vector<1x16xf32>,
        %parallel_loop3A_455 = vector.shape_cast %parallel_loop3A_454 : vector<1x16xf32> to vector<16xf32>
        %parallel_loop3A_456 = vector.shape_cast %parallel_loop3A_451 : vector<16xf32> to vector<1x16xf32>
        tpu.vector_store %arg6[%parallel_loop3A_452, %parallel_loop3A_453], %parallel_loop3A_456 {add = true, strides = array<i32>} : memref<32x768xf32, #tpu.memory_space<vmem>>, vector<1x16xf32>,
        %parallel_loop3A_457 = arith.index_cast %parallel_loop3A_186 : i32 to index
        %parallel_loop3A_458 = arith.constant 480 : index
        %parallel_loop3A_459 = tpu.vector_load %arg9[%parallel_loop3A_457, %parallel_loop3A_458] {strides = array<i32>} : memref<32x768xf32, #tpu.memory_space<vmem>>, vector<1x16xf32>,
        %parallel_loop3A_460 = vector.shape_cast %parallel_loop3A_459 : vector<1x16xf32> to vector<16xf32>
        %parallel_loop3A_461 = arith.index_cast %parallel_loop3A_186 : i32 to index
        %parallel_loop3A_462 = arith.constant 480 : index
        %parallel_loop3A_463 = tpu.vector_load %arg6[%parallel_loop3A_461, %parallel_loop3A_462] {strides = array<i32>} : memref<32x768xf32, #tpu.memory_space<vmem>>, vector<1x16xf32>,
        %parallel_loop3A_464 = vector.shape_cast %parallel_loop3A_463 : vector<1x16xf32> to vector<16xf32>
        %parallel_loop3A_465 = vector.shape_cast %parallel_loop3A_460 : vector<16xf32> to vector<1x16xf32>
        tpu.vector_store %arg6[%parallel_loop3A_461, %parallel_loop3A_462], %parallel_loop3A_465 {add = true, strides = array<i32>} : memref<32x768xf32, #tpu.memory_space<vmem>>, vector<1x16xf32>,
        %parallel_loop3A_466 = arith.index_cast %parallel_loop3A_186 : i32 to index
        %parallel_loop3A_467 = arith.constant 496 : index
        %parallel_loop3A_468 = tpu.vector_load %arg9[%parallel_loop3A_466, %parallel_loop3A_467] {strides = array<i32>} : memref<32x768xf32, #tpu.memory_space<vmem>>, vector<1x16xf32>,
        %parallel_loop3A_469 = vector.shape_cast %parallel_loop3A_468 : vector<1x16xf32> to vector<16xf32>
        %parallel_loop3A_470 = arith.index_cast %parallel_loop3A_186 : i32 to index
        %parallel_loop3A_471 = arith.constant 496 : index
        %parallel_loop3A_472 = tpu.vector_load %arg6[%parallel_loop3A_470, %parallel_loop3A_471] {strides = array<i32>} : memref<32x768xf32, #tpu.memory_space<vmem>>, vector<1x16xf32>,
        %parallel_loop3A_473 = vector.shape_cast %parallel_loop3A_472 : vector<1x16xf32> to vector<16xf32>
        %parallel_loop3A_474 = vector.shape_cast %parallel_loop3A_469 : vector<16xf32> to vector<1x16xf32>
        tpu.vector_store %arg6[%parallel_loop3A_470, %parallel_loop3A_471], %parallel_loop3A_474 {add = true, strides = array<i32>} : memref<32x768xf32, #tpu.memory_space<vmem>>, vector<1x16xf32>,
        %parallel_loop3A_475 = arith.index_cast %parallel_loop3A_186 : i32 to index
        %parallel_loop3A_476 = arith.constant 512 : index
        %parallel_loop3A_477 = tpu.vector_load %arg9[%parallel_loop3A_475, %parallel_loop3A_476] {strides = array<i32>} : memref<32x768xf32, #tpu.memory_space<vmem>>, vector<1x16xf32>,
        %parallel_loop3A_478 = vector.shape_cast %parallel_loop3A_477 : vector<1x16xf32> to vector<16xf32>
        %parallel_loop3A_479 = arith.index_cast %parallel_loop3A_186 : i32 to index
        %parallel_loop3A_480 = arith.constant 512 : index
        %parallel_loop3A_481 = tpu.vector_load %arg6[%parallel_loop3A_479, %parallel_loop3A_480] {strides = array<i32>} : memref<32x768xf32, #tpu.memory_space<vmem>>, vector<1x16xf32>,
        %parallel_loop3A_482 = vector.shape_cast %parallel_loop3A_481 : vector<1x16xf32> to vector<16xf32>
        %parallel_loop3A_483 = vector.shape_cast %parallel_loop3A_478 : vector<16xf32> to vector<1x16xf32>
        tpu.vector_store %arg6[%parallel_loop3A_479, %parallel_loop3A_480], %parallel_loop3A_483 {add = true, strides = array<i32>} : memref<32x768xf32, #tpu.memory_space<vmem>>, vector<1x16xf32>,
        %parallel_loop3A_484 = arith.index_cast %parallel_loop3A_186 : i32 to index
        %parallel_loop3A_485 = arith.constant 528 : index
        %parallel_loop3A_486 = tpu.vector_load %arg9[%parallel_loop3A_484, %parallel_loop3A_485] {strides = array<i32>} : memref<32x768xf32, #tpu.memory_space<vmem>>, vector<1x16xf32>,
        %parallel_loop3A_487 = vector.shape_cast %parallel_loop3A_486 : vector<1x16xf32> to vector<16xf32>
        %parallel_loop3A_488 = arith.index_cast %parallel_loop3A_186 : i32 to index
        %parallel_loop3A_489 = arith.constant 528 : index
        %parallel_loop3A_490 = tpu.vector_load %arg6[%parallel_loop3A_488, %parallel_loop3A_489] {strides = array<i32>} : memref<32x768xf32, #tpu.memory_space<vmem>>, vector<1x16xf32>,
        %parallel_loop3A_491 = vector.shape_cast %parallel_loop3A_490 : vector<1x16xf32> to vector<16xf32>
        %parallel_loop3A_492 = vector.shape_cast %parallel_loop3A_487 : vector<16xf32> to vector<1x16xf32>
        tpu.vector_store %arg6[%parallel_loop3A_488, %parallel_loop3A_489], %parallel_loop3A_492 {add = true, strides = array<i32>} : memref<32x768xf32, #tpu.memory_space<vmem>>, vector<1x16xf32>,
        %parallel_loop3A_493 = arith.index_cast %parallel_loop3A_186 : i32 to index
        %parallel_loop3A_494 = arith.constant 544 : index
        %parallel_loop3A_495 = tpu.vector_load %arg9[%parallel_loop3A_493, %parallel_loop3A_494] {strides = array<i32>} : memref<32x768xf32, #tpu.memory_space<vmem>>, vector<1x16xf32>,
        %parallel_loop3A_496 = vector.shape_cast %parallel_loop3A_495 : vector<1x16xf32> to vector<16xf32>
        %parallel_loop3A_497 = arith.index_cast %parallel_loop3A_186 : i32 to index
        %parallel_loop3A_498 = arith.constant 544 : index
        %parallel_loop3A_499 = tpu.vector_load %arg6[%parallel_loop3A_497, %parallel_loop3A_498] {strides = array<i32>} : memref<32x768xf32, #tpu.memory_space<vmem>>, vector<1x16xf32>,
        %parallel_loop3A_500 = vector.shape_cast %parallel_loop3A_499 : vector<1x16xf32> to vector<16xf32>
        %parallel_loop3A_501 = vector.shape_cast %parallel_loop3A_496 : vector<16xf32> to vector<1x16xf32>
        tpu.vector_store %arg6[%parallel_loop3A_497, %parallel_loop3A_498], %parallel_loop3A_501 {add = true, strides = array<i32>} : memref<32x768xf32, #tpu.memory_space<vmem>>, vector<1x16xf32>,
        %parallel_loop3A_502 = arith.index_cast %parallel_loop3A_186 : i32 to index
        %parallel_loop3A_503 = arith.constant 560 : index
        %parallel_loop3A_504 = tpu.vector_load %arg9[%parallel_loop3A_502, %parallel_loop3A_503] {strides = array<i32>} : memref<32x768xf32, #tpu.memory_space<vmem>>, vector<1x16xf32>,
        %parallel_loop3A_505 = vector.shape_cast %parallel_loop3A_504 : vector<1x16xf32> to vector<16xf32>
        %parallel_loop3A_506 = arith.index_cast %parallel_loop3A_186 : i32 to index
        %parallel_loop3A_507 = arith.constant 560 : index
        %parallel_loop3A_508 = tpu.vector_load %arg6[%parallel_loop3A_506, %parallel_loop3A_507] {strides = array<i32>} : memref<32x768xf32, #tpu.memory_space<vmem>>, vector<1x16xf32>,
        %parallel_loop3A_509 = vector.shape_cast %parallel_loop3A_508 : vector<1x16xf32> to vector<16xf32>
        %parallel_loop3A_510 = vector.shape_cast %parallel_loop3A_505 : vector<16xf32> to vector<1x16xf32>
        tpu.vector_store %arg6[%parallel_loop3A_506, %parallel_loop3A_507], %parallel_loop3A_510 {add = true, strides = array<i32>} : memref<32x768xf32, #tpu.memory_space<vmem>>, vector<1x16xf32>,
        %parallel_loop3A_511 = arith.index_cast %parallel_loop3A_186 : i32 to index
        %parallel_loop3A_512 = arith.constant 576 : index
        %parallel_loop3A_513 = tpu.vector_load %arg9[%parallel_loop3A_511, %parallel_loop3A_512] {strides = array<i32>} : memref<32x768xf32, #tpu.memory_space<vmem>>, vector<1x16xf32>,
        %parallel_loop3A_514 = vector.shape_cast %parallel_loop3A_513 : vector<1x16xf32> to vector<16xf32>
        %parallel_loop3A_515 = arith.index_cast %parallel_loop3A_186 : i32 to index
        %parallel_loop3A_516 = arith.constant 576 : index
        %parallel_loop3A_517 = tpu.vector_load %arg6[%parallel_loop3A_515, %parallel_loop3A_516] {strides = array<i32>} : memref<32x768xf32, #tpu.memory_space<vmem>>, vector<1x16xf32>,
        %parallel_loop3A_518 = vector.shape_cast %parallel_loop3A_517 : vector<1x16xf32> to vector<16xf32>
        %parallel_loop3A_519 = vector.shape_cast %parallel_loop3A_514 : vector<16xf32> to vector<1x16xf32>
        tpu.vector_store %arg6[%parallel_loop3A_515, %parallel_loop3A_516], %parallel_loop3A_519 {add = true, strides = array<i32>} : memref<32x768xf32, #tpu.memory_space<vmem>>, vector<1x16xf32>,
        %parallel_loop3A_520 = arith.index_cast %parallel_loop3A_186 : i32 to index
        %parallel_loop3A_521 = arith.constant 592 : index
        %parallel_loop3A_522 = tpu.vector_load %arg9[%parallel_loop3A_520, %parallel_loop3A_521] {strides = array<i32>} : memref<32x768xf32, #tpu.memory_space<vmem>>, vector<1x16xf32>,
        %parallel_loop3A_523 = vector.shape_cast %parallel_loop3A_522 : vector<1x16xf32> to vector<16xf32>
        %parallel_loop3A_524 = arith.index_cast %parallel_loop3A_186 : i32 to index
        %parallel_loop3A_525 = arith.constant 592 : index
        %parallel_loop3A_526 = tpu.vector_load %arg6[%parallel_loop3A_524, %parallel_loop3A_525] {strides = array<i32>} : memref<32x768xf32, #tpu.memory_space<vmem>>, vector<1x16xf32>,
        %parallel_loop3A_527 = vector.shape_cast %parallel_loop3A_526 : vector<1x16xf32> to vector<16xf32>
        %parallel_loop3A_528 = vector.shape_cast %parallel_loop3A_523 : vector<16xf32> to vector<1x16xf32>
        tpu.vector_store %arg6[%parallel_loop3A_524, %parallel_loop3A_525], %parallel_loop3A_528 {add = true, strides = array<i32>} : memref<32x768xf32, #tpu.memory_space<vmem>>, vector<1x16xf32>,
        %parallel_loop3A_529 = arith.index_cast %parallel_loop3A_186 : i32 to index
        %parallel_loop3A_530 = arith.constant 608 : index
        %parallel_loop3A_531 = tpu.vector_load %arg9[%parallel_loop3A_529, %parallel_loop3A_530] {strides = array<i32>} : memref<32x768xf32, #tpu.memory_space<vmem>>, vector<1x16xf32>,
        %parallel_loop3A_532 = vector.shape_cast %parallel_loop3A_531 : vector<1x16xf32> to vector<16xf32>
        %parallel_loop3A_533 = arith.index_cast %parallel_loop3A_186 : i32 to index
        %parallel_loop3A_534 = arith.constant 608 : index
        %parallel_loop3A_535 = tpu.vector_load %arg6[%parallel_loop3A_533, %parallel_loop3A_534] {strides = array<i32>} : memref<32x768xf32, #tpu.memory_space<vmem>>, vector<1x16xf32>,
        %parallel_loop3A_536 = vector.shape_cast %parallel_loop3A_535 : vector<1x16xf32> to vector<16xf32>
        %parallel_loop3A_537 = vector.shape_cast %parallel_loop3A_532 : vector<16xf32> to vector<1x16xf32>
        tpu.vector_store %arg6[%parallel_loop3A_533, %parallel_loop3A_534], %parallel_loop3A_537 {add = true, strides = array<i32>} : memref<32x768xf32, #tpu.memory_space<vmem>>, vector<1x16xf32>,
        %parallel_loop3A_538 = arith.index_cast %parallel_loop3A_186 : i32 to index
        %parallel_loop3A_539 = arith.constant 624 : index
        %parallel_loop3A_540 = tpu.vector_load %arg9[%parallel_loop3A_538, %parallel_loop3A_539] {strides = array<i32>} : memref<32x768xf32, #tpu.memory_space<vmem>>, vector<1x16xf32>,
        %parallel_loop3A_541 = vector.shape_cast %parallel_loop3A_540 : vector<1x16xf32> to vector<16xf32>
        %parallel_loop3A_542 = arith.index_cast %parallel_loop3A_186 : i32 to index
        %parallel_loop3A_543 = arith.constant 624 : index
        %parallel_loop3A_544 = tpu.vector_load %arg6[%parallel_loop3A_542, %parallel_loop3A_543] {strides = array<i32>} : memref<32x768xf32, #tpu.memory_space<vmem>>, vector<1x16xf32>,
        %parallel_loop3A_545 = vector.shape_cast %parallel_loop3A_544 : vector<1x16xf32> to vector<16xf32>
        %parallel_loop3A_546 = vector.shape_cast %parallel_loop3A_541 : vector<16xf32> to vector<1x16xf32>
        tpu.vector_store %arg6[%parallel_loop3A_542, %parallel_loop3A_543], %parallel_loop3A_546 {add = true, strides = array<i32>} : memref<32x768xf32, #tpu.memory_space<vmem>>, vector<1x16xf32>,
        %parallel_loop3A_547 = arith.index_cast %parallel_loop3A_186 : i32 to index
        %parallel_loop3A_548 = arith.constant 640 : index
        %parallel_loop3A_549 = tpu.vector_load %arg9[%parallel_loop3A_547, %parallel_loop3A_548] {strides = array<i32>} : memref<32x768xf32, #tpu.memory_space<vmem>>, vector<1x16xf32>,
        %parallel_loop3A_550 = vector.shape_cast %parallel_loop3A_549 : vector<1x16xf32> to vector<16xf32>
        %parallel_loop3A_551 = arith.index_cast %parallel_loop3A_186 : i32 to index
        %parallel_loop3A_552 = arith.constant 640 : index
        %parallel_loop3A_553 = tpu.vector_load %arg6[%parallel_loop3A_551, %parallel_loop3A_552] {strides = array<i32>} : memref<32x768xf32, #tpu.memory_space<vmem>>, vector<1x16xf32>,
        %parallel_loop3A_554 = vector.shape_cast %parallel_loop3A_553 : vector<1x16xf32> to vector<16xf32>
        %parallel_loop3A_555 = vector.shape_cast %parallel_loop3A_550 : vector<16xf32> to vector<1x16xf32>
        tpu.vector_store %arg6[%parallel_loop3A_551, %parallel_loop3A_552], %parallel_loop3A_555 {add = true, strides = array<i32>} : memref<32x768xf32, #tpu.memory_space<vmem>>, vector<1x16xf32>,
        %parallel_loop3A_556 = arith.index_cast %parallel_loop3A_186 : i32 to index
        %parallel_loop3A_557 = arith.constant 656 : index
        %parallel_loop3A_558 = tpu.vector_load %arg9[%parallel_loop3A_556, %parallel_loop3A_557] {strides = array<i32>} : memref<32x768xf32, #tpu.memory_space<vmem>>, vector<1x16xf32>,
        %parallel_loop3A_559 = vector.shape_cast %parallel_loop3A_558 : vector<1x16xf32> to vector<16xf32>
        %parallel_loop3A_560 = arith.index_cast %parallel_loop3A_186 : i32 to index
        %parallel_loop3A_561 = arith.constant 656 : index
        %parallel_loop3A_562 = tpu.vector_load %arg6[%parallel_loop3A_560, %parallel_loop3A_561] {strides = array<i32>} : memref<32x768xf32, #tpu.memory_space<vmem>>, vector<1x16xf32>,
        %parallel_loop3A_563 = vector.shape_cast %parallel_loop3A_562 : vector<1x16xf32> to vector<16xf32>
        %parallel_loop3A_564 = vector.shape_cast %parallel_loop3A_559 : vector<16xf32> to vector<1x16xf32>
        tpu.vector_store %arg6[%parallel_loop3A_560, %parallel_loop3A_561], %parallel_loop3A_564 {add = true, strides = array<i32>} : memref<32x768xf32, #tpu.memory_space<vmem>>, vector<1x16xf32>,
        %parallel_loop3A_565 = arith.index_cast %parallel_loop3A_186 : i32 to index
        %parallel_loop3A_566 = arith.constant 672 : index
        %parallel_loop3A_567 = tpu.vector_load %arg9[%parallel_loop3A_565, %parallel_loop3A_566] {strides = array<i32>} : memref<32x768xf32, #tpu.memory_space<vmem>>, vector<1x16xf32>,
        %parallel_loop3A_568 = vector.shape_cast %parallel_loop3A_567 : vector<1x16xf32> to vector<16xf32>
        %parallel_loop3A_569 = arith.index_cast %parallel_loop3A_186 : i32 to index
        %parallel_loop3A_570 = arith.constant 672 : index
        %parallel_loop3A_571 = tpu.vector_load %arg6[%parallel_loop3A_569, %parallel_loop3A_570] {strides = array<i32>} : memref<32x768xf32, #tpu.memory_space<vmem>>, vector<1x16xf32>,
        %parallel_loop3A_572 = vector.shape_cast %parallel_loop3A_571 : vector<1x16xf32> to vector<16xf32>
        %parallel_loop3A_573 = vector.shape_cast %parallel_loop3A_568 : vector<16xf32> to vector<1x16xf32>
        tpu.vector_store %arg6[%parallel_loop3A_569, %parallel_loop3A_570], %parallel_loop3A_573 {add = true, strides = array<i32>} : memref<32x768xf32, #tpu.memory_space<vmem>>, vector<1x16xf32>,
        %parallel_loop3A_574 = arith.index_cast %parallel_loop3A_186 : i32 to index
        %parallel_loop3A_575 = arith.constant 688 : index
        %parallel_loop3A_576 = tpu.vector_load %arg9[%parallel_loop3A_574, %parallel_loop3A_575] {strides = array<i32>} : memref<32x768xf32, #tpu.memory_space<vmem>>, vector<1x16xf32>,
        %parallel_loop3A_577 = vector.shape_cast %parallel_loop3A_576 : vector<1x16xf32> to vector<16xf32>
        %parallel_loop3A_578 = arith.index_cast %parallel_loop3A_186 : i32 to index
        %parallel_loop3A_579 = arith.constant 688 : index
        %parallel_loop3A_580 = tpu.vector_load %arg6[%parallel_loop3A_578, %parallel_loop3A_579] {strides = array<i32>} : memref<32x768xf32, #tpu.memory_space<vmem>>, vector<1x16xf32>,
        %parallel_loop3A_581 = vector.shape_cast %parallel_loop3A_580 : vector<1x16xf32> to vector<16xf32>
        %parallel_loop3A_582 = vector.shape_cast %parallel_loop3A_577 : vector<16xf32> to vector<1x16xf32>
        tpu.vector_store %arg6[%parallel_loop3A_578, %parallel_loop3A_579], %parallel_loop3A_582 {add = true, strides = array<i32>} : memref<32x768xf32, #tpu.memory_space<vmem>>, vector<1x16xf32>,
        %parallel_loop3A_583 = arith.index_cast %parallel_loop3A_186 : i32 to index
        %parallel_loop3A_584 = arith.constant 704 : index
        %parallel_loop3A_585 = tpu.vector_load %arg9[%parallel_loop3A_583, %parallel_loop3A_584] {strides = array<i32>} : memref<32x768xf32, #tpu.memory_space<vmem>>, vector<1x16xf32>,
        %parallel_loop3A_586 = vector.shape_cast %parallel_loop3A_585 : vector<1x16xf32> to vector<16xf32>
        %parallel_loop3A_587 = arith.index_cast %parallel_loop3A_186 : i32 to index
        %parallel_loop3A_588 = arith.constant 704 : index
        %parallel_loop3A_589 = tpu.vector_load %arg6[%parallel_loop3A_587, %parallel_loop3A_588] {strides = array<i32>} : memref<32x768xf32, #tpu.memory_space<vmem>>, vector<1x16xf32>,
        %parallel_loop3A_590 = vector.shape_cast %parallel_loop3A_589 : vector<1x16xf32> to vector<16xf32>
        %parallel_loop3A_591 = vector.shape_cast %parallel_loop3A_586 : vector<16xf32> to vector<1x16xf32>
        tpu.vector_store %arg6[%parallel_loop3A_587, %parallel_loop3A_588], %parallel_loop3A_591 {add = true, strides = array<i32>} : memref<32x768xf32, #tpu.memory_space<vmem>>, vector<1x16xf32>,
        %parallel_loop3A_592 = arith.index_cast %parallel_loop3A_186 : i32 to index
        %parallel_loop3A_593 = arith.constant 720 : index
        %parallel_loop3A_594 = tpu.vector_load %arg9[%parallel_loop3A_592, %parallel_loop3A_593] {strides = array<i32>} : memref<32x768xf32, #tpu.memory_space<vmem>>, vector<1x16xf32>,
        %parallel_loop3A_595 = vector.shape_cast %parallel_loop3A_594 : vector<1x16xf32> to vector<16xf32>
        %parallel_loop3A_596 = arith.index_cast %parallel_loop3A_186 : i32 to index
        %parallel_loop3A_597 = arith.constant 720 : index
        %parallel_loop3A_598 = tpu.vector_load %arg6[%parallel_loop3A_596, %parallel_loop3A_597] {strides = array<i32>} : memref<32x768xf32, #tpu.memory_space<vmem>>, vector<1x16xf32>,
        %parallel_loop3A_599 = vector.shape_cast %parallel_loop3A_598 : vector<1x16xf32> to vector<16xf32>
        %parallel_loop3A_600 = vector.shape_cast %parallel_loop3A_595 : vector<16xf32> to vector<1x16xf32>
        tpu.vector_store %arg6[%parallel_loop3A_596, %parallel_loop3A_597], %parallel_loop3A_600 {add = true, strides = array<i32>} : memref<32x768xf32, #tpu.memory_space<vmem>>, vector<1x16xf32>,
        %parallel_loop3A_601 = arith.index_cast %parallel_loop3A_186 : i32 to index
        %parallel_loop3A_602 = arith.constant 736 : index
        %parallel_loop3A_603 = tpu.vector_load %arg9[%parallel_loop3A_601, %parallel_loop3A_602] {strides = array<i32>} : memref<32x768xf32, #tpu.memory_space<vmem>>, vector<1x16xf32>,
        %parallel_loop3A_604 = vector.shape_cast %parallel_loop3A_603 : vector<1x16xf32> to vector<16xf32>
        %parallel_loop3A_605 = arith.index_cast %parallel_loop3A_186 : i32 to index
        %parallel_loop3A_606 = arith.constant 736 : index
        %parallel_loop3A_607 = tpu.vector_load %arg6[%parallel_loop3A_605, %parallel_loop3A_606] {strides = array<i32>} : memref<32x768xf32, #tpu.memory_space<vmem>>, vector<1x16xf32>,
        %parallel_loop3A_608 = vector.shape_cast %parallel_loop3A_607 : vector<1x16xf32> to vector<16xf32>
        %parallel_loop3A_609 = vector.shape_cast %parallel_loop3A_604 : vector<16xf32> to vector<1x16xf32>
        tpu.vector_store %arg6[%parallel_loop3A_605, %parallel_loop3A_606], %parallel_loop3A_609 {add = true, strides = array<i32>} : memref<32x768xf32, #tpu.memory_space<vmem>>, vector<1x16xf32>,
        %parallel_loop3A_610 = arith.index_cast %parallel_loop3A_186 : i32 to index
        %parallel_loop3A_611 = arith.constant 752 : index
        %parallel_loop3A_612 = tpu.vector_load %arg9[%parallel_loop3A_610, %parallel_loop3A_611] {strides = array<i32>} : memref<32x768xf32, #tpu.memory_space<vmem>>, vector<1x16xf32>,
        %parallel_loop3A_613 = vector.shape_cast %parallel_loop3A_612 : vector<1x16xf32> to vector<16xf32>
        %parallel_loop3A_614 = arith.index_cast %parallel_loop3A_186 : i32 to index
        %parallel_loop3A_615 = arith.constant 752 : index
        %parallel_loop3A_616 = tpu.vector_load %arg6[%parallel_loop3A_614, %parallel_loop3A_615] {strides = array<i32>} : memref<32x768xf32, #tpu.memory_space<vmem>>, vector<1x16xf32>,
        %parallel_loop3A_617 = vector.shape_cast %parallel_loop3A_616 : vector<1x16xf32> to vector<16xf32>
        %parallel_loop3A_618 = vector.shape_cast %parallel_loop3A_613 : vector<16xf32> to vector<1x16xf32>
        tpu.vector_store %arg6[%parallel_loop3A_614, %parallel_loop3A_615], %parallel_loop3A_618 {add = true, strides = array<i32>} : memref<32x768xf32, #tpu.memory_space<vmem>>, vector<1x16xf32>,
      } {sc.loop_unroll_factor = 1 : i64, sc.parallel_access}
      %dma_start3A_121 = arith.constant 1 : i32
      %dma_start3A_122 = arith.constant 0 : i32
      %dma_start3A_123 = tpu.memref_slice %arg4[%dma_start3A_121, %add3A_63, %dma_start3A_122] : memref<4x8192x768xf32, #tpu.memory_space<hbm>> -> memref<1x32x768xf32, #tpu.memory_space<hbm>>
      %dma_start3A_124 = tpu.memref_squeeze %dma_start3A_123 : memref<1x32x768xf32, #tpu.memory_space<hbm>> -> memref<32x768xf32, #tpu.memory_space<hbm>>
      %dma_start3A_125 = arith.constant 0 : i32
      %dma_start3A_126 = tpu.memref_slice %arg4[%dma_start3A_121, %add3A_63, %dma_start3A_125] : memref<4x8192x768xf32, #tpu.memory_space<hbm>> -> memref<1x32x768xf32, #tpu.memory_space<hbm>>
      %dma_start3A_127 = tpu.memref_squeeze %dma_start3A_126 : memref<1x32x768xf32, #tpu.memory_space<hbm>> -> memref<32x768xf32, #tpu.memory_space<hbm>>
      tpu.enqueue_dma source(%arg6 : memref<32x768xf32, #tpu.memory_space<vmem>>) target(%dma_start3A_127 : memref<32x768xf32, #tpu.memory_space<hbm>>) target_semaphore(%arg15 : memref<!tpu.dma_semaphore, #tpu.memory_space<semaphore_mem>>)
      %dma_wait3A_128 = arith.constant 0 : i32
      %dma_wait3A_129 = arith.constant 0 : i32
      %dma_wait3A_130 = arith.constant 0 : i32
      %dma_wait3A_131 = tpu.memref_slice %arg2[%dma_wait3A_128, %dma_wait3A_129, %dma_wait3A_130] : memref<4x8192x768xf32, #tpu.memory_space<hbm>> -> memref<1x32x768xf32, #tpu.memory_space<hbm>>
      %dma_wait3A_132 = tpu.memref_squeeze %dma_wait3A_131 : memref<1x32x768xf32, #tpu.memory_space<hbm>> -> memref<32x768xf32, #tpu.memory_space<hbm>>
      %dma_wait3A_133 = arith.constant 0 : i32
      %dma_wait3A_134 = arith.constant 0 : i32
      %dma_wait3A_135 = tpu.memref_slice %arg2[%dma_wait3A_128, %dma_wait3A_133, %dma_wait3A_134] : memref<4x8192x768xf32, #tpu.memory_space<hbm>> -> memref<1x32x768xf32, #tpu.memory_space<hbm>>
      %dma_wait3A_136 = tpu.memref_squeeze %dma_wait3A_135 : memref<1x32x768xf32, #tpu.memory_space<hbm>> -> memref<32x768xf32, #tpu.memory_space<hbm>>
      tpu.wait_dma2 semaphore(%arg12 : memref<!tpu.dma_semaphore, #tpu.memory_space<semaphore_mem>>) src(%dma_wait3A_136 : memref<32x768xf32, #tpu.memory_space<hbm>>) dst(%arg7 : memref<32x768xf32, #tpu.memory_space<vmem>>)
      %add3A_137 = arith.constant 1 : i32
      %add3A_138 = arith.addi %scan3A_60, %add3A_137 : i32
      %lt3A = arith.constant 8 : i32
      %lt3A_139 = arith.cmpi slt, %add3A_138, %lt3A : i32
      %convert_element_type3A_140 = arith.extui %lt3A_139 : i1 to i32
      %cond3A_141 = arith.constant 0 : i32
      %cond3A_142 = arith.cmpi ne, %convert_element_type3A_140, %cond3A_141 : i32
      scf.if %cond3A_142 {
        %dma_wait3A_186 = arith.constant 0 : i32
        %dma_wait3A_187 = arith.constant 0 : i32
        %dma_wait3A_188 = arith.constant 0 : i32
        %dma_wait3A_189 = tpu.memref_slice %arg4[%dma_wait3A_186, %dma_wait3A_187, %dma_wait3A_188] : memref<4x8192x768xf32, #tpu.memory_space<hbm>> -> memref<1x32x768xf32, #tpu.memory_space<hbm>>
        %dma_wait3A_190 = tpu.memref_squeeze %dma_wait3A_189 : memref<1x32x768xf32, #tpu.memory_space<hbm>> -> memref<32x768xf32, #tpu.memory_space<hbm>>
        %dma_wait3A_191 = arith.constant 0 : i32
        %dma_wait3A_192 = arith.constant 0 : i32
        %dma_wait3A_193 = tpu.memref_slice %arg4[%dma_wait3A_186, %dma_wait3A_191, %dma_wait3A_192] : memref<4x8192x768xf32, #tpu.memory_space<hbm>> -> memref<1x32x768xf32, #tpu.memory_space<hbm>>
        %dma_wait3A_194 = tpu.memref_squeeze %dma_wait3A_193 : memref<1x32x768xf32, #tpu.memory_space<hbm>> -> memref<32x768xf32, #tpu.memory_space<hbm>>
        tpu.wait_dma2 semaphore(%arg14 : memref<!tpu.dma_semaphore, #tpu.memory_space<semaphore_mem>>) src(%arg5 : memref<32x768xf32, #tpu.memory_space<vmem>>) dst(%dma_wait3A_194 : memref<32x768xf32, #tpu.memory_space<hbm>>)
        %add3A_195 = arith.constant 32 : i32
        %add3A_196 = arith.addi %add3A_63, %add3A_195 : i32
        %dma_start3A_197 = arith.constant 0 : i32
        %dma_start3A_198 = arith.constant 0 : i32
        %dma_start3A_199 = tpu.memref_slice %arg2[%dma_start3A_197, %add3A_196, %dma_start3A_198] : memref<4x8192x768xf32, #tpu.memory_space<hbm>> -> memref<1x32x768xf32, #tpu.memory_space<hbm>>
        %dma_start3A_200 = tpu.memref_squeeze %dma_start3A_199 : memref<1x32x768xf32, #tpu.memory_space<hbm>> -> memref<32x768xf32, #tpu.memory_space<hbm>>
        %dma_start3A_201 = arith.constant 0 : i32
        %dma_start3A_202 = tpu.memref_slice %arg2[%dma_start3A_197, %add3A_196, %dma_start3A_201] : memref<4x8192x768xf32, #tpu.memory_space<hbm>> -> memref<1x32x768xf32, #tpu.memory_space<hbm>>
        %dma_start3A_203 = tpu.memref_squeeze %dma_start3A_202 : memref<1x32x768xf32, #tpu.memory_space<hbm>> -> memref<32x768xf32, #tpu.memory_space<hbm>>
        tpu.enqueue_dma source(%dma_start3A_203 : memref<32x768xf32, #tpu.memory_space<hbm>>) target(%arg5 : memref<32x768xf32, #tpu.memory_space<vmem>>) target_semaphore(%arg10 : memref<!tpu.dma_semaphore, #tpu.memory_space<semaphore_mem>>)
      } else {
      }
      %parallel_loop3A_143 = arith.constant 0 : i32
      %parallel_loop3A_144 = arith.constant 32 : i32
      %parallel_loop3A_145 = arith.constant 1 : i32
      scf.for %parallel_loop3A_186 = %parallel_loop3A_143 to %parallel_loop3A_144 step %parallel_loop3A_145  : i32 {
        %parallel_loop3A_187 = arith.index_cast %parallel_loop3A_186 : i32 to index
        %parallel_loop3A_188 = arith.constant 0 : index
        %parallel_loop3A_189 = tpu.vector_load %arg9[%parallel_loop3A_187, %parallel_loop3A_188] {strides = array<i32>} : memref<32x768xf32, #tpu.memory_space<vmem>>, vector<1x16xf32>,
        %parallel_loop3A_190 = vector.shape_cast %parallel_loop3A_189 : vector<1x16xf32> to vector<16xf32>
        %parallel_loop3A_191 = arith.index_cast %parallel_loop3A_186 : i32 to index
        %parallel_loop3A_192 = arith.constant 0 : index
        %parallel_loop3A_193 = tpu.vector_load %arg7[%parallel_loop3A_191, %parallel_loop3A_192] {strides = array<i32>} : memref<32x768xf32, #tpu.memory_space<vmem>>, vector<1x16xf32>,
        %parallel_loop3A_194 = vector.shape_cast %parallel_loop3A_193 : vector<1x16xf32> to vector<16xf32>
        %parallel_loop3A_195 = vector.shape_cast %parallel_loop3A_190 : vector<16xf32> to vector<1x16xf32>
        tpu.vector_store %arg7[%parallel_loop3A_191, %parallel_loop3A_192], %parallel_loop3A_195 {add = true, strides = array<i32>} : memref<32x768xf32, #tpu.memory_space<vmem>>, vector<1x16xf32>,
        %parallel_loop3A_196 = arith.index_cast %parallel_loop3A_186 : i32 to index
        %parallel_loop3A_197 = arith.constant 16 : index
        %parallel_loop3A_198 = tpu.vector_load %arg9[%parallel_loop3A_196, %parallel_loop3A_197] {strides = array<i32>} : memref<32x768xf32, #tpu.memory_space<vmem>>, vector<1x16xf32>,
        %parallel_loop3A_199 = vector.shape_cast %parallel_loop3A_198 : vector<1x16xf32> to vector<16xf32>
        %parallel_loop3A_200 = arith.index_cast %parallel_loop3A_186 : i32 to index
        %parallel_loop3A_201 = arith.constant 16 : index
        %parallel_loop3A_202 = tpu.vector_load %arg7[%parallel_loop3A_200, %parallel_loop3A_201] {strides = array<i32>} : memref<32x768xf32, #tpu.memory_space<vmem>>, vector<1x16xf32>,
        %parallel_loop3A_203 = vector.shape_cast %parallel_loop3A_202 : vector<1x16xf32> to vector<16xf32>
        %parallel_loop3A_204 = vector.shape_cast %parallel_loop3A_199 : vector<16xf32> to vector<1x16xf32>
        tpu.vector_store %arg7[%parallel_loop3A_200, %parallel_loop3A_201], %parallel_loop3A_204 {add = true, strides = array<i32>} : memref<32x768xf32, #tpu.memory_space<vmem>>, vector<1x16xf32>,
        %parallel_loop3A_205 = arith.index_cast %parallel_loop3A_186 : i32 to index
        %parallel_loop3A_206 = arith.constant 32 : index
        %parallel_loop3A_207 = tpu.vector_load %arg9[%parallel_loop3A_205, %parallel_loop3A_206] {strides = array<i32>} : memref<32x768xf32, #tpu.memory_space<vmem>>, vector<1x16xf32>,
        %parallel_loop3A_208 = vector.shape_cast %parallel_loop3A_207 : vector<1x16xf32> to vector<16xf32>
        %parallel_loop3A_209 = arith.index_cast %parallel_loop3A_186 : i32 to index
        %parallel_loop3A_210 = arith.constant 32 : index
        %parallel_loop3A_211 = tpu.vector_load %arg7[%parallel_loop3A_209, %parallel_loop3A_210] {strides = array<i32>} : memref<32x768xf32, #tpu.memory_space<vmem>>, vector<1x16xf32>,
        %parallel_loop3A_212 = vector.shape_cast %parallel_loop3A_211 : vector<1x16xf32> to vector<16xf32>
        %parallel_loop3A_213 = vector.shape_cast %parallel_loop3A_208 : vector<16xf32> to vector<1x16xf32>
        tpu.vector_store %arg7[%parallel_loop3A_209, %parallel_loop3A_210], %parallel_loop3A_213 {add = true, strides = array<i32>} : memref<32x768xf32, #tpu.memory_space<vmem>>, vector<1x16xf32>,
        %parallel_loop3A_214 = arith.index_cast %parallel_loop3A_186 : i32 to index
        %parallel_loop3A_215 = arith.constant 48 : index
        %parallel_loop3A_216 = tpu.vector_load %arg9[%parallel_loop3A_214, %parallel_loop3A_215] {strides = array<i32>} : memref<32x768xf32, #tpu.memory_space<vmem>>, vector<1x16xf32>,
        %parallel_loop3A_217 = vector.shape_cast %parallel_loop3A_216 : vector<1x16xf32> to vector<16xf32>
        %parallel_loop3A_218 = arith.index_cast %parallel_loop3A_186 : i32 to index
        %parallel_loop3A_219 = arith.constant 48 : index
        %parallel_loop3A_220 = tpu.vector_load %arg7[%parallel_loop3A_218, %parallel_loop3A_219] {strides = array<i32>} : memref<32x768xf32, #tpu.memory_space<vmem>>, vector<1x16xf32>,
        %parallel_loop3A_221 = vector.shape_cast %parallel_loop3A_220 : vector<1x16xf32> to vector<16xf32>
        %parallel_loop3A_222 = vector.shape_cast %parallel_loop3A_217 : vector<16xf32> to vector<1x16xf32>
        tpu.vector_store %arg7[%parallel_loop3A_218, %parallel_loop3A_219], %parallel_loop3A_222 {add = true, strides = array<i32>} : memref<32x768xf32, #tpu.memory_space<vmem>>, vector<1x16xf32>,
        %parallel_loop3A_223 = arith.index_cast %parallel_loop3A_186 : i32 to index
        %parallel_loop3A_224 = arith.constant 64 : index
        %parallel_loop3A_225 = tpu.vector_load %arg9[%parallel_loop3A_223, %parallel_loop3A_224] {strides = array<i32>} : memref<32x768xf32, #tpu.memory_space<vmem>>, vector<1x16xf32>,
        %parallel_loop3A_226 = vector.shape_cast %parallel_loop3A_225 : vector<1x16xf32> to vector<16xf32>
        %parallel_loop3A_227 = arith.index_cast %parallel_loop3A_186 : i32 to index
        %parallel_loop3A_228 = arith.constant 64 : index
        %parallel_loop3A_229 = tpu.vector_load %arg7[%parallel_loop3A_227, %parallel_loop3A_228] {strides = array<i32>} : memref<32x768xf32, #tpu.memory_space<vmem>>, vector<1x16xf32>,
        %parallel_loop3A_230 = vector.shape_cast %parallel_loop3A_229 : vector<1x16xf32> to vector<16xf32>
        %parallel_loop3A_231 = vector.shape_cast %parallel_loop3A_226 : vector<16xf32> to vector<1x16xf32>
        tpu.vector_store %arg7[%parallel_loop3A_227, %parallel_loop3A_228], %parallel_loop3A_231 {add = true, strides = array<i32>} : memref<32x768xf32, #tpu.memory_space<vmem>>, vector<1x16xf32>,
        %parallel_loop3A_232 = arith.index_cast %parallel_loop3A_186 : i32 to index
        %parallel_loop3A_233 = arith.constant 80 : index
        %parallel_loop3A_234 = tpu.vector_load %arg9[%parallel_loop3A_232, %parallel_loop3A_233] {strides = array<i32>} : memref<32x768xf32, #tpu.memory_space<vmem>>, vector<1x16xf32>,
        %parallel_loop3A_235 = vector.shape_cast %parallel_loop3A_234 : vector<1x16xf32> to vector<16xf32>
        %parallel_loop3A_236 = arith.index_cast %parallel_loop3A_186 : i32 to index
        %parallel_loop3A_237 = arith.constant 80 : index
        %parallel_loop3A_238 = tpu.vector_load %arg7[%parallel_loop3A_236, %parallel_loop3A_237] {strides = array<i32>} : memref<32x768xf32, #tpu.memory_space<vmem>>, vector<1x16xf32>,
        %parallel_loop3A_239 = vector.shape_cast %parallel_loop3A_238 : vector<1x16xf32> to vector<16xf32>
        %parallel_loop3A_240 = vector.shape_cast %parallel_loop3A_235 : vector<16xf32> to vector<1x16xf32>
        tpu.vector_store %arg7[%parallel_loop3A_236, %parallel_loop3A_237], %parallel_loop3A_240 {add = true, strides = array<i32>} : memref<32x768xf32, #tpu.memory_space<vmem>>, vector<1x16xf32>,
        %parallel_loop3A_241 = arith.index_cast %parallel_loop3A_186 : i32 to index
        %parallel_loop3A_242 = arith.constant 96 : index
        %parallel_loop3A_243 = tpu.vector_load %arg9[%parallel_loop3A_241, %parallel_loop3A_242] {strides = array<i32>} : memref<32x768xf32, #tpu.memory_space<vmem>>, vector<1x16xf32>,
        %parallel_loop3A_244 = vector.shape_cast %parallel_loop3A_243 : vector<1x16xf32> to vector<16xf32>
        %parallel_loop3A_245 = arith.index_cast %parallel_loop3A_186 : i32 to index
        %parallel_loop3A_246 = arith.constant 96 : index
        %parallel_loop3A_247 = tpu.vector_load %arg7[%parallel_loop3A_245, %parallel_loop3A_246] {strides = array<i32>} : memref<32x768xf32, #tpu.memory_space<vmem>>, vector<1x16xf32>,
        %parallel_loop3A_248 = vector.shape_cast %parallel_loop3A_247 : vector<1x16xf32> to vector<16xf32>
        %parallel_loop3A_249 = vector.shape_cast %parallel_loop3A_244 : vector<16xf32> to vector<1x16xf32>
        tpu.vector_store %arg7[%parallel_loop3A_245, %parallel_loop3A_246], %parallel_loop3A_249 {add = true, strides = array<i32>} : memref<32x768xf32, #tpu.memory_space<vmem>>, vector<1x16xf32>,
        %parallel_loop3A_250 = arith.index_cast %parallel_loop3A_186 : i32 to index
        %parallel_loop3A_251 = arith.constant 112 : index
        %parallel_loop3A_252 = tpu.vector_load %arg9[%parallel_loop3A_250, %parallel_loop3A_251] {strides = array<i32>} : memref<32x768xf32, #tpu.memory_space<vmem>>, vector<1x16xf32>,
        %parallel_loop3A_253 = vector.shape_cast %parallel_loop3A_252 : vector<1x16xf32> to vector<16xf32>
        %parallel_loop3A_254 = arith.index_cast %parallel_loop3A_186 : i32 to index
        %parallel_loop3A_255 = arith.constant 112 : index
        %parallel_loop3A_256 = tpu.vector_load %arg7[%parallel_loop3A_254, %parallel_loop3A_255] {strides = array<i32>} : memref<32x768xf32, #tpu.memory_space<vmem>>, vector<1x16xf32>,
        %parallel_loop3A_257 = vector.shape_cast %parallel_loop3A_256 : vector<1x16xf32> to vector<16xf32>
        %parallel_loop3A_258 = vector.shape_cast %parallel_loop3A_253 : vector<16xf32> to vector<1x16xf32>
        tpu.vector_store %arg7[%parallel_loop3A_254, %parallel_loop3A_255], %parallel_loop3A_258 {add = true, strides = array<i32>} : memref<32x768xf32, #tpu.memory_space<vmem>>, vector<1x16xf32>,
        %parallel_loop3A_259 = arith.index_cast %parallel_loop3A_186 : i32 to index
        %parallel_loop3A_260 = arith.constant 128 : index
        %parallel_loop3A_261 = tpu.vector_load %arg9[%parallel_loop3A_259, %parallel_loop3A_260] {strides = array<i32>} : memref<32x768xf32, #tpu.memory_space<vmem>>, vector<1x16xf32>,
        %parallel_loop3A_262 = vector.shape_cast %parallel_loop3A_261 : vector<1x16xf32> to vector<16xf32>
        %parallel_loop3A_263 = arith.index_cast %parallel_loop3A_186 : i32 to index
        %parallel_loop3A_264 = arith.constant 128 : index
        %parallel_loop3A_265 = tpu.vector_load %arg7[%parallel_loop3A_263, %parallel_loop3A_264] {strides = array<i32>} : memref<32x768xf32, #tpu.memory_space<vmem>>, vector<1x16xf32>,
        %parallel_loop3A_266 = vector.shape_cast %parallel_loop3A_265 : vector<1x16xf32> to vector<16xf32>
        %parallel_loop3A_267 = vector.shape_cast %parallel_loop3A_262 : vector<16xf32> to vector<1x16xf32>
        tpu.vector_store %arg7[%parallel_loop3A_263, %parallel_loop3A_264], %parallel_loop3A_267 {add = true, strides = array<i32>} : memref<32x768xf32, #tpu.memory_space<vmem>>, vector<1x16xf32>,
        %parallel_loop3A_268 = arith.index_cast %parallel_loop3A_186 : i32 to index
        %parallel_loop3A_269 = arith.constant 144 : index
        %parallel_loop3A_270 = tpu.vector_load %arg9[%parallel_loop3A_268, %parallel_loop3A_269] {strides = array<i32>} : memref<32x768xf32, #tpu.memory_space<vmem>>, vector<1x16xf32>,
        %parallel_loop3A_271 = vector.shape_cast %parallel_loop3A_270 : vector<1x16xf32> to vector<16xf32>
        %parallel_loop3A_272 = arith.index_cast %parallel_loop3A_186 : i32 to index
        %parallel_loop3A_273 = arith.constant 144 : index
        %parallel_loop3A_274 = tpu.vector_load %arg7[%parallel_loop3A_272, %parallel_loop3A_273] {strides = array<i32>} : memref<32x768xf32, #tpu.memory_space<vmem>>, vector<1x16xf32>,
        %parallel_loop3A_275 = vector.shape_cast %parallel_loop3A_274 : vector<1x16xf32> to vector<16xf32>
        %parallel_loop3A_276 = vector.shape_cast %parallel_loop3A_271 : vector<16xf32> to vector<1x16xf32>
        tpu.vector_store %arg7[%parallel_loop3A_272, %parallel_loop3A_273], %parallel_loop3A_276 {add = true, strides = array<i32>} : memref<32x768xf32, #tpu.memory_space<vmem>>, vector<1x16xf32>,
        %parallel_loop3A_277 = arith.index_cast %parallel_loop3A_186 : i32 to index
        %parallel_loop3A_278 = arith.constant 160 : index
        %parallel_loop3A_279 = tpu.vector_load %arg9[%parallel_loop3A_277, %parallel_loop3A_278] {strides = array<i32>} : memref<32x768xf32, #tpu.memory_space<vmem>>, vector<1x16xf32>,
        %parallel_loop3A_280 = vector.shape_cast %parallel_loop3A_279 : vector<1x16xf32> to vector<16xf32>
        %parallel_loop3A_281 = arith.index_cast %parallel_loop3A_186 : i32 to index
        %parallel_loop3A_282 = arith.constant 160 : index
        %parallel_loop3A_283 = tpu.vector_load %arg7[%parallel_loop3A_281, %parallel_loop3A_282] {strides = array<i32>} : memref<32x768xf32, #tpu.memory_space<vmem>>, vector<1x16xf32>,
        %parallel_loop3A_284 = vector.shape_cast %parallel_loop3A_283 : vector<1x16xf32> to vector<16xf32>
        %parallel_loop3A_285 = vector.shape_cast %parallel_loop3A_280 : vector<16xf32> to vector<1x16xf32>
        tpu.vector_store %arg7[%parallel_loop3A_281, %parallel_loop3A_282], %parallel_loop3A_285 {add = true, strides = array<i32>} : memref<32x768xf32, #tpu.memory_space<vmem>>, vector<1x16xf32>,
        %parallel_loop3A_286 = arith.index_cast %parallel_loop3A_186 : i32 to index
        %parallel_loop3A_287 = arith.constant 176 : index
        %parallel_loop3A_288 = tpu.vector_load %arg9[%parallel_loop3A_286, %parallel_loop3A_287] {strides = array<i32>} : memref<32x768xf32, #tpu.memory_space<vmem>>, vector<1x16xf32>,
        %parallel_loop3A_289 = vector.shape_cast %parallel_loop3A_288 : vector<1x16xf32> to vector<16xf32>
        %parallel_loop3A_290 = arith.index_cast %parallel_loop3A_186 : i32 to index
        %parallel_loop3A_291 = arith.constant 176 : index
        %parallel_loop3A_292 = tpu.vector_load %arg7[%parallel_loop3A_290, %parallel_loop3A_291] {strides = array<i32>} : memref<32x768xf32, #tpu.memory_space<vmem>>, vector<1x16xf32>,
        %parallel_loop3A_293 = vector.shape_cast %parallel_loop3A_292 : vector<1x16xf32> to vector<16xf32>
        %parallel_loop3A_294 = vector.shape_cast %parallel_loop3A_289 : vector<16xf32> to vector<1x16xf32>
        tpu.vector_store %arg7[%parallel_loop3A_290, %parallel_loop3A_291], %parallel_loop3A_294 {add = true, strides = array<i32>} : memref<32x768xf32, #tpu.memory_space<vmem>>, vector<1x16xf32>,
        %parallel_loop3A_295 = arith.index_cast %parallel_loop3A_186 : i32 to index
        %parallel_loop3A_296 = arith.constant 192 : index
        %parallel_loop3A_297 = tpu.vector_load %arg9[%parallel_loop3A_295, %parallel_loop3A_296] {strides = array<i32>} : memref<32x768xf32, #tpu.memory_space<vmem>>, vector<1x16xf32>,
        %parallel_loop3A_298 = vector.shape_cast %parallel_loop3A_297 : vector<1x16xf32> to vector<16xf32>
        %parallel_loop3A_299 = arith.index_cast %parallel_loop3A_186 : i32 to index
        %parallel_loop3A_300 = arith.constant 192 : index
        %parallel_loop3A_301 = tpu.vector_load %arg7[%parallel_loop3A_299, %parallel_loop3A_300] {strides = array<i32>} : memref<32x768xf32, #tpu.memory_space<vmem>>, vector<1x16xf32>,
        %parallel_loop3A_302 = vector.shape_cast %parallel_loop3A_301 : vector<1x16xf32> to vector<16xf32>
        %parallel_loop3A_303 = vector.shape_cast %parallel_loop3A_298 : vector<16xf32> to vector<1x16xf32>
        tpu.vector_store %arg7[%parallel_loop3A_299, %parallel_loop3A_300], %parallel_loop3A_303 {add = true, strides = array<i32>} : memref<32x768xf32, #tpu.memory_space<vmem>>, vector<1x16xf32>,
        %parallel_loop3A_304 = arith.index_cast %parallel_loop3A_186 : i32 to index
        %parallel_loop3A_305 = arith.constant 208 : index
        %parallel_loop3A_306 = tpu.vector_load %arg9[%parallel_loop3A_304, %parallel_loop3A_305] {strides = array<i32>} : memref<32x768xf32, #tpu.memory_space<vmem>>, vector<1x16xf32>,
        %parallel_loop3A_307 = vector.shape_cast %parallel_loop3A_306 : vector<1x16xf32> to vector<16xf32>
        %parallel_loop3A_308 = arith.index_cast %parallel_loop3A_186 : i32 to index
        %parallel_loop3A_309 = arith.constant 208 : index
        %parallel_loop3A_310 = tpu.vector_load %arg7[%parallel_loop3A_308, %parallel_loop3A_309] {strides = array<i32>} : memref<32x768xf32, #tpu.memory_space<vmem>>, vector<1x16xf32>,
        %parallel_loop3A_311 = vector.shape_cast %parallel_loop3A_310 : vector<1x16xf32> to vector<16xf32>
        %parallel_loop3A_312 = vector.shape_cast %parallel_loop3A_307 : vector<16xf32> to vector<1x16xf32>
        tpu.vector_store %arg7[%parallel_loop3A_308, %parallel_loop3A_309], %parallel_loop3A_312 {add = true, strides = array<i32>} : memref<32x768xf32, #tpu.memory_space<vmem>>, vector<1x16xf32>,
        %parallel_loop3A_313 = arith.index_cast %parallel_loop3A_186 : i32 to index
        %parallel_loop3A_314 = arith.constant 224 : index
        %parallel_loop3A_315 = tpu.vector_load %arg9[%parallel_loop3A_313, %parallel_loop3A_314] {strides = array<i32>} : memref<32x768xf32, #tpu.memory_space<vmem>>, vector<1x16xf32>,
        %parallel_loop3A_316 = vector.shape_cast %parallel_loop3A_315 : vector<1x16xf32> to vector<16xf32>
        %parallel_loop3A_317 = arith.index_cast %parallel_loop3A_186 : i32 to index
        %parallel_loop3A_318 = arith.constant 224 : index
        %parallel_loop3A_319 = tpu.vector_load %arg7[%parallel_loop3A_317, %parallel_loop3A_318] {strides = array<i32>} : memref<32x768xf32, #tpu.memory_space<vmem>>, vector<1x16xf32>,
        %parallel_loop3A_320 = vector.shape_cast %parallel_loop3A_319 : vector<1x16xf32> to vector<16xf32>
        %parallel_loop3A_321 = vector.shape_cast %parallel_loop3A_316 : vector<16xf32> to vector<1x16xf32>
        tpu.vector_store %arg7[%parallel_loop3A_317, %parallel_loop3A_318], %parallel_loop3A_321 {add = true, strides = array<i32>} : memref<32x768xf32, #tpu.memory_space<vmem>>, vector<1x16xf32>,
        %parallel_loop3A_322 = arith.index_cast %parallel_loop3A_186 : i32 to index
        %parallel_loop3A_323 = arith.constant 240 : index
        %parallel_loop3A_324 = tpu.vector_load %arg9[%parallel_loop3A_322, %parallel_loop3A_323] {strides = array<i32>} : memref<32x768xf32, #tpu.memory_space<vmem>>, vector<1x16xf32>,
        %parallel_loop3A_325 = vector.shape_cast %parallel_loop3A_324 : vector<1x16xf32> to vector<16xf32>
        %parallel_loop3A_326 = arith.index_cast %parallel_loop3A_186 : i32 to index
        %parallel_loop3A_327 = arith.constant 240 : index
        %parallel_loop3A_328 = tpu.vector_load %arg7[%parallel_loop3A_326, %parallel_loop3A_327] {strides = array<i32>} : memref<32x768xf32, #tpu.memory_space<vmem>>, vector<1x16xf32>,
        %parallel_loop3A_329 = vector.shape_cast %parallel_loop3A_328 : vector<1x16xf32> to vector<16xf32>
        %parallel_loop3A_330 = vector.shape_cast %parallel_loop3A_325 : vector<16xf32> to vector<1x16xf32>
        tpu.vector_store %arg7[%parallel_loop3A_326, %parallel_loop3A_327], %parallel_loop3A_330 {add = true, strides = array<i32>} : memref<32x768xf32, #tpu.memory_space<vmem>>, vector<1x16xf32>,
        %parallel_loop3A_331 = arith.index_cast %parallel_loop3A_186 : i32 to index
        %parallel_loop3A_332 = arith.constant 256 : index
        %parallel_loop3A_333 = tpu.vector_load %arg9[%parallel_loop3A_331, %parallel_loop3A_332] {strides = array<i32>} : memref<32x768xf32, #tpu.memory_space<vmem>>, vector<1x16xf32>,
        %parallel_loop3A_334 = vector.shape_cast %parallel_loop3A_333 : vector<1x16xf32> to vector<16xf32>
        %parallel_loop3A_335 = arith.index_cast %parallel_loop3A_186 : i32 to index
        %parallel_loop3A_336 = arith.constant 256 : index
        %parallel_loop3A_337 = tpu.vector_load %arg7[%parallel_loop3A_335, %parallel_loop3A_336] {strides = array<i32>} : memref<32x768xf32, #tpu.memory_space<vmem>>, vector<1x16xf32>,
        %parallel_loop3A_338 = vector.shape_cast %parallel_loop3A_337 : vector<1x16xf32> to vector<16xf32>
        %parallel_loop3A_339 = vector.shape_cast %parallel_loop3A_334 : vector<16xf32> to vector<1x16xf32>
        tpu.vector_store %arg7[%parallel_loop3A_335, %parallel_loop3A_336], %parallel_loop3A_339 {add = true, strides = array<i32>} : memref<32x768xf32, #tpu.memory_space<vmem>>, vector<1x16xf32>,
        %parallel_loop3A_340 = arith.index_cast %parallel_loop3A_186 : i32 to index
        %parallel_loop3A_341 = arith.constant 272 : index
        %parallel_loop3A_342 = tpu.vector_load %arg9[%parallel_loop3A_340, %parallel_loop3A_341] {strides = array<i32>} : memref<32x768xf32, #tpu.memory_space<vmem>>, vector<1x16xf32>,
        %parallel_loop3A_343 = vector.shape_cast %parallel_loop3A_342 : vector<1x16xf32> to vector<16xf32>
        %parallel_loop3A_344 = arith.index_cast %parallel_loop3A_186 : i32 to index
        %parallel_loop3A_345 = arith.constant 272 : index
        %parallel_loop3A_346 = tpu.vector_load %arg7[%parallel_loop3A_344, %parallel_loop3A_345] {strides = array<i32>} : memref<32x768xf32, #tpu.memory_space<vmem>>, vector<1x16xf32>,
        %parallel_loop3A_347 = vector.shape_cast %parallel_loop3A_346 : vector<1x16xf32> to vector<16xf32>
        %parallel_loop3A_348 = vector.shape_cast %parallel_loop3A_343 : vector<16xf32> to vector<1x16xf32>
        tpu.vector_store %arg7[%parallel_loop3A_344, %parallel_loop3A_345], %parallel_loop3A_348 {add = true, strides = array<i32>} : memref<32x768xf32, #tpu.memory_space<vmem>>, vector<1x16xf32>,
        %parallel_loop3A_349 = arith.index_cast %parallel_loop3A_186 : i32 to index
        %parallel_loop3A_350 = arith.constant 288 : index
        %parallel_loop3A_351 = tpu.vector_load %arg9[%parallel_loop3A_349, %parallel_loop3A_350] {strides = array<i32>} : memref<32x768xf32, #tpu.memory_space<vmem>>, vector<1x16xf32>,
        %parallel_loop3A_352 = vector.shape_cast %parallel_loop3A_351 : vector<1x16xf32> to vector<16xf32>
        %parallel_loop3A_353 = arith.index_cast %parallel_loop3A_186 : i32 to index
        %parallel_loop3A_354 = arith.constant 288 : index
        %parallel_loop3A_355 = tpu.vector_load %arg7[%parallel_loop3A_353, %parallel_loop3A_354] {strides = array<i32>} : memref<32x768xf32, #tpu.memory_space<vmem>>, vector<1x16xf32>,
        %parallel_loop3A_356 = vector.shape_cast %parallel_loop3A_355 : vector<1x16xf32> to vector<16xf32>
        %parallel_loop3A_357 = vector.shape_cast %parallel_loop3A_352 : vector<16xf32> to vector<1x16xf32>
        tpu.vector_store %arg7[%parallel_loop3A_353, %parallel_loop3A_354], %parallel_loop3A_357 {add = true, strides = array<i32>} : memref<32x768xf32, #tpu.memory_space<vmem>>, vector<1x16xf32>,
        %parallel_loop3A_358 = arith.index_cast %parallel_loop3A_186 : i32 to index
        %parallel_loop3A_359 = arith.constant 304 : index
        %parallel_loop3A_360 = tpu.vector_load %arg9[%parallel_loop3A_358, %parallel_loop3A_359] {strides = array<i32>} : memref<32x768xf32, #tpu.memory_space<vmem>>, vector<1x16xf32>,
        %parallel_loop3A_361 = vector.shape_cast %parallel_loop3A_360 : vector<1x16xf32> to vector<16xf32>
        %parallel_loop3A_362 = arith.index_cast %parallel_loop3A_186 : i32 to index
        %parallel_loop3A_363 = arith.constant 304 : index
        %parallel_loop3A_364 = tpu.vector_load %arg7[%parallel_loop3A_362, %parallel_loop3A_363] {strides = array<i32>} : memref<32x768xf32, #tpu.memory_space<vmem>>, vector<1x16xf32>,
        %parallel_loop3A_365 = vector.shape_cast %parallel_loop3A_364 : vector<1x16xf32> to vector<16xf32>
        %parallel_loop3A_366 = vector.shape_cast %parallel_loop3A_361 : vector<16xf32> to vector<1x16xf32>
        tpu.vector_store %arg7[%parallel_loop3A_362, %parallel_loop3A_363], %parallel_loop3A_366 {add = true, strides = array<i32>} : memref<32x768xf32, #tpu.memory_space<vmem>>, vector<1x16xf32>,
        %parallel_loop3A_367 = arith.index_cast %parallel_loop3A_186 : i32 to index
        %parallel_loop3A_368 = arith.constant 320 : index
        %parallel_loop3A_369 = tpu.vector_load %arg9[%parallel_loop3A_367, %parallel_loop3A_368] {strides = array<i32>} : memref<32x768xf32, #tpu.memory_space<vmem>>, vector<1x16xf32>,
        %parallel_loop3A_370 = vector.shape_cast %parallel_loop3A_369 : vector<1x16xf32> to vector<16xf32>
        %parallel_loop3A_371 = arith.index_cast %parallel_loop3A_186 : i32 to index
        %parallel_loop3A_372 = arith.constant 320 : index
        %parallel_loop3A_373 = tpu.vector_load %arg7[%parallel_loop3A_371, %parallel_loop3A_372] {strides = array<i32>} : memref<32x768xf32, #tpu.memory_space<vmem>>, vector<1x16xf32>,
        %parallel_loop3A_374 = vector.shape_cast %parallel_loop3A_373 : vector<1x16xf32> to vector<16xf32>
        %parallel_loop3A_375 = vector.shape_cast %parallel_loop3A_370 : vector<16xf32> to vector<1x16xf32>
        tpu.vector_store %arg7[%parallel_loop3A_371, %parallel_loop3A_372], %parallel_loop3A_375 {add = true, strides = array<i32>} : memref<32x768xf32, #tpu.memory_space<vmem>>, vector<1x16xf32>,
        %parallel_loop3A_376 = arith.index_cast %parallel_loop3A_186 : i32 to index
        %parallel_loop3A_377 = arith.constant 336 : index
        %parallel_loop3A_378 = tpu.vector_load %arg9[%parallel_loop3A_376, %parallel_loop3A_377] {strides = array<i32>} : memref<32x768xf32, #tpu.memory_space<vmem>>, vector<1x16xf32>,
        %parallel_loop3A_379 = vector.shape_cast %parallel_loop3A_378 : vector<1x16xf32> to vector<16xf32>
        %parallel_loop3A_380 = arith.index_cast %parallel_loop3A_186 : i32 to index
        %parallel_loop3A_381 = arith.constant 336 : index
        %parallel_loop3A_382 = tpu.vector_load %arg7[%parallel_loop3A_380, %parallel_loop3A_381] {strides = array<i32>} : memref<32x768xf32, #tpu.memory_space<vmem>>, vector<1x16xf32>,
        %parallel_loop3A_383 = vector.shape_cast %parallel_loop3A_382 : vector<1x16xf32> to vector<16xf32>
        %parallel_loop3A_384 = vector.shape_cast %parallel_loop3A_379 : vector<16xf32> to vector<1x16xf32>
        tpu.vector_store %arg7[%parallel_loop3A_380, %parallel_loop3A_381], %parallel_loop3A_384 {add = true, strides = array<i32>} : memref<32x768xf32, #tpu.memory_space<vmem>>, vector<1x16xf32>,
        %parallel_loop3A_385 = arith.index_cast %parallel_loop3A_186 : i32 to index
        %parallel_loop3A_386 = arith.constant 352 : index
        %parallel_loop3A_387 = tpu.vector_load %arg9[%parallel_loop3A_385, %parallel_loop3A_386] {strides = array<i32>} : memref<32x768xf32, #tpu.memory_space<vmem>>, vector<1x16xf32>,
        %parallel_loop3A_388 = vector.shape_cast %parallel_loop3A_387 : vector<1x16xf32> to vector<16xf32>
        %parallel_loop3A_389 = arith.index_cast %parallel_loop3A_186 : i32 to index
        %parallel_loop3A_390 = arith.constant 352 : index
        %parallel_loop3A_391 = tpu.vector_load %arg7[%parallel_loop3A_389, %parallel_loop3A_390] {strides = array<i32>} : memref<32x768xf32, #tpu.memory_space<vmem>>, vector<1x16xf32>,
        %parallel_loop3A_392 = vector.shape_cast %parallel_loop3A_391 : vector<1x16xf32> to vector<16xf32>
        %parallel_loop3A_393 = vector.shape_cast %parallel_loop3A_388 : vector<16xf32> to vector<1x16xf32>
        tpu.vector_store %arg7[%parallel_loop3A_389, %parallel_loop3A_390], %parallel_loop3A_393 {add = true, strides = array<i32>} : memref<32x768xf32, #tpu.memory_space<vmem>>, vector<1x16xf32>,
        %parallel_loop3A_394 = arith.index_cast %parallel_loop3A_186 : i32 to index
        %parallel_loop3A_395 = arith.constant 368 : index
        %parallel_loop3A_396 = tpu.vector_load %arg9[%parallel_loop3A_394, %parallel_loop3A_395] {strides = array<i32>} : memref<32x768xf32, #tpu.memory_space<vmem>>, vector<1x16xf32>,
        %parallel_loop3A_397 = vector.shape_cast %parallel_loop3A_396 : vector<1x16xf32> to vector<16xf32>
        %parallel_loop3A_398 = arith.index_cast %parallel_loop3A_186 : i32 to index
        %parallel_loop3A_399 = arith.constant 368 : index
        %parallel_loop3A_400 = tpu.vector_load %arg7[%parallel_loop3A_398, %parallel_loop3A_399] {strides = array<i32>} : memref<32x768xf32, #tpu.memory_space<vmem>>, vector<1x16xf32>,
        %parallel_loop3A_401 = vector.shape_cast %parallel_loop3A_400 : vector<1x16xf32> to vector<16xf32>
        %parallel_loop3A_402 = vector.shape_cast %parallel_loop3A_397 : vector<16xf32> to vector<1x16xf32>
        tpu.vector_store %arg7[%parallel_loop3A_398, %parallel_loop3A_399], %parallel_loop3A_402 {add = true, strides = array<i32>} : memref<32x768xf32, #tpu.memory_space<vmem>>, vector<1x16xf32>,
        %parallel_loop3A_403 = arith.index_cast %parallel_loop3A_186 : i32 to index
        %parallel_loop3A_404 = arith.constant 384 : index
        %parallel_loop3A_405 = tpu.vector_load %arg9[%parallel_loop3A_403, %parallel_loop3A_404] {strides = array<i32>} : memref<32x768xf32, #tpu.memory_space<vmem>>, vector<1x16xf32>,
        %parallel_loop3A_406 = vector.shape_cast %parallel_loop3A_405 : vector<1x16xf32> to vector<16xf32>
        %parallel_loop3A_407 = arith.index_cast %parallel_loop3A_186 : i32 to index
        %parallel_loop3A_408 = arith.constant 384 : index
        %parallel_loop3A_409 = tpu.vector_load %arg7[%parallel_loop3A_407, %parallel_loop3A_408] {strides = array<i32>} : memref<32x768xf32, #tpu.memory_space<vmem>>, vector<1x16xf32>,
        %parallel_loop3A_410 = vector.shape_cast %parallel_loop3A_409 : vector<1x16xf32> to vector<16xf32>
        %parallel_loop3A_411 = vector.shape_cast %parallel_loop3A_406 : vector<16xf32> to vector<1x16xf32>
        tpu.vector_store %arg7[%parallel_loop3A_407, %parallel_loop3A_408], %parallel_loop3A_411 {add = true, strides = array<i32>} : memref<32x768xf32, #tpu.memory_space<vmem>>, vector<1x16xf32>,
        %parallel_loop3A_412 = arith.index_cast %parallel_loop3A_186 : i32 to index
        %parallel_loop3A_413 = arith.constant 400 : index
        %parallel_loop3A_414 = tpu.vector_load %arg9[%parallel_loop3A_412, %parallel_loop3A_413] {strides = array<i32>} : memref<32x768xf32, #tpu.memory_space<vmem>>, vector<1x16xf32>,
        %parallel_loop3A_415 = vector.shape_cast %parallel_loop3A_414 : vector<1x16xf32> to vector<16xf32>
        %parallel_loop3A_416 = arith.index_cast %parallel_loop3A_186 : i32 to index
        %parallel_loop3A_417 = arith.constant 400 : index
        %parallel_loop3A_418 = tpu.vector_load %arg7[%parallel_loop3A_416, %parallel_loop3A_417] {strides = array<i32>} : memref<32x768xf32, #tpu.memory_space<vmem>>, vector<1x16xf32>,
        %parallel_loop3A_419 = vector.shape_cast %parallel_loop3A_418 : vector<1x16xf32> to vector<16xf32>
        %parallel_loop3A_420 = vector.shape_cast %parallel_loop3A_415 : vector<16xf32> to vector<1x16xf32>
        tpu.vector_store %arg7[%parallel_loop3A_416, %parallel_loop3A_417], %parallel_loop3A_420 {add = true, strides = array<i32>} : memref<32x768xf32, #tpu.memory_space<vmem>>, vector<1x16xf32>,
        %parallel_loop3A_421 = arith.index_cast %parallel_loop3A_186 : i32 to index
        %parallel_loop3A_422 = arith.constant 416 : index
        %parallel_loop3A_423 = tpu.vector_load %arg9[%parallel_loop3A_421, %parallel_loop3A_422] {strides = array<i32>} : memref<32x768xf32, #tpu.memory_space<vmem>>, vector<1x16xf32>,
        %parallel_loop3A_424 = vector.shape_cast %parallel_loop3A_423 : vector<1x16xf32> to vector<16xf32>
        %parallel_loop3A_425 = arith.index_cast %parallel_loop3A_186 : i32 to index
        %parallel_loop3A_426 = arith.constant 416 : index
        %parallel_loop3A_427 = tpu.vector_load %arg7[%parallel_loop3A_425, %parallel_loop3A_426] {strides = array<i32>} : memref<32x768xf32, #tpu.memory_space<vmem>>, vector<1x16xf32>,
        %parallel_loop3A_428 = vector.shape_cast %parallel_loop3A_427 : vector<1x16xf32> to vector<16xf32>
        %parallel_loop3A_429 = vector.shape_cast %parallel_loop3A_424 : vector<16xf32> to vector<1x16xf32>
        tpu.vector_store %arg7[%parallel_loop3A_425, %parallel_loop3A_426], %parallel_loop3A_429 {add = true, strides = array<i32>} : memref<32x768xf32, #tpu.memory_space<vmem>>, vector<1x16xf32>,
        %parallel_loop3A_430 = arith.index_cast %parallel_loop3A_186 : i32 to index
        %parallel_loop3A_431 = arith.constant 432 : index
        %parallel_loop3A_432 = tpu.vector_load %arg9[%parallel_loop3A_430, %parallel_loop3A_431] {strides = array<i32>} : memref<32x768xf32, #tpu.memory_space<vmem>>, vector<1x16xf32>,
        %parallel_loop3A_433 = vector.shape_cast %parallel_loop3A_432 : vector<1x16xf32> to vector<16xf32>
        %parallel_loop3A_434 = arith.index_cast %parallel_loop3A_186 : i32 to index
        %parallel_loop3A_435 = arith.constant 432 : index
        %parallel_loop3A_436 = tpu.vector_load %arg7[%parallel_loop3A_434, %parallel_loop3A_435] {strides = array<i32>} : memref<32x768xf32, #tpu.memory_space<vmem>>, vector<1x16xf32>,
        %parallel_loop3A_437 = vector.shape_cast %parallel_loop3A_436 : vector<1x16xf32> to vector<16xf32>
        %parallel_loop3A_438 = vector.shape_cast %parallel_loop3A_433 : vector<16xf32> to vector<1x16xf32>
        tpu.vector_store %arg7[%parallel_loop3A_434, %parallel_loop3A_435], %parallel_loop3A_438 {add = true, strides = array<i32>} : memref<32x768xf32, #tpu.memory_space<vmem>>, vector<1x16xf32>,
        %parallel_loop3A_439 = arith.index_cast %parallel_loop3A_186 : i32 to index
        %parallel_loop3A_440 = arith.constant 448 : index
        %parallel_loop3A_441 = tpu.vector_load %arg9[%parallel_loop3A_439, %parallel_loop3A_440] {strides = array<i32>} : memref<32x768xf32, #tpu.memory_space<vmem>>, vector<1x16xf32>,
        %parallel_loop3A_442 = vector.shape_cast %parallel_loop3A_441 : vector<1x16xf32> to vector<16xf32>
        %parallel_loop3A_443 = arith.index_cast %parallel_loop3A_186 : i32 to index
        %parallel_loop3A_444 = arith.constant 448 : index
        %parallel_loop3A_445 = tpu.vector_load %arg7[%parallel_loop3A_443, %parallel_loop3A_444] {strides = array<i32>} : memref<32x768xf32, #tpu.memory_space<vmem>>, vector<1x16xf32>,
        %parallel_loop3A_446 = vector.shape_cast %parallel_loop3A_445 : vector<1x16xf32> to vector<16xf32>
        %parallel_loop3A_447 = vector.shape_cast %parallel_loop3A_442 : vector<16xf32> to vector<1x16xf32>
        tpu.vector_store %arg7[%parallel_loop3A_443, %parallel_loop3A_444], %parallel_loop3A_447 {add = true, strides = array<i32>} : memref<32x768xf32, #tpu.memory_space<vmem>>, vector<1x16xf32>,
        %parallel_loop3A_448 = arith.index_cast %parallel_loop3A_186 : i32 to index
        %parallel_loop3A_449 = arith.constant 464 : index
        %parallel_loop3A_450 = tpu.vector_load %arg9[%parallel_loop3A_448, %parallel_loop3A_449] {strides = array<i32>} : memref<32x768xf32, #tpu.memory_space<vmem>>, vector<1x16xf32>,
        %parallel_loop3A_451 = vector.shape_cast %parallel_loop3A_450 : vector<1x16xf32> to vector<16xf32>
        %parallel_loop3A_452 = arith.index_cast %parallel_loop3A_186 : i32 to index
        %parallel_loop3A_453 = arith.constant 464 : index
        %parallel_loop3A_454 = tpu.vector_load %arg7[%parallel_loop3A_452, %parallel_loop3A_453] {strides = array<i32>} : memref<32x768xf32, #tpu.memory_space<vmem>>, vector<1x16xf32>,
        %parallel_loop3A_455 = vector.shape_cast %parallel_loop3A_454 : vector<1x16xf32> to vector<16xf32>
        %parallel_loop3A_456 = vector.shape_cast %parallel_loop3A_451 : vector<16xf32> to vector<1x16xf32>
        tpu.vector_store %arg7[%parallel_loop3A_452, %parallel_loop3A_453], %parallel_loop3A_456 {add = true, strides = array<i32>} : memref<32x768xf32, #tpu.memory_space<vmem>>, vector<1x16xf32>,
        %parallel_loop3A_457 = arith.index_cast %parallel_loop3A_186 : i32 to index
        %parallel_loop3A_458 = arith.constant 480 : index
        %parallel_loop3A_459 = tpu.vector_load %arg9[%parallel_loop3A_457, %parallel_loop3A_458] {strides = array<i32>} : memref<32x768xf32, #tpu.memory_space<vmem>>, vector<1x16xf32>,
        %parallel_loop3A_460 = vector.shape_cast %parallel_loop3A_459 : vector<1x16xf32> to vector<16xf32>
        %parallel_loop3A_461 = arith.index_cast %parallel_loop3A_186 : i32 to index
        %parallel_loop3A_462 = arith.constant 480 : index
        %parallel_loop3A_463 = tpu.vector_load %arg7[%parallel_loop3A_461, %parallel_loop3A_462] {strides = array<i32>} : memref<32x768xf32, #tpu.memory_space<vmem>>, vector<1x16xf32>,
        %parallel_loop3A_464 = vector.shape_cast %parallel_loop3A_463 : vector<1x16xf32> to vector<16xf32>
        %parallel_loop3A_465 = vector.shape_cast %parallel_loop3A_460 : vector<16xf32> to vector<1x16xf32>
        tpu.vector_store %arg7[%parallel_loop3A_461, %parallel_loop3A_462], %parallel_loop3A_465 {add = true, strides = array<i32>} : memref<32x768xf32, #tpu.memory_space<vmem>>, vector<1x16xf32>,
        %parallel_loop3A_466 = arith.index_cast %parallel_loop3A_186 : i32 to index
        %parallel_loop3A_467 = arith.constant 496 : index
        %parallel_loop3A_468 = tpu.vector_load %arg9[%parallel_loop3A_466, %parallel_loop3A_467] {strides = array<i32>} : memref<32x768xf32, #tpu.memory_space<vmem>>, vector<1x16xf32>,
        %parallel_loop3A_469 = vector.shape_cast %parallel_loop3A_468 : vector<1x16xf32> to vector<16xf32>
        %parallel_loop3A_470 = arith.index_cast %parallel_loop3A_186 : i32 to index
        %parallel_loop3A_471 = arith.constant 496 : index
        %parallel_loop3A_472 = tpu.vector_load %arg7[%parallel_loop3A_470, %parallel_loop3A_471] {strides = array<i32>} : memref<32x768xf32, #tpu.memory_space<vmem>>, vector<1x16xf32>,
        %parallel_loop3A_473 = vector.shape_cast %parallel_loop3A_472 : vector<1x16xf32> to vector<16xf32>
        %parallel_loop3A_474 = vector.shape_cast %parallel_loop3A_469 : vector<16xf32> to vector<1x16xf32>
        tpu.vector_store %arg7[%parallel_loop3A_470, %parallel_loop3A_471], %parallel_loop3A_474 {add = true, strides = array<i32>} : memref<32x768xf32, #tpu.memory_space<vmem>>, vector<1x16xf32>,
        %parallel_loop3A_475 = arith.index_cast %parallel_loop3A_186 : i32 to index
        %parallel_loop3A_476 = arith.constant 512 : index
        %parallel_loop3A_477 = tpu.vector_load %arg9[%parallel_loop3A_475, %parallel_loop3A_476] {strides = array<i32>} : memref<32x768xf32, #tpu.memory_space<vmem>>, vector<1x16xf32>,
        %parallel_loop3A_478 = vector.shape_cast %parallel_loop3A_477 : vector<1x16xf32> to vector<16xf32>
        %parallel_loop3A_479 = arith.index_cast %parallel_loop3A_186 : i32 to index
        %parallel_loop3A_480 = arith.constant 512 : index
        %parallel_loop3A_481 = tpu.vector_load %arg7[%parallel_loop3A_479, %parallel_loop3A_480] {strides = array<i32>} : memref<32x768xf32, #tpu.memory_space<vmem>>, vector<1x16xf32>,
        %parallel_loop3A_482 = vector.shape_cast %parallel_loop3A_481 : vector<1x16xf32> to vector<16xf32>
        %parallel_loop3A_483 = vector.shape_cast %parallel_loop3A_478 : vector<16xf32> to vector<1x16xf32>
        tpu.vector_store %arg7[%parallel_loop3A_479, %parallel_loop3A_480], %parallel_loop3A_483 {add = true, strides = array<i32>} : memref<32x768xf32, #tpu.memory_space<vmem>>, vector<1x16xf32>,
        %parallel_loop3A_484 = arith.index_cast %parallel_loop3A_186 : i32 to index
        %parallel_loop3A_485 = arith.constant 528 : index
        %parallel_loop3A_486 = tpu.vector_load %arg9[%parallel_loop3A_484, %parallel_loop3A_485] {strides = array<i32>} : memref<32x768xf32, #tpu.memory_space<vmem>>, vector<1x16xf32>,
        %parallel_loop3A_487 = vector.shape_cast %parallel_loop3A_486 : vector<1x16xf32> to vector<16xf32>
        %parallel_loop3A_488 = arith.index_cast %parallel_loop3A_186 : i32 to index
        %parallel_loop3A_489 = arith.constant 528 : index
        %parallel_loop3A_490 = tpu.vector_load %arg7[%parallel_loop3A_488, %parallel_loop3A_489] {strides = array<i32>} : memref<32x768xf32, #tpu.memory_space<vmem>>, vector<1x16xf32>,
        %parallel_loop3A_491 = vector.shape_cast %parallel_loop3A_490 : vector<1x16xf32> to vector<16xf32>
        %parallel_loop3A_492 = vector.shape_cast %parallel_loop3A_487 : vector<16xf32> to vector<1x16xf32>
        tpu.vector_store %arg7[%parallel_loop3A_488, %parallel_loop3A_489], %parallel_loop3A_492 {add = true, strides = array<i32>} : memref<32x768xf32, #tpu.memory_space<vmem>>, vector<1x16xf32>,
        %parallel_loop3A_493 = arith.index_cast %parallel_loop3A_186 : i32 to index
        %parallel_loop3A_494 = arith.constant 544 : index
        %parallel_loop3A_495 = tpu.vector_load %arg9[%parallel_loop3A_493, %parallel_loop3A_494] {strides = array<i32>} : memref<32x768xf32, #tpu.memory_space<vmem>>, vector<1x16xf32>,
        %parallel_loop3A_496 = vector.shape_cast %parallel_loop3A_495 : vector<1x16xf32> to vector<16xf32>
        %parallel_loop3A_497 = arith.index_cast %parallel_loop3A_186 : i32 to index
        %parallel_loop3A_498 = arith.constant 544 : index
        %parallel_loop3A_499 = tpu.vector_load %arg7[%parallel_loop3A_497, %parallel_loop3A_498] {strides = array<i32>} : memref<32x768xf32, #tpu.memory_space<vmem>>, vector<1x16xf32>,
        %parallel_loop3A_500 = vector.shape_cast %parallel_loop3A_499 : vector<1x16xf32> to vector<16xf32>
        %parallel_loop3A_501 = vector.shape_cast %parallel_loop3A_496 : vector<16xf32> to vector<1x16xf32>
        tpu.vector_store %arg7[%parallel_loop3A_497, %parallel_loop3A_498], %parallel_loop3A_501 {add = true, strides = array<i32>} : memref<32x768xf32, #tpu.memory_space<vmem>>, vector<1x16xf32>,
        %parallel_loop3A_502 = arith.index_cast %parallel_loop3A_186 : i32 to index
        %parallel_loop3A_503 = arith.constant 560 : index
        %parallel_loop3A_504 = tpu.vector_load %arg9[%parallel_loop3A_502, %parallel_loop3A_503] {strides = array<i32>} : memref<32x768xf32, #tpu.memory_space<vmem>>, vector<1x16xf32>,
        %parallel_loop3A_505 = vector.shape_cast %parallel_loop3A_504 : vector<1x16xf32> to vector<16xf32>
        %parallel_loop3A_506 = arith.index_cast %parallel_loop3A_186 : i32 to index
        %parallel_loop3A_507 = arith.constant 560 : index
        %parallel_loop3A_508 = tpu.vector_load %arg7[%parallel_loop3A_506, %parallel_loop3A_507] {strides = array<i32>} : memref<32x768xf32, #tpu.memory_space<vmem>>, vector<1x16xf32>,
        %parallel_loop3A_509 = vector.shape_cast %parallel_loop3A_508 : vector<1x16xf32> to vector<16xf32>
        %parallel_loop3A_510 = vector.shape_cast %parallel_loop3A_505 : vector<16xf32> to vector<1x16xf32>
        tpu.vector_store %arg7[%parallel_loop3A_506, %parallel_loop3A_507], %parallel_loop3A_510 {add = true, strides = array<i32>} : memref<32x768xf32, #tpu.memory_space<vmem>>, vector<1x16xf32>,
        %parallel_loop3A_511 = arith.index_cast %parallel_loop3A_186 : i32 to index
        %parallel_loop3A_512 = arith.constant 576 : index
        %parallel_loop3A_513 = tpu.vector_load %arg9[%parallel_loop3A_511, %parallel_loop3A_512] {strides = array<i32>} : memref<32x768xf32, #tpu.memory_space<vmem>>, vector<1x16xf32>,
        %parallel_loop3A_514 = vector.shape_cast %parallel_loop3A_513 : vector<1x16xf32> to vector<16xf32>
        %parallel_loop3A_515 = arith.index_cast %parallel_loop3A_186 : i32 to index
        %parallel_loop3A_516 = arith.constant 576 : index
        %parallel_loop3A_517 = tpu.vector_load %arg7[%parallel_loop3A_515, %parallel_loop3A_516] {strides = array<i32>} : memref<32x768xf32, #tpu.memory_space<vmem>>, vector<1x16xf32>,
        %parallel_loop3A_518 = vector.shape_cast %parallel_loop3A_517 : vector<1x16xf32> to vector<16xf32>
        %parallel_loop3A_519 = vector.shape_cast %parallel_loop3A_514 : vector<16xf32> to vector<1x16xf32>
        tpu.vector_store %arg7[%parallel_loop3A_515, %parallel_loop3A_516], %parallel_loop3A_519 {add = true, strides = array<i32>} : memref<32x768xf32, #tpu.memory_space<vmem>>, vector<1x16xf32>,
        %parallel_loop3A_520 = arith.index_cast %parallel_loop3A_186 : i32 to index
        %parallel_loop3A_521 = arith.constant 592 : index
        %parallel_loop3A_522 = tpu.vector_load %arg9[%parallel_loop3A_520, %parallel_loop3A_521] {strides = array<i32>} : memref<32x768xf32, #tpu.memory_space<vmem>>, vector<1x16xf32>,
        %parallel_loop3A_523 = vector.shape_cast %parallel_loop3A_522 : vector<1x16xf32> to vector<16xf32>
        %parallel_loop3A_524 = arith.index_cast %parallel_loop3A_186 : i32 to index
        %parallel_loop3A_525 = arith.constant 592 : index
        %parallel_loop3A_526 = tpu.vector_load %arg7[%parallel_loop3A_524, %parallel_loop3A_525] {strides = array<i32>} : memref<32x768xf32, #tpu.memory_space<vmem>>, vector<1x16xf32>,
        %parallel_loop3A_527 = vector.shape_cast %parallel_loop3A_526 : vector<1x16xf32> to vector<16xf32>
        %parallel_loop3A_528 = vector.shape_cast %parallel_loop3A_523 : vector<16xf32> to vector<1x16xf32>
        tpu.vector_store %arg7[%parallel_loop3A_524, %parallel_loop3A_525], %parallel_loop3A_528 {add = true, strides = array<i32>} : memref<32x768xf32, #tpu.memory_space<vmem>>, vector<1x16xf32>,
        %parallel_loop3A_529 = arith.index_cast %parallel_loop3A_186 : i32 to index
        %parallel_loop3A_530 = arith.constant 608 : index
        %parallel_loop3A_531 = tpu.vector_load %arg9[%parallel_loop3A_529, %parallel_loop3A_530] {strides = array<i32>} : memref<32x768xf32, #tpu.memory_space<vmem>>, vector<1x16xf32>,
        %parallel_loop3A_532 = vector.shape_cast %parallel_loop3A_531 : vector<1x16xf32> to vector<16xf32>
        %parallel_loop3A_533 = arith.index_cast %parallel_loop3A_186 : i32 to index
        %parallel_loop3A_534 = arith.constant 608 : index
        %parallel_loop3A_535 = tpu.vector_load %arg7[%parallel_loop3A_533, %parallel_loop3A_534] {strides = array<i32>} : memref<32x768xf32, #tpu.memory_space<vmem>>, vector<1x16xf32>,
        %parallel_loop3A_536 = vector.shape_cast %parallel_loop3A_535 : vector<1x16xf32> to vector<16xf32>
        %parallel_loop3A_537 = vector.shape_cast %parallel_loop3A_532 : vector<16xf32> to vector<1x16xf32>
        tpu.vector_store %arg7[%parallel_loop3A_533, %parallel_loop3A_534], %parallel_loop3A_537 {add = true, strides = array<i32>} : memref<32x768xf32, #tpu.memory_space<vmem>>, vector<1x16xf32>,
        %parallel_loop3A_538 = arith.index_cast %parallel_loop3A_186 : i32 to index
        %parallel_loop3A_539 = arith.constant 624 : index
        %parallel_loop3A_540 = tpu.vector_load %arg9[%parallel_loop3A_538, %parallel_loop3A_539] {strides = array<i32>} : memref<32x768xf32, #tpu.memory_space<vmem>>, vector<1x16xf32>,
        %parallel_loop3A_541 = vector.shape_cast %parallel_loop3A_540 : vector<1x16xf32> to vector<16xf32>
        %parallel_loop3A_542 = arith.index_cast %parallel_loop3A_186 : i32 to index
        %parallel_loop3A_543 = arith.constant 624 : index
        %parallel_loop3A_544 = tpu.vector_load %arg7[%parallel_loop3A_542, %parallel_loop3A_543] {strides = array<i32>} : memref<32x768xf32, #tpu.memory_space<vmem>>, vector<1x16xf32>,
        %parallel_loop3A_545 = vector.shape_cast %parallel_loop3A_544 : vector<1x16xf32> to vector<16xf32>
        %parallel_loop3A_546 = vector.shape_cast %parallel_loop3A_541 : vector<16xf32> to vector<1x16xf32>
        tpu.vector_store %arg7[%parallel_loop3A_542, %parallel_loop3A_543], %parallel_loop3A_546 {add = true, strides = array<i32>} : memref<32x768xf32, #tpu.memory_space<vmem>>, vector<1x16xf32>,
        %parallel_loop3A_547 = arith.index_cast %parallel_loop3A_186 : i32 to index
        %parallel_loop3A_548 = arith.constant 640 : index
        %parallel_loop3A_549 = tpu.vector_load %arg9[%parallel_loop3A_547, %parallel_loop3A_548] {strides = array<i32>} : memref<32x768xf32, #tpu.memory_space<vmem>>, vector<1x16xf32>,
        %parallel_loop3A_550 = vector.shape_cast %parallel_loop3A_549 : vector<1x16xf32> to vector<16xf32>
        %parallel_loop3A_551 = arith.index_cast %parallel_loop3A_186 : i32 to index
        %parallel_loop3A_552 = arith.constant 640 : index
        %parallel_loop3A_553 = tpu.vector_load %arg7[%parallel_loop3A_551, %parallel_loop3A_552] {strides = array<i32>} : memref<32x768xf32, #tpu.memory_space<vmem>>, vector<1x16xf32>,
        %parallel_loop3A_554 = vector.shape_cast %parallel_loop3A_553 : vector<1x16xf32> to vector<16xf32>
        %parallel_loop3A_555 = vector.shape_cast %parallel_loop3A_550 : vector<16xf32> to vector<1x16xf32>
        tpu.vector_store %arg7[%parallel_loop3A_551, %parallel_loop3A_552], %parallel_loop3A_555 {add = true, strides = array<i32>} : memref<32x768xf32, #tpu.memory_space<vmem>>, vector<1x16xf32>,
        %parallel_loop3A_556 = arith.index_cast %parallel_loop3A_186 : i32 to index
        %parallel_loop3A_557 = arith.constant 656 : index
        %parallel_loop3A_558 = tpu.vector_load %arg9[%parallel_loop3A_556, %parallel_loop3A_557] {strides = array<i32>} : memref<32x768xf32, #tpu.memory_space<vmem>>, vector<1x16xf32>,
        %parallel_loop3A_559 = vector.shape_cast %parallel_loop3A_558 : vector<1x16xf32> to vector<16xf32>
        %parallel_loop3A_560 = arith.index_cast %parallel_loop3A_186 : i32 to index
        %parallel_loop3A_561 = arith.constant 656 : index
        %parallel_loop3A_562 = tpu.vector_load %arg7[%parallel_loop3A_560, %parallel_loop3A_561] {strides = array<i32>} : memref<32x768xf32, #tpu.memory_space<vmem>>, vector<1x16xf32>,
        %parallel_loop3A_563 = vector.shape_cast %parallel_loop3A_562 : vector<1x16xf32> to vector<16xf32>
        %parallel_loop3A_564 = vector.shape_cast %parallel_loop3A_559 : vector<16xf32> to vector<1x16xf32>
        tpu.vector_store %arg7[%parallel_loop3A_560, %parallel_loop3A_561], %parallel_loop3A_564 {add = true, strides = array<i32>} : memref<32x768xf32, #tpu.memory_space<vmem>>, vector<1x16xf32>,
        %parallel_loop3A_565 = arith.index_cast %parallel_loop3A_186 : i32 to index
        %parallel_loop3A_566 = arith.constant 672 : index
        %parallel_loop3A_567 = tpu.vector_load %arg9[%parallel_loop3A_565, %parallel_loop3A_566] {strides = array<i32>} : memref<32x768xf32, #tpu.memory_space<vmem>>, vector<1x16xf32>,
        %parallel_loop3A_568 = vector.shape_cast %parallel_loop3A_567 : vector<1x16xf32> to vector<16xf32>
        %parallel_loop3A_569 = arith.index_cast %parallel_loop3A_186 : i32 to index
        %parallel_loop3A_570 = arith.constant 672 : index
        %parallel_loop3A_571 = tpu.vector_load %arg7[%parallel_loop3A_569, %parallel_loop3A_570] {strides = array<i32>} : memref<32x768xf32, #tpu.memory_space<vmem>>, vector<1x16xf32>,
        %parallel_loop3A_572 = vector.shape_cast %parallel_loop3A_571 : vector<1x16xf32> to vector<16xf32>
        %parallel_loop3A_573 = vector.shape_cast %parallel_loop3A_568 : vector<16xf32> to vector<1x16xf32>
        tpu.vector_store %arg7[%parallel_loop3A_569, %parallel_loop3A_570], %parallel_loop3A_573 {add = true, strides = array<i32>} : memref<32x768xf32, #tpu.memory_space<vmem>>, vector<1x16xf32>,
        %parallel_loop3A_574 = arith.index_cast %parallel_loop3A_186 : i32 to index
        %parallel_loop3A_575 = arith.constant 688 : index
        %parallel_loop3A_576 = tpu.vector_load %arg9[%parallel_loop3A_574, %parallel_loop3A_575] {strides = array<i32>} : memref<32x768xf32, #tpu.memory_space<vmem>>, vector<1x16xf32>,
        %parallel_loop3A_577 = vector.shape_cast %parallel_loop3A_576 : vector<1x16xf32> to vector<16xf32>
        %parallel_loop3A_578 = arith.index_cast %parallel_loop3A_186 : i32 to index
        %parallel_loop3A_579 = arith.constant 688 : index
        %parallel_loop3A_580 = tpu.vector_load %arg7[%parallel_loop3A_578, %parallel_loop3A_579] {strides = array<i32>} : memref<32x768xf32, #tpu.memory_space<vmem>>, vector<1x16xf32>,
        %parallel_loop3A_581 = vector.shape_cast %parallel_loop3A_580 : vector<1x16xf32> to vector<16xf32>
        %parallel_loop3A_582 = vector.shape_cast %parallel_loop3A_577 : vector<16xf32> to vector<1x16xf32>
        tpu.vector_store %arg7[%parallel_loop3A_578, %parallel_loop3A_579], %parallel_loop3A_582 {add = true, strides = array<i32>} : memref<32x768xf32, #tpu.memory_space<vmem>>, vector<1x16xf32>,
        %parallel_loop3A_583 = arith.index_cast %parallel_loop3A_186 : i32 to index
        %parallel_loop3A_584 = arith.constant 704 : index
        %parallel_loop3A_585 = tpu.vector_load %arg9[%parallel_loop3A_583, %parallel_loop3A_584] {strides = array<i32>} : memref<32x768xf32, #tpu.memory_space<vmem>>, vector<1x16xf32>,
        %parallel_loop3A_586 = vector.shape_cast %parallel_loop3A_585 : vector<1x16xf32> to vector<16xf32>
        %parallel_loop3A_587 = arith.index_cast %parallel_loop3A_186 : i32 to index
        %parallel_loop3A_588 = arith.constant 704 : index
        %parallel_loop3A_589 = tpu.vector_load %arg7[%parallel_loop3A_587, %parallel_loop3A_588] {strides = array<i32>} : memref<32x768xf32, #tpu.memory_space<vmem>>, vector<1x16xf32>,
        %parallel_loop3A_590 = vector.shape_cast %parallel_loop3A_589 : vector<1x16xf32> to vector<16xf32>
        %parallel_loop3A_591 = vector.shape_cast %parallel_loop3A_586 : vector<16xf32> to vector<1x16xf32>
        tpu.vector_store %arg7[%parallel_loop3A_587, %parallel_loop3A_588], %parallel_loop3A_591 {add = true, strides = array<i32>} : memref<32x768xf32, #tpu.memory_space<vmem>>, vector<1x16xf32>,
        %parallel_loop3A_592 = arith.index_cast %parallel_loop3A_186 : i32 to index
        %parallel_loop3A_593 = arith.constant 720 : index
        %parallel_loop3A_594 = tpu.vector_load %arg9[%parallel_loop3A_592, %parallel_loop3A_593] {strides = array<i32>} : memref<32x768xf32, #tpu.memory_space<vmem>>, vector<1x16xf32>,
        %parallel_loop3A_595 = vector.shape_cast %parallel_loop3A_594 : vector<1x16xf32> to vector<16xf32>
        %parallel_loop3A_596 = arith.index_cast %parallel_loop3A_186 : i32 to index
        %parallel_loop3A_597 = arith.constant 720 : index
        %parallel_loop3A_598 = tpu.vector_load %arg7[%parallel_loop3A_596, %parallel_loop3A_597] {strides = array<i32>} : memref<32x768xf32, #tpu.memory_space<vmem>>, vector<1x16xf32>,
        %parallel_loop3A_599 = vector.shape_cast %parallel_loop3A_598 : vector<1x16xf32> to vector<16xf32>
        %parallel_loop3A_600 = vector.shape_cast %parallel_loop3A_595 : vector<16xf32> to vector<1x16xf32>
        tpu.vector_store %arg7[%parallel_loop3A_596, %parallel_loop3A_597], %parallel_loop3A_600 {add = true, strides = array<i32>} : memref<32x768xf32, #tpu.memory_space<vmem>>, vector<1x16xf32>,
        %parallel_loop3A_601 = arith.index_cast %parallel_loop3A_186 : i32 to index
        %parallel_loop3A_602 = arith.constant 736 : index
        %parallel_loop3A_603 = tpu.vector_load %arg9[%parallel_loop3A_601, %parallel_loop3A_602] {strides = array<i32>} : memref<32x768xf32, #tpu.memory_space<vmem>>, vector<1x16xf32>,
        %parallel_loop3A_604 = vector.shape_cast %parallel_loop3A_603 : vector<1x16xf32> to vector<16xf32>
        %parallel_loop3A_605 = arith.index_cast %parallel_loop3A_186 : i32 to index
        %parallel_loop3A_606 = arith.constant 736 : index
        %parallel_loop3A_607 = tpu.vector_load %arg7[%parallel_loop3A_605, %parallel_loop3A_606] {strides = array<i32>} : memref<32x768xf32, #tpu.memory_space<vmem>>, vector<1x16xf32>,
        %parallel_loop3A_608 = vector.shape_cast %parallel_loop3A_607 : vector<1x16xf32> to vector<16xf32>
        %parallel_loop3A_609 = vector.shape_cast %parallel_loop3A_604 : vector<16xf32> to vector<1x16xf32>
        tpu.vector_store %arg7[%parallel_loop3A_605, %parallel_loop3A_606], %parallel_loop3A_609 {add = true, strides = array<i32>} : memref<32x768xf32, #tpu.memory_space<vmem>>, vector<1x16xf32>,
        %parallel_loop3A_610 = arith.index_cast %parallel_loop3A_186 : i32 to index
        %parallel_loop3A_611 = arith.constant 752 : index
        %parallel_loop3A_612 = tpu.vector_load %arg9[%parallel_loop3A_610, %parallel_loop3A_611] {strides = array<i32>} : memref<32x768xf32, #tpu.memory_space<vmem>>, vector<1x16xf32>,
        %parallel_loop3A_613 = vector.shape_cast %parallel_loop3A_612 : vector<1x16xf32> to vector<16xf32>
        %parallel_loop3A_614 = arith.index_cast %parallel_loop3A_186 : i32 to index
        %parallel_loop3A_615 = arith.constant 752 : index
        %parallel_loop3A_616 = tpu.vector_load %arg7[%parallel_loop3A_614, %parallel_loop3A_615] {strides = array<i32>} : memref<32x768xf32, #tpu.memory_space<vmem>>, vector<1x16xf32>,
        %parallel_loop3A_617 = vector.shape_cast %parallel_loop3A_616 : vector<1x16xf32> to vector<16xf32>
        %parallel_loop3A_618 = vector.shape_cast %parallel_loop3A_613 : vector<16xf32> to vector<1x16xf32>
        tpu.vector_store %arg7[%parallel_loop3A_614, %parallel_loop3A_615], %parallel_loop3A_618 {add = true, strides = array<i32>} : memref<32x768xf32, #tpu.memory_space<vmem>>, vector<1x16xf32>,
      } {sc.loop_unroll_factor = 1 : i64, sc.parallel_access}
      %dma_start3A_146 = arith.constant 2 : i32
      %dma_start3A_147 = arith.constant 0 : i32
      %dma_start3A_148 = tpu.memref_slice %arg4[%dma_start3A_146, %add3A_63, %dma_start3A_147] : memref<4x8192x768xf32, #tpu.memory_space<hbm>> -> memref<1x32x768xf32, #tpu.memory_space<hbm>>
      %dma_start3A_149 = tpu.memref_squeeze %dma_start3A_148 : memref<1x32x768xf32, #tpu.memory_space<hbm>> -> memref<32x768xf32, #tpu.memory_space<hbm>>
      %dma_start3A_150 = arith.constant 0 : i32
      %dma_start3A_151 = tpu.memref_slice %arg4[%dma_start3A_146, %add3A_63, %dma_start3A_150] : memref<4x8192x768xf32, #tpu.memory_space<hbm>> -> memref<1x32x768xf32, #tpu.memory_space<hbm>>
      %dma_start3A_152 = tpu.memref_squeeze %dma_start3A_151 : memref<1x32x768xf32, #tpu.memory_space<hbm>> -> memref<32x768xf32, #tpu.memory_space<hbm>>
      tpu.enqueue_dma source(%arg7 : memref<32x768xf32, #tpu.memory_space<vmem>>) target(%dma_start3A_152 : memref<32x768xf32, #tpu.memory_space<hbm>>) target_semaphore(%arg16 : memref<!tpu.dma_semaphore, #tpu.memory_space<semaphore_mem>>)
      %dma_wait3A_153 = arith.constant 0 : i32
      %dma_wait3A_154 = arith.constant 0 : i32
      %dma_wait3A_155 = arith.constant 0 : i32
      %dma_wait3A_156 = tpu.memref_slice %arg2[%dma_wait3A_153, %dma_wait3A_154, %dma_wait3A_155] : memref<4x8192x768xf32, #tpu.memory_space<hbm>> -> memref<1x32x768xf32, #tpu.memory_space<hbm>>
      %dma_wait3A_157 = tpu.memref_squeeze %dma_wait3A_156 : memref<1x32x768xf32, #tpu.memory_space<hbm>> -> memref<32x768xf32, #tpu.memory_space<hbm>>
      %dma_wait3A_158 = arith.constant 0 : i32
      %dma_wait3A_159 = arith.constant 0 : i32
      %dma_wait3A_160 = tpu.memref_slice %arg2[%dma_wait3A_153, %dma_wait3A_158, %dma_wait3A_159] : memref<4x8192x768xf32, #tpu.memory_space<hbm>> -> memref<1x32x768xf32, #tpu.memory_space<hbm>>
      %dma_wait3A_161 = tpu.memref_squeeze %dma_wait3A_160 : memref<1x32x768xf32, #tpu.memory_space<hbm>> -> memref<32x768xf32, #tpu.memory_space<hbm>>
      tpu.wait_dma2 semaphore(%arg13 : memref<!tpu.dma_semaphore, #tpu.memory_space<semaphore_mem>>) src(%dma_wait3A_161 : memref<32x768xf32, #tpu.memory_space<hbm>>) dst(%arg8 : memref<32x768xf32, #tpu.memory_space<vmem>>)
      %add3A_162 = arith.constant 1 : i32
      %add3A_163 = arith.addi %scan3A_60, %add3A_162 : i32
      %lt3A_164 = arith.constant 8 : i32
      %lt3A_165 = arith.cmpi slt, %add3A_163, %lt3A_164 : i32
      %convert_element_type3A_166 = arith.extui %lt3A_165 : i1 to i32
      %cond3A_167 = arith.constant 0 : i32
      %cond3A_168 = arith.cmpi ne, %convert_element_type3A_166, %cond3A_167 : i32
      scf.if %cond3A_168 {
        %dma_wait3A_186 = arith.constant 0 : i32
        %dma_wait3A_187 = arith.constant 0 : i32
        %dma_wait3A_188 = arith.constant 0 : i32
        %dma_wait3A_189 = tpu.memref_slice %arg4[%dma_wait3A_186, %dma_wait3A_187, %dma_wait3A_188] : memref<4x8192x768xf32, #tpu.memory_space<hbm>> -> memref<1x32x768xf32, #tpu.memory_space<hbm>>
        %dma_wait3A_190 = tpu.memref_squeeze %dma_wait3A_189 : memref<1x32x768xf32, #tpu.memory_space<hbm>> -> memref<32x768xf32, #tpu.memory_space<hbm>>
        %dma_wait3A_191 = arith.constant 0 : i32
        %dma_wait3A_192 = arith.constant 0 : i32
        %dma_wait3A_193 = tpu.memref_slice %arg4[%dma_wait3A_186, %dma_wait3A_191, %dma_wait3A_192] : memref<4x8192x768xf32, #tpu.memory_space<hbm>> -> memref<1x32x768xf32, #tpu.memory_space<hbm>>
        %dma_wait3A_194 = tpu.memref_squeeze %dma_wait3A_193 : memref<1x32x768xf32, #tpu.memory_space<hbm>> -> memref<32x768xf32, #tpu.memory_space<hbm>>
        tpu.wait_dma2 semaphore(%arg15 : memref<!tpu.dma_semaphore, #tpu.memory_space<semaphore_mem>>) src(%arg6 : memref<32x768xf32, #tpu.memory_space<vmem>>) dst(%dma_wait3A_194 : memref<32x768xf32, #tpu.memory_space<hbm>>)
        %add3A_195 = arith.constant 32 : i32
        %add3A_196 = arith.addi %add3A_63, %add3A_195 : i32
        %dma_start3A_197 = arith.constant 1 : i32
        %dma_start3A_198 = arith.constant 0 : i32
        %dma_start3A_199 = tpu.memref_slice %arg2[%dma_start3A_197, %add3A_196, %dma_start3A_198] : memref<4x8192x768xf32, #tpu.memory_space<hbm>> -> memref<1x32x768xf32, #tpu.memory_space<hbm>>
        %dma_start3A_200 = tpu.memref_squeeze %dma_start3A_199 : memref<1x32x768xf32, #tpu.memory_space<hbm>> -> memref<32x768xf32, #tpu.memory_space<hbm>>
        %dma_start3A_201 = arith.constant 0 : i32
        %dma_start3A_202 = tpu.memref_slice %arg2[%dma_start3A_197, %add3A_196, %dma_start3A_201] : memref<4x8192x768xf32, #tpu.memory_space<hbm>> -> memref<1x32x768xf32, #tpu.memory_space<hbm>>
        %dma_start3A_203 = tpu.memref_squeeze %dma_start3A_202 : memref<1x32x768xf32, #tpu.memory_space<hbm>> -> memref<32x768xf32, #tpu.memory_space<hbm>>
        tpu.enqueue_dma source(%dma_start3A_203 : memref<32x768xf32, #tpu.memory_space<hbm>>) target(%arg6 : memref<32x768xf32, #tpu.memory_space<vmem>>) target_semaphore(%arg11 : memref<!tpu.dma_semaphore, #tpu.memory_space<semaphore_mem>>)
      } else {
      }
      %parallel_loop3A_169 = arith.constant 0 : i32
      %parallel_loop3A_170 = arith.constant 32 : i32
      %parallel_loop3A_171 = arith.constant 1 : i32
      scf.for %parallel_loop3A_186 = %parallel_loop3A_169 to %parallel_loop3A_170 step %parallel_loop3A_171  : i32 {
        %parallel_loop3A_187 = arith.index_cast %parallel_loop3A_186 : i32 to index
        %parallel_loop3A_188 = arith.constant 0 : index
        %parallel_loop3A_189 = tpu.vector_load %arg9[%parallel_loop3A_187, %parallel_loop3A_188] {strides = array<i32>} : memref<32x768xf32, #tpu.memory_space<vmem>>, vector<1x16xf32>,
        %parallel_loop3A_190 = vector.shape_cast %parallel_loop3A_189 : vector<1x16xf32> to vector<16xf32>
        %parallel_loop3A_191 = arith.index_cast %parallel_loop3A_186 : i32 to index
        %parallel_loop3A_192 = arith.constant 0 : index
        %parallel_loop3A_193 = tpu.vector_load %arg8[%parallel_loop3A_191, %parallel_loop3A_192] {strides = array<i32>} : memref<32x768xf32, #tpu.memory_space<vmem>>, vector<1x16xf32>,
        %parallel_loop3A_194 = vector.shape_cast %parallel_loop3A_193 : vector<1x16xf32> to vector<16xf32>
        %parallel_loop3A_195 = vector.shape_cast %parallel_loop3A_190 : vector<16xf32> to vector<1x16xf32>
        tpu.vector_store %arg8[%parallel_loop3A_191, %parallel_loop3A_192], %parallel_loop3A_195 {add = true, strides = array<i32>} : memref<32x768xf32, #tpu.memory_space<vmem>>, vector<1x16xf32>,
        %parallel_loop3A_196 = arith.index_cast %parallel_loop3A_186 : i32 to index
        %parallel_loop3A_197 = arith.constant 16 : index
        %parallel_loop3A_198 = tpu.vector_load %arg9[%parallel_loop3A_196, %parallel_loop3A_197] {strides = array<i32>} : memref<32x768xf32, #tpu.memory_space<vmem>>, vector<1x16xf32>,
        %parallel_loop3A_199 = vector.shape_cast %parallel_loop3A_198 : vector<1x16xf32> to vector<16xf32>
        %parallel_loop3A_200 = arith.index_cast %parallel_loop3A_186 : i32 to index
        %parallel_loop3A_201 = arith.constant 16 : index
        %parallel_loop3A_202 = tpu.vector_load %arg8[%parallel_loop3A_200, %parallel_loop3A_201] {strides = array<i32>} : memref<32x768xf32, #tpu.memory_space<vmem>>, vector<1x16xf32>,
        %parallel_loop3A_203 = vector.shape_cast %parallel_loop3A_202 : vector<1x16xf32> to vector<16xf32>
        %parallel_loop3A_204 = vector.shape_cast %parallel_loop3A_199 : vector<16xf32> to vector<1x16xf32>
        tpu.vector_store %arg8[%parallel_loop3A_200, %parallel_loop3A_201], %parallel_loop3A_204 {add = true, strides = array<i32>} : memref<32x768xf32, #tpu.memory_space<vmem>>, vector<1x16xf32>,
        %parallel_loop3A_205 = arith.index_cast %parallel_loop3A_186 : i32 to index
        %parallel_loop3A_206 = arith.constant 32 : index
        %parallel_loop3A_207 = tpu.vector_load %arg9[%parallel_loop3A_205, %parallel_loop3A_206] {strides = array<i32>} : memref<32x768xf32, #tpu.memory_space<vmem>>, vector<1x16xf32>,
        %parallel_loop3A_208 = vector.shape_cast %parallel_loop3A_207 : vector<1x16xf32> to vector<16xf32>
        %parallel_loop3A_209 = arith.index_cast %parallel_loop3A_186 : i32 to index
        %parallel_loop3A_210 = arith.constant 32 : index
        %parallel_loop3A_211 = tpu.vector_load %arg8[%parallel_loop3A_209, %parallel_loop3A_210] {strides = array<i32>} : memref<32x768xf32, #tpu.memory_space<vmem>>, vector<1x16xf32>,
        %parallel_loop3A_212 = vector.shape_cast %parallel_loop3A_211 : vector<1x16xf32> to vector<16xf32>
        %parallel_loop3A_213 = vector.shape_cast %parallel_loop3A_208 : vector<16xf32> to vector<1x16xf32>
        tpu.vector_store %arg8[%parallel_loop3A_209, %parallel_loop3A_210], %parallel_loop3A_213 {add = true, strides = array<i32>} : memref<32x768xf32, #tpu.memory_space<vmem>>, vector<1x16xf32>,
        %parallel_loop3A_214 = arith.index_cast %parallel_loop3A_186 : i32 to index
        %parallel_loop3A_215 = arith.constant 48 : index
        %parallel_loop3A_216 = tpu.vector_load %arg9[%parallel_loop3A_214, %parallel_loop3A_215] {strides = array<i32>} : memref<32x768xf32, #tpu.memory_space<vmem>>, vector<1x16xf32>,
        %parallel_loop3A_217 = vector.shape_cast %parallel_loop3A_216 : vector<1x16xf32> to vector<16xf32>
        %parallel_loop3A_218 = arith.index_cast %parallel_loop3A_186 : i32 to index
        %parallel_loop3A_219 = arith.constant 48 : index
        %parallel_loop3A_220 = tpu.vector_load %arg8[%parallel_loop3A_218, %parallel_loop3A_219] {strides = array<i32>} : memref<32x768xf32, #tpu.memory_space<vmem>>, vector<1x16xf32>,
        %parallel_loop3A_221 = vector.shape_cast %parallel_loop3A_220 : vector<1x16xf32> to vector<16xf32>
        %parallel_loop3A_222 = vector.shape_cast %parallel_loop3A_217 : vector<16xf32> to vector<1x16xf32>
        tpu.vector_store %arg8[%parallel_loop3A_218, %parallel_loop3A_219], %parallel_loop3A_222 {add = true, strides = array<i32>} : memref<32x768xf32, #tpu.memory_space<vmem>>, vector<1x16xf32>,
        %parallel_loop3A_223 = arith.index_cast %parallel_loop3A_186 : i32 to index
        %parallel_loop3A_224 = arith.constant 64 : index
        %parallel_loop3A_225 = tpu.vector_load %arg9[%parallel_loop3A_223, %parallel_loop3A_224] {strides = array<i32>} : memref<32x768xf32, #tpu.memory_space<vmem>>, vector<1x16xf32>,
        %parallel_loop3A_226 = vector.shape_cast %parallel_loop3A_225 : vector<1x16xf32> to vector<16xf32>
        %parallel_loop3A_227 = arith.index_cast %parallel_loop3A_186 : i32 to index
        %parallel_loop3A_228 = arith.constant 64 : index
        %parallel_loop3A_229 = tpu.vector_load %arg8[%parallel_loop3A_227, %parallel_loop3A_228] {strides = array<i32>} : memref<32x768xf32, #tpu.memory_space<vmem>>, vector<1x16xf32>,
        %parallel_loop3A_230 = vector.shape_cast %parallel_loop3A_229 : vector<1x16xf32> to vector<16xf32>
        %parallel_loop3A_231 = vector.shape_cast %parallel_loop3A_226 : vector<16xf32> to vector<1x16xf32>
        tpu.vector_store %arg8[%parallel_loop3A_227, %parallel_loop3A_228], %parallel_loop3A_231 {add = true, strides = array<i32>} : memref<32x768xf32, #tpu.memory_space<vmem>>, vector<1x16xf32>,
        %parallel_loop3A_232 = arith.index_cast %parallel_loop3A_186 : i32 to index
        %parallel_loop3A_233 = arith.constant 80 : index
        %parallel_loop3A_234 = tpu.vector_load %arg9[%parallel_loop3A_232, %parallel_loop3A_233] {strides = array<i32>} : memref<32x768xf32, #tpu.memory_space<vmem>>, vector<1x16xf32>,
        %parallel_loop3A_235 = vector.shape_cast %parallel_loop3A_234 : vector<1x16xf32> to vector<16xf32>
        %parallel_loop3A_236 = arith.index_cast %parallel_loop3A_186 : i32 to index
        %parallel_loop3A_237 = arith.constant 80 : index
        %parallel_loop3A_238 = tpu.vector_load %arg8[%parallel_loop3A_236, %parallel_loop3A_237] {strides = array<i32>} : memref<32x768xf32, #tpu.memory_space<vmem>>, vector<1x16xf32>,
        %parallel_loop3A_239 = vector.shape_cast %parallel_loop3A_238 : vector<1x16xf32> to vector<16xf32>
        %parallel_loop3A_240 = vector.shape_cast %parallel_loop3A_235 : vector<16xf32> to vector<1x16xf32>
        tpu.vector_store %arg8[%parallel_loop3A_236, %parallel_loop3A_237], %parallel_loop3A_240 {add = true, strides = array<i32>} : memref<32x768xf32, #tpu.memory_space<vmem>>, vector<1x16xf32>,
        %parallel_loop3A_241 = arith.index_cast %parallel_loop3A_186 : i32 to index
        %parallel_loop3A_242 = arith.constant 96 : index
        %parallel_loop3A_243 = tpu.vector_load %arg9[%parallel_loop3A_241, %parallel_loop3A_242] {strides = array<i32>} : memref<32x768xf32, #tpu.memory_space<vmem>>, vector<1x16xf32>,
        %parallel_loop3A_244 = vector.shape_cast %parallel_loop3A_243 : vector<1x16xf32> to vector<16xf32>
        %parallel_loop3A_245 = arith.index_cast %parallel_loop3A_186 : i32 to index
        %parallel_loop3A_246 = arith.constant 96 : index
        %parallel_loop3A_247 = tpu.vector_load %arg8[%parallel_loop3A_245, %parallel_loop3A_246] {strides = array<i32>} : memref<32x768xf32, #tpu.memory_space<vmem>>, vector<1x16xf32>,
        %parallel_loop3A_248 = vector.shape_cast %parallel_loop3A_247 : vector<1x16xf32> to vector<16xf32>
        %parallel_loop3A_249 = vector.shape_cast %parallel_loop3A_244 : vector<16xf32> to vector<1x16xf32>
        tpu.vector_store %arg8[%parallel_loop3A_245, %parallel_loop3A_246], %parallel_loop3A_249 {add = true, strides = array<i32>} : memref<32x768xf32, #tpu.memory_space<vmem>>, vector<1x16xf32>,
        %parallel_loop3A_250 = arith.index_cast %parallel_loop3A_186 : i32 to index
        %parallel_loop3A_251 = arith.constant 112 : index
        %parallel_loop3A_252 = tpu.vector_load %arg9[%parallel_loop3A_250, %parallel_loop3A_251] {strides = array<i32>} : memref<32x768xf32, #tpu.memory_space<vmem>>, vector<1x16xf32>,
        %parallel_loop3A_253 = vector.shape_cast %parallel_loop3A_252 : vector<1x16xf32> to vector<16xf32>
        %parallel_loop3A_254 = arith.index_cast %parallel_loop3A_186 : i32 to index
        %parallel_loop3A_255 = arith.constant 112 : index
        %parallel_loop3A_256 = tpu.vector_load %arg8[%parallel_loop3A_254, %parallel_loop3A_255] {strides = array<i32>} : memref<32x768xf32, #tpu.memory_space<vmem>>, vector<1x16xf32>,
        %parallel_loop3A_257 = vector.shape_cast %parallel_loop3A_256 : vector<1x16xf32> to vector<16xf32>
        %parallel_loop3A_258 = vector.shape_cast %parallel_loop3A_253 : vector<16xf32> to vector<1x16xf32>
        tpu.vector_store %arg8[%parallel_loop3A_254, %parallel_loop3A_255], %parallel_loop3A_258 {add = true, strides = array<i32>} : memref<32x768xf32, #tpu.memory_space<vmem>>, vector<1x16xf32>,
        %parallel_loop3A_259 = arith.index_cast %parallel_loop3A_186 : i32 to index
        %parallel_loop3A_260 = arith.constant 128 : index
        %parallel_loop3A_261 = tpu.vector_load %arg9[%parallel_loop3A_259, %parallel_loop3A_260] {strides = array<i32>} : memref<32x768xf32, #tpu.memory_space<vmem>>, vector<1x16xf32>,
        %parallel_loop3A_262 = vector.shape_cast %parallel_loop3A_261 : vector<1x16xf32> to vector<16xf32>
        %parallel_loop3A_263 = arith.index_cast %parallel_loop3A_186 : i32 to index
        %parallel_loop3A_264 = arith.constant 128 : index
        %parallel_loop3A_265 = tpu.vector_load %arg8[%parallel_loop3A_263, %parallel_loop3A_264] {strides = array<i32>} : memref<32x768xf32, #tpu.memory_space<vmem>>, vector<1x16xf32>,
        %parallel_loop3A_266 = vector.shape_cast %parallel_loop3A_265 : vector<1x16xf32> to vector<16xf32>
        %parallel_loop3A_267 = vector.shape_cast %parallel_loop3A_262 : vector<16xf32> to vector<1x16xf32>
        tpu.vector_store %arg8[%parallel_loop3A_263, %parallel_loop3A_264], %parallel_loop3A_267 {add = true, strides = array<i32>} : memref<32x768xf32, #tpu.memory_space<vmem>>, vector<1x16xf32>,
        %parallel_loop3A_268 = arith.index_cast %parallel_loop3A_186 : i32 to index
        %parallel_loop3A_269 = arith.constant 144 : index
        %parallel_loop3A_270 = tpu.vector_load %arg9[%parallel_loop3A_268, %parallel_loop3A_269] {strides = array<i32>} : memref<32x768xf32, #tpu.memory_space<vmem>>, vector<1x16xf32>,
        %parallel_loop3A_271 = vector.shape_cast %parallel_loop3A_270 : vector<1x16xf32> to vector<16xf32>
        %parallel_loop3A_272 = arith.index_cast %parallel_loop3A_186 : i32 to index
        %parallel_loop3A_273 = arith.constant 144 : index
        %parallel_loop3A_274 = tpu.vector_load %arg8[%parallel_loop3A_272, %parallel_loop3A_273] {strides = array<i32>} : memref<32x768xf32, #tpu.memory_space<vmem>>, vector<1x16xf32>,
        %parallel_loop3A_275 = vector.shape_cast %parallel_loop3A_274 : vector<1x16xf32> to vector<16xf32>
        %parallel_loop3A_276 = vector.shape_cast %parallel_loop3A_271 : vector<16xf32> to vector<1x16xf32>
        tpu.vector_store %arg8[%parallel_loop3A_272, %parallel_loop3A_273], %parallel_loop3A_276 {add = true, strides = array<i32>} : memref<32x768xf32, #tpu.memory_space<vmem>>, vector<1x16xf32>,
        %parallel_loop3A_277 = arith.index_cast %parallel_loop3A_186 : i32 to index
        %parallel_loop3A_278 = arith.constant 160 : index
        %parallel_loop3A_279 = tpu.vector_load %arg9[%parallel_loop3A_277, %parallel_loop3A_278] {strides = array<i32>} : memref<32x768xf32, #tpu.memory_space<vmem>>, vector<1x16xf32>,
        %parallel_loop3A_280 = vector.shape_cast %parallel_loop3A_279 : vector<1x16xf32> to vector<16xf32>
        %parallel_loop3A_281 = arith.index_cast %parallel_loop3A_186 : i32 to index
        %parallel_loop3A_282 = arith.constant 160 : index
        %parallel_loop3A_283 = tpu.vector_load %arg8[%parallel_loop3A_281, %parallel_loop3A_282] {strides = array<i32>} : memref<32x768xf32, #tpu.memory_space<vmem>>, vector<1x16xf32>,
        %parallel_loop3A_284 = vector.shape_cast %parallel_loop3A_283 : vector<1x16xf32> to vector<16xf32>
        %parallel_loop3A_285 = vector.shape_cast %parallel_loop3A_280 : vector<16xf32> to vector<1x16xf32>
        tpu.vector_store %arg8[%parallel_loop3A_281, %parallel_loop3A_282], %parallel_loop3A_285 {add = true, strides = array<i32>} : memref<32x768xf32, #tpu.memory_space<vmem>>, vector<1x16xf32>,
        %parallel_loop3A_286 = arith.index_cast %parallel_loop3A_186 : i32 to index
        %parallel_loop3A_287 = arith.constant 176 : index
        %parallel_loop3A_288 = tpu.vector_load %arg9[%parallel_loop3A_286, %parallel_loop3A_287] {strides = array<i32>} : memref<32x768xf32, #tpu.memory_space<vmem>>, vector<1x16xf32>,
        %parallel_loop3A_289 = vector.shape_cast %parallel_loop3A_288 : vector<1x16xf32> to vector<16xf32>
        %parallel_loop3A_290 = arith.index_cast %parallel_loop3A_186 : i32 to index
        %parallel_loop3A_291 = arith.constant 176 : index
        %parallel_loop3A_292 = tpu.vector_load %arg8[%parallel_loop3A_290, %parallel_loop3A_291] {strides = array<i32>} : memref<32x768xf32, #tpu.memory_space<vmem>>, vector<1x16xf32>,
        %parallel_loop3A_293 = vector.shape_cast %parallel_loop3A_292 : vector<1x16xf32> to vector<16xf32>
        %parallel_loop3A_294 = vector.shape_cast %parallel_loop3A_289 : vector<16xf32> to vector<1x16xf32>
        tpu.vector_store %arg8[%parallel_loop3A_290, %parallel_loop3A_291], %parallel_loop3A_294 {add = true, strides = array<i32>} : memref<32x768xf32, #tpu.memory_space<vmem>>, vector<1x16xf32>,
        %parallel_loop3A_295 = arith.index_cast %parallel_loop3A_186 : i32 to index
        %parallel_loop3A_296 = arith.constant 192 : index
        %parallel_loop3A_297 = tpu.vector_load %arg9[%parallel_loop3A_295, %parallel_loop3A_296] {strides = array<i32>} : memref<32x768xf32, #tpu.memory_space<vmem>>, vector<1x16xf32>,
        %parallel_loop3A_298 = vector.shape_cast %parallel_loop3A_297 : vector<1x16xf32> to vector<16xf32>
        %parallel_loop3A_299 = arith.index_cast %parallel_loop3A_186 : i32 to index
        %parallel_loop3A_300 = arith.constant 192 : index
        %parallel_loop3A_301 = tpu.vector_load %arg8[%parallel_loop3A_299, %parallel_loop3A_300] {strides = array<i32>} : memref<32x768xf32, #tpu.memory_space<vmem>>, vector<1x16xf32>,
        %parallel_loop3A_302 = vector.shape_cast %parallel_loop3A_301 : vector<1x16xf32> to vector<16xf32>
        %parallel_loop3A_303 = vector.shape_cast %parallel_loop3A_298 : vector<16xf32> to vector<1x16xf32>
        tpu.vector_store %arg8[%parallel_loop3A_299, %parallel_loop3A_300], %parallel_loop3A_303 {add = true, strides = array<i32>} : memref<32x768xf32, #tpu.memory_space<vmem>>, vector<1x16xf32>,
        %parallel_loop3A_304 = arith.index_cast %parallel_loop3A_186 : i32 to index
        %parallel_loop3A_305 = arith.constant 208 : index
        %parallel_loop3A_306 = tpu.vector_load %arg9[%parallel_loop3A_304, %parallel_loop3A_305] {strides = array<i32>} : memref<32x768xf32, #tpu.memory_space<vmem>>, vector<1x16xf32>,
        %parallel_loop3A_307 = vector.shape_cast %parallel_loop3A_306 : vector<1x16xf32> to vector<16xf32>
        %parallel_loop3A_308 = arith.index_cast %parallel_loop3A_186 : i32 to index
        %parallel_loop3A_309 = arith.constant 208 : index
        %parallel_loop3A_310 = tpu.vector_load %arg8[%parallel_loop3A_308, %parallel_loop3A_309] {strides = array<i32>} : memref<32x768xf32, #tpu.memory_space<vmem>>, vector<1x16xf32>,
        %parallel_loop3A_311 = vector.shape_cast %parallel_loop3A_310 : vector<1x16xf32> to vector<16xf32>
        %parallel_loop3A_312 = vector.shape_cast %parallel_loop3A_307 : vector<16xf32> to vector<1x16xf32>
        tpu.vector_store %arg8[%parallel_loop3A_308, %parallel_loop3A_309], %parallel_loop3A_312 {add = true, strides = array<i32>} : memref<32x768xf32, #tpu.memory_space<vmem>>, vector<1x16xf32>,
        %parallel_loop3A_313 = arith.index_cast %parallel_loop3A_186 : i32 to index
        %parallel_loop3A_314 = arith.constant 224 : index
        %parallel_loop3A_315 = tpu.vector_load %arg9[%parallel_loop3A_313, %parallel_loop3A_314] {strides = array<i32>} : memref<32x768xf32, #tpu.memory_space<vmem>>, vector<1x16xf32>,
        %parallel_loop3A_316 = vector.shape_cast %parallel_loop3A_315 : vector<1x16xf32> to vector<16xf32>
        %parallel_loop3A_317 = arith.index_cast %parallel_loop3A_186 : i32 to index
        %parallel_loop3A_318 = arith.constant 224 : index
        %parallel_loop3A_319 = tpu.vector_load %arg8[%parallel_loop3A_317, %parallel_loop3A_318] {strides = array<i32>} : memref<32x768xf32, #tpu.memory_space<vmem>>, vector<1x16xf32>,
        %parallel_loop3A_320 = vector.shape_cast %parallel_loop3A_319 : vector<1x16xf32> to vector<16xf32>
        %parallel_loop3A_321 = vector.shape_cast %parallel_loop3A_316 : vector<16xf32> to vector<1x16xf32>
        tpu.vector_store %arg8[%parallel_loop3A_317, %parallel_loop3A_318], %parallel_loop3A_321 {add = true, strides = array<i32>} : memref<32x768xf32, #tpu.memory_space<vmem>>, vector<1x16xf32>,
        %parallel_loop3A_322 = arith.index_cast %parallel_loop3A_186 : i32 to index
        %parallel_loop3A_323 = arith.constant 240 : index
        %parallel_loop3A_324 = tpu.vector_load %arg9[%parallel_loop3A_322, %parallel_loop3A_323] {strides = array<i32>} : memref<32x768xf32, #tpu.memory_space<vmem>>, vector<1x16xf32>,
        %parallel_loop3A_325 = vector.shape_cast %parallel_loop3A_324 : vector<1x16xf32> to vector<16xf32>
        %parallel_loop3A_326 = arith.index_cast %parallel_loop3A_186 : i32 to index
        %parallel_loop3A_327 = arith.constant 240 : index
        %parallel_loop3A_328 = tpu.vector_load %arg8[%parallel_loop3A_326, %parallel_loop3A_327] {strides = array<i32>} : memref<32x768xf32, #tpu.memory_space<vmem>>, vector<1x16xf32>,
        %parallel_loop3A_329 = vector.shape_cast %parallel_loop3A_328 : vector<1x16xf32> to vector<16xf32>
        %parallel_loop3A_330 = vector.shape_cast %parallel_loop3A_325 : vector<16xf32> to vector<1x16xf32>
        tpu.vector_store %arg8[%parallel_loop3A_326, %parallel_loop3A_327], %parallel_loop3A_330 {add = true, strides = array<i32>} : memref<32x768xf32, #tpu.memory_space<vmem>>, vector<1x16xf32>,
        %parallel_loop3A_331 = arith.index_cast %parallel_loop3A_186 : i32 to index
        %parallel_loop3A_332 = arith.constant 256 : index
        %parallel_loop3A_333 = tpu.vector_load %arg9[%parallel_loop3A_331, %parallel_loop3A_332] {strides = array<i32>} : memref<32x768xf32, #tpu.memory_space<vmem>>, vector<1x16xf32>,
        %parallel_loop3A_334 = vector.shape_cast %parallel_loop3A_333 : vector<1x16xf32> to vector<16xf32>
        %parallel_loop3A_335 = arith.index_cast %parallel_loop3A_186 : i32 to index
        %parallel_loop3A_336 = arith.constant 256 : index
        %parallel_loop3A_337 = tpu.vector_load %arg8[%parallel_loop3A_335, %parallel_loop3A_336] {strides = array<i32>} : memref<32x768xf32, #tpu.memory_space<vmem>>, vector<1x16xf32>,
        %parallel_loop3A_338 = vector.shape_cast %parallel_loop3A_337 : vector<1x16xf32> to vector<16xf32>
        %parallel_loop3A_339 = vector.shape_cast %parallel_loop3A_334 : vector<16xf32> to vector<1x16xf32>
        tpu.vector_store %arg8[%parallel_loop3A_335, %parallel_loop3A_336], %parallel_loop3A_339 {add = true, strides = array<i32>} : memref<32x768xf32, #tpu.memory_space<vmem>>, vector<1x16xf32>,
        %parallel_loop3A_340 = arith.index_cast %parallel_loop3A_186 : i32 to index
        %parallel_loop3A_341 = arith.constant 272 : index
        %parallel_loop3A_342 = tpu.vector_load %arg9[%parallel_loop3A_340, %parallel_loop3A_341] {strides = array<i32>} : memref<32x768xf32, #tpu.memory_space<vmem>>, vector<1x16xf32>,
        %parallel_loop3A_343 = vector.shape_cast %parallel_loop3A_342 : vector<1x16xf32> to vector<16xf32>
        %parallel_loop3A_344 = arith.index_cast %parallel_loop3A_186 : i32 to index
        %parallel_loop3A_345 = arith.constant 272 : index
        %parallel_loop3A_346 = tpu.vector_load %arg8[%parallel_loop3A_344, %parallel_loop3A_345] {strides = array<i32>} : memref<32x768xf32, #tpu.memory_space<vmem>>, vector<1x16xf32>,
        %parallel_loop3A_347 = vector.shape_cast %parallel_loop3A_346 : vector<1x16xf32> to vector<16xf32>
        %parallel_loop3A_348 = vector.shape_cast %parallel_loop3A_343 : vector<16xf32> to vector<1x16xf32>
        tpu.vector_store %arg8[%parallel_loop3A_344, %parallel_loop3A_345], %parallel_loop3A_348 {add = true, strides = array<i32>} : memref<32x768xf32, #tpu.memory_space<vmem>>, vector<1x16xf32>,
        %parallel_loop3A_349 = arith.index_cast %parallel_loop3A_186 : i32 to index
        %parallel_loop3A_350 = arith.constant 288 : index
        %parallel_loop3A_351 = tpu.vector_load %arg9[%parallel_loop3A_349, %parallel_loop3A_350] {strides = array<i32>} : memref<32x768xf32, #tpu.memory_space<vmem>>, vector<1x16xf32>,
        %parallel_loop3A_352 = vector.shape_cast %parallel_loop3A_351 : vector<1x16xf32> to vector<16xf32>
        %parallel_loop3A_353 = arith.index_cast %parallel_loop3A_186 : i32 to index
        %parallel_loop3A_354 = arith.constant 288 : index
        %parallel_loop3A_355 = tpu.vector_load %arg8[%parallel_loop3A_353, %parallel_loop3A_354] {strides = array<i32>} : memref<32x768xf32, #tpu.memory_space<vmem>>, vector<1x16xf32>,
        %parallel_loop3A_356 = vector.shape_cast %parallel_loop3A_355 : vector<1x16xf32> to vector<16xf32>
        %parallel_loop3A_357 = vector.shape_cast %parallel_loop3A_352 : vector<16xf32> to vector<1x16xf32>
        tpu.vector_store %arg8[%parallel_loop3A_353, %parallel_loop3A_354], %parallel_loop3A_357 {add = true, strides = array<i32>} : memref<32x768xf32, #tpu.memory_space<vmem>>, vector<1x16xf32>,
        %parallel_loop3A_358 = arith.index_cast %parallel_loop3A_186 : i32 to index
        %parallel_loop3A_359 = arith.constant 304 : index
        %parallel_loop3A_360 = tpu.vector_load %arg9[%parallel_loop3A_358, %parallel_loop3A_359] {strides = array<i32>} : memref<32x768xf32, #tpu.memory_space<vmem>>, vector<1x16xf32>,
        %parallel_loop3A_361 = vector.shape_cast %parallel_loop3A_360 : vector<1x16xf32> to vector<16xf32>
        %parallel_loop3A_362 = arith.index_cast %parallel_loop3A_186 : i32 to index
        %parallel_loop3A_363 = arith.constant 304 : index
        %parallel_loop3A_364 = tpu.vector_load %arg8[%parallel_loop3A_362, %parallel_loop3A_363] {strides = array<i32>} : memref<32x768xf32, #tpu.memory_space<vmem>>, vector<1x16xf32>,
        %parallel_loop3A_365 = vector.shape_cast %parallel_loop3A_364 : vector<1x16xf32> to vector<16xf32>
        %parallel_loop3A_366 = vector.shape_cast %parallel_loop3A_361 : vector<16xf32> to vector<1x16xf32>
        tpu.vector_store %arg8[%parallel_loop3A_362, %parallel_loop3A_363], %parallel_loop3A_366 {add = true, strides = array<i32>} : memref<32x768xf32, #tpu.memory_space<vmem>>, vector<1x16xf32>,
        %parallel_loop3A_367 = arith.index_cast %parallel_loop3A_186 : i32 to index
        %parallel_loop3A_368 = arith.constant 320 : index
        %parallel_loop3A_369 = tpu.vector_load %arg9[%parallel_loop3A_367, %parallel_loop3A_368] {strides = array<i32>} : memref<32x768xf32, #tpu.memory_space<vmem>>, vector<1x16xf32>,
        %parallel_loop3A_370 = vector.shape_cast %parallel_loop3A_369 : vector<1x16xf32> to vector<16xf32>
        %parallel_loop3A_371 = arith.index_cast %parallel_loop3A_186 : i32 to index
        %parallel_loop3A_372 = arith.constant 320 : index
        %parallel_loop3A_373 = tpu.vector_load %arg8[%parallel_loop3A_371, %parallel_loop3A_372] {strides = array<i32>} : memref<32x768xf32, #tpu.memory_space<vmem>>, vector<1x16xf32>,
        %parallel_loop3A_374 = vector.shape_cast %parallel_loop3A_373 : vector<1x16xf32> to vector<16xf32>
        %parallel_loop3A_375 = vector.shape_cast %parallel_loop3A_370 : vector<16xf32> to vector<1x16xf32>
        tpu.vector_store %arg8[%parallel_loop3A_371, %parallel_loop3A_372], %parallel_loop3A_375 {add = true, strides = array<i32>} : memref<32x768xf32, #tpu.memory_space<vmem>>, vector<1x16xf32>,
        %parallel_loop3A_376 = arith.index_cast %parallel_loop3A_186 : i32 to index
        %parallel_loop3A_377 = arith.constant 336 : index
        %parallel_loop3A_378 = tpu.vector_load %arg9[%parallel_loop3A_376, %parallel_loop3A_377] {strides = array<i32>} : memref<32x768xf32, #tpu.memory_space<vmem>>, vector<1x16xf32>,
        %parallel_loop3A_379 = vector.shape_cast %parallel_loop3A_378 : vector<1x16xf32> to vector<16xf32>
        %parallel_loop3A_380 = arith.index_cast %parallel_loop3A_186 : i32 to index
        %parallel_loop3A_381 = arith.constant 336 : index
        %parallel_loop3A_382 = tpu.vector_load %arg8[%parallel_loop3A_380, %parallel_loop3A_381] {strides = array<i32>} : memref<32x768xf32, #tpu.memory_space<vmem>>, vector<1x16xf32>,
        %parallel_loop3A_383 = vector.shape_cast %parallel_loop3A_382 : vector<1x16xf32> to vector<16xf32>
        %parallel_loop3A_384 = vector.shape_cast %parallel_loop3A_379 : vector<16xf32> to vector<1x16xf32>
        tpu.vector_store %arg8[%parallel_loop3A_380, %parallel_loop3A_381], %parallel_loop3A_384 {add = true, strides = array<i32>} : memref<32x768xf32, #tpu.memory_space<vmem>>, vector<1x16xf32>,
        %parallel_loop3A_385 = arith.index_cast %parallel_loop3A_186 : i32 to index
        %parallel_loop3A_386 = arith.constant 352 : index
        %parallel_loop3A_387 = tpu.vector_load %arg9[%parallel_loop3A_385, %parallel_loop3A_386] {strides = array<i32>} : memref<32x768xf32, #tpu.memory_space<vmem>>, vector<1x16xf32>,
        %parallel_loop3A_388 = vector.shape_cast %parallel_loop3A_387 : vector<1x16xf32> to vector<16xf32>
        %parallel_loop3A_389 = arith.index_cast %parallel_loop3A_186 : i32 to index
        %parallel_loop3A_390 = arith.constant 352 : index
        %parallel_loop3A_391 = tpu.vector_load %arg8[%parallel_loop3A_389, %parallel_loop3A_390] {strides = array<i32>} : memref<32x768xf32, #tpu.memory_space<vmem>>, vector<1x16xf32>,
        %parallel_loop3A_392 = vector.shape_cast %parallel_loop3A_391 : vector<1x16xf32> to vector<16xf32>
        %parallel_loop3A_393 = vector.shape_cast %parallel_loop3A_388 : vector<16xf32> to vector<1x16xf32>
        tpu.vector_store %arg8[%parallel_loop3A_389, %parallel_loop3A_390], %parallel_loop3A_393 {add = true, strides = array<i32>} : memref<32x768xf32, #tpu.memory_space<vmem>>, vector<1x16xf32>,
        %parallel_loop3A_394 = arith.index_cast %parallel_loop3A_186 : i32 to index
        %parallel_loop3A_395 = arith.constant 368 : index
        %parallel_loop3A_396 = tpu.vector_load %arg9[%parallel_loop3A_394, %parallel_loop3A_395] {strides = array<i32>} : memref<32x768xf32, #tpu.memory_space<vmem>>, vector<1x16xf32>,
        %parallel_loop3A_397 = vector.shape_cast %parallel_loop3A_396 : vector<1x16xf32> to vector<16xf32>
        %parallel_loop3A_398 = arith.index_cast %parallel_loop3A_186 : i32 to index
        %parallel_loop3A_399 = arith.constant 368 : index
        %parallel_loop3A_400 = tpu.vector_load %arg8[%parallel_loop3A_398, %parallel_loop3A_399] {strides = array<i32>} : memref<32x768xf32, #tpu.memory_space<vmem>>, vector<1x16xf32>,
        %parallel_loop3A_401 = vector.shape_cast %parallel_loop3A_400 : vector<1x16xf32> to vector<16xf32>
        %parallel_loop3A_402 = vector.shape_cast %parallel_loop3A_397 : vector<16xf32> to vector<1x16xf32>
        tpu.vector_store %arg8[%parallel_loop3A_398, %parallel_loop3A_399], %parallel_loop3A_402 {add = true, strides = array<i32>} : memref<32x768xf32, #tpu.memory_space<vmem>>, vector<1x16xf32>,
        %parallel_loop3A_403 = arith.index_cast %parallel_loop3A_186 : i32 to index
        %parallel_loop3A_404 = arith.constant 384 : index
        %parallel_loop3A_405 = tpu.vector_load %arg9[%parallel_loop3A_403, %parallel_loop3A_404] {strides = array<i32>} : memref<32x768xf32, #tpu.memory_space<vmem>>, vector<1x16xf32>,
        %parallel_loop3A_406 = vector.shape_cast %parallel_loop3A_405 : vector<1x16xf32> to vector<16xf32>
        %parallel_loop3A_407 = arith.index_cast %parallel_loop3A_186 : i32 to index
        %parallel_loop3A_408 = arith.constant 384 : index
        %parallel_loop3A_409 = tpu.vector_load %arg8[%parallel_loop3A_407, %parallel_loop3A_408] {strides = array<i32>} : memref<32x768xf32, #tpu.memory_space<vmem>>, vector<1x16xf32>,
        %parallel_loop3A_410 = vector.shape_cast %parallel_loop3A_409 : vector<1x16xf32> to vector<16xf32>
        %parallel_loop3A_411 = vector.shape_cast %parallel_loop3A_406 : vector<16xf32> to vector<1x16xf32>
        tpu.vector_store %arg8[%parallel_loop3A_407, %parallel_loop3A_408], %parallel_loop3A_411 {add = true, strides = array<i32>} : memref<32x768xf32, #tpu.memory_space<vmem>>, vector<1x16xf32>,
        %parallel_loop3A_412 = arith.index_cast %parallel_loop3A_186 : i32 to index
        %parallel_loop3A_413 = arith.constant 400 : index
        %parallel_loop3A_414 = tpu.vector_load %arg9[%parallel_loop3A_412, %parallel_loop3A_413] {strides = array<i32>} : memref<32x768xf32, #tpu.memory_space<vmem>>, vector<1x16xf32>,
        %parallel_loop3A_415 = vector.shape_cast %parallel_loop3A_414 : vector<1x16xf32> to vector<16xf32>
        %parallel_loop3A_416 = arith.index_cast %parallel_loop3A_186 : i32 to index
        %parallel_loop3A_417 = arith.constant 400 : index
        %parallel_loop3A_418 = tpu.vector_load %arg8[%parallel_loop3A_416, %parallel_loop3A_417] {strides = array<i32>} : memref<32x768xf32, #tpu.memory_space<vmem>>, vector<1x16xf32>,
        %parallel_loop3A_419 = vector.shape_cast %parallel_loop3A_418 : vector<1x16xf32> to vector<16xf32>
        %parallel_loop3A_420 = vector.shape_cast %parallel_loop3A_415 : vector<16xf32> to vector<1x16xf32>
        tpu.vector_store %arg8[%parallel_loop3A_416, %parallel_loop3A_417], %parallel_loop3A_420 {add = true, strides = array<i32>} : memref<32x768xf32, #tpu.memory_space<vmem>>, vector<1x16xf32>,
        %parallel_loop3A_421 = arith.index_cast %parallel_loop3A_186 : i32 to index
        %parallel_loop3A_422 = arith.constant 416 : index
        %parallel_loop3A_423 = tpu.vector_load %arg9[%parallel_loop3A_421, %parallel_loop3A_422] {strides = array<i32>} : memref<32x768xf32, #tpu.memory_space<vmem>>, vector<1x16xf32>,
        %parallel_loop3A_424 = vector.shape_cast %parallel_loop3A_423 : vector<1x16xf32> to vector<16xf32>
        %parallel_loop3A_425 = arith.index_cast %parallel_loop3A_186 : i32 to index
        %parallel_loop3A_426 = arith.constant 416 : index
        %parallel_loop3A_427 = tpu.vector_load %arg8[%parallel_loop3A_425, %parallel_loop3A_426] {strides = array<i32>} : memref<32x768xf32, #tpu.memory_space<vmem>>, vector<1x16xf32>,
        %parallel_loop3A_428 = vector.shape_cast %parallel_loop3A_427 : vector<1x16xf32> to vector<16xf32>
        %parallel_loop3A_429 = vector.shape_cast %parallel_loop3A_424 : vector<16xf32> to vector<1x16xf32>
        tpu.vector_store %arg8[%parallel_loop3A_425, %parallel_loop3A_426], %parallel_loop3A_429 {add = true, strides = array<i32>} : memref<32x768xf32, #tpu.memory_space<vmem>>, vector<1x16xf32>,
        %parallel_loop3A_430 = arith.index_cast %parallel_loop3A_186 : i32 to index
        %parallel_loop3A_431 = arith.constant 432 : index
        %parallel_loop3A_432 = tpu.vector_load %arg9[%parallel_loop3A_430, %parallel_loop3A_431] {strides = array<i32>} : memref<32x768xf32, #tpu.memory_space<vmem>>, vector<1x16xf32>,
        %parallel_loop3A_433 = vector.shape_cast %parallel_loop3A_432 : vector<1x16xf32> to vector<16xf32>
        %parallel_loop3A_434 = arith.index_cast %parallel_loop3A_186 : i32 to index
        %parallel_loop3A_435 = arith.constant 432 : index
        %parallel_loop3A_436 = tpu.vector_load %arg8[%parallel_loop3A_434, %parallel_loop3A_435] {strides = array<i32>} : memref<32x768xf32, #tpu.memory_space<vmem>>, vector<1x16xf32>,
        %parallel_loop3A_437 = vector.shape_cast %parallel_loop3A_436 : vector<1x16xf32> to vector<16xf32>
        %parallel_loop3A_438 = vector.shape_cast %parallel_loop3A_433 : vector<16xf32> to vector<1x16xf32>
        tpu.vector_store %arg8[%parallel_loop3A_434, %parallel_loop3A_435], %parallel_loop3A_438 {add = true, strides = array<i32>} : memref<32x768xf32, #tpu.memory_space<vmem>>, vector<1x16xf32>,
        %parallel_loop3A_439 = arith.index_cast %parallel_loop3A_186 : i32 to index
        %parallel_loop3A_440 = arith.constant 448 : index
        %parallel_loop3A_441 = tpu.vector_load %arg9[%parallel_loop3A_439, %parallel_loop3A_440] {strides = array<i32>} : memref<32x768xf32, #tpu.memory_space<vmem>>, vector<1x16xf32>,
        %parallel_loop3A_442 = vector.shape_cast %parallel_loop3A_441 : vector<1x16xf32> to vector<16xf32>
        %parallel_loop3A_443 = arith.index_cast %parallel_loop3A_186 : i32 to index
        %parallel_loop3A_444 = arith.constant 448 : index
        %parallel_loop3A_445 = tpu.vector_load %arg8[%parallel_loop3A_443, %parallel_loop3A_444] {strides = array<i32>} : memref<32x768xf32, #tpu.memory_space<vmem>>, vector<1x16xf32>,
        %parallel_loop3A_446 = vector.shape_cast %parallel_loop3A_445 : vector<1x16xf32> to vector<16xf32>
        %parallel_loop3A_447 = vector.shape_cast %parallel_loop3A_442 : vector<16xf32> to vector<1x16xf32>
        tpu.vector_store %arg8[%parallel_loop3A_443, %parallel_loop3A_444], %parallel_loop3A_447 {add = true, strides = array<i32>} : memref<32x768xf32, #tpu.memory_space<vmem>>, vector<1x16xf32>,
        %parallel_loop3A_448 = arith.index_cast %parallel_loop3A_186 : i32 to index
        %parallel_loop3A_449 = arith.constant 464 : index
        %parallel_loop3A_450 = tpu.vector_load %arg9[%parallel_loop3A_448, %parallel_loop3A_449] {strides = array<i32>} : memref<32x768xf32, #tpu.memory_space<vmem>>, vector<1x16xf32>,
        %parallel_loop3A_451 = vector.shape_cast %parallel_loop3A_450 : vector<1x16xf32> to vector<16xf32>
        %parallel_loop3A_452 = arith.index_cast %parallel_loop3A_186 : i32 to index
        %parallel_loop3A_453 = arith.constant 464 : index
        %parallel_loop3A_454 = tpu.vector_load %arg8[%parallel_loop3A_452, %parallel_loop3A_453] {strides = array<i32>} : memref<32x768xf32, #tpu.memory_space<vmem>>, vector<1x16xf32>,
        %parallel_loop3A_455 = vector.shape_cast %parallel_loop3A_454 : vector<1x16xf32> to vector<16xf32>
        %parallel_loop3A_456 = vector.shape_cast %parallel_loop3A_451 : vector<16xf32> to vector<1x16xf32>
        tpu.vector_store %arg8[%parallel_loop3A_452, %parallel_loop3A_453], %parallel_loop3A_456 {add = true, strides = array<i32>} : memref<32x768xf32, #tpu.memory_space<vmem>>, vector<1x16xf32>,
        %parallel_loop3A_457 = arith.index_cast %parallel_loop3A_186 : i32 to index
        %parallel_loop3A_458 = arith.constant 480 : index
        %parallel_loop3A_459 = tpu.vector_load %arg9[%parallel_loop3A_457, %parallel_loop3A_458] {strides = array<i32>} : memref<32x768xf32, #tpu.memory_space<vmem>>, vector<1x16xf32>,
        %parallel_loop3A_460 = vector.shape_cast %parallel_loop3A_459 : vector<1x16xf32> to vector<16xf32>
        %parallel_loop3A_461 = arith.index_cast %parallel_loop3A_186 : i32 to index
        %parallel_loop3A_462 = arith.constant 480 : index
        %parallel_loop3A_463 = tpu.vector_load %arg8[%parallel_loop3A_461, %parallel_loop3A_462] {strides = array<i32>} : memref<32x768xf32, #tpu.memory_space<vmem>>, vector<1x16xf32>,
        %parallel_loop3A_464 = vector.shape_cast %parallel_loop3A_463 : vector<1x16xf32> to vector<16xf32>
        %parallel_loop3A_465 = vector.shape_cast %parallel_loop3A_460 : vector<16xf32> to vector<1x16xf32>
        tpu.vector_store %arg8[%parallel_loop3A_461, %parallel_loop3A_462], %parallel_loop3A_465 {add = true, strides = array<i32>} : memref<32x768xf32, #tpu.memory_space<vmem>>, vector<1x16xf32>,
        %parallel_loop3A_466 = arith.index_cast %parallel_loop3A_186 : i32 to index
        %parallel_loop3A_467 = arith.constant 496 : index
        %parallel_loop3A_468 = tpu.vector_load %arg9[%parallel_loop3A_466, %parallel_loop3A_467] {strides = array<i32>} : memref<32x768xf32, #tpu.memory_space<vmem>>, vector<1x16xf32>,
        %parallel_loop3A_469 = vector.shape_cast %parallel_loop3A_468 : vector<1x16xf32> to vector<16xf32>
        %parallel_loop3A_470 = arith.index_cast %parallel_loop3A_186 : i32 to index
        %parallel_loop3A_471 = arith.constant 496 : index
        %parallel_loop3A_472 = tpu.vector_load %arg8[%parallel_loop3A_470, %parallel_loop3A_471] {strides = array<i32>} : memref<32x768xf32, #tpu.memory_space<vmem>>, vector<1x16xf32>,
        %parallel_loop3A_473 = vector.shape_cast %parallel_loop3A_472 : vector<1x16xf32> to vector<16xf32>
        %parallel_loop3A_474 = vector.shape_cast %parallel_loop3A_469 : vector<16xf32> to vector<1x16xf32>
        tpu.vector_store %arg8[%parallel_loop3A_470, %parallel_loop3A_471], %parallel_loop3A_474 {add = true, strides = array<i32>} : memref<32x768xf32, #tpu.memory_space<vmem>>, vector<1x16xf32>,
        %parallel_loop3A_475 = arith.index_cast %parallel_loop3A_186 : i32 to index
        %parallel_loop3A_476 = arith.constant 512 : index
        %parallel_loop3A_477 = tpu.vector_load %arg9[%parallel_loop3A_475, %parallel_loop3A_476] {strides = array<i32>} : memref<32x768xf32, #tpu.memory_space<vmem>>, vector<1x16xf32>,
        %parallel_loop3A_478 = vector.shape_cast %parallel_loop3A_477 : vector<1x16xf32> to vector<16xf32>
        %parallel_loop3A_479 = arith.index_cast %parallel_loop3A_186 : i32 to index
        %parallel_loop3A_480 = arith.constant 512 : index
        %parallel_loop3A_481 = tpu.vector_load %arg8[%parallel_loop3A_479, %parallel_loop3A_480] {strides = array<i32>} : memref<32x768xf32, #tpu.memory_space<vmem>>, vector<1x16xf32>,
        %parallel_loop3A_482 = vector.shape_cast %parallel_loop3A_481 : vector<1x16xf32> to vector<16xf32>
        %parallel_loop3A_483 = vector.shape_cast %parallel_loop3A_478 : vector<16xf32> to vector<1x16xf32>
        tpu.vector_store %arg8[%parallel_loop3A_479, %parallel_loop3A_480], %parallel_loop3A_483 {add = true, strides = array<i32>} : memref<32x768xf32, #tpu.memory_space<vmem>>, vector<1x16xf32>,
        %parallel_loop3A_484 = arith.index_cast %parallel_loop3A_186 : i32 to index
        %parallel_loop3A_485 = arith.constant 528 : index
        %parallel_loop3A_486 = tpu.vector_load %arg9[%parallel_loop3A_484, %parallel_loop3A_485] {strides = array<i32>} : memref<32x768xf32, #tpu.memory_space<vmem>>, vector<1x16xf32>,
        %parallel_loop3A_487 = vector.shape_cast %parallel_loop3A_486 : vector<1x16xf32> to vector<16xf32>
        %parallel_loop3A_488 = arith.index_cast %parallel_loop3A_186 : i32 to index
        %parallel_loop3A_489 = arith.constant 528 : index
        %parallel_loop3A_490 = tpu.vector_load %arg8[%parallel_loop3A_488, %parallel_loop3A_489] {strides = array<i32>} : memref<32x768xf32, #tpu.memory_space<vmem>>, vector<1x16xf32>,
        %parallel_loop3A_491 = vector.shape_cast %parallel_loop3A_490 : vector<1x16xf32> to vector<16xf32>
        %parallel_loop3A_492 = vector.shape_cast %parallel_loop3A_487 : vector<16xf32> to vector<1x16xf32>
        tpu.vector_store %arg8[%parallel_loop3A_488, %parallel_loop3A_489], %parallel_loop3A_492 {add = true, strides = array<i32>} : memref<32x768xf32, #tpu.memory_space<vmem>>, vector<1x16xf32>,
        %parallel_loop3A_493 = arith.index_cast %parallel_loop3A_186 : i32 to index
        %parallel_loop3A_494 = arith.constant 544 : index
        %parallel_loop3A_495 = tpu.vector_load %arg9[%parallel_loop3A_493, %parallel_loop3A_494] {strides = array<i32>} : memref<32x768xf32, #tpu.memory_space<vmem>>, vector<1x16xf32>,
        %parallel_loop3A_496 = vector.shape_cast %parallel_loop3A_495 : vector<1x16xf32> to vector<16xf32>
        %parallel_loop3A_497 = arith.index_cast %parallel_loop3A_186 : i32 to index
        %parallel_loop3A_498 = arith.constant 544 : index
        %parallel_loop3A_499 = tpu.vector_load %arg8[%parallel_loop3A_497, %parallel_loop3A_498] {strides = array<i32>} : memref<32x768xf32, #tpu.memory_space<vmem>>, vector<1x16xf32>,
        %parallel_loop3A_500 = vector.shape_cast %parallel_loop3A_499 : vector<1x16xf32> to vector<16xf32>
        %parallel_loop3A_501 = vector.shape_cast %parallel_loop3A_496 : vector<16xf32> to vector<1x16xf32>
        tpu.vector_store %arg8[%parallel_loop3A_497, %parallel_loop3A_498], %parallel_loop3A_501 {add = true, strides = array<i32>} : memref<32x768xf32, #tpu.memory_space<vmem>>, vector<1x16xf32>,
        %parallel_loop3A_502 = arith.index_cast %parallel_loop3A_186 : i32 to index
        %parallel_loop3A_503 = arith.constant 560 : index
        %parallel_loop3A_504 = tpu.vector_load %arg9[%parallel_loop3A_502, %parallel_loop3A_503] {strides = array<i32>} : memref<32x768xf32, #tpu.memory_space<vmem>>, vector<1x16xf32>,
        %parallel_loop3A_505 = vector.shape_cast %parallel_loop3A_504 : vector<1x16xf32> to vector<16xf32>
        %parallel_loop3A_506 = arith.index_cast %parallel_loop3A_186 : i32 to index
        %parallel_loop3A_507 = arith.constant 560 : index
        %parallel_loop3A_508 = tpu.vector_load %arg8[%parallel_loop3A_506, %parallel_loop3A_507] {strides = array<i32>} : memref<32x768xf32, #tpu.memory_space<vmem>>, vector<1x16xf32>,
        %parallel_loop3A_509 = vector.shape_cast %parallel_loop3A_508 : vector<1x16xf32> to vector<16xf32>
        %parallel_loop3A_510 = vector.shape_cast %parallel_loop3A_505 : vector<16xf32> to vector<1x16xf32>
        tpu.vector_store %arg8[%parallel_loop3A_506, %parallel_loop3A_507], %parallel_loop3A_510 {add = true, strides = array<i32>} : memref<32x768xf32, #tpu.memory_space<vmem>>, vector<1x16xf32>,
        %parallel_loop3A_511 = arith.index_cast %parallel_loop3A_186 : i32 to index
        %parallel_loop3A_512 = arith.constant 576 : index
        %parallel_loop3A_513 = tpu.vector_load %arg9[%parallel_loop3A_511, %parallel_loop3A_512] {strides = array<i32>} : memref<32x768xf32, #tpu.memory_space<vmem>>, vector<1x16xf32>,
        %parallel_loop3A_514 = vector.shape_cast %parallel_loop3A_513 : vector<1x16xf32> to vector<16xf32>
        %parallel_loop3A_515 = arith.index_cast %parallel_loop3A_186 : i32 to index
        %parallel_loop3A_516 = arith.constant 576 : index
        %parallel_loop3A_517 = tpu.vector_load %arg8[%parallel_loop3A_515, %parallel_loop3A_516] {strides = array<i32>} : memref<32x768xf32, #tpu.memory_space<vmem>>, vector<1x16xf32>,
        %parallel_loop3A_518 = vector.shape_cast %parallel_loop3A_517 : vector<1x16xf32> to vector<16xf32>
        %parallel_loop3A_519 = vector.shape_cast %parallel_loop3A_514 : vector<16xf32> to vector<1x16xf32>
        tpu.vector_store %arg8[%parallel_loop3A_515, %parallel_loop3A_516], %parallel_loop3A_519 {add = true, strides = array<i32>} : memref<32x768xf32, #tpu.memory_space<vmem>>, vector<1x16xf32>,
        %parallel_loop3A_520 = arith.index_cast %parallel_loop3A_186 : i32 to index
        %parallel_loop3A_521 = arith.constant 592 : index
        %parallel_loop3A_522 = tpu.vector_load %arg9[%parallel_loop3A_520, %parallel_loop3A_521] {strides = array<i32>} : memref<32x768xf32, #tpu.memory_space<vmem>>, vector<1x16xf32>,
        %parallel_loop3A_523 = vector.shape_cast %parallel_loop3A_522 : vector<1x16xf32> to vector<16xf32>
        %parallel_loop3A_524 = arith.index_cast %parallel_loop3A_186 : i32 to index
        %parallel_loop3A_525 = arith.constant 592 : index
        %parallel_loop3A_526 = tpu.vector_load %arg8[%parallel_loop3A_524, %parallel_loop3A_525] {strides = array<i32>} : memref<32x768xf32, #tpu.memory_space<vmem>>, vector<1x16xf32>,
        %parallel_loop3A_527 = vector.shape_cast %parallel_loop3A_526 : vector<1x16xf32> to vector<16xf32>
        %parallel_loop3A_528 = vector.shape_cast %parallel_loop3A_523 : vector<16xf32> to vector<1x16xf32>
        tpu.vector_store %arg8[%parallel_loop3A_524, %parallel_loop3A_525], %parallel_loop3A_528 {add = true, strides = array<i32>} : memref<32x768xf32, #tpu.memory_space<vmem>>, vector<1x16xf32>,
        %parallel_loop3A_529 = arith.index_cast %parallel_loop3A_186 : i32 to index
        %parallel_loop3A_530 = arith.constant 608 : index
        %parallel_loop3A_531 = tpu.vector_load %arg9[%parallel_loop3A_529, %parallel_loop3A_530] {strides = array<i32>} : memref<32x768xf32, #tpu.memory_space<vmem>>, vector<1x16xf32>,
        %parallel_loop3A_532 = vector.shape_cast %parallel_loop3A_531 : vector<1x16xf32> to vector<16xf32>
        %parallel_loop3A_533 = arith.index_cast %parallel_loop3A_186 : i32 to index
        %parallel_loop3A_534 = arith.constant 608 : index
        %parallel_loop3A_535 = tpu.vector_load %arg8[%parallel_loop3A_533, %parallel_loop3A_534] {strides = array<i32>} : memref<32x768xf32, #tpu.memory_space<vmem>>, vector<1x16xf32>,
        %parallel_loop3A_536 = vector.shape_cast %parallel_loop3A_535 : vector<1x16xf32> to vector<16xf32>
        %parallel_loop3A_537 = vector.shape_cast %parallel_loop3A_532 : vector<16xf32> to vector<1x16xf32>
        tpu.vector_store %arg8[%parallel_loop3A_533, %parallel_loop3A_534], %parallel_loop3A_537 {add = true, strides = array<i32>} : memref<32x768xf32, #tpu.memory_space<vmem>>, vector<1x16xf32>,
        %parallel_loop3A_538 = arith.index_cast %parallel_loop3A_186 : i32 to index
        %parallel_loop3A_539 = arith.constant 624 : index
        %parallel_loop3A_540 = tpu.vector_load %arg9[%parallel_loop3A_538, %parallel_loop3A_539] {strides = array<i32>} : memref<32x768xf32, #tpu.memory_space<vmem>>, vector<1x16xf32>,
        %parallel_loop3A_541 = vector.shape_cast %parallel_loop3A_540 : vector<1x16xf32> to vector<16xf32>
        %parallel_loop3A_542 = arith.index_cast %parallel_loop3A_186 : i32 to index
        %parallel_loop3A_543 = arith.constant 624 : index
        %parallel_loop3A_544 = tpu.vector_load %arg8[%parallel_loop3A_542, %parallel_loop3A_543] {strides = array<i32>} : memref<32x768xf32, #tpu.memory_space<vmem>>, vector<1x16xf32>,
        %parallel_loop3A_545 = vector.shape_cast %parallel_loop3A_544 : vector<1x16xf32> to vector<16xf32>
        %parallel_loop3A_546 = vector.shape_cast %parallel_loop3A_541 : vector<16xf32> to vector<1x16xf32>
        tpu.vector_store %arg8[%parallel_loop3A_542, %parallel_loop3A_543], %parallel_loop3A_546 {add = true, strides = array<i32>} : memref<32x768xf32, #tpu.memory_space<vmem>>, vector<1x16xf32>,
        %parallel_loop3A_547 = arith.index_cast %parallel_loop3A_186 : i32 to index
        %parallel_loop3A_548 = arith.constant 640 : index
        %parallel_loop3A_549 = tpu.vector_load %arg9[%parallel_loop3A_547, %parallel_loop3A_548] {strides = array<i32>} : memref<32x768xf32, #tpu.memory_space<vmem>>, vector<1x16xf32>,
        %parallel_loop3A_550 = vector.shape_cast %parallel_loop3A_549 : vector<1x16xf32> to vector<16xf32>
        %parallel_loop3A_551 = arith.index_cast %parallel_loop3A_186 : i32 to index
        %parallel_loop3A_552 = arith.constant 640 : index
        %parallel_loop3A_553 = tpu.vector_load %arg8[%parallel_loop3A_551, %parallel_loop3A_552] {strides = array<i32>} : memref<32x768xf32, #tpu.memory_space<vmem>>, vector<1x16xf32>,
        %parallel_loop3A_554 = vector.shape_cast %parallel_loop3A_553 : vector<1x16xf32> to vector<16xf32>
        %parallel_loop3A_555 = vector.shape_cast %parallel_loop3A_550 : vector<16xf32> to vector<1x16xf32>
        tpu.vector_store %arg8[%parallel_loop3A_551, %parallel_loop3A_552], %parallel_loop3A_555 {add = true, strides = array<i32>} : memref<32x768xf32, #tpu.memory_space<vmem>>, vector<1x16xf32>,
        %parallel_loop3A_556 = arith.index_cast %parallel_loop3A_186 : i32 to index
        %parallel_loop3A_557 = arith.constant 656 : index
        %parallel_loop3A_558 = tpu.vector_load %arg9[%parallel_loop3A_556, %parallel_loop3A_557] {strides = array<i32>} : memref<32x768xf32, #tpu.memory_space<vmem>>, vector<1x16xf32>,
        %parallel_loop3A_559 = vector.shape_cast %parallel_loop3A_558 : vector<1x16xf32> to vector<16xf32>
        %parallel_loop3A_560 = arith.index_cast %parallel_loop3A_186 : i32 to index
        %parallel_loop3A_561 = arith.constant 656 : index
        %parallel_loop3A_562 = tpu.vector_load %arg8[%parallel_loop3A_560, %parallel_loop3A_561] {strides = array<i32>} : memref<32x768xf32, #tpu.memory_space<vmem>>, vector<1x16xf32>,
        %parallel_loop3A_563 = vector.shape_cast %parallel_loop3A_562 : vector<1x16xf32> to vector<16xf32>
        %parallel_loop3A_564 = vector.shape_cast %parallel_loop3A_559 : vector<16xf32> to vector<1x16xf32>
        tpu.vector_store %arg8[%parallel_loop3A_560, %parallel_loop3A_561], %parallel_loop3A_564 {add = true, strides = array<i32>} : memref<32x768xf32, #tpu.memory_space<vmem>>, vector<1x16xf32>,
        %parallel_loop3A_565 = arith.index_cast %parallel_loop3A_186 : i32 to index
        %parallel_loop3A_566 = arith.constant 672 : index
        %parallel_loop3A_567 = tpu.vector_load %arg9[%parallel_loop3A_565, %parallel_loop3A_566] {strides = array<i32>} : memref<32x768xf32, #tpu.memory_space<vmem>>, vector<1x16xf32>,
        %parallel_loop3A_568 = vector.shape_cast %parallel_loop3A_567 : vector<1x16xf32> to vector<16xf32>
        %parallel_loop3A_569 = arith.index_cast %parallel_loop3A_186 : i32 to index
        %parallel_loop3A_570 = arith.constant 672 : index
        %parallel_loop3A_571 = tpu.vector_load %arg8[%parallel_loop3A_569, %parallel_loop3A_570] {strides = array<i32>} : memref<32x768xf32, #tpu.memory_space<vmem>>, vector<1x16xf32>,
        %parallel_loop3A_572 = vector.shape_cast %parallel_loop3A_571 : vector<1x16xf32> to vector<16xf32>
        %parallel_loop3A_573 = vector.shape_cast %parallel_loop3A_568 : vector<16xf32> to vector<1x16xf32>
        tpu.vector_store %arg8[%parallel_loop3A_569, %parallel_loop3A_570], %parallel_loop3A_573 {add = true, strides = array<i32>} : memref<32x768xf32, #tpu.memory_space<vmem>>, vector<1x16xf32>,
        %parallel_loop3A_574 = arith.index_cast %parallel_loop3A_186 : i32 to index
        %parallel_loop3A_575 = arith.constant 688 : index
        %parallel_loop3A_576 = tpu.vector_load %arg9[%parallel_loop3A_574, %parallel_loop3A_575] {strides = array<i32>} : memref<32x768xf32, #tpu.memory_space<vmem>>, vector<1x16xf32>,
        %parallel_loop3A_577 = vector.shape_cast %parallel_loop3A_576 : vector<1x16xf32> to vector<16xf32>
        %parallel_loop3A_578 = arith.index_cast %parallel_loop3A_186 : i32 to index
        %parallel_loop3A_579 = arith.constant 688 : index
        %parallel_loop3A_580 = tpu.vector_load %arg8[%parallel_loop3A_578, %parallel_loop3A_579] {strides = array<i32>} : memref<32x768xf32, #tpu.memory_space<vmem>>, vector<1x16xf32>,
        %parallel_loop3A_581 = vector.shape_cast %parallel_loop3A_580 : vector<1x16xf32> to vector<16xf32>
        %parallel_loop3A_582 = vector.shape_cast %parallel_loop3A_577 : vector<16xf32> to vector<1x16xf32>
        tpu.vector_store %arg8[%parallel_loop3A_578, %parallel_loop3A_579], %parallel_loop3A_582 {add = true, strides = array<i32>} : memref<32x768xf32, #tpu.memory_space<vmem>>, vector<1x16xf32>,
        %parallel_loop3A_583 = arith.index_cast %parallel_loop3A_186 : i32 to index
        %parallel_loop3A_584 = arith.constant 704 : index
        %parallel_loop3A_585 = tpu.vector_load %arg9[%parallel_loop3A_583, %parallel_loop3A_584] {strides = array<i32>} : memref<32x768xf32, #tpu.memory_space<vmem>>, vector<1x16xf32>,
        %parallel_loop3A_586 = vector.shape_cast %parallel_loop3A_585 : vector<1x16xf32> to vector<16xf32>
        %parallel_loop3A_587 = arith.index_cast %parallel_loop3A_186 : i32 to index
        %parallel_loop3A_588 = arith.constant 704 : index
        %parallel_loop3A_589 = tpu.vector_load %arg8[%parallel_loop3A_587, %parallel_loop3A_588] {strides = array<i32>} : memref<32x768xf32, #tpu.memory_space<vmem>>, vector<1x16xf32>,
        %parallel_loop3A_590 = vector.shape_cast %parallel_loop3A_589 : vector<1x16xf32> to vector<16xf32>
        %parallel_loop3A_591 = vector.shape_cast %parallel_loop3A_586 : vector<16xf32> to vector<1x16xf32>
        tpu.vector_store %arg8[%parallel_loop3A_587, %parallel_loop3A_588], %parallel_loop3A_591 {add = true, strides = array<i32>} : memref<32x768xf32, #tpu.memory_space<vmem>>, vector<1x16xf32>,
        %parallel_loop3A_592 = arith.index_cast %parallel_loop3A_186 : i32 to index
        %parallel_loop3A_593 = arith.constant 720 : index
        %parallel_loop3A_594 = tpu.vector_load %arg9[%parallel_loop3A_592, %parallel_loop3A_593] {strides = array<i32>} : memref<32x768xf32, #tpu.memory_space<vmem>>, vector<1x16xf32>,
        %parallel_loop3A_595 = vector.shape_cast %parallel_loop3A_594 : vector<1x16xf32> to vector<16xf32>
        %parallel_loop3A_596 = arith.index_cast %parallel_loop3A_186 : i32 to index
        %parallel_loop3A_597 = arith.constant 720 : index
        %parallel_loop3A_598 = tpu.vector_load %arg8[%parallel_loop3A_596, %parallel_loop3A_597] {strides = array<i32>} : memref<32x768xf32, #tpu.memory_space<vmem>>, vector<1x16xf32>,
        %parallel_loop3A_599 = vector.shape_cast %parallel_loop3A_598 : vector<1x16xf32> to vector<16xf32>
        %parallel_loop3A_600 = vector.shape_cast %parallel_loop3A_595 : vector<16xf32> to vector<1x16xf32>
        tpu.vector_store %arg8[%parallel_loop3A_596, %parallel_loop3A_597], %parallel_loop3A_600 {add = true, strides = array<i32>} : memref<32x768xf32, #tpu.memory_space<vmem>>, vector<1x16xf32>,
        %parallel_loop3A_601 = arith.index_cast %parallel_loop3A_186 : i32 to index
        %parallel_loop3A_602 = arith.constant 736 : index
        %parallel_loop3A_603 = tpu.vector_load %arg9[%parallel_loop3A_601, %parallel_loop3A_602] {strides = array<i32>} : memref<32x768xf32, #tpu.memory_space<vmem>>, vector<1x16xf32>,
        %parallel_loop3A_604 = vector.shape_cast %parallel_loop3A_603 : vector<1x16xf32> to vector<16xf32>
        %parallel_loop3A_605 = arith.index_cast %parallel_loop3A_186 : i32 to index
        %parallel_loop3A_606 = arith.constant 736 : index
        %parallel_loop3A_607 = tpu.vector_load %arg8[%parallel_loop3A_605, %parallel_loop3A_606] {strides = array<i32>} : memref<32x768xf32, #tpu.memory_space<vmem>>, vector<1x16xf32>,
        %parallel_loop3A_608 = vector.shape_cast %parallel_loop3A_607 : vector<1x16xf32> to vector<16xf32>
        %parallel_loop3A_609 = vector.shape_cast %parallel_loop3A_604 : vector<16xf32> to vector<1x16xf32>
        tpu.vector_store %arg8[%parallel_loop3A_605, %parallel_loop3A_606], %parallel_loop3A_609 {add = true, strides = array<i32>} : memref<32x768xf32, #tpu.memory_space<vmem>>, vector<1x16xf32>,
        %parallel_loop3A_610 = arith.index_cast %parallel_loop3A_186 : i32 to index
        %parallel_loop3A_611 = arith.constant 752 : index
        %parallel_loop3A_612 = tpu.vector_load %arg9[%parallel_loop3A_610, %parallel_loop3A_611] {strides = array<i32>} : memref<32x768xf32, #tpu.memory_space<vmem>>, vector<1x16xf32>,
        %parallel_loop3A_613 = vector.shape_cast %parallel_loop3A_612 : vector<1x16xf32> to vector<16xf32>
        %parallel_loop3A_614 = arith.index_cast %parallel_loop3A_186 : i32 to index
        %parallel_loop3A_615 = arith.constant 752 : index
        %parallel_loop3A_616 = tpu.vector_load %arg8[%parallel_loop3A_614, %parallel_loop3A_615] {strides = array<i32>} : memref<32x768xf32, #tpu.memory_space<vmem>>, vector<1x16xf32>,
        %parallel_loop3A_617 = vector.shape_cast %parallel_loop3A_616 : vector<1x16xf32> to vector<16xf32>
        %parallel_loop3A_618 = vector.shape_cast %parallel_loop3A_613 : vector<16xf32> to vector<1x16xf32>
        tpu.vector_store %arg8[%parallel_loop3A_614, %parallel_loop3A_615], %parallel_loop3A_618 {add = true, strides = array<i32>} : memref<32x768xf32, #tpu.memory_space<vmem>>, vector<1x16xf32>,
      } {sc.loop_unroll_factor = 1 : i64, sc.parallel_access}
      %add3A_172 = arith.constant 1 : i32
      %add3A_173 = arith.addi %scan3A_60, %add3A_172 : i32
      %lt3A_174 = arith.constant 8 : i32
      %lt3A_175 = arith.cmpi slt, %add3A_173, %lt3A_174 : i32
      %convert_element_type3A_176 = arith.extui %lt3A_175 : i1 to i32
      %cond3A_177 = arith.constant 0 : i32
      %cond3A_178 = arith.cmpi ne, %convert_element_type3A_176, %cond3A_177 : i32
      scf.if %cond3A_178 {
        %add3A_186 = arith.constant 32 : i32
        %add3A_187 = arith.addi %add3A_63, %add3A_186 : i32
        %dma_start3A_188 = arith.constant 0 : i32
        %dma_start3A_189 = tpu.memref_slice %arg3[%add3A_187, %dma_start3A_188] : memref<8192x768xf32, #tpu.memory_space<hbm>> -> memref<32x768xf32, #tpu.memory_space<hbm>>
        %dma_start3A_190 = arith.constant 0 : i32
        %dma_start3A_191 = tpu.memref_slice %arg3[%add3A_187, %dma_start3A_190] : memref<8192x768xf32, #tpu.memory_space<hbm>> -> memref<32x768xf32, #tpu.memory_space<hbm>>
        tpu.enqueue_dma source(%dma_start3A_191 : memref<32x768xf32, #tpu.memory_space<hbm>>) target(%arg9 : memref<32x768xf32, #tpu.memory_space<vmem>>) target_semaphore(%arg18 : memref<!tpu.dma_semaphore, #tpu.memory_space<semaphore_mem>>)
      } else {
      }
      %dma_start3A_179 = arith.constant 3 : i32
      %dma_start3A_180 = arith.constant 0 : i32
      %dma_start3A_181 = tpu.memref_slice %arg4[%dma_start3A_179, %add3A_63, %dma_start3A_180] : memref<4x8192x768xf32, #tpu.memory_space<hbm>> -> memref<1x32x768xf32, #tpu.memory_space<hbm>>
      %dma_start3A_182 = tpu.memref_squeeze %dma_start3A_181 : memref<1x32x768xf32, #tpu.memory_space<hbm>> -> memref<32x768xf32, #tpu.memory_space<hbm>>
      %dma_start3A_183 = arith.constant 0 : i32
      %dma_start3A_184 = tpu.memref_slice %arg4[%dma_start3A_179, %add3A_63, %dma_start3A_183] : memref<4x8192x768xf32, #tpu.memory_space<hbm>> -> memref<1x32x768xf32, #tpu.memory_space<hbm>>
      %dma_start3A_185 = tpu.memref_squeeze %dma_start3A_184 : memref<1x32x768xf32, #tpu.memory_space<hbm>> -> memref<32x768xf32, #tpu.memory_space<hbm>>
      tpu.enqueue_dma source(%arg8 : memref<32x768xf32, #tpu.memory_space<vmem>>) target(%dma_start3A_185 : memref<32x768xf32, #tpu.memory_space<hbm>>) target_semaphore(%arg17 : memref<!tpu.dma_semaphore, #tpu.memory_space<semaphore_mem>>)
    }
    %scan3A_24 = arith.constant 8 : i32
    %dma_wait3A = arith.constant 0 : i32
    %dma_wait3A_25 = arith.constant 0 : i32
    %dma_wait3A_26 = arith.constant 0 : i32
    %dma_wait3A_27 = tpu.memref_slice %arg4[%dma_wait3A, %dma_wait3A_25, %dma_wait3A_26] : memref<4x8192x768xf32, #tpu.memory_space<hbm>> -> memref<1x32x768xf32, #tpu.memory_space<hbm>>
    %dma_wait3A_28 = tpu.memref_squeeze %dma_wait3A_27 : memref<1x32x768xf32, #tpu.memory_space<hbm>> -> memref<32x768xf32, #tpu.memory_space<hbm>>
    %dma_wait3A_29 = arith.constant 0 : i32
    %dma_wait3A_30 = arith.constant 0 : i32
    %dma_wait3A_31 = tpu.memref_slice %arg4[%dma_wait3A, %dma_wait3A_29, %dma_wait3A_30] : memref<4x8192x768xf32, #tpu.memory_space<hbm>> -> memref<1x32x768xf32, #tpu.memory_space<hbm>>
    %dma_wait3A_32 = tpu.memref_squeeze %dma_wait3A_31 : memref<1x32x768xf32, #tpu.memory_space<hbm>> -> memref<32x768xf32, #tpu.memory_space<hbm>>
    tpu.wait_dma2 semaphore(%arg14 : memref<!tpu.dma_semaphore, #tpu.memory_space<semaphore_mem>>) src(%arg5 : memref<32x768xf32, #tpu.memory_space<vmem>>) dst(%dma_wait3A_32 : memref<32x768xf32, #tpu.memory_space<hbm>>)
    %dma_wait3A_33 = arith.constant 0 : i32
    %dma_wait3A_34 = arith.constant 0 : i32
    %dma_wait3A_35 = arith.constant 0 : i32
    %dma_wait3A_36 = tpu.memref_slice %arg4[%dma_wait3A_33, %dma_wait3A_34, %dma_wait3A_35] : memref<4x8192x768xf32, #tpu.memory_space<hbm>> -> memref<1x32x768xf32, #tpu.memory_space<hbm>>
    %dma_wait3A_37 = tpu.memref_squeeze %dma_wait3A_36 : memref<1x32x768xf32, #tpu.memory_space<hbm>> -> memref<32x768xf32, #tpu.memory_space<hbm>>
    %dma_wait3A_38 = arith.constant 0 : i32
    %dma_wait3A_39 = arith.constant 0 : i32
    %dma_wait3A_40 = tpu.memref_slice %arg4[%dma_wait3A_33, %dma_wait3A_38, %dma_wait3A_39] : memref<4x8192x768xf32, #tpu.memory_space<hbm>> -> memref<1x32x768xf32, #tpu.memory_space<hbm>>
    %dma_wait3A_41 = tpu.memref_squeeze %dma_wait3A_40 : memref<1x32x768xf32, #tpu.memory_space<hbm>> -> memref<32x768xf32, #tpu.memory_space<hbm>>
    tpu.wait_dma2 semaphore(%arg15 : memref<!tpu.dma_semaphore, #tpu.memory_space<semaphore_mem>>) src(%arg6 : memref<32x768xf32, #tpu.memory_space<vmem>>) dst(%dma_wait3A_41 : memref<32x768xf32, #tpu.memory_space<hbm>>)
    %dma_wait3A_42 = arith.constant 0 : i32
    %dma_wait3A_43 = arith.constant 0 : i32
    %dma_wait3A_44 = arith.constant 0 : i32
    %dma_wait3A_45 = tpu.memref_slice %arg4[%dma_wait3A_42, %dma_wait3A_43, %dma_wait3A_44] : memref<4x8192x768xf32, #tpu.memory_space<hbm>> -> memref<1x32x768xf32, #tpu.memory_space<hbm>>
    %dma_wait3A_46 = tpu.memref_squeeze %dma_wait3A_45 : memref<1x32x768xf32, #tpu.memory_space<hbm>> -> memref<32x768xf32, #tpu.memory_space<hbm>>
    %dma_wait3A_47 = arith.constant 0 : i32
    %dma_wait3A_48 = arith.constant 0 : i32
    %dma_wait3A_49 = tpu.memref_slice %arg4[%dma_wait3A_42, %dma_wait3A_47, %dma_wait3A_48] : memref<4x8192x768xf32, #tpu.memory_space<hbm>> -> memref<1x32x768xf32, #tpu.memory_space<hbm>>
    %dma_wait3A_50 = tpu.memref_squeeze %dma_wait3A_49 : memref<1x32x768xf32, #tpu.memory_space<hbm>> -> memref<32x768xf32, #tpu.memory_space<hbm>>
    tpu.wait_dma2 semaphore(%arg16 : memref<!tpu.dma_semaphore, #tpu.memory_space<semaphore_mem>>) src(%arg7 : memref<32x768xf32, #tpu.memory_space<vmem>>) dst(%dma_wait3A_50 : memref<32x768xf32, #tpu.memory_space<hbm>>)
    %dma_wait3A_51 = arith.constant 0 : i32
    %dma_wait3A_52 = arith.constant 0 : i32
    %dma_wait3A_53 = arith.constant 0 : i32
    %dma_wait3A_54 = tpu.memref_slice %arg4[%dma_wait3A_51, %dma_wait3A_52, %dma_wait3A_53] : memref<4x8192x768xf32, #tpu.memory_space<hbm>> -> memref<1x32x768xf32, #tpu.memory_space<hbm>>
    %dma_wait3A_55 = tpu.memref_squeeze %dma_wait3A_54 : memref<1x32x768xf32, #tpu.memory_space<hbm>> -> memref<32x768xf32, #tpu.memory_space<hbm>>
    %dma_wait3A_56 = arith.constant 0 : i32
    %dma_wait3A_57 = arith.constant 0 : i32
    %dma_wait3A_58 = tpu.memref_slice %arg4[%dma_wait3A_51, %dma_wait3A_56, %dma_wait3A_57] : memref<4x8192x768xf32, #tpu.memory_space<hbm>> -> memref<1x32x768xf32, #tpu.memory_space<hbm>>
    %dma_wait3A_59 = tpu.memref_squeeze %dma_wait3A_58 : memref<1x32x768xf32, #tpu.memory_space<hbm>> -> memref<32x768xf32, #tpu.memory_space<hbm>>
    tpu.wait_dma2 semaphore(%arg17 : memref<!tpu.dma_semaphore, #tpu.memory_space<semaphore_mem>>) src(%arg8 : memref<32x768xf32, #tpu.memory_space<vmem>>) dst(%dma_wait3A_59 : memref<32x768xf32, #tpu.memory_space<hbm>>)
    return
  }
}

</mosaic_0001>

<sc_bundles>
// kernel: kernel.3.cloned.1.call-start
scs
__scs_entry_jumppad:
0x0: {  	(pc) =	sbr.rel $0x88, $3  }
0x1: {  	(tag) =	ssettag $0x0;
	lr =	simm.s32 $0x1  }
0x2: {  	[smem:$0x3F9F] =	sst lr;
	_ =	strace $0xD0000000  }
0x3: {  	_ = 	snop  }
0x4: {  	_ = 	snop  }
0x5: {  	_ = 	snop  }
0x6: {  	_ = 	snop  }
0x7: {  	_ = 	snop  }
__scs_overlays_trampoline_lowered:
0x8: {  	[smem:$0x3FAE] =	sst s0  }
0x9: {  	[smem:$0x3FAF] =	sst s1  }
0xa: {  	[smem:$0x3FB0] =	sst s2  }
0xb: {  	[smem:$0x3FB1] =	sst s3  }
0xc: {  	[smem:$0x3FB2] =	sst s4  }
0xd: {  	[smem:$0x3FB3] =	sst s5  }
0xe: {  	[smem:$0x3FB4] =	sst s6  }
0xf: {  	[smem:$0x3FB5] =	sst s7  }
0x10: {  	[smem:$0x3FB6] =	sst s8  }
0x11: {  	[smem:$0x3FB7] =	sst s9;
	s0 =	simm.s32 @!p0 $0x0  }
0x12: {  	s1 =	sld [smem:$0x3F9D];
	s0 =	simm.s32 @p0 $0x1  }
0x13: {  	[smem:$0x3FB8] =	sst s0;
	s0 =	simm.s32 @!p1 $0x0  }
0x14: {  	s2 =	sld [smem:$0x3F9C];
	s0 =	simm.s32 @p1 $0x1  }
0x15: {  	[smem:$0x3FB9] =	sst s0;
	s0 =	simm.s32 @!p2 $0x0  }
0x16: {  	s3 =	sld [smem:$0x3FDB];
	s0 =	simm.s32 @p2 $0x1  }
0x17: {  	s4 =	simm.s32 $0x1BF5;
	[smem:$0x3FBB] =	sst s0  }
0x18: {  	s0 =	sld [smem:$0x3F9E];
	_ =	swait.ge [sflag:s4], $0x0  }
0x19: {  	s7 =	sld [smem:$0x3F9F]  }
0x1a: {  	s8 =	sadd.s32 $0xFFFFE003, lr  }
0x1b: {  	s9 =	sadd.s32 $0xFFFFFEF7, lr;
	s5 =	simm.s32 $0xFFFFFFFF;
	p2 =	slt.u32 s8, $0xFFFFF086  }
0x1c: {  	p1 =	slt.u32 s9, $0xF7A;
	s5 =	simm.s32 @!p2 $0x0  }
0x1d: {  	s5 =	simm.s32 @p1 $0x1;
	p0 =	seq.s32 s7, s2  }
0x1e: {  	s7 =	smul.u32 @!p0 $0xF7A, s2;
	p2 =	seq.s32 @!p0 s5, $0x0  }
0x1f: {  	s9 =	smul.u32 $0xF7A, s1;
	s8 =	simm.s32 @!p0 $0x1BF5;
	p2 =	por !p2, p0  }
0x20: {  	[sflag:s8] =	ssyncset.s32 @!p0 $0xFFFFF086;
	s6 =	sadd.s32 @!p0 s3, s7;
	s7 =	simm.s32 @!p0 $0x108  }
0x21: {  	s3 =	sadd.s32 s3, s9;
	s6 =	sadd.s32 @!p0 $0x88, s6;
	s7 =	simm.s32 @p2 $0x1082  }
0x22: {  	[simem:s7], [sflag:s8] =	dma.local @!p0 [hbm:s6], $0xF7A  }
0x23: {  	s9 =	sor.u32 $0xD0000000, s2;
	s6 =	simm.s32 $0x108;
	_ =	swait.ge @!p0 [sflag:s8], $0x0  }
0x24: {  	s3 =	sadd.s32 $0x88, s3;
	s6 =	simm.s32 @!p1 $0x1082;
	[sflag:s4] =	ssyncset.s32 $0xFFFFF086  }
0x25: {  	[simem:s6], [sflag:s4] =	dma.local [hbm:s3], $0xF7A  }
0x26: {  	[smem:$0x3F9F] =	sst s1;
	(tag) =	ssettag s2;
	_ =	strace s9  }
0x27: {  	s1 =	sld [smem:$0x3FAF]  }
0x28: {  	s2 =	sld [smem:$0x3FB0]  }
0x29: {  	s4 =	sld [smem:$0x3FB2]  }
0x2a: {  	p0 =	seq.s32 s5, $0x0;
	s5 =	sld [smem:$0x3FB3]  }
0x2b: {  	s6 =	sld [smem:$0x3FB4]  }
0x2c: {  	s7 =	sld [smem:$0x3FB5]  }
0x2d: {  	s3 =	simm.s32 $0x108;
	s8 =	sld [smem:$0x3FB6]  }
0x2e: {  	s3 =	simm.s32 @!p0 $0x1082;
	s9 =	sld [smem:$0x3FB7]  }
0x2f: {  	lr =	sadd.s32 s0, s3;
	s0 =	sld [smem:$0x3FAE]  }
0x30: {  	s3 =	sld [smem:$0x3FB1]  }
0x31: {  	[smem:$0x3FBA] =	sst s10  }
0x32: {  	s10 =	sld [smem:$0x3FB8];
	_ =	sdelay $0x3  }
0x33: {  	p0 =	seq.s32 s10, $0x1;
	s10 =	sld [smem:$0x3FBA];
	_ =	sdelay $0x3  }
0x34: {  	[smem:$0x3FBA] =	sst s10  }
0x35: {  	s10 =	sld [smem:$0x3FB9];
	_ =	sdelay $0x3  }
0x36: {  	p1 =	seq.s32 s10, $0x1;
	s10 =	sld [smem:$0x3FBA];
	_ =	sdelay $0x3  }
0x37: {  	[smem:$0x3FBA] =	sst s10  }
0x38: {  	s10 =	sld [smem:$0x3FBB]  }
0x39: {  	_ = 	snop;
	(pc) =	sbr.ind lr, $3  }
0x3a: {  	_ = 	snop  }
0x3b: {  	_ = 	snop  }
0x3c: {  	p2 =	seq.s32 s10, $0x1;
	s10 =	sld [smem:$0x3FBA]  }
0x3d: {  	_ =	shalt  }
0x3e: {  	_ =	shalt  }
0x3f: {  	_ =	shalt  }
0x40: {  	_ =	shalt  }
0x41: {  	_ =	shalt  }
0x42: {  	_ =	shalt  }
0x43: {  	_ =	shalt  }
0x44: {  	_ =	shalt  }
0x45: {  	_ =	shalt  }
0x46: {  	_ =	shalt  }
0x47: {  	_ =	shalt  }
0x48: {  	_ =	shalt  }
0x49: {  	_ =	shalt  }
0x4a: {  	_ =	shalt  }
0x4b: {  	_ =	shalt  }
0x4c: {  	_ =	shalt  }
0x4d: {  	_ =	shalt  }
0x4e: {  	_ =	shalt  }
0x4f: {  	_ =	shalt  }
0x50: {  	_ =	shalt  }
0x51: {  	_ =	shalt  }
0x52: {  	_ =	shalt  }
0x53: {  	_ =	shalt  }
0x54: {  	_ =	shalt  }
0x55: {  	_ =	shalt  }
0x56: {  	_ =	shalt  }
0x57: {  	_ =	shalt  }
0x58: {  	_ =	shalt  }
0x59: {  	_ =	shalt  }
0x5a: {  	_ =	shalt  }
0x5b: {  	_ =	shalt  }
0x5c: {  	_ =	shalt  }
0x5d: {  	_ =	shalt  }
0x5e: {  	_ =	shalt  }
0x5f: {  	_ =	shalt  }
0x60: {  	_ =	shalt  }
0x61: {  	_ =	shalt  }
0x62: {  	_ =	shalt  }
0x63: {  	_ =	shalt  }
0x64: {  	_ =	shalt  }
0x65: {  	_ =	shalt  }
0x66: {  	_ =	shalt  }
0x67: {  	_ =	shalt  }
0x68: {  	_ =	shalt  }
0x69: {  	_ =	shalt  }
0x6a: {  	_ =	shalt  }
0x6b: {  	_ =	shalt  }
0x6c: {  	_ =	shalt  }
0x6d: {  	_ =	shalt  }
0x6e: {  	_ =	shalt  }
0x6f: {  	_ =	shalt  }
0x70: {  	_ =	shalt  }
0x71: {  	_ =	shalt  }
0x72: {  	_ =	shalt  }
0x73: {  	_ =	shalt  }
0x74: {  	_ =	shalt  }
0x75: {  	_ =	shalt  }
0x76: {  	_ =	shalt  }
0x77: {  	_ =	shalt  }
0x78: {  	_ =	shalt  }
0x79: {  	_ =	shalt  }
0x7a: {  	_ =	shalt  }
0x7b: {  	_ =	shalt  }
0x7c: {  	_ =	shalt  }
0x7d: {  	_ =	shalt  }
0x7e: {  	_ =	shalt  }
0x7f: {  	_ =	shalt  }
0x80: {  	_ =	shalt  }
0x81: {  	_ =	shalt  }
0x82: {  	_ =	shalt  }
0x83: {  	_ =	shalt  }
0x84: {  	_ =	shalt  }
0x85: {  	_ =	shalt  }
0x86: {  	_ =	shalt  }
0x87: {  	_ =	shalt  }
.Lfunc_end0:
.L_simem_size_0:
called_computation_lowered:
.L_overlay_start_0:
0x88: {  	s2 =	sld [smem:$0x3FD9]  }
0x89: {  	s3 =	sld [smem:$0x3FFE];
	_ =	sdelay $0x1  }
0x8a: {  	s1 =	srdreg.scid  }
0x8b: {  	s0 =	sand.u32 $0x1, s1  }
0x8c: {  	s18 =	sshll.u32 s0, $0xA;
	s2 =	sadd.s32 s3, s2  }
0x8d: {  	s2 =	sadd.s32 s2, s18  }
0x8e: {  	[smem:$0x3FC6] =	sst s2  }
0x8f: {  	_ = 	snop  }
0x90: {  	s2 =	sld [smem:$0x3FC9]  }
0x91: {  	s19 =	sld [smem:$0x3FC8]  }
0x92: {  	s4 =	sld [smem:$0x3FD0];
	(tm) =	ssettm $0x1  }
0x93: {  	s5 =	sld [smem:$0x3FFB];
	_ =	sdelay $0x3  }
0x94: {  	_ =	strace s5  }
0x95: {  	s5 =	sld [smem:$0x3FFC];
	_ =	sdelay $0x3  }
0x96: {  	_ =	strace s5  }
0x97: {  	s5 =	sld [smem:$0x3FFD];
	_ =	sdelay $0x3  }
0x98: {  	_ =	strace s5  }
0x99: {  	_ =	strace $0x8FFFFFFF  }
0x9a: {  	s20 =	sld [smem:$0x3FDB];
	_ =	sdelay $0x1  }
0x9b: {  	s6 =	simm.s32 $_scs_section_size  }
0x9c: {  	s7 =	simm.s32 $_size__tile_overlayer_lowered;
	s8 =	simm.s32 $_tile_overlayer_lowered  }
0x9d: {  	s23 =	simm.s32 $0x1BFF;
	s22 =	sshll.u32 s8, $0x1;
	s5 =	sadd.s32 s6, s20  }
0x9e: {  	s9 =	simm.s32 $0x0;
	s21 =	sshll.u32 s7, $0x1;
	s7 =	sadd.s32 s22, s5  }
0x9f: {  	[timem:s9], [sflag:s23] =	dma.local [hbm:s7], s21  }
0xa0: {  	_ =	swait.ge [sflag:s23], s21  }
0xa1: {  	s6 =	ssub.s32 $0x0, s21;
	[sflag:s23] =	ssyncset.done $0x0  }
0xa2: {  	[sflag:s23] =	ssyncadd.s32 s6;
	_ =	sdelay $0x1  }
0xa3: {  	s24 =	simm.s32 $0x1B8B  }
0xa4: {  	_ =	swait.ge [sflag:s24], $0x1  }
0xa5: {  	[sflag:s24] =	ssyncset.done $0x0  }
0xa6: {  	s25 =	simm.s32 $0x1B8E;
	[sflag:s24] =	ssyncadd.s32 $0xFFFFFFFF  }
0xa7: {  	s26 =	simm.s32 $execute0_lowered;
	[smem:$0x3FD2] =	sst s25  }
0xa8: {  	s6 =	sshll.u32 s26, $0x1;
	_ =	strace $0x80000046;
	[dreg:$0x1] =	wrdreg $0xFFFFFFFF  }
0xa9: {  	s28 =	simm.s32 $_size_execute0_lowered;
	s5 =	sadd.s32 s5, s6;
	[dreg:$0x0] =	wrdreg $0x0  }
0xaa: {  	s6 =	sshll.u32 s28, $0x1;
	[dreg:$0x2] =	wrdreg s5  }
0xab: {  	[dreg:$0x3] =	wrdreg s6  }
0xac: {  	[dreg:$0x4] =	wrdreg $0xC0  }
0xad: {  	_ =	task [dreg:s9], $0x5FFFF  }
0xae: {  	[dreg:$0x1] =	wrdreg $0xFFFFFFFF  }
0xaf: {  	[dreg:$0x0] =	wrdreg $0x60  }
0xb0: {  	[dreg:$0x2] =	wrdreg s2  }
0xb1: {  	[dreg:$0x3] =	wrdreg s19  }
0xb2: {  	[dreg:$0x4] =	wrdreg s4  }
0xb3: {  	[dreg:$0x5] =	wrdreg $0x9  }
0xb4: {  	_ =	task.clear_ibuf [dreg:s9], $0x6FFFF;
	_ =	strace $0x90000046  }
0xb5: {  	s29 =	simm.s32 $0x9;
	_ =	strace $0x80000048  }
0xb6: {  	_ =	swait.ge [sflag:s29], $0x1  }
0xb7: {  	[sflag:s29] =	ssyncadd.s32 $0xFFFFFFFF  }
0xb8: {  	_ =	strace $0x90000048  }
0xb9: {  	_ =	sfence  }
0xba: {  	s30 =	sld [smem:$0x0];
	_ =	sdelay $0x2  }
0xbb: {  	s31 =	sshll.u32 s1, $0xD;
	s1 =	sshrl.u32 s1, $0x2  }
0xbc: {  	s3 =	sand.u32 $0x4000, s31;
	s1 =	sadd.s32 s1, s30  }
0xbd: {  	s0 =	sor.u32 s3, s0;
	s1 =	sshll.u32 s1, $0x11  }
0xbe: {  	s0 =	sor.u32 s1, s0  }
0xbf: {  	s0 =	sadd.s32 $0x8F2B, s0  }
0xc0: {  	[sflag:s0] =	ssyncadd.remote.s32 $0x1  }
0xc1: {  	_ =	sfence.sel $0xFFFF  }
0xc2: {  	[dreg:$0x0] =	wrdreg $0xFFFFFFFF;
	(pc) =	sbr.abs _section_cstart, $3  }
0xc3: {  	[dreg:$0x1] =	wrdreg $0xFFFFFFFF  }
0xc4: {  	_ =	task.clear_ibuf [dreg:s9], $0x2FFFF;
	_ =	strace $0x9FFFFFFF  }
0xc5: {  	(tm) =	ssettm $0x7FFFFFFF  }
tec
execute0_lowered:
.L_overlay_start_1:
0x0: {  	(tag) =	ssettag $0x1  }
0x1: {  	s2 =	rddreg [dreg:$0x0]  }
0x2: {  	s0 =	srdreg.scid;
	s4 =	rddreg [dreg:$0x1]  }
0x3: {  	s1 =	stileid.u32;
	s5 =	rddreg [dreg:$0x2];
	s6 =	simm.s32 $0x0  }
0x4: {  	s12 =	simm.s32 $0x6000;
	s13 =	simm.s32 $0x9;
	s14 =	simm.s32 $0x1  }
0x5: {  	s15 =	simm.s32 $0xC000;
	s16 =	simm.s32 $0x2;
	s0 =	sand.u32 $0x1, s0  }
0x6: {  	s17 =	simm.s32 $0x12000;
	s1 =	sshll.u32 s1, $0x9;
	s3 =	sshll.u32 s0, $0x8  }
0x7: {  	s18 =	simm.s32 $0x3;
	s19 =	simm.s32 $0x4;
	s3 =	sor.u32 s3, s1  }
0x8: {  	s20 =	simm.s32 $0x5;
	s21 =	simm.s32 $0x6;
	s1 =	sshrl.u32 s3, $0x3  }
0x9: {  	s22 =	simm.s32 $0x7;
	s23 =	simm.s32 $0x8;
	s1 =	smul.u32 $0x1800, s1  }
0xa: {  	s24 =	simm.s32 $0x0;
	[smem:$0x7FF] =	sst s6;
	s0 =	ssub.s32 $0x2, s0  }
0xb: {  	_ =	strace $0x80000047;
	s8 =	sshrl.u32 s0, $0x1;
	s1 =	sshrl.u32 s1, $0x3  }
0xc: {  	s0 =	ssub.s32 s0, s8;
	s7 =	sadd.s32 s2, s1;
	s1 =	sadd.s32 s4, s1  }
0xd: {  	s10 =	smax.u32 s0, $0x1;
	[dreg:$0x4] =	wrdreg s1;
	s9 =	sadd.s32 $0xC0000, s7  }
.LBB2_1:
0xe: {  	s0 =	rddreg [dreg:$0x4];
	s1 =	simm.s32 $0x18000  }
0xf: {  	[tilespmem:s1], [sflag:$0x9] =	stream.linear.gather [hbm4b:s0+s6], $0x6000, $0x38;
	[tilespmem:$0x1E000] =	vst v63  }
0x10: {  	_ = 	snop  }
0x11: {  	[tilespmem:s6], [sflag:$0x1] =	stream.linear.gather [hbm4b:s7+s6], $0x6000, $0x38;
	[tilespmem:$0x1E000] =	vst v63  }
0x12: {  	s28 =	simm.s32 $0x0  }
0x13: {  	[tilespmem:s12], [sflag:$0x2] =	stream.linear.gather [hbm4b:s9+s6], $0x6000, $0x38;
	[tilespmem:$0x1E000] =	vst v63  }
.LBB2_2:
0x14: {  	_ =	swait.ge [sflag:s13], $0x6000  }
0x15: {  	s0 =	sshll.u32 s28, $0x5;
	[sflag:s13] =	ssyncset.done $0x0  }
0x16: {  	s29 =	sadd.s32 s3, s0;
	[sflag:s13] =	ssyncadd.s32 $0xFFFFA000  }
0x17: {  	s0 =	sshrl.u32 s29, $0x3;
	_ =	swait.ge [sflag:s14], $0x6000  }
0x18: {  	p0 =	seq.s32 s28, $0x0;
	s0 =	smul.u32 $0x1800, s0;
	[sflag:s14] =	ssyncset.done $0x0  }
0x19: {  	s1 =	simm.s32 @!p0 $0x7;
	[sflag:s14] =	ssyncadd.s32 $0xFFFFA000  }
0x1a: {  	s8 =	simm.s32 $0x0;
	s26 =	sshrl.u32 s0, $0x3;
	_ =	swait.ge @!p0 [sflag:s1], $0x6000  }
0x1b: {  	s11 =	simm.s32 $0x0;
	s25 =	sadd.s32 $0x180000, s26;
	[sflag:s1] =	ssyncset.done @!p0 $0x0  }
0x1c: {  	s0 =	smul.u32 $0x1800, s11;
	[sflag:s1] =	ssyncadd.s32 @!p0 $0xFFFFA000;
	s1 =	sadd.s32 s2, s25  }
0x1d: {  	[tilespmem:s15], [sflag:$0x3] =	stream.linear.gather [hbm4b:s1+s8], $0x6000, $0x38;
	[tilespmem:$0x1E000] =	vst v63  }
0x1e: {  	s1 =	sand.u32 $0x380, s8  }
0x1f: {  	s30 =	sor.u32 s1, s0  }
0x20: {  	v0 =	vld [tilespmem:s30+$0x18000]  }
0x21: {  	v1 =	vld [tilespmem:s30+$0x18010];
	_ =	sdelay $0x3  }
0x22: {  	s0 =	sor.u32 $0x10, s30;
	[tilespmem:s30+$0x0] =	vst.add.f32.msk $0xffff, v0  }
0x23: {  	[tilespmem:s0+$0x0] =	vst.add.f32.msk $0xffff, v1  }
0x24: {  	v0 =	vld [tilespmem:s30+$0x18020];
	_ =	sdelay $0x3  }
0x25: {  	s1 =	sor.u32 $0x20, s30  }
0x26: {  	[tilespmem:s1+$0x0] =	vst.add.f32.msk $0xffff, v0  }
0x27: {  	v0 =	vld [tilespmem:s30+$0x18030];
	_ =	sdelay $0x3  }
0x28: {  	s8 =	sor.u32 $0x30, s30  }
0x29: {  	[tilespmem:s8+$0x0] =	vst.add.f32.msk $0xffff, v0  }
0x2a: {  	v0 =	vld [tilespmem:s30+$0x18040];
	_ =	sdelay $0x3  }
0x2b: {  	s11 =	sor.u32 $0x40, s30  }
0x2c: {  	[tilespmem:s11+$0x0] =	vst.add.f32.msk $0xffff, v0  }
0x2d: {  	v0 =	vld [tilespmem:s30+$0x18050];
	_ =	sdelay $0x3  }
0x2e: {  	s1 =	sor.u32 $0x50, s30  }
0x2f: {  	[tilespmem:s1+$0x0] =	vst.add.f32.msk $0xffff, v0  }
0x30: {  	v0 =	vld [tilespmem:s30+$0x18060];
	_ =	sdelay $0x3  }
0x31: {  	s8 =	sor.u32 $0x60, s30  }
0x32: {  	[tilespmem:s8+$0x0] =	vst.add.f32.msk $0xffff, v0  }
0x33: {  	v0 =	vld [tilespmem:s30+$0x18070];
	_ =	sdelay $0x3  }
0x34: {  	s11 =	sor.u32 $0x70, s30  }
0x35: {  	[tilespmem:s11+$0x0] =	vst.add.f32.msk $0xffff, v0  }
0x36: {  	v0 =	vld [tilespmem:s30+$0x18400];
	_ =	sdelay $0x3  }
0x37: {  	s1 =	sor.u32 $0x400, s30  }
0x38: {  	[tilespmem:s1+$0x0] =	vst.add.f32.msk $0xffff, v0  }
0x39: {  	v0 =	vld [tilespmem:s30+$0x18410];
	_ =	sdelay $0x3  }
0x3a: {  	s8 =	sor.u32 $0x410, s30  }
0x3b: {  	[tilespmem:s8+$0x0] =	vst.add.f32.msk $0xffff, v0  }
0x3c: {  	v0 =	vld [tilespmem:s30+$0x18420];
	_ =	sdelay $0x3  }
0x3d: {  	s11 =	sor.u32 $0x420, s30  }
0x3e: {  	[tilespmem:s11+$0x0] =	vst.add.f32.msk $0xffff, v0  }
0x3f: {  	v0 =	vld [tilespmem:s30+$0x18430];
	_ =	sdelay $0x3  }
0x40: {  	s1 =	sor.u32 $0x430, s30  }
0x41: {  	[tilespmem:s1+$0x0] =	vst.add.f32.msk $0xffff, v0  }
0x42: {  	v0 =	vld [tilespmem:s30+$0x18440];
	_ =	sdelay $0x3  }
0x43: {  	s8 =	sor.u32 $0x440, s30  }
0x44: {  	[tilespmem:s8+$0x0] =	vst.add.f32.msk $0xffff, v0  }
0x45: {  	v0 =	vld [tilespmem:s30+$0x18450];
	_ =	sdelay $0x3  }
0x46: {  	s11 =	sor.u32 $0x450, s30  }
0x47: {  	[tilespmem:s11+$0x0] =	vst.add.f32.msk $0xffff, v0  }
0x48: {  	v0 =	vld [tilespmem:s30+$0x18460];
	_ =	sdelay $0x3  }
0x49: {  	s1 =	sor.u32 $0x460, s30  }
0x4a: {  	[tilespmem:s1+$0x0] =	vst.add.f32.msk $0xffff, v0  }
0x4b: {  	v0 =	vld [tilespmem:s30+$0x18470];
	_ =	sdelay $0x3  }
0x4c: {  	s8 =	sor.u32 $0x470, s30  }
0x4d: {  	[tilespmem:s8+$0x0] =	vst.add.f32.msk $0xffff, v0  }
0x4e: {  	s11 =	simm.s32 $0x0;
	v2 =	vld [tilespmem:s30+$0x19470]  }
0x4f: {  	s0 =	smul.u32 $0x1800, s11;
	s1 =	simm.s32 $0x80;
	v0 =	vld [tilespmem:s30+$0x18800]  }
0x50: {  	s31 =	simm.s32 $0x2;
	s11 =	sand.u32 $0x380, s1;
	v1 =	vld [tilespmem:s30+$0x18810]  }
.LBB2_3:
0x51: {  	p1 =	sne.s32 s31, $0x1F;
	s0 =	sor.u32 s11, s0;
	v3 =	vld [tilespmem:s30+$0x18820]  }
0x52: {  	v4 =	vld [tilespmem:s0+$0x18000]  }
0x53: {  	[tilespmem:s30+$0x1470] =	vst.add.f32.msk $0xffff, v2  }
0x54: {  	v2 =	vld [tilespmem:s0+$0x18010]  }
0x55: {  	v5 =	vld [tilespmem:s30+$0x18830]  }
0x56: {  	v6 =	vld [tilespmem:s30+$0x18840]  }
0x57: {  	v7 =	vld [tilespmem:s30+$0x18850]  }
0x58: {  	s11 =	sor.u32 $0x10, s0;
	[tilespmem:s0+$0x0] =	vst.add.f32.msk $0xffff, v4  }
0x59: {  	[tilespmem:s11+$0x0] =	vst.add.f32.msk $0xffff, v2  }
0x5a: {  	v2 =	vld [tilespmem:s0+$0x18020]  }
0x5b: {  	v4 =	vld [tilespmem:s30+$0x18860]  }
0x5c: {  	v8 =	vld [tilespmem:s30+$0x18870]  }
0x5d: {  	v9 =	vld [tilespmem:s30+$0x18C00]  }
0x5e: {  	s11 =	sor.u32 $0x20, s0;
	v10 =	vld [tilespmem:s30+$0x18C10]  }
0x5f: {  	[tilespmem:s11+$0x0] =	vst.add.f32.msk $0xffff, v2  }
0x60: {  	v2 =	vld [tilespmem:s0+$0x18030]  }
0x61: {  	v11 =	vld [tilespmem:s30+$0x18C20]  }
0x62: {  	v12 =	vld [tilespmem:s30+$0x18C30]  }
0x63: {  	v13 =	vld [tilespmem:s30+$0x18C40]  }
0x64: {  	s11 =	sor.u32 $0x30, s0;
	v14 =	vld [tilespmem:s30+$0x18C50]  }
0x65: {  	[tilespmem:s11+$0x0] =	vst.add.f32.msk $0xffff, v2  }
0x66: {  	v2 =	vld [tilespmem:s0+$0x18040]  }
0x67: {  	v15 =	vld [tilespmem:s30+$0x18C60]  }
0x68: {  	v16 =	vld [tilespmem:s30+$0x18C70]  }
0x69: {  	v17 =	vld [tilespmem:s30+$0x19000]  }
0x6a: {  	s11 =	sor.u32 $0x40, s0;
	v18 =	vld [tilespmem:s30+$0x19010]  }
0x6b: {  	[tilespmem:s11+$0x0] =	vst.add.f32.msk $0xffff, v2  }
0x6c: {  	v2 =	vld [tilespmem:s0+$0x18050]  }
0x6d: {  	v19 =	vld [tilespmem:s30+$0x19020]  }
0x6e: {  	v20 =	vld [tilespmem:s30+$0x19030]  }
0x6f: {  	v21 =	vld [tilespmem:s30+$0x19040]  }
0x70: {  	s11 =	sor.u32 $0x50, s0;
	v22 =	vld [tilespmem:s30+$0x19050]  }
0x71: {  	[tilespmem:s11+$0x0] =	vst.add.f32.msk $0xffff, v2  }
0x72: {  	v2 =	vld [tilespmem:s0+$0x18060]  }
0x73: {  	v23 =	vld [tilespmem:s30+$0x19060]  }
0x74: {  	v24 =	vld [tilespmem:s30+$0x19070]  }
0x75: {  	v25 =	vld [tilespmem:s30+$0x19400]  }
0x76: {  	s11 =	sor.u32 $0x60, s0;
	v26 =	vld [tilespmem:s30+$0x19410]  }
0x77: {  	[tilespmem:s11+$0x0] =	vst.add.f32.msk $0xffff, v2  }
0x78: {  	v2 =	vld [tilespmem:s0+$0x18070]  }
0x79: {  	v27 =	vld [tilespmem:s30+$0x19420]  }
0x7a: {  	v28 =	vld [tilespmem:s30+$0x19430]  }
0x7b: {  	v29 =	vld [tilespmem:s30+$0x19440]  }
0x7c: {  	s11 =	sor.u32 $0x70, s0;
	v30 =	vld [tilespmem:s30+$0x19450]  }
0x7d: {  	[tilespmem:s11+$0x0] =	vst.add.f32.msk $0xffff, v2  }
0x7e: {  	v2 =	vld [tilespmem:s0+$0x18400]  }
0x7f: {  	v31 =	vld [tilespmem:s30+$0x19460]  }
0x80: {  	[tilespmem:s30+$0x800] =	vst.add.f32.msk $0xffff, v0  }
0x81: {  	[tilespmem:s30+$0x810] =	vst.add.f32.msk $0xffff, v1  }
0x82: {  	s11 =	sor.u32 $0x400, s0;
	[tilespmem:s30+$0x820] =	vst.add.f32.msk $0xffff, v3  }
0x83: {  	[tilespmem:s11+$0x0] =	vst.add.f32.msk $0xffff, v2  }
0x84: {  	v0 =	vld [tilespmem:s0+$0x18410]  }
0x85: {  	[tilespmem:s30+$0x830] =	vst.add.f32.msk $0xffff, v5  }
0x86: {  	[tilespmem:s30+$0x840] =	vst.add.f32.msk $0xffff, v6  }
0x87: {  	[tilespmem:s30+$0x850] =	vst.add.f32.msk $0xffff, v7  }
0x88: {  	s11 =	sor.u32 $0x410, s0;
	[tilespmem:s30+$0x860] =	vst.add.f32.msk $0xffff, v4  }
0x89: {  	[tilespmem:s11+$0x0] =	vst.add.f32.msk $0xffff, v0  }
0x8a: {  	v0 =	vld [tilespmem:s0+$0x18420]  }
0x8b: {  	[tilespmem:s30+$0x870] =	vst.add.f32.msk $0xffff, v8  }
0x8c: {  	[tilespmem:s30+$0xC00] =	vst.add.f32.msk $0xffff, v9  }
0x8d: {  	[tilespmem:s30+$0xC10] =	vst.add.f32.msk $0xffff, v10  }
0x8e: {  	s11 =	sor.u32 $0x420, s0;
	[tilespmem:s30+$0xC20] =	vst.add.f32.msk $0xffff, v11  }
0x8f: {  	[tilespmem:s11+$0x0] =	vst.add.f32.msk $0xffff, v0  }
0x90: {  	v0 =	vld [tilespmem:s0+$0x18430]  }
0x91: {  	[tilespmem:s30+$0xC30] =	vst.add.f32.msk $0xffff, v12  }
0x92: {  	[tilespmem:s30+$0xC40] =	vst.add.f32.msk $0xffff, v13  }
0x93: {  	[tilespmem:s30+$0xC50] =	vst.add.f32.msk $0xffff, v14  }
0x94: {  	s11 =	sor.u32 $0x430, s0;
	[tilespmem:s30+$0xC60] =	vst.add.f32.msk $0xffff, v15  }
0x95: {  	[tilespmem:s11+$0x0] =	vst.add.f32.msk $0xffff, v0  }
0x96: {  	v0 =	vld [tilespmem:s0+$0x18440]  }
0x97: {  	[tilespmem:s30+$0xC70] =	vst.add.f32.msk $0xffff, v16  }
0x98: {  	[tilespmem:s30+$0x1000] =	vst.add.f32.msk $0xffff, v17  }
0x99: {  	[tilespmem:s30+$0x1010] =	vst.add.f32.msk $0xffff, v18  }
0x9a: {  	s11 =	sor.u32 $0x440, s0;
	[tilespmem:s30+$0x1020] =	vst.add.f32.msk $0xffff, v19  }
0x9b: {  	[tilespmem:s11+$0x0] =	vst.add.f32.msk $0xffff, v0  }
0x9c: {  	v0 =	vld [tilespmem:s0+$0x18450]  }
0x9d: {  	[tilespmem:s30+$0x1030] =	vst.add.f32.msk $0xffff, v20  }
0x9e: {  	[tilespmem:s30+$0x1040] =	vst.add.f32.msk $0xffff, v21  }
0x9f: {  	[tilespmem:s30+$0x1050] =	vst.add.f32.msk $0xffff, v22  }
0xa0: {  	s11 =	sor.u32 $0x450, s0;
	[tilespmem:s30+$0x1060] =	vst.add.f32.msk $0xffff, v23  }
0xa1: {  	[tilespmem:s11+$0x0] =	vst.add.f32.msk $0xffff, v0  }
0xa2: {  	v0 =	vld [tilespmem:s0+$0x18460]  }
0xa3: {  	[tilespmem:s30+$0x1070] =	vst.add.f32.msk $0xffff, v24  }
0xa4: {  	[tilespmem:s30+$0x1400] =	vst.add.f32.msk $0xffff, v25  }
0xa5: {  	[tilespmem:s30+$0x1410] =	vst.add.f32.msk $0xffff, v26  }
0xa6: {  	s11 =	sor.u32 $0x460, s0;
	[tilespmem:s30+$0x1420] =	vst.add.f32.msk $0xffff, v27  }
0xa7: {  	[tilespmem:s11+$0x0] =	vst.add.f32.msk $0xffff, v0  }
0xa8: {  	v0 =	vld [tilespmem:s0+$0x18470]  }
0xa9: {  	[tilespmem:s30+$0x1430] =	vst.add.f32.msk $0xffff, v28  }
0xaa: {  	[tilespmem:s30+$0x1440] =	vst.add.f32.msk $0xffff, v29  }
0xab: {  	[tilespmem:s30+$0x1450] =	vst.add.f32.msk $0xffff, v30  }
.Ltmp0:
0xac: {  	s11 =	sor.u32 $0x470, s0;
	[tilespmem:s30+$0x1460] =	vst.add.f32.msk $0xffff, v31;
	s30 =	smov.u32 s0;
	(pc) =	sbr.rel @p1 .LBB2_3-.Ltmp0, $4  }
0xad: {  	[tilespmem:s11+$0x0] =	vst.add.f32.msk $0xffff, v0  }
0xae: {  	s0 =	sshrl.u32 s31, $0x3;
	v2 =	vld [tilespmem:s30+$0x19470]  }
0xaf: {  	s1 =	sadd.s32 $0x80, s1;
	s0 =	smul.u32 $0x1800, s0;
	v0 =	vld [tilespmem:s30+$0x18800]  }
0xb0: {  	s31 =	sadd.s32 $0x1, s31;
	s11 =	sand.u32 $0x380, s1;
	v1 =	vld [tilespmem:s30+$0x18810]  }
0xb1: {  	v3 =	vld [tilespmem:s30+$0x18820]  }
0xb2: {  	s0 =	sor.u32 s11, s0;
	v6 =	vld [tilespmem:s30+$0x18840]  }
0xb3: {  	v4 =	vld [tilespmem:s0+$0x18000]  }
0xb4: {  	v5 =	vld [tilespmem:s0+$0x18010]  }
0xb5: {  	v52 =	vld [tilespmem:s30+$0x18850]  }
0xb6: {  	v7 =	vld [tilespmem:s30+$0x18860]  }
0xb7: {  	v8 =	vld [tilespmem:s30+$0x18870]  }
0xb8: {  	s1 =	sor.u32 $0x10, s0;
	[tilespmem:s0+$0x0] =	vst.add.f32.msk $0xffff, v4  }
0xb9: {  	[tilespmem:s1+$0x0] =	vst.add.f32.msk $0xffff, v5  }
0xba: {  	v51 =	vld [tilespmem:s0+$0x18020]  }
0xbb: {  	v9 =	vld [tilespmem:s30+$0x18C00]  }
0xbc: {  	v10 =	vld [tilespmem:s30+$0x18C10]  }
0xbd: {  	v11 =	vld [tilespmem:s30+$0x18C20]  }
0xbe: {  	v12 =	vld [tilespmem:s30+$0x18C30];
	s8 =	sor.u32 $0x20, s0  }
0xbf: {  	[tilespmem:s8+$0x0] =	vst.add.f32.msk $0xffff, v51  }
0xc0: {  	v4 =	vld [tilespmem:s0+$0x18030]  }
0xc1: {  	v13 =	vld [tilespmem:s30+$0x18C40]  }
0xc2: {  	v14 =	vld [tilespmem:s30+$0x18C50]  }
0xc3: {  	v15 =	vld [tilespmem:s30+$0x18C60]  }
0xc4: {  	v16 =	vld [tilespmem:s30+$0x18C70];
	s11 =	sor.u32 $0x30, s0  }
0xc5: {  	[tilespmem:s11+$0x0] =	vst.add.f32.msk $0xffff, v4  }
0xc6: {  	v4 =	vld [tilespmem:s0+$0x18040]  }
0xc7: {  	v17 =	vld [tilespmem:s30+$0x19000]  }
0xc8: {  	v18 =	vld [tilespmem:s30+$0x19010]  }
0xc9: {  	v19 =	vld [tilespmem:s30+$0x19020]  }
0xca: {  	v20 =	vld [tilespmem:s30+$0x19030];
	s8 =	sor.u32 $0x40, s0  }
0xcb: {  	[tilespmem:s8+$0x0] =	vst.add.f32.msk $0xffff, v4  }
0xcc: {  	v4 =	vld [tilespmem:s0+$0x18050]  }
0xcd: {  	v21 =	vld [tilespmem:s30+$0x19040]  }
0xce: {  	v22 =	vld [tilespmem:s30+$0x19050]  }
0xcf: {  	v23 =	vld [tilespmem:s30+$0x19060]  }
0xd0: {  	v24 =	vld [tilespmem:s30+$0x19070];
	s11 =	sor.u32 $0x50, s0  }
0xd1: {  	[tilespmem:s11+$0x0] =	vst.add.f32.msk $0xffff, v4  }
0xd2: {  	v4 =	vld [tilespmem:s0+$0x18060]  }
0xd3: {  	v25 =	vld [tilespmem:s30+$0x19400]  }
0xd4: {  	v26 =	vld [tilespmem:s30+$0x19410]  }
0xd5: {  	v27 =	vld [tilespmem:s30+$0x19420]  }
0xd6: {  	v28 =	vld [tilespmem:s30+$0x19430];
	s8 =	sor.u32 $0x60, s0  }
0xd7: {  	[tilespmem:s8+$0x0] =	vst.add.f32.msk $0xffff, v4  }
0xd8: {  	v4 =	vld [tilespmem:s0+$0x18070]  }
0xd9: {  	v29 =	vld [tilespmem:s30+$0x19440]  }
0xda: {  	v30 =	vld [tilespmem:s30+$0x19450]  }
0xdb: {  	v31 =	vld [tilespmem:s30+$0x19460]  }
0xdc: {  	[tilespmem:s30+$0x1470] =	vst.add.f32.msk $0xffff, v2;
	s11 =	sor.u32 $0x70, s0  }
0xdd: {  	[tilespmem:s11+$0x0] =	vst.add.f32.msk $0xffff, v4  }
0xde: {  	v4 =	vld [tilespmem:s0+$0x18400]  }
0xdf: {  	v2 =	vld [tilespmem:s30+$0x18830]  }
0xe0: {  	[tilespmem:s30+$0x800] =	vst.add.f32.msk $0xffff, v0  }
0xe1: {  	[tilespmem:s30+$0x810] =	vst.add.f32.msk $0xffff, v1  }
0xe2: {  	[tilespmem:s30+$0x820] =	vst.add.f32.msk $0xffff, v3;
	s8 =	sor.u32 $0x400, s0  }
0xe3: {  	[tilespmem:s8+$0x0] =	vst.add.f32.msk $0xffff, v4  }
0xe4: {  	v0 =	vld [tilespmem:s0+$0x18410]  }
0xe5: {  	[tilespmem:s30+$0x840] =	vst.add.f32.msk $0xffff, v6  }
0xe6: {  	[tilespmem:s30+$0x850] =	vst.add.f32.msk $0xffff, v52  }
0xe7: {  	[tilespmem:s30+$0x860] =	vst.add.f32.msk $0xffff, v7  }
0xe8: {  	[tilespmem:s30+$0x870] =	vst.add.f32.msk $0xffff, v8;
	s11 =	sor.u32 $0x410, s0  }
0xe9: {  	[tilespmem:s11+$0x0] =	vst.add.f32.msk $0xffff, v0  }
0xea: {  	v0 =	vld [tilespmem:s0+$0x18420]  }
0xeb: {  	[tilespmem:s30+$0xC00] =	vst.add.f32.msk $0xffff, v9  }
0xec: {  	[tilespmem:s30+$0xC10] =	vst.add.f32.msk $0xffff, v10  }
0xed: {  	[tilespmem:s30+$0xC20] =	vst.add.f32.msk $0xffff, v11  }
0xee: {  	[tilespmem:s30+$0xC30] =	vst.add.f32.msk $0xffff, v12;
	s8 =	sor.u32 $0x420, s0  }
0xef: {  	[tilespmem:s8+$0x0] =	vst.add.f32.msk $0xffff, v0  }
0xf0: {  	v0 =	vld [tilespmem:s0+$0x18430]  }
0xf1: {  	[tilespmem:s30+$0xC40] =	vst.add.f32.msk $0xffff, v13  }
0xf2: {  	[tilespmem:s30+$0xC50] =	vst.add.f32.msk $0xffff, v14  }
0xf3: {  	[tilespmem:s30+$0xC60] =	vst.add.f32.msk $0xffff, v15  }
0xf4: {  	[tilespmem:s30+$0xC70] =	vst.add.f32.msk $0xffff, v16;
	s11 =	sor.u32 $0x430, s0  }
0xf5: {  	[tilespmem:s11+$0x0] =	vst.add.f32.msk $0xffff, v0  }
0xf6: {  	v0 =	vld [tilespmem:s0+$0x18440]  }
0xf7: {  	[tilespmem:s30+$0x1000] =	vst.add.f32.msk $0xffff, v17  }
0xf8: {  	[tilespmem:s30+$0x1010] =	vst.add.f32.msk $0xffff, v18  }
0xf9: {  	[tilespmem:s30+$0x1020] =	vst.add.f32.msk $0xffff, v19  }
0xfa: {  	[tilespmem:s30+$0x1030] =	vst.add.f32.msk $0xffff, v20;
	s8 =	sor.u32 $0x440, s0  }
0xfb: {  	[tilespmem:s8+$0x0] =	vst.add.f32.msk $0xffff, v0  }
0xfc: {  	v0 =	vld [tilespmem:s0+$0x18450]  }
0xfd: {  	[tilespmem:s30+$0x1040] =	vst.add.f32.msk $0xffff, v21  }
0xfe: {  	[tilespmem:s30+$0x1050] =	vst.add.f32.msk $0xffff, v22  }
0xff: {  	[tilespmem:s30+$0x1060] =	vst.add.f32.msk $0xffff, v23  }
0x100: {  	[tilespmem:s30+$0x1070] =	vst.add.f32.msk $0xffff, v24;
	s11 =	sor.u32 $0x450, s0  }
0x101: {  	[tilespmem:s11+$0x0] =	vst.add.f32.msk $0xffff, v0  }
0x102: {  	v0 =	vld [tilespmem:s0+$0x18460]  }
0x103: {  	[tilespmem:s30+$0x1400] =	vst.add.f32.msk $0xffff, v25  }
0x104: {  	[tilespmem:s30+$0x1410] =	vst.add.f32.msk $0xffff, v26  }
0x105: {  	[tilespmem:s30+$0x1420] =	vst.add.f32.msk $0xffff, v27  }
0x106: {  	[tilespmem:s30+$0x1430] =	vst.add.f32.msk $0xffff, v28;
	s8 =	sor.u32 $0x460, s0  }
0x107: {  	[tilespmem:s8+$0x0] =	vst.add.f32.msk $0xffff, v0  }
0x108: {  	v0 =	vld [tilespmem:s0+$0x18470]  }
0x109: {  	[tilespmem:s30+$0x1440] =	vst.add.f32.msk $0xffff, v29  }
0x10a: {  	[tilespmem:s30+$0x1450] =	vst.add.f32.msk $0xffff, v30  }
0x10b: {  	[tilespmem:s30+$0x1460] =	vst.add.f32.msk $0xffff, v31  }
0x10c: {  	[tilespmem:s30+$0x830] =	vst.add.f32.msk $0xffff, v2;
	s11 =	sor.u32 $0x470, s0  }
0x10d: {  	[tilespmem:s11+$0x0] =	vst.add.f32.msk $0xffff, v0  }
0x10e: {  	v0 =	vld [tilespmem:s0+$0x19470]  }
0x10f: {  	v1 =	vld [tilespmem:s0+$0x18800]  }
0x110: {  	v2 =	vld [tilespmem:s0+$0x18810]  }
0x111: {  	v3 =	vld [tilespmem:s0+$0x18820]  }
0x112: {  	v4 =	vld [tilespmem:s0+$0x18840]  }
0x113: {  	v53 =	vld [tilespmem:s0+$0x18850]  }
0x114: {  	v54 =	vld [tilespmem:s0+$0x18860]  }
0x115: {  	v55 =	vld [tilespmem:s0+$0x18870]  }
0x116: {  	v56 =	vld [tilespmem:s0+$0x18C00]  }
0x117: {  	v57 =	vld [tilespmem:s0+$0x18C10]  }
0x118: {  	v58 =	vld [tilespmem:s0+$0x18C20]  }
0x119: {  	v59 =	vld [tilespmem:s0+$0x18C30]  }
0x11a: {  	v60 =	vld [tilespmem:s0+$0x18C40]  }
0x11b: {  	v61 =	vld [tilespmem:s0+$0x18C50]  }
0x11c: {  	v62 =	vld [tilespmem:s0+$0x18C60]  }
0x11d: {  	v63 =	vld [tilespmem:s0+$0x18C70]  }
0x11e: {  	v33 =	vld [tilespmem:s0+$0x19000]  }
0x11f: {  	v34 =	vld [tilespmem:s0+$0x19010]  }
0x120: {  	v35 =	vld [tilespmem:s0+$0x19020]  }
0x121: {  	v36 =	vld [tilespmem:s0+$0x19030]  }
0x122: {  	v37 =	vld [tilespmem:s0+$0x19040]  }
0x123: {  	v38 =	vld [tilespmem:s0+$0x19050]  }
0x124: {  	v39 =	vld [tilespmem:s0+$0x19060]  }
0x125: {  	v40 =	vld [tilespmem:s0+$0x19070]  }
0x126: {  	v41 =	vld [tilespmem:s0+$0x19400]  }
0x127: {  	v42 =	vld [tilespmem:s0+$0x19410]  }
0x128: {  	v43 =	vld [tilespmem:s0+$0x19420]  }
0x129: {  	v44 =	vld [tilespmem:s0+$0x19430]  }
0x12a: {  	v45 =	vld [tilespmem:s0+$0x19440]  }
0x12b: {  	v46 =	vld [tilespmem:s0+$0x19450]  }
0x12c: {  	v47 =	vld [tilespmem:s0+$0x19460]  }
0x12d: {  	[tilespmem:s0+$0x1470] =	vst.add.f32.msk $0xffff, v0  }
0x12e: {  	v0 =	vld [tilespmem:s0+$0x18830]  }
0x12f: {  	[tilespmem:s0+$0x800] =	vst.add.f32.msk $0xffff, v1  }
0x130: {  	[tilespmem:s0+$0x810] =	vst.add.f32.msk $0xffff, v2  }
0x131: {  	[tilespmem:s0+$0x820] =	vst.add.f32.msk $0xffff, v3  }
0x132: {  	[tilespmem:s0+$0x840] =	vst.add.f32.msk $0xffff, v4  }
0x133: {  	[tilespmem:s0+$0x850] =	vst.add.f32.msk $0xffff, v53  }
0x134: {  	[tilespmem:s0+$0x860] =	vst.add.f32.msk $0xffff, v54  }
0x135: {  	[tilespmem:s0+$0x870] =	vst.add.f32.msk $0xffff, v55  }
0x136: {  	[tilespmem:s0+$0xC00] =	vst.add.f32.msk $0xffff, v56  }
0x137: {  	[tilespmem:s0+$0xC10] =	vst.add.f32.msk $0xffff, v57  }
0x138: {  	[tilespmem:s0+$0xC20] =	vst.add.f32.msk $0xffff, v58  }
0x139: {  	[tilespmem:s0+$0xC30] =	vst.add.f32.msk $0xffff, v59  }
0x13a: {  	[tilespmem:s0+$0xC40] =	vst.add.f32.msk $0xffff, v60  }
0x13b: {  	[tilespmem:s0+$0xC50] =	vst.add.f32.msk $0xffff, v61  }
0x13c: {  	[tilespmem:s0+$0xC60] =	vst.add.f32.msk $0xffff, v62  }
0x13d: {  	[tilespmem:s0+$0xC70] =	vst.add.f32.msk $0xffff, v63  }
0x13e: {  	[tilespmem:s0+$0x1000] =	vst.add.f32.msk $0xffff, v33  }
0x13f: {  	[tilespmem:s0+$0x1010] =	vst.add.f32.msk $0xffff, v34  }
0x140: {  	[tilespmem:s0+$0x1020] =	vst.add.f32.msk $0xffff, v35  }
0x141: {  	[tilespmem:s0+$0x1030] =	vst.add.f32.msk $0xffff, v36  }
0x142: {  	[tilespmem:s0+$0x1040] =	vst.add.f32.msk $0xffff, v37  }
0x143: {  	[tilespmem:s0+$0x1050] =	vst.add.f32.msk $0xffff, v38  }
0x144: {  	[tilespmem:s0+$0x1060] =	vst.add.f32.msk $0xffff, v39  }
0x145: {  	[tilespmem:s0+$0x1070] =	vst.add.f32.msk $0xffff, v40  }
0x146: {  	[tilespmem:s0+$0x1400] =	vst.add.f32.msk $0xffff, v41  }
0x147: {  	[tilespmem:s0+$0x1410] =	vst.add.f32.msk $0xffff, v42  }
0x148: {  	[tilespmem:s0+$0x1420] =	vst.add.f32.msk $0xffff, v43  }
0x149: {  	[tilespmem:s0+$0x1430] =	vst.add.f32.msk $0xffff, v44  }
0x14a: {  	[tilespmem:s0+$0x1440] =	vst.add.f32.msk $0xffff, v45  }
0x14b: {  	[tilespmem:s0+$0x1450] =	vst.add.f32.msk $0xffff, v46  }
0x14c: {  	[tilespmem:s0+$0x1460] =	vst.add.f32.msk $0xffff, v47  }
0x14d: {  	s30 =	sadd.s32 s5, s26;
	[tilespmem:s0+$0x830] =	vst.add.f32.msk $0xffff, v0  }
0x14e: {  	[hbm4b:s30+s6] =	stream.linear.scatter [tilespmem:s6], [sflag:$0x5], $0x6000, $0x38;
	[tilespmem:$0x1E000] =	vst v63  }
0x14f: {  	_ =	swait.ge [sflag:s16], $0x6000  }
0x150: {  	[sflag:s16] =	ssyncset.done $0x0  }
0x151: {  	s0 =	simm.s32 @!p0 $0x8;
	[sflag:s16] =	ssyncadd.s32 $0xFFFFA000  }
0x152: {  	s31 =	simm.s32 $0x0;
	s26 =	sadd.s32 $0x240000, s26;
	_ =	swait.ge @!p0 [sflag:s0], $0x6000  }
0x153: {  	s1 =	sadd.s32 s2, s26;
	s8 =	simm.s32 $0x0;
	[sflag:s0] =	ssyncset.done @!p0 $0x0  }
0x154: {  	s11 =	sand.u32 $0x380, s31;
	[sflag:s0] =	ssyncadd.s32 @!p0 $0xFFFFA000;
	s0 =	smul.u32 $0x1800, s8  }
0x155: {  	[tilespmem:s17], [sflag:$0x4] =	stream.linear.gather [hbm4b:s1+s31], $0x6000, $0x38;
	[tilespmem:$0x1E000] =	vst v63  }
0x156: {  	s1 =	sor.u32 s11, s0  }
0x157: {  	v0 =	vld [tilespmem:s1+$0x19470]  }
0x158: {  	v3 =	vld [tilespmem:s1+$0x18000]  }
0x159: {  	v4 =	vld [tilespmem:s1+$0x18010]  }
0x15a: {  	v5 =	vld [tilespmem:s1+$0x18020]  }
0x15b: {  	v6 =	vld [tilespmem:s1+$0x18030]  }
0x15c: {  	v7 =	vld [tilespmem:s1+$0x18040]  }
0x15d: {  	v8 =	vld [tilespmem:s1+$0x18050]  }
0x15e: {  	v9 =	vld [tilespmem:s1+$0x18060]  }
0x15f: {  	v10 =	vld [tilespmem:s1+$0x18070]  }
0x160: {  	v11 =	vld [tilespmem:s1+$0x18400]  }
0x161: {  	v12 =	vld [tilespmem:s1+$0x18410]  }
0x162: {  	v13 =	vld [tilespmem:s1+$0x18420]  }
0x163: {  	v14 =	vld [tilespmem:s1+$0x18430]  }
0x164: {  	v15 =	vld [tilespmem:s1+$0x18440]  }
0x165: {  	v48 =	vld [tilespmem:s1+$0x18450]  }
0x166: {  	v49 =	vld [tilespmem:s1+$0x18460]  }
0x167: {  	v50 =	vld [tilespmem:s1+$0x18470]  }
0x168: {  	v51 =	vld [tilespmem:s1+$0x18800]  }
0x169: {  	v52 =	vld [tilespmem:s1+$0x18810]  }
0x16a: {  	v53 =	vld [tilespmem:s1+$0x18820]  }
0x16b: {  	v54 =	vld [tilespmem:s1+$0x18830]  }
0x16c: {  	v55 =	vld [tilespmem:s1+$0x18840]  }
0x16d: {  	v56 =	vld [tilespmem:s1+$0x18850]  }
0x16e: {  	v57 =	vld [tilespmem:s1+$0x18860]  }
0x16f: {  	v58 =	vld [tilespmem:s1+$0x18870]  }
0x170: {  	v59 =	vld [tilespmem:s1+$0x18C00]  }
0x171: {  	v60 =	vld [tilespmem:s1+$0x18C10]  }
0x172: {  	v61 =	vld [tilespmem:s1+$0x18C20]  }
0x173: {  	v62 =	vld [tilespmem:s1+$0x18C30]  }
0x174: {  	v63 =	vld [tilespmem:s1+$0x18C40]  }
0x175: {  	v32 =	vld [tilespmem:s1+$0x18C50]  }
0x176: {  	v33 =	vld [tilespmem:s1+$0x18C60]  }
0x177: {  	v34 =	vld [tilespmem:s1+$0x18C70]  }
0x178: {  	v35 =	vld [tilespmem:s1+$0x19000]  }
0x179: {  	v36 =	vld [tilespmem:s1+$0x19010]  }
0x17a: {  	v37 =	vld [tilespmem:s1+$0x19020]  }
0x17b: {  	v38 =	vld [tilespmem:s1+$0x19030]  }
0x17c: {  	v39 =	vld [tilespmem:s1+$0x19040]  }
0x17d: {  	v40 =	vld [tilespmem:s1+$0x19050]  }
0x17e: {  	v41 =	vld [tilespmem:s1+$0x19060]  }
0x17f: {  	v42 =	vld [tilespmem:s1+$0x19070]  }
0x180: {  	v43 =	vld [tilespmem:s1+$0x19400]  }
0x181: {  	v44 =	vld [tilespmem:s1+$0x19410]  }
0x182: {  	v45 =	vld [tilespmem:s1+$0x19420]  }
0x183: {  	v46 =	vld [tilespmem:s1+$0x19430]  }
0x184: {  	v2 =	vld [tilespmem:s1+$0x19440]  }
0x185: {  	v1 =	vld [tilespmem:s1+$0x19450]  }
0x186: {  	[tilespmem:s1+$0x7470] =	vst.add.f32.msk $0xffff, v0  }
0x187: {  	v0 =	vld [tilespmem:s1+$0x19460]  }
0x188: {  	[tilespmem:s1+$0x6000] =	vst.add.f32.msk $0xffff, v3  }
0x189: {  	[tilespmem:s1+$0x6010] =	vst.add.f32.msk $0xffff, v4  }
0x18a: {  	[tilespmem:s1+$0x6020] =	vst.add.f32.msk $0xffff, v5  }
0x18b: {  	[tilespmem:s1+$0x6030] =	vst.add.f32.msk $0xffff, v6  }
0x18c: {  	[tilespmem:s1+$0x6040] =	vst.add.f32.msk $0xffff, v7  }
0x18d: {  	[tilespmem:s1+$0x6050] =	vst.add.f32.msk $0xffff, v8  }
0x18e: {  	[tilespmem:s1+$0x6060] =	vst.add.f32.msk $0xffff, v9  }
0x18f: {  	[tilespmem:s1+$0x6070] =	vst.add.f32.msk $0xffff, v10  }
0x190: {  	[tilespmem:s1+$0x6400] =	vst.add.f32.msk $0xffff, v11  }
0x191: {  	[tilespmem:s1+$0x6410] =	vst.add.f32.msk $0xffff, v12  }
0x192: {  	[tilespmem:s1+$0x6420] =	vst.add.f32.msk $0xffff, v13  }
0x193: {  	[tilespmem:s1+$0x6430] =	vst.add.f32.msk $0xffff, v14  }
0x194: {  	[tilespmem:s1+$0x6440] =	vst.add.f32.msk $0xffff, v15  }
0x195: {  	[tilespmem:s1+$0x6450] =	vst.add.f32.msk $0xffff, v48  }
0x196: {  	[tilespmem:s1+$0x6460] =	vst.add.f32.msk $0xffff, v49  }
0x197: {  	[tilespmem:s1+$0x6470] =	vst.add.f32.msk $0xffff, v50  }
0x198: {  	[tilespmem:s1+$0x6800] =	vst.add.f32.msk $0xffff, v51  }
0x199: {  	[tilespmem:s1+$0x6810] =	vst.add.f32.msk $0xffff, v52  }
0x19a: {  	[tilespmem:s1+$0x6820] =	vst.add.f32.msk $0xffff, v53  }
0x19b: {  	[tilespmem:s1+$0x6830] =	vst.add.f32.msk $0xffff, v54  }
0x19c: {  	[tilespmem:s1+$0x6840] =	vst.add.f32.msk $0xffff, v55  }
0x19d: {  	[tilespmem:s1+$0x6850] =	vst.add.f32.msk $0xffff, v56  }
0x19e: {  	[tilespmem:s1+$0x6860] =	vst.add.f32.msk $0xffff, v57  }
0x19f: {  	[tilespmem:s1+$0x6870] =	vst.add.f32.msk $0xffff, v58  }
0x1a0: {  	[tilespmem:s1+$0x6C00] =	vst.add.f32.msk $0xffff, v59  }
0x1a1: {  	[tilespmem:s1+$0x6C10] =	vst.add.f32.msk $0xffff, v60  }
0x1a2: {  	[tilespmem:s1+$0x6C20] =	vst.add.f32.msk $0xffff, v61  }
0x1a3: {  	[tilespmem:s1+$0x6C30] =	vst.add.f32.msk $0xffff, v62  }
0x1a4: {  	[tilespmem:s1+$0x6C40] =	vst.add.f32.msk $0xffff, v63  }
0x1a5: {  	[tilespmem:s1+$0x6C50] =	vst.add.f32.msk $0xffff, v32  }
0x1a6: {  	[tilespmem:s1+$0x6C60] =	vst.add.f32.msk $0xffff, v33  }
0x1a7: {  	[tilespmem:s1+$0x6C70] =	vst.add.f32.msk $0xffff, v34  }
0x1a8: {  	[tilespmem:s1+$0x7000] =	vst.add.f32.msk $0xffff, v35  }
0x1a9: {  	[tilespmem:s1+$0x7010] =	vst.add.f32.msk $0xffff, v36  }
0x1aa: {  	[tilespmem:s1+$0x7020] =	vst.add.f32.msk $0xffff, v37  }
0x1ab: {  	[tilespmem:s1+$0x7030] =	vst.add.f32.msk $0xffff, v38  }
0x1ac: {  	[tilespmem:s1+$0x7040] =	vst.add.f32.msk $0xffff, v39  }
0x1ad: {  	[tilespmem:s1+$0x7050] =	vst.add.f32.msk $0xffff, v40  }
0x1ae: {  	[tilespmem:s1+$0x7060] =	vst.add.f32.msk $0xffff, v41  }
0x1af: {  	[tilespmem:s1+$0x7070] =	vst.add.f32.msk $0xffff, v42  }
0x1b0: {  	[tilespmem:s1+$0x7400] =	vst.add.f32.msk $0xffff, v43  }
0x1b1: {  	[tilespmem:s1+$0x7410] =	vst.add.f32.msk $0xffff, v44  }
0x1b2: {  	[tilespmem:s1+$0x7420] =	vst.add.f32.msk $0xffff, v45  }
0x1b3: {  	s11 =	simm.s32 $0x0;
	s0 =	simm.s32 $0x2;
	[tilespmem:s1+$0x7430] =	vst.add.f32.msk $0xffff, v46  }
.LBB2_5:
0x1b4: {  	p0 =	sne.s32 s0, $0x1F;
	s11 =	smul.u32 $0x1800, s11;
	[tilespmem:s1+$0x7440] =	vst.add.f32.msk $0xffff, v2;
	s31 =	sadd.s32 $0x80, s31  }
0x1b5: {  	s8 =	sand.u32 $0x380, s31;
	[tilespmem:s1+$0x7450] =	vst.add.f32.msk $0xffff, v1  }
0x1b6: {  	[tilespmem:s1+$0x7460] =	vst.add.f32.msk $0xffff, v0;
	s1 =	sor.u32 s8, s11  }
0x1b7: {  	v0 =	vld [tilespmem:s1+$0x19470]  }
0x1b8: {  	v3 =	vld [tilespmem:s1+$0x18000]  }
0x1b9: {  	v4 =	vld [tilespmem:s1+$0x18010]  }
0x1ba: {  	v5 =	vld [tilespmem:s1+$0x18020]  }
0x1bb: {  	v6 =	vld [tilespmem:s1+$0x18030]  }
0x1bc: {  	[tilespmem:s1+$0x7470] =	vst.add.f32.msk $0xffff, v0  }
0x1bd: {  	v7 =	vld [tilespmem:s1+$0x18040]  }
0x1be: {  	v8 =	vld [tilespmem:s1+$0x18050]  }
0x1bf: {  	v9 =	vld [tilespmem:s1+$0x18060]  }
0x1c0: {  	v10 =	vld [tilespmem:s1+$0x18070]  }
0x1c1: {  	v11 =	vld [tilespmem:s1+$0x18400]  }
0x1c2: {  	v12 =	vld [tilespmem:s1+$0x18410]  }
0x1c3: {  	v13 =	vld [tilespmem:s1+$0x18420]  }
0x1c4: {  	v14 =	vld [tilespmem:s1+$0x18430]  }
0x1c5: {  	v15 =	vld [tilespmem:s1+$0x18440]  }
0x1c6: {  	v16 =	vld [tilespmem:s1+$0x18450]  }
0x1c7: {  	v17 =	vld [tilespmem:s1+$0x18460]  }
0x1c8: {  	v18 =	vld [tilespmem:s1+$0x18470]  }
0x1c9: {  	v19 =	vld [tilespmem:s1+$0x18800]  }
0x1ca: {  	v20 =	vld [tilespmem:s1+$0x18810]  }
0x1cb: {  	v21 =	vld [tilespmem:s1+$0x18820]  }
0x1cc: {  	v22 =	vld [tilespmem:s1+$0x18830]  }
0x1cd: {  	v23 =	vld [tilespmem:s1+$0x18840]  }
0x1ce: {  	v24 =	vld [tilespmem:s1+$0x18850]  }
0x1cf: {  	v25 =	vld [tilespmem:s1+$0x18860]  }
0x1d0: {  	v26 =	vld [tilespmem:s1+$0x18870]  }
0x1d1: {  	v27 =	vld [tilespmem:s1+$0x18C00]  }
0x1d2: {  	v28 =	vld [tilespmem:s1+$0x18C10]  }
0x1d3: {  	v29 =	vld [tilespmem:s1+$0x18C20]  }
0x1d4: {  	v30 =	vld [tilespmem:s1+$0x18C30]  }
0x1d5: {  	v31 =	vld [tilespmem:s1+$0x18C40]  }
0x1d6: {  	v32 =	vld [tilespmem:s1+$0x18C50]  }
0x1d7: {  	v33 =	vld [tilespmem:s1+$0x18C60]  }
0x1d8: {  	v34 =	vld [tilespmem:s1+$0x18C70]  }
0x1d9: {  	v35 =	vld [tilespmem:s1+$0x19000]  }
0x1da: {  	v36 =	vld [tilespmem:s1+$0x19010]  }
0x1db: {  	v37 =	vld [tilespmem:s1+$0x19020]  }
0x1dc: {  	v38 =	vld [tilespmem:s1+$0x19030]  }
0x1dd: {  	v39 =	vld [tilespmem:s1+$0x19040]  }
0x1de: {  	v40 =	vld [tilespmem:s1+$0x19050]  }
0x1df: {  	v41 =	vld [tilespmem:s1+$0x19060]  }
0x1e0: {  	v42 =	vld [tilespmem:s1+$0x19070]  }
0x1e1: {  	v43 =	vld [tilespmem:s1+$0x19400]  }
0x1e2: {  	v44 =	vld [tilespmem:s1+$0x19410]  }
0x1e3: {  	v45 =	vld [tilespmem:s1+$0x19420]  }
0x1e4: {  	v46 =	vld [tilespmem:s1+$0x19430]  }
0x1e5: {  	v2 =	vld [tilespmem:s1+$0x19440]  }
0x1e6: {  	v1 =	vld [tilespmem:s1+$0x19450]  }
0x1e7: {  	v0 =	vld [tilespmem:s1+$0x19460]  }
0x1e8: {  	[tilespmem:s1+$0x6000] =	vst.add.f32.msk $0xffff, v3  }
0x1e9: {  	[tilespmem:s1+$0x6010] =	vst.add.f32.msk $0xffff, v4  }
0x1ea: {  	[tilespmem:s1+$0x6020] =	vst.add.f32.msk $0xffff, v5  }
0x1eb: {  	[tilespmem:s1+$0x6030] =	vst.add.f32.msk $0xffff, v6  }
0x1ec: {  	[tilespmem:s1+$0x6040] =	vst.add.f32.msk $0xffff, v7  }
0x1ed: {  	[tilespmem:s1+$0x6050] =	vst.add.f32.msk $0xffff, v8  }
0x1ee: {  	[tilespmem:s1+$0x6060] =	vst.add.f32.msk $0xffff, v9  }
0x1ef: {  	[tilespmem:s1+$0x6070] =	vst.add.f32.msk $0xffff, v10  }
0x1f0: {  	[tilespmem:s1+$0x6400] =	vst.add.f32.msk $0xffff, v11  }
0x1f1: {  	[tilespmem:s1+$0x6410] =	vst.add.f32.msk $0xffff, v12  }
0x1f2: {  	[tilespmem:s1+$0x6420] =	vst.add.f32.msk $0xffff, v13  }
0x1f3: {  	[tilespmem:s1+$0x6430] =	vst.add.f32.msk $0xffff, v14  }
0x1f4: {  	[tilespmem:s1+$0x6440] =	vst.add.f32.msk $0xffff, v15  }
0x1f5: {  	[tilespmem:s1+$0x6450] =	vst.add.f32.msk $0xffff, v16  }
0x1f6: {  	[tilespmem:s1+$0x6460] =	vst.add.f32.msk $0xffff, v17  }
0x1f7: {  	[tilespmem:s1+$0x6470] =	vst.add.f32.msk $0xffff, v18  }
0x1f8: {  	[tilespmem:s1+$0x6800] =	vst.add.f32.msk $0xffff, v19  }
0x1f9: {  	[tilespmem:s1+$0x6810] =	vst.add.f32.msk $0xffff, v20  }
0x1fa: {  	[tilespmem:s1+$0x6820] =	vst.add.f32.msk $0xffff, v21  }
0x1fb: {  	[tilespmem:s1+$0x6830] =	vst.add.f32.msk $0xffff, v22  }
0x1fc: {  	[tilespmem:s1+$0x6840] =	vst.add.f32.msk $0xffff, v23  }
0x1fd: {  	[tilespmem:s1+$0x6850] =	vst.add.f32.msk $0xffff, v24  }
0x1fe: {  	[tilespmem:s1+$0x6860] =	vst.add.f32.msk $0xffff, v25  }
0x1ff: {  	[tilespmem:s1+$0x6870] =	vst.add.f32.msk $0xffff, v26  }
0x200: {  	[tilespmem:s1+$0x6C00] =	vst.add.f32.msk $0xffff, v27  }
0x201: {  	[tilespmem:s1+$0x6C10] =	vst.add.f32.msk $0xffff, v28  }
0x202: {  	[tilespmem:s1+$0x6C20] =	vst.add.f32.msk $0xffff, v29  }
0x203: {  	[tilespmem:s1+$0x6C30] =	vst.add.f32.msk $0xffff, v30  }
0x204: {  	[tilespmem:s1+$0x6C40] =	vst.add.f32.msk $0xffff, v31  }
0x205: {  	[tilespmem:s1+$0x6C50] =	vst.add.f32.msk $0xffff, v32  }
0x206: {  	[tilespmem:s1+$0x6C60] =	vst.add.f32.msk $0xffff, v33  }
0x207: {  	[tilespmem:s1+$0x6C70] =	vst.add.f32.msk $0xffff, v34  }
0x208: {  	[tilespmem:s1+$0x7000] =	vst.add.f32.msk $0xffff, v35  }
0x209: {  	[tilespmem:s1+$0x7010] =	vst.add.f32.msk $0xffff, v36  }
0x20a: {  	[tilespmem:s1+$0x7020] =	vst.add.f32.msk $0xffff, v37  }
0x20b: {  	[tilespmem:s1+$0x7030] =	vst.add.f32.msk $0xffff, v38  }
0x20c: {  	[tilespmem:s1+$0x7040] =	vst.add.f32.msk $0xffff, v39  }
0x20d: {  	[tilespmem:s1+$0x7050] =	vst.add.f32.msk $0xffff, v40  }
0x20e: {  	[tilespmem:s1+$0x7060] =	vst.add.f32.msk $0xffff, v41  }
.Ltmp1:
0x20f: {  	[tilespmem:s1+$0x7070] =	vst.add.f32.msk $0xffff, v42;
	(pc) =	sbr.rel @p0 .LBB2_5-.Ltmp1, $4  }
0x210: {  	[tilespmem:s1+$0x7400] =	vst.add.f32.msk $0xffff, v43  }
0x211: {  	[tilespmem:s1+$0x7410] =	vst.add.f32.msk $0xffff, v44  }
0x212: {  	[tilespmem:s1+$0x7420] =	vst.add.f32.msk $0xffff, v45  }
0x213: {  	s11 =	sshrl.u32 s0, $0x3;
	s0 =	sadd.s32 $0x1, s0;
	[tilespmem:s1+$0x7430] =	vst.add.f32.msk $0xffff, v46  }
0x214: {  	s0 =	smul.u32 $0x1800, s11;
	[tilespmem:s1+$0x7440] =	vst.add.f32.msk $0xffff, v2;
	s8 =	sadd.s32 $0x80, s31  }
0x215: {  	[tilespmem:s1+$0x7450] =	vst.add.f32.msk $0xffff, v1;
	s8 =	sand.u32 $0x380, s8  }
0x216: {  	[tilespmem:s1+$0x7460] =	vst.add.f32.msk $0xffff, v0;
	s0 =	sor.u32 s8, s0  }
0x217: {  	v0 =	vld [tilespmem:s0+$0x19470]  }
0x218: {  	v1 =	vld [tilespmem:s0+$0x18000]  }
0x219: {  	v2 =	vld [tilespmem:s0+$0x18010]  }
0x21a: {  	v3 =	vld [tilespmem:s0+$0x18020]  }
0x21b: {  	v4 =	vld [tilespmem:s0+$0x18030]  }
0x21c: {  	v5 =	vld [tilespmem:s0+$0x18050]  }
0x21d: {  	v6 =	vld [tilespmem:s0+$0x18060]  }
0x21e: {  	v7 =	vld [tilespmem:s0+$0x18070]  }
0x21f: {  	v8 =	vld [tilespmem:s0+$0x18400]  }
0x220: {  	v9 =	vld [tilespmem:s0+$0x18410]  }
0x221: {  	v10 =	vld [tilespmem:s0+$0x18420]  }
0x222: {  	v11 =	vld [tilespmem:s0+$0x18430]  }
0x223: {  	v12 =	vld [tilespmem:s0+$0x18440]  }
0x224: {  	v13 =	vld [tilespmem:s0+$0x18450]  }
0x225: {  	v14 =	vld [tilespmem:s0+$0x18460]  }
0x226: {  	v15 =	vld [tilespmem:s0+$0x18470]  }
0x227: {  	v16 =	vld [tilespmem:s0+$0x18800]  }
0x228: {  	v17 =	vld [tilespmem:s0+$0x18810]  }
0x229: {  	v18 =	vld [tilespmem:s0+$0x18820]  }
0x22a: {  	v19 =	vld [tilespmem:s0+$0x18830]  }
0x22b: {  	v20 =	vld [tilespmem:s0+$0x18840]  }
0x22c: {  	v21 =	vld [tilespmem:s0+$0x18850]  }
0x22d: {  	v22 =	vld [tilespmem:s0+$0x18860]  }
0x22e: {  	v23 =	vld [tilespmem:s0+$0x18870]  }
0x22f: {  	v24 =	vld [tilespmem:s0+$0x18C00]  }
0x230: {  	v25 =	vld [tilespmem:s0+$0x18C10]  }
0x231: {  	v26 =	vld [tilespmem:s0+$0x18C20]  }
0x232: {  	v27 =	vld [tilespmem:s0+$0x18C30]  }
0x233: {  	v28 =	vld [tilespmem:s0+$0x18C40]  }
0x234: {  	v29 =	vld [tilespmem:s0+$0x18C50]  }
0x235: {  	v30 =	vld [tilespmem:s0+$0x18C60]  }
0x236: {  	v31 =	vld [tilespmem:s0+$0x18C70]  }
0x237: {  	v32 =	vld [tilespmem:s0+$0x19000]  }
0x238: {  	v33 =	vld [tilespmem:s0+$0x19010]  }
0x239: {  	v34 =	vld [tilespmem:s0+$0x19020]  }
0x23a: {  	v35 =	vld [tilespmem:s0+$0x19030]  }
0x23b: {  	v36 =	vld [tilespmem:s0+$0x19040]  }
0x23c: {  	v37 =	vld [tilespmem:s0+$0x19050]  }
0x23d: {  	v38 =	vld [tilespmem:s0+$0x19060]  }
0x23e: {  	v39 =	vld [tilespmem:s0+$0x19070]  }
0x23f: {  	v40 =	vld [tilespmem:s0+$0x19400]  }
0x240: {  	v41 =	vld [tilespmem:s0+$0x19410]  }
0x241: {  	v42 =	vld [tilespmem:s0+$0x19420]  }
0x242: {  	v43 =	vld [tilespmem:s0+$0x19430]  }
0x243: {  	v44 =	vld [tilespmem:s0+$0x19440]  }
0x244: {  	v45 =	vld [tilespmem:s0+$0x19450]  }
0x245: {  	v46 =	vld [tilespmem:s0+$0x19460]  }
0x246: {  	[tilespmem:s0+$0x7470] =	vst.add.f32.msk $0xffff, v0  }
0x247: {  	v0 =	vld [tilespmem:s0+$0x18040]  }
0x248: {  	[tilespmem:s0+$0x6000] =	vst.add.f32.msk $0xffff, v1  }
0x249: {  	[tilespmem:s0+$0x6010] =	vst.add.f32.msk $0xffff, v2  }
0x24a: {  	[tilespmem:s0+$0x6020] =	vst.add.f32.msk $0xffff, v3  }
0x24b: {  	[tilespmem:s0+$0x6030] =	vst.add.f32.msk $0xffff, v4  }
0x24c: {  	[tilespmem:s0+$0x6050] =	vst.add.f32.msk $0xffff, v5  }
0x24d: {  	[tilespmem:s0+$0x6060] =	vst.add.f32.msk $0xffff, v6  }
0x24e: {  	[tilespmem:s0+$0x6070] =	vst.add.f32.msk $0xffff, v7  }
0x24f: {  	[tilespmem:s0+$0x6400] =	vst.add.f32.msk $0xffff, v8  }
0x250: {  	[tilespmem:s0+$0x6410] =	vst.add.f32.msk $0xffff, v9  }
0x251: {  	[tilespmem:s0+$0x6420] =	vst.add.f32.msk $0xffff, v10  }
0x252: {  	[tilespmem:s0+$0x6430] =	vst.add.f32.msk $0xffff, v11  }
0x253: {  	[tilespmem:s0+$0x6440] =	vst.add.f32.msk $0xffff, v12  }
0x254: {  	[tilespmem:s0+$0x6450] =	vst.add.f32.msk $0xffff, v13  }
0x255: {  	[tilespmem:s0+$0x6460] =	vst.add.f32.msk $0xffff, v14  }
0x256: {  	[tilespmem:s0+$0x6470] =	vst.add.f32.msk $0xffff, v15  }
0x257: {  	[tilespmem:s0+$0x6800] =	vst.add.f32.msk $0xffff, v16  }
0x258: {  	[tilespmem:s0+$0x6810] =	vst.add.f32.msk $0xffff, v17  }
0x259: {  	[tilespmem:s0+$0x6820] =	vst.add.f32.msk $0xffff, v18  }
0x25a: {  	[tilespmem:s0+$0x6830] =	vst.add.f32.msk $0xffff, v19  }
0x25b: {  	[tilespmem:s0+$0x6840] =	vst.add.f32.msk $0xffff, v20  }
0x25c: {  	[tilespmem:s0+$0x6850] =	vst.add.f32.msk $0xffff, v21  }
0x25d: {  	[tilespmem:s0+$0x6860] =	vst.add.f32.msk $0xffff, v22  }
0x25e: {  	[tilespmem:s0+$0x6870] =	vst.add.f32.msk $0xffff, v23  }
0x25f: {  	[tilespmem:s0+$0x6C00] =	vst.add.f32.msk $0xffff, v24  }
0x260: {  	[tilespmem:s0+$0x6C10] =	vst.add.f32.msk $0xffff, v25  }
0x261: {  	[tilespmem:s0+$0x6C20] =	vst.add.f32.msk $0xffff, v26  }
0x262: {  	[tilespmem:s0+$0x6C30] =	vst.add.f32.msk $0xffff, v27  }
0x263: {  	[tilespmem:s0+$0x6C40] =	vst.add.f32.msk $0xffff, v28  }
0x264: {  	[tilespmem:s0+$0x6C50] =	vst.add.f32.msk $0xffff, v29  }
0x265: {  	[tilespmem:s0+$0x6C60] =	vst.add.f32.msk $0xffff, v30  }
0x266: {  	[tilespmem:s0+$0x6C70] =	vst.add.f32.msk $0xffff, v31  }
0x267: {  	[tilespmem:s0+$0x7000] =	vst.add.f32.msk $0xffff, v32  }
0x268: {  	[tilespmem:s0+$0x7010] =	vst.add.f32.msk $0xffff, v33  }
0x269: {  	[tilespmem:s0+$0x7020] =	vst.add.f32.msk $0xffff, v34  }
0x26a: {  	[tilespmem:s0+$0x7030] =	vst.add.f32.msk $0xffff, v35  }
0x26b: {  	[tilespmem:s0+$0x7040] =	vst.add.f32.msk $0xffff, v36  }
0x26c: {  	[tilespmem:s0+$0x7050] =	vst.add.f32.msk $0xffff, v37  }
0x26d: {  	[tilespmem:s0+$0x7060] =	vst.add.f32.msk $0xffff, v38  }
0x26e: {  	[tilespmem:s0+$0x7070] =	vst.add.f32.msk $0xffff, v39  }
0x26f: {  	[tilespmem:s0+$0x7400] =	vst.add.f32.msk $0xffff, v40  }
0x270: {  	[tilespmem:s0+$0x7410] =	vst.add.f32.msk $0xffff, v41  }
0x271: {  	[tilespmem:s0+$0x7420] =	vst.add.f32.msk $0xffff, v42  }
0x272: {  	[tilespmem:s0+$0x7430] =	vst.add.f32.msk $0xffff, v43  }
0x273: {  	[tilespmem:s0+$0x7440] =	vst.add.f32.msk $0xffff, v44  }
0x274: {  	[tilespmem:s0+$0x7450] =	vst.add.f32.msk $0xffff, v45  }
0x275: {  	[tilespmem:s0+$0x7460] =	vst.add.f32.msk $0xffff, v46  }
0x276: {  	s1 =	sadd.s32 $0xC0000, s30;
	[tilespmem:s0+$0x6040] =	vst.add.f32.msk $0xffff, v0  }
0x277: {  	[hbm4b:s1+s6] =	stream.linear.scatter [tilespmem:s12], [sflag:$0x6], $0x6000, $0x38;
	[tilespmem:$0x1E000] =	vst v63  }
0x278: {  	p0 =	seq.s32 s28, $0x7;
	_ =	swait.ge [sflag:s18], $0x6000  }
0x279: {  	s30 =	sshrl.u32 @!p0 s29, $0x3;
	[sflag:s18] =	ssyncset.done $0x0  }
0x27a: {  	s29 =	smul.u32 @!p0 $0x300, s30;
	s0 =	simm.s32 @!p0 $0x5;
	[sflag:s18] =	ssyncadd.s32 $0xFFFFA000  }
0x27b: {  	_ =	swait.ge @!p0 [sflag:s0], $0x6000  }
0x27c: {  	s8 =	simm.s32 $0x0;
	s1 =	sadd.s32 @!p0 s2, s29;
	[sflag:s0] =	ssyncset.done @!p0 $0x0  }
0x27d: {  	[sflag:s0] =	ssyncadd.s32 @!p0 $0xFFFFA000;
	s0 =	sadd.s32 @!p0 $0xC00, s1;
	s1 =	simm.s32 @!p0 $0x0  }
0x27e: {  	[tilespmem:s1], [sflag:$0x1] =	stream.linear.gather @!p0 [hbm4b:s0+s1], $0x6000, $0x38;
	[tilespmem:$0x1E000] =	vst v63  }
0x27f: {  	s1 =	simm.s32 $0x0;
	s0 =	smul.u32 $0x1800, s8  }
0x280: {  	s11 =	sand.u32 $0x380, s1  }
0x281: {  	s31 =	sor.u32 s11, s0  }
0x282: {  	v0 =	vld [tilespmem:s31+$0x19470]  }
0x283: {  	v3 =	vld [tilespmem:s31+$0x18000]  }
0x284: {  	v4 =	vld [tilespmem:s31+$0x18010]  }
0x285: {  	v5 =	vld [tilespmem:s31+$0x18020]  }
0x286: {  	v6 =	vld [tilespmem:s31+$0x18030]  }
0x287: {  	v7 =	vld [tilespmem:s31+$0x18040]  }
0x288: {  	v8 =	vld [tilespmem:s31+$0x18050]  }
0x289: {  	v9 =	vld [tilespmem:s31+$0x18060]  }
0x28a: {  	v10 =	vld [tilespmem:s31+$0x18070]  }
0x28b: {  	v11 =	vld [tilespmem:s31+$0x18400]  }
0x28c: {  	v12 =	vld [tilespmem:s31+$0x18410]  }
0x28d: {  	v13 =	vld [tilespmem:s31+$0x18420]  }
0x28e: {  	v14 =	vld [tilespmem:s31+$0x18430]  }
0x28f: {  	v15 =	vld [tilespmem:s31+$0x18440]  }
0x290: {  	v16 =	vld [tilespmem:s31+$0x18450]  }
0x291: {  	v17 =	vld [tilespmem:s31+$0x18460]  }
0x292: {  	v18 =	vld [tilespmem:s31+$0x18470]  }
0x293: {  	v19 =	vld [tilespmem:s31+$0x18800]  }
0x294: {  	v20 =	vld [tilespmem:s31+$0x18810]  }
0x295: {  	v21 =	vld [tilespmem:s31+$0x18820]  }
0x296: {  	v22 =	vld [tilespmem:s31+$0x18830]  }
0x297: {  	v23 =	vld [tilespmem:s31+$0x18840]  }
0x298: {  	v24 =	vld [tilespmem:s31+$0x18850]  }
0x299: {  	v25 =	vld [tilespmem:s31+$0x18860]  }
0x29a: {  	v26 =	vld [tilespmem:s31+$0x18870]  }
0x29b: {  	v27 =	vld [tilespmem:s31+$0x18C00]  }
0x29c: {  	v28 =	vld [tilespmem:s31+$0x18C10]  }
0x29d: {  	v29 =	vld [tilespmem:s31+$0x18C20]  }
0x29e: {  	v30 =	vld [tilespmem:s31+$0x18C30]  }
0x29f: {  	v48 =	vld [tilespmem:s31+$0x18C40]  }
0x2a0: {  	v49 =	vld [tilespmem:s31+$0x18C50]  }
0x2a1: {  	v50 =	vld [tilespmem:s31+$0x18C60]  }
0x2a2: {  	v51 =	vld [tilespmem:s31+$0x18C70]  }
0x2a3: {  	v52 =	vld [tilespmem:s31+$0x19000]  }
0x2a4: {  	v53 =	vld [tilespmem:s31+$0x19010]  }
0x2a5: {  	v54 =	vld [tilespmem:s31+$0x19020]  }
0x2a6: {  	v55 =	vld [tilespmem:s31+$0x19030]  }
0x2a7: {  	v56 =	vld [tilespmem:s31+$0x19040]  }
0x2a8: {  	v57 =	vld [tilespmem:s31+$0x19050]  }
0x2a9: {  	v58 =	vld [tilespmem:s31+$0x19060]  }
0x2aa: {  	v59 =	vld [tilespmem:s31+$0x19070]  }
0x2ab: {  	v60 =	vld [tilespmem:s31+$0x19400]  }
0x2ac: {  	v61 =	vld [tilespmem:s31+$0x19410]  }
0x2ad: {  	v62 =	vld [tilespmem:s31+$0x19420]  }
0x2ae: {  	v63 =	vld [tilespmem:s31+$0x19430]  }
0x2af: {  	v2 =	vld [tilespmem:s31+$0x19440]  }
0x2b0: {  	v1 =	vld [tilespmem:s31+$0x19450]  }
0x2b1: {  	[tilespmem:s31+$0xD470] =	vst.add.f32.msk $0xffff, v0  }
0x2b2: {  	v0 =	vld [tilespmem:s31+$0x19460]  }
0x2b3: {  	[tilespmem:s31+$0xC000] =	vst.add.f32.msk $0xffff, v3  }
0x2b4: {  	[tilespmem:s31+$0xC010] =	vst.add.f32.msk $0xffff, v4  }
0x2b5: {  	[tilespmem:s31+$0xC020] =	vst.add.f32.msk $0xffff, v5  }
0x2b6: {  	[tilespmem:s31+$0xC030] =	vst.add.f32.msk $0xffff, v6  }
0x2b7: {  	[tilespmem:s31+$0xC040] =	vst.add.f32.msk $0xffff, v7  }
0x2b8: {  	[tilespmem:s31+$0xC050] =	vst.add.f32.msk $0xffff, v8  }
0x2b9: {  	[tilespmem:s31+$0xC060] =	vst.add.f32.msk $0xffff, v9  }
0x2ba: {  	[tilespmem:s31+$0xC070] =	vst.add.f32.msk $0xffff, v10  }
0x2bb: {  	[tilespmem:s31+$0xC400] =	vst.add.f32.msk $0xffff, v11  }
0x2bc: {  	[tilespmem:s31+$0xC410] =	vst.add.f32.msk $0xffff, v12  }
0x2bd: {  	[tilespmem:s31+$0xC420] =	vst.add.f32.msk $0xffff, v13  }
0x2be: {  	[tilespmem:s31+$0xC430] =	vst.add.f32.msk $0xffff, v14  }
0x2bf: {  	[tilespmem:s31+$0xC440] =	vst.add.f32.msk $0xffff, v15  }
0x2c0: {  	[tilespmem:s31+$0xC450] =	vst.add.f32.msk $0xffff, v16  }
0x2c1: {  	[tilespmem:s31+$0xC460] =	vst.add.f32.msk $0xffff, v17  }
0x2c2: {  	[tilespmem:s31+$0xC470] =	vst.add.f32.msk $0xffff, v18  }
0x2c3: {  	[tilespmem:s31+$0xC800] =	vst.add.f32.msk $0xffff, v19  }
0x2c4: {  	[tilespmem:s31+$0xC810] =	vst.add.f32.msk $0xffff, v20  }
0x2c5: {  	[tilespmem:s31+$0xC820] =	vst.add.f32.msk $0xffff, v21  }
0x2c6: {  	[tilespmem:s31+$0xC830] =	vst.add.f32.msk $0xffff, v22  }
0x2c7: {  	[tilespmem:s31+$0xC840] =	vst.add.f32.msk $0xffff, v23  }
0x2c8: {  	[tilespmem:s31+$0xC850] =	vst.add.f32.msk $0xffff, v24  }
0x2c9: {  	[tilespmem:s31+$0xC860] =	vst.add.f32.msk $0xffff, v25  }
0x2ca: {  	[tilespmem:s31+$0xC870] =	vst.add.f32.msk $0xffff, v26  }
0x2cb: {  	[tilespmem:s31+$0xCC00] =	vst.add.f32.msk $0xffff, v27  }
0x2cc: {  	[tilespmem:s31+$0xCC10] =	vst.add.f32.msk $0xffff, v28  }
0x2cd: {  	[tilespmem:s31+$0xCC20] =	vst.add.f32.msk $0xffff, v29  }
0x2ce: {  	[tilespmem:s31+$0xCC30] =	vst.add.f32.msk $0xffff, v30  }
0x2cf: {  	[tilespmem:s31+$0xCC40] =	vst.add.f32.msk $0xffff, v48  }
0x2d0: {  	[tilespmem:s31+$0xCC50] =	vst.add.f32.msk $0xffff, v49  }
0x2d1: {  	[tilespmem:s31+$0xCC60] =	vst.add.f32.msk $0xffff, v50  }
0x2d2: {  	[tilespmem:s31+$0xCC70] =	vst.add.f32.msk $0xffff, v51  }
0x2d3: {  	[tilespmem:s31+$0xD000] =	vst.add.f32.msk $0xffff, v52  }
0x2d4: {  	[tilespmem:s31+$0xD010] =	vst.add.f32.msk $0xffff, v53  }
0x2d5: {  	[tilespmem:s31+$0xD020] =	vst.add.f32.msk $0xffff, v54  }
0x2d6: {  	[tilespmem:s31+$0xD030] =	vst.add.f32.msk $0xffff, v55  }
0x2d7: {  	[tilespmem:s31+$0xD040] =	vst.add.f32.msk $0xffff, v56  }
0x2d8: {  	[tilespmem:s31+$0xD050] =	vst.add.f32.msk $0xffff, v57  }
0x2d9: {  	[tilespmem:s31+$0xD060] =	vst.add.f32.msk $0xffff, v58  }
0x2da: {  	[tilespmem:s31+$0xD070] =	vst.add.f32.msk $0xffff, v59  }
0x2db: {  	[tilespmem:s31+$0xD400] =	vst.add.f32.msk $0xffff, v60  }
0x2dc: {  	[tilespmem:s31+$0xD410] =	vst.add.f32.msk $0xffff, v61  }
0x2dd: {  	[tilespmem:s31+$0xD420] =	vst.add.f32.msk $0xffff, v62  }
0x2de: {  	s28 =	sadd.s32 $0x1, s28;
	s11 =	simm.s32 $0x0;
	s0 =	simm.s32 $0x2;
	[tilespmem:s31+$0xD430] =	vst.add.f32.msk $0xffff, v63  }
.LBB2_7:
0x2df: {  	p1 =	sne.s32 s0, $0x1F;
	s8 =	smul.u32 $0x1800, s11;
	[tilespmem:s31+$0xD440] =	vst.add.f32.msk $0xffff, v2;
	s1 =	sadd.s32 $0x80, s1  }
0x2e0: {  	s11 =	sand.u32 $0x380, s1;
	[tilespmem:s31+$0xD450] =	vst.add.f32.msk $0xffff, v1  }
0x2e1: {  	[tilespmem:s31+$0xD460] =	vst.add.f32.msk $0xffff, v0;
	s31 =	sor.u32 s11, s8  }
0x2e2: {  	v0 =	vld [tilespmem:s31+$0x19470]  }
0x2e3: {  	v3 =	vld [tilespmem:s31+$0x18000]  }
0x2e4: {  	v4 =	vld [tilespmem:s31+$0x18010]  }
0x2e5: {  	v5 =	vld [tilespmem:s31+$0x18020]  }
0x2e6: {  	v6 =	vld [tilespmem:s31+$0x18030]  }
0x2e7: {  	[tilespmem:s31+$0xD470] =	vst.add.f32.msk $0xffff, v0  }
0x2e8: {  	v7 =	vld [tilespmem:s31+$0x18040]  }
0x2e9: {  	v8 =	vld [tilespmem:s31+$0x18050]  }
0x2ea: {  	v9 =	vld [tilespmem:s31+$0x18060]  }
0x2eb: {  	v10 =	vld [tilespmem:s31+$0x18070]  }
0x2ec: {  	v11 =	vld [tilespmem:s31+$0x18400]  }
0x2ed: {  	v12 =	vld [tilespmem:s31+$0x18410]  }
0x2ee: {  	v13 =	vld [tilespmem:s31+$0x18420]  }
0x2ef: {  	v14 =	vld [tilespmem:s31+$0x18430]  }
0x2f0: {  	v15 =	vld [tilespmem:s31+$0x18440]  }
0x2f1: {  	v16 =	vld [tilespmem:s31+$0x18450]  }
0x2f2: {  	v17 =	vld [tilespmem:s31+$0x18460]  }
0x2f3: {  	v18 =	vld [tilespmem:s31+$0x18470]  }
0x2f4: {  	v19 =	vld [tilespmem:s31+$0x18800]  }
0x2f5: {  	v20 =	vld [tilespmem:s31+$0x18810]  }
0x2f6: {  	v21 =	vld [tilespmem:s31+$0x18820]  }
0x2f7: {  	v22 =	vld [tilespmem:s31+$0x18830]  }
0x2f8: {  	v23 =	vld [tilespmem:s31+$0x18840]  }
0x2f9: {  	v24 =	vld [tilespmem:s31+$0x18850]  }
0x2fa: {  	v25 =	vld [tilespmem:s31+$0x18860]  }
0x2fb: {  	v26 =	vld [tilespmem:s31+$0x18870]  }
0x2fc: {  	v27 =	vld [tilespmem:s31+$0x18C00]  }
0x2fd: {  	v28 =	vld [tilespmem:s31+$0x18C10]  }
0x2fe: {  	v29 =	vld [tilespmem:s31+$0x18C20]  }
0x2ff: {  	v30 =	vld [tilespmem:s31+$0x18C30]  }
0x300: {  	v31 =	vld [tilespmem:s31+$0x18C40]  }
0x301: {  	v32 =	vld [tilespmem:s31+$0x18C50]  }
0x302: {  	v33 =	vld [tilespmem:s31+$0x18C60]  }
0x303: {  	v34 =	vld [tilespmem:s31+$0x18C70]  }
0x304: {  	v35 =	vld [tilespmem:s31+$0x19000]  }
0x305: {  	v36 =	vld [tilespmem:s31+$0x19010]  }
0x306: {  	v37 =	vld [tilespmem:s31+$0x19020]  }
0x307: {  	v38 =	vld [tilespmem:s31+$0x19030]  }
0x308: {  	v39 =	vld [tilespmem:s31+$0x19040]  }
0x309: {  	v40 =	vld [tilespmem:s31+$0x19050]  }
0x30a: {  	v41 =	vld [tilespmem:s31+$0x19060]  }
0x30b: {  	v42 =	vld [tilespmem:s31+$0x19070]  }
0x30c: {  	v43 =	vld [tilespmem:s31+$0x19400]  }
0x30d: {  	v44 =	vld [tilespmem:s31+$0x19410]  }
0x30e: {  	v45 =	vld [tilespmem:s31+$0x19420]  }
0x30f: {  	v46 =	vld [tilespmem:s31+$0x19430]  }
0x310: {  	v2 =	vld [tilespmem:s31+$0x19440]  }
0x311: {  	v1 =	vld [tilespmem:s31+$0x19450]  }
0x312: {  	v0 =	vld [tilespmem:s31+$0x19460]  }
0x313: {  	[tilespmem:s31+$0xC000] =	vst.add.f32.msk $0xffff, v3  }
0x314: {  	[tilespmem:s31+$0xC010] =	vst.add.f32.msk $0xffff, v4  }
0x315: {  	[tilespmem:s31+$0xC020] =	vst.add.f32.msk $0xffff, v5  }
0x316: {  	[tilespmem:s31+$0xC030] =	vst.add.f32.msk $0xffff, v6  }
0x317: {  	[tilespmem:s31+$0xC040] =	vst.add.f32.msk $0xffff, v7  }
0x318: {  	[tilespmem:s31+$0xC050] =	vst.add.f32.msk $0xffff, v8  }
0x319: {  	[tilespmem:s31+$0xC060] =	vst.add.f32.msk $0xffff, v9  }
0x31a: {  	[tilespmem:s31+$0xC070] =	vst.add.f32.msk $0xffff, v10  }
0x31b: {  	[tilespmem:s31+$0xC400] =	vst.add.f32.msk $0xffff, v11  }
0x31c: {  	[tilespmem:s31+$0xC410] =	vst.add.f32.msk $0xffff, v12  }
0x31d: {  	[tilespmem:s31+$0xC420] =	vst.add.f32.msk $0xffff, v13  }
0x31e: {  	[tilespmem:s31+$0xC430] =	vst.add.f32.msk $0xffff, v14  }
0x31f: {  	[tilespmem:s31+$0xC440] =	vst.add.f32.msk $0xffff, v15  }
0x320: {  	[tilespmem:s31+$0xC450] =	vst.add.f32.msk $0xffff, v16  }
0x321: {  	[tilespmem:s31+$0xC460] =	vst.add.f32.msk $0xffff, v17  }
0x322: {  	[tilespmem:s31+$0xC470] =	vst.add.f32.msk $0xffff, v18  }
0x323: {  	[tilespmem:s31+$0xC800] =	vst.add.f32.msk $0xffff, v19  }
0x324: {  	[tilespmem:s31+$0xC810] =	vst.add.f32.msk $0xffff, v20  }
0x325: {  	[tilespmem:s31+$0xC820] =	vst.add.f32.msk $0xffff, v21  }
0x326: {  	[tilespmem:s31+$0xC830] =	vst.add.f32.msk $0xffff, v22  }
0x327: {  	[tilespmem:s31+$0xC840] =	vst.add.f32.msk $0xffff, v23  }
0x328: {  	[tilespmem:s31+$0xC850] =	vst.add.f32.msk $0xffff, v24  }
0x329: {  	[tilespmem:s31+$0xC860] =	vst.add.f32.msk $0xffff, v25  }
0x32a: {  	[tilespmem:s31+$0xC870] =	vst.add.f32.msk $0xffff, v26  }
0x32b: {  	[tilespmem:s31+$0xCC00] =	vst.add.f32.msk $0xffff, v27  }
0x32c: {  	[tilespmem:s31+$0xCC10] =	vst.add.f32.msk $0xffff, v28  }
0x32d: {  	[tilespmem:s31+$0xCC20] =	vst.add.f32.msk $0xffff, v29  }
0x32e: {  	[tilespmem:s31+$0xCC30] =	vst.add.f32.msk $0xffff, v30  }
0x32f: {  	[tilespmem:s31+$0xCC40] =	vst.add.f32.msk $0xffff, v31  }
0x330: {  	[tilespmem:s31+$0xCC50] =	vst.add.f32.msk $0xffff, v32  }
0x331: {  	[tilespmem:s31+$0xCC60] =	vst.add.f32.msk $0xffff, v33  }
0x332: {  	[tilespmem:s31+$0xCC70] =	vst.add.f32.msk $0xffff, v34  }
0x333: {  	[tilespmem:s31+$0xD000] =	vst.add.f32.msk $0xffff, v35  }
0x334: {  	[tilespmem:s31+$0xD010] =	vst.add.f32.msk $0xffff, v36  }
0x335: {  	[tilespmem:s31+$0xD020] =	vst.add.f32.msk $0xffff, v37  }
0x336: {  	[tilespmem:s31+$0xD030] =	vst.add.f32.msk $0xffff, v38  }
0x337: {  	[tilespmem:s31+$0xD040] =	vst.add.f32.msk $0xffff, v39  }
0x338: {  	[tilespmem:s31+$0xD050] =	vst.add.f32.msk $0xffff, v40  }
0x339: {  	[tilespmem:s31+$0xD060] =	vst.add.f32.msk $0xffff, v41  }
.Ltmp2:
0x33a: {  	[tilespmem:s31+$0xD070] =	vst.add.f32.msk $0xffff, v42;
	(pc) =	sbr.rel @p1 .LBB2_7-.Ltmp2, $4  }
0x33b: {  	[tilespmem:s31+$0xD400] =	vst.add.f32.msk $0xffff, v43  }
0x33c: {  	[tilespmem:s31+$0xD410] =	vst.add.f32.msk $0xffff, v44  }
0x33d: {  	[tilespmem:s31+$0xD420] =	vst.add.f32.msk $0xffff, v45  }
0x33e: {  	s11 =	sshrl.u32 s0, $0x3;
	s0 =	sadd.s32 $0x1, s0;
	[tilespmem:s31+$0xD430] =	vst.add.f32.msk $0xffff, v46  }
0x33f: {  	s0 =	smul.u32 $0x1800, s11;
	[tilespmem:s31+$0xD440] =	vst.add.f32.msk $0xffff, v2;
	s1 =	sadd.s32 $0x80, s1  }
0x340: {  	[tilespmem:s31+$0xD450] =	vst.add.f32.msk $0xffff, v1;
	s1 =	sand.u32 $0x380, s1  }
0x341: {  	[tilespmem:s31+$0xD460] =	vst.add.f32.msk $0xffff, v0;
	s0 =	sor.u32 s1, s0  }
0x342: {  	v0 =	vld [tilespmem:s0+$0x19470]  }
0x343: {  	v1 =	vld [tilespmem:s0+$0x18000]  }
0x344: {  	v2 =	vld [tilespmem:s0+$0x18010]  }
0x345: {  	v3 =	vld [tilespmem:s0+$0x18020]  }
0x346: {  	v4 =	vld [tilespmem:s0+$0x18030]  }
0x347: {  	v5 =	vld [tilespmem:s0+$0x18050]  }
0x348: {  	v6 =	vld [tilespmem:s0+$0x18060]  }
0x349: {  	v7 =	vld [tilespmem:s0+$0x18070]  }
0x34a: {  	v8 =	vld [tilespmem:s0+$0x18400]  }
0x34b: {  	v9 =	vld [tilespmem:s0+$0x18410]  }
0x34c: {  	v10 =	vld [tilespmem:s0+$0x18420]  }
0x34d: {  	v11 =	vld [tilespmem:s0+$0x18430]  }
0x34e: {  	v12 =	vld [tilespmem:s0+$0x18440]  }
0x34f: {  	v13 =	vld [tilespmem:s0+$0x18450]  }
0x350: {  	v14 =	vld [tilespmem:s0+$0x18460]  }
0x351: {  	v15 =	vld [tilespmem:s0+$0x18470]  }
0x352: {  	v16 =	vld [tilespmem:s0+$0x18800]  }
0x353: {  	v17 =	vld [tilespmem:s0+$0x18810]  }
0x354: {  	v18 =	vld [tilespmem:s0+$0x18820]  }
0x355: {  	v19 =	vld [tilespmem:s0+$0x18830]  }
0x356: {  	v20 =	vld [tilespmem:s0+$0x18840]  }
0x357: {  	v21 =	vld [tilespmem:s0+$0x18850]  }
0x358: {  	v22 =	vld [tilespmem:s0+$0x18860]  }
0x359: {  	v23 =	vld [tilespmem:s0+$0x18870]  }
0x35a: {  	v24 =	vld [tilespmem:s0+$0x18C00]  }
0x35b: {  	v25 =	vld [tilespmem:s0+$0x18C10]  }
0x35c: {  	v26 =	vld [tilespmem:s0+$0x18C20]  }
0x35d: {  	v27 =	vld [tilespmem:s0+$0x18C30]  }
0x35e: {  	v28 =	vld [tilespmem:s0+$0x18C40]  }
0x35f: {  	v29 =	vld [tilespmem:s0+$0x18C50]  }
0x360: {  	v30 =	vld [tilespmem:s0+$0x18C60]  }
0x361: {  	v31 =	vld [tilespmem:s0+$0x18C70]  }
0x362: {  	v32 =	vld [tilespmem:s0+$0x19000]  }
0x363: {  	v33 =	vld [tilespmem:s0+$0x19010]  }
0x364: {  	v34 =	vld [tilespmem:s0+$0x19020]  }
0x365: {  	v35 =	vld [tilespmem:s0+$0x19030]  }
0x366: {  	v36 =	vld [tilespmem:s0+$0x19040]  }
0x367: {  	v37 =	vld [tilespmem:s0+$0x19050]  }
0x368: {  	v38 =	vld [tilespmem:s0+$0x19060]  }
0x369: {  	v39 =	vld [tilespmem:s0+$0x19070]  }
0x36a: {  	v40 =	vld [tilespmem:s0+$0x19400]  }
0x36b: {  	v41 =	vld [tilespmem:s0+$0x19410]  }
0x36c: {  	v42 =	vld [tilespmem:s0+$0x19420]  }
0x36d: {  	v43 =	vld [tilespmem:s0+$0x19430]  }
0x36e: {  	v44 =	vld [tilespmem:s0+$0x19440]  }
0x36f: {  	v45 =	vld [tilespmem:s0+$0x19450]  }
0x370: {  	v46 =	vld [tilespmem:s0+$0x19460]  }
0x371: {  	[tilespmem:s0+$0xD470] =	vst.add.f32.msk $0xffff, v0  }
0x372: {  	v0 =	vld [tilespmem:s0+$0x18040]  }
0x373: {  	[tilespmem:s0+$0xC000] =	vst.add.f32.msk $0xffff, v1  }
0x374: {  	[tilespmem:s0+$0xC010] =	vst.add.f32.msk $0xffff, v2  }
0x375: {  	[tilespmem:s0+$0xC020] =	vst.add.f32.msk $0xffff, v3  }
0x376: {  	[tilespmem:s0+$0xC030] =	vst.add.f32.msk $0xffff, v4  }
0x377: {  	[tilespmem:s0+$0xC050] =	vst.add.f32.msk $0xffff, v5  }
0x378: {  	[tilespmem:s0+$0xC060] =	vst.add.f32.msk $0xffff, v6  }
0x379: {  	[tilespmem:s0+$0xC070] =	vst.add.f32.msk $0xffff, v7  }
0x37a: {  	[tilespmem:s0+$0xC400] =	vst.add.f32.msk $0xffff, v8  }
0x37b: {  	[tilespmem:s0+$0xC410] =	vst.add.f32.msk $0xffff, v9  }
0x37c: {  	[tilespmem:s0+$0xC420] =	vst.add.f32.msk $0xffff, v10  }
0x37d: {  	[tilespmem:s0+$0xC430] =	vst.add.f32.msk $0xffff, v11  }
0x37e: {  	[tilespmem:s0+$0xC440] =	vst.add.f32.msk $0xffff, v12  }
0x37f: {  	[tilespmem:s0+$0xC450] =	vst.add.f32.msk $0xffff, v13  }
0x380: {  	[tilespmem:s0+$0xC460] =	vst.add.f32.msk $0xffff, v14  }
0x381: {  	[tilespmem:s0+$0xC470] =	vst.add.f32.msk $0xffff, v15  }
0x382: {  	[tilespmem:s0+$0xC800] =	vst.add.f32.msk $0xffff, v16  }
0x383: {  	[tilespmem:s0+$0xC810] =	vst.add.f32.msk $0xffff, v17  }
0x384: {  	[tilespmem:s0+$0xC820] =	vst.add.f32.msk $0xffff, v18  }
0x385: {  	[tilespmem:s0+$0xC830] =	vst.add.f32.msk $0xffff, v19  }
0x386: {  	[tilespmem:s0+$0xC840] =	vst.add.f32.msk $0xffff, v20  }
0x387: {  	[tilespmem:s0+$0xC850] =	vst.add.f32.msk $0xffff, v21  }
0x388: {  	[tilespmem:s0+$0xC860] =	vst.add.f32.msk $0xffff, v22  }
0x389: {  	[tilespmem:s0+$0xC870] =	vst.add.f32.msk $0xffff, v23  }
0x38a: {  	[tilespmem:s0+$0xCC00] =	vst.add.f32.msk $0xffff, v24  }
0x38b: {  	[tilespmem:s0+$0xCC10] =	vst.add.f32.msk $0xffff, v25  }
0x38c: {  	[tilespmem:s0+$0xCC20] =	vst.add.f32.msk $0xffff, v26  }
0x38d: {  	[tilespmem:s0+$0xCC30] =	vst.add.f32.msk $0xffff, v27  }
0x38e: {  	[tilespmem:s0+$0xCC40] =	vst.add.f32.msk $0xffff, v28  }
0x38f: {  	[tilespmem:s0+$0xCC50] =	vst.add.f32.msk $0xffff, v29  }
0x390: {  	[tilespmem:s0+$0xCC60] =	vst.add.f32.msk $0xffff, v30  }
0x391: {  	[tilespmem:s0+$0xCC70] =	vst.add.f32.msk $0xffff, v31  }
0x392: {  	[tilespmem:s0+$0xD000] =	vst.add.f32.msk $0xffff, v32  }
0x393: {  	[tilespmem:s0+$0xD010] =	vst.add.f32.msk $0xffff, v33  }
0x394: {  	[tilespmem:s0+$0xD020] =	vst.add.f32.msk $0xffff, v34  }
0x395: {  	[tilespmem:s0+$0xD030] =	vst.add.f32.msk $0xffff, v35  }
0x396: {  	[tilespmem:s0+$0xD040] =	vst.add.f32.msk $0xffff, v36  }
0x397: {  	[tilespmem:s0+$0xD050] =	vst.add.f32.msk $0xffff, v37  }
0x398: {  	[tilespmem:s0+$0xD060] =	vst.add.f32.msk $0xffff, v38  }
0x399: {  	[tilespmem:s0+$0xD070] =	vst.add.f32.msk $0xffff, v39  }
0x39a: {  	[tilespmem:s0+$0xD400] =	vst.add.f32.msk $0xffff, v40  }
0x39b: {  	[tilespmem:s0+$0xD410] =	vst.add.f32.msk $0xffff, v41  }
0x39c: {  	[tilespmem:s0+$0xD420] =	vst.add.f32.msk $0xffff, v42  }
0x39d: {  	[tilespmem:s0+$0xD430] =	vst.add.f32.msk $0xffff, v43  }
0x39e: {  	[tilespmem:s0+$0xD440] =	vst.add.f32.msk $0xffff, v44  }
0x39f: {  	[tilespmem:s0+$0xD450] =	vst.add.f32.msk $0xffff, v45  }
0x3a0: {  	[tilespmem:s0+$0xD460] =	vst.add.f32.msk $0xffff, v46  }
0x3a1: {  	s25 =	sadd.s32 s5, s25;
	[tilespmem:s0+$0xC040] =	vst.add.f32.msk $0xffff, v0  }
0x3a2: {  	[hbm4b:s25+s6] =	stream.linear.scatter [tilespmem:s15], [sflag:$0x7], $0x6000, $0x38;
	[tilespmem:$0x1E000] =	vst v63  }
0x3a3: {  	s0 =	smul.u32 @!p0 $0x1800, s30;
	_ =	swait.ge [sflag:s19], $0x6000  }
0x3a4: {  	[sflag:s19] =	ssyncset.done $0x0  }
0x3a5: {  	s1 =	simm.s32 @!p0 $0x6;
	s0 =	sadd.s32 @!p0 $0x6000, s0;
	[sflag:s19] =	ssyncadd.s32 $0xFFFFA000  }
0x3a6: {  	s8 =	simm.s32 @!p0 $0x6000;
	s0 =	sshrl.u32 @!p0 s0, $0x3;
	_ =	swait.ge @!p0 [sflag:s1], $0x6000  }
0x3a7: {  	s30 =	simm.s32 $0x0;
	s0 =	sadd.s32 @!p0 s2, s0;
	[sflag:s1] =	ssyncset.done @!p0 $0x0  }
0x3a8: {  	s0 =	sadd.s32 @!p0 $0xC0000, s0;
	[sflag:s1] =	ssyncadd.s32 @!p0 $0xFFFFA000;
	s1 =	simm.s32 @!p0 $0x0  }
0x3a9: {  	[tilespmem:s8], [sflag:$0x2] =	stream.linear.gather @!p0 [hbm4b:s0+s1], $0x6000, $0x38;
	[tilespmem:$0x1E000] =	vst v63  }
0x3aa: {  	s25 =	simm.s32 $0x0;
	s0 =	smul.u32 $0x1800, s30  }
0x3ab: {  	s31 =	sand.u32 $0x380, s25  }
0x3ac: {  	s1 =	sor.u32 s31, s0  }
0x3ad: {  	v0 =	vld [tilespmem:s1+$0x19470]  }
0x3ae: {  	v3 =	vld [tilespmem:s1+$0x18000]  }
0x3af: {  	v4 =	vld [tilespmem:s1+$0x18010]  }
0x3b0: {  	v5 =	vld [tilespmem:s1+$0x18020]  }
0x3b1: {  	v6 =	vld [tilespmem:s1+$0x18030]  }
0x3b2: {  	v7 =	vld [tilespmem:s1+$0x18040]  }
0x3b3: {  	v8 =	vld [tilespmem:s1+$0x18050]  }
0x3b4: {  	v9 =	vld [tilespmem:s1+$0x18060]  }
0x3b5: {  	v10 =	vld [tilespmem:s1+$0x18070]  }
0x3b6: {  	v11 =	vld [tilespmem:s1+$0x18400]  }
0x3b7: {  	v12 =	vld [tilespmem:s1+$0x18410]  }
0x3b8: {  	v13 =	vld [tilespmem:s1+$0x18420]  }
0x3b9: {  	v14 =	vld [tilespmem:s1+$0x18430]  }
0x3ba: {  	v15 =	vld [tilespmem:s1+$0x18440]  }
0x3bb: {  	v16 =	vld [tilespmem:s1+$0x18450]  }
0x3bc: {  	v17 =	vld [tilespmem:s1+$0x18460]  }
0x3bd: {  	v18 =	vld [tilespmem:s1+$0x18470]  }
0x3be: {  	v19 =	vld [tilespmem:s1+$0x18800]  }
0x3bf: {  	v20 =	vld [tilespmem:s1+$0x18810]  }
0x3c0: {  	v21 =	vld [tilespmem:s1+$0x18820]  }
0x3c1: {  	v22 =	vld [tilespmem:s1+$0x18830]  }
0x3c2: {  	v23 =	vld [tilespmem:s1+$0x18840]  }
0x3c3: {  	v24 =	vld [tilespmem:s1+$0x18850]  }
0x3c4: {  	v25 =	vld [tilespmem:s1+$0x18860]  }
0x3c5: {  	v26 =	vld [tilespmem:s1+$0x18870]  }
0x3c6: {  	v27 =	vld [tilespmem:s1+$0x18C00]  }
0x3c7: {  	v28 =	vld [tilespmem:s1+$0x18C10]  }
0x3c8: {  	v29 =	vld [tilespmem:s1+$0x18C20]  }
0x3c9: {  	v30 =	vld [tilespmem:s1+$0x18C30]  }
0x3ca: {  	v48 =	vld [tilespmem:s1+$0x18C40]  }
0x3cb: {  	v49 =	vld [tilespmem:s1+$0x18C50]  }
0x3cc: {  	v50 =	vld [tilespmem:s1+$0x18C60]  }
0x3cd: {  	v51 =	vld [tilespmem:s1+$0x18C70]  }
0x3ce: {  	v52 =	vld [tilespmem:s1+$0x19000]  }
0x3cf: {  	v53 =	vld [tilespmem:s1+$0x19010]  }
0x3d0: {  	v54 =	vld [tilespmem:s1+$0x19020]  }
0x3d1: {  	v55 =	vld [tilespmem:s1+$0x19030]  }
0x3d2: {  	v56 =	vld [tilespmem:s1+$0x19040]  }
0x3d3: {  	v57 =	vld [tilespmem:s1+$0x19050]  }
0x3d4: {  	v58 =	vld [tilespmem:s1+$0x19060]  }
0x3d5: {  	v59 =	vld [tilespmem:s1+$0x19070]  }
0x3d6: {  	v60 =	vld [tilespmem:s1+$0x19400]  }
0x3d7: {  	v61 =	vld [tilespmem:s1+$0x19410]  }
0x3d8: {  	v62 =	vld [tilespmem:s1+$0x19420]  }
0x3d9: {  	v63 =	vld [tilespmem:s1+$0x19430]  }
0x3da: {  	v2 =	vld [tilespmem:s1+$0x19440]  }
0x3db: {  	v1 =	vld [tilespmem:s1+$0x19450]  }
0x3dc: {  	[tilespmem:s1+$0x13470] =	vst.add.f32.msk $0xffff, v0  }
0x3dd: {  	v0 =	vld [tilespmem:s1+$0x19460]  }
0x3de: {  	[tilespmem:s1+$0x12000] =	vst.add.f32.msk $0xffff, v3  }
0x3df: {  	[tilespmem:s1+$0x12010] =	vst.add.f32.msk $0xffff, v4  }
0x3e0: {  	[tilespmem:s1+$0x12020] =	vst.add.f32.msk $0xffff, v5  }
0x3e1: {  	[tilespmem:s1+$0x12030] =	vst.add.f32.msk $0xffff, v6  }
0x3e2: {  	[tilespmem:s1+$0x12040] =	vst.add.f32.msk $0xffff, v7  }
0x3e3: {  	[tilespmem:s1+$0x12050] =	vst.add.f32.msk $0xffff, v8  }
0x3e4: {  	[tilespmem:s1+$0x12060] =	vst.add.f32.msk $0xffff, v9  }
0x3e5: {  	[tilespmem:s1+$0x12070] =	vst.add.f32.msk $0xffff, v10  }
0x3e6: {  	[tilespmem:s1+$0x12400] =	vst.add.f32.msk $0xffff, v11  }
0x3e7: {  	[tilespmem:s1+$0x12410] =	vst.add.f32.msk $0xffff, v12  }
0x3e8: {  	[tilespmem:s1+$0x12420] =	vst.add.f32.msk $0xffff, v13  }
0x3e9: {  	[tilespmem:s1+$0x12430] =	vst.add.f32.msk $0xffff, v14  }
0x3ea: {  	[tilespmem:s1+$0x12440] =	vst.add.f32.msk $0xffff, v15  }
0x3eb: {  	[tilespmem:s1+$0x12450] =	vst.add.f32.msk $0xffff, v16  }
0x3ec: {  	[tilespmem:s1+$0x12460] =	vst.add.f32.msk $0xffff, v17  }
0x3ed: {  	[tilespmem:s1+$0x12470] =	vst.add.f32.msk $0xffff, v18  }
0x3ee: {  	[tilespmem:s1+$0x12800] =	vst.add.f32.msk $0xffff, v19  }
0x3ef: {  	[tilespmem:s1+$0x12810] =	vst.add.f32.msk $0xffff, v20  }
0x3f0: {  	[tilespmem:s1+$0x12820] =	vst.add.f32.msk $0xffff, v21  }
0x3f1: {  	[tilespmem:s1+$0x12830] =	vst.add.f32.msk $0xffff, v22  }
0x3f2: {  	[tilespmem:s1+$0x12840] =	vst.add.f32.msk $0xffff, v23  }
0x3f3: {  	[tilespmem:s1+$0x12850] =	vst.add.f32.msk $0xffff, v24  }
0x3f4: {  	[tilespmem:s1+$0x12860] =	vst.add.f32.msk $0xffff, v25  }
0x3f5: {  	[tilespmem:s1+$0x12870] =	vst.add.f32.msk $0xffff, v26  }
0x3f6: {  	[tilespmem:s1+$0x12C00] =	vst.add.f32.msk $0xffff, v27  }
0x3f7: {  	[tilespmem:s1+$0x12C10] =	vst.add.f32.msk $0xffff, v28  }
0x3f8: {  	[tilespmem:s1+$0x12C20] =	vst.add.f32.msk $0xffff, v29  }
0x3f9: {  	[tilespmem:s1+$0x12C30] =	vst.add.f32.msk $0xffff, v30  }
0x3fa: {  	[tilespmem:s1+$0x12C40] =	vst.add.f32.msk $0xffff, v48  }
0x3fb: {  	[tilespmem:s1+$0x12C50] =	vst.add.f32.msk $0xffff, v49  }
0x3fc: {  	[tilespmem:s1+$0x12C60] =	vst.add.f32.msk $0xffff, v50  }
0x3fd: {  	[tilespmem:s1+$0x12C70] =	vst.add.f32.msk $0xffff, v51  }
0x3fe: {  	[tilespmem:s1+$0x13000] =	vst.add.f32.msk $0xffff, v52  }
0x3ff: {  	[tilespmem:s1+$0x13010] =	vst.add.f32.msk $0xffff, v53  }
0x400: {  	[tilespmem:s1+$0x13020] =	vst.add.f32.msk $0xffff, v54  }
0x401: {  	[tilespmem:s1+$0x13030] =	vst.add.f32.msk $0xffff, v55  }
0x402: {  	[tilespmem:s1+$0x13040] =	vst.add.f32.msk $0xffff, v56  }
0x403: {  	[tilespmem:s1+$0x13050] =	vst.add.f32.msk $0xffff, v57  }
0x404: {  	[tilespmem:s1+$0x13060] =	vst.add.f32.msk $0xffff, v58  }
0x405: {  	[tilespmem:s1+$0x13070] =	vst.add.f32.msk $0xffff, v59  }
0x406: {  	[tilespmem:s1+$0x13400] =	vst.add.f32.msk $0xffff, v60  }
0x407: {  	[tilespmem:s1+$0x13410] =	vst.add.f32.msk $0xffff, v61  }
0x408: {  	[tilespmem:s1+$0x13420] =	vst.add.f32.msk $0xffff, v62  }
0x409: {  	s11 =	simm.s32 $0x0;
	s0 =	simm.s32 $0x2;
	[tilespmem:s1+$0x13430] =	vst.add.f32.msk $0xffff, v63  }
.LBB2_9:
0x40a: {  	p1 =	sne.s32 s0, $0x1F;
	s8 =	smul.u32 $0x1800, s11;
	[tilespmem:s1+$0x13440] =	vst.add.f32.msk $0xffff, v2;
	s25 =	sadd.s32 $0x80, s25  }
0x40b: {  	s11 =	sand.u32 $0x380, s25;
	[tilespmem:s1+$0x13450] =	vst.add.f32.msk $0xffff, v1  }
0x40c: {  	[tilespmem:s1+$0x13460] =	vst.add.f32.msk $0xffff, v0;
	s1 =	sor.u32 s11, s8  }
0x40d: {  	v0 =	vld [tilespmem:s1+$0x19470]  }
0x40e: {  	v3 =	vld [tilespmem:s1+$0x18000]  }
0x40f: {  	v4 =	vld [tilespmem:s1+$0x18010]  }
0x410: {  	v5 =	vld [tilespmem:s1+$0x18020]  }
0x411: {  	v6 =	vld [tilespmem:s1+$0x18030]  }
0x412: {  	[tilespmem:s1+$0x13470] =	vst.add.f32.msk $0xffff, v0  }
0x413: {  	v7 =	vld [tilespmem:s1+$0x18040]  }
0x414: {  	v8 =	vld [tilespmem:s1+$0x18050]  }
0x415: {  	v9 =	vld [tilespmem:s1+$0x18060]  }
0x416: {  	v10 =	vld [tilespmem:s1+$0x18070]  }
0x417: {  	v11 =	vld [tilespmem:s1+$0x18400]  }
0x418: {  	v12 =	vld [tilespmem:s1+$0x18410]  }
0x419: {  	v13 =	vld [tilespmem:s1+$0x18420]  }
0x41a: {  	v14 =	vld [tilespmem:s1+$0x18430]  }
0x41b: {  	v15 =	vld [tilespmem:s1+$0x18440]  }
0x41c: {  	v16 =	vld [tilespmem:s1+$0x18450]  }
0x41d: {  	v17 =	vld [tilespmem:s1+$0x18460]  }
0x41e: {  	v18 =	vld [tilespmem:s1+$0x18470]  }
0x41f: {  	v19 =	vld [tilespmem:s1+$0x18800]  }
0x420: {  	v20 =	vld [tilespmem:s1+$0x18810]  }
0x421: {  	v21 =	vld [tilespmem:s1+$0x18820]  }
0x422: {  	v22 =	vld [tilespmem:s1+$0x18830]  }
0x423: {  	v23 =	vld [tilespmem:s1+$0x18840]  }
0x424: {  	v24 =	vld [tilespmem:s1+$0x18850]  }
0x425: {  	v25 =	vld [tilespmem:s1+$0x18860]  }
0x426: {  	v26 =	vld [tilespmem:s1+$0x18870]  }
0x427: {  	v27 =	vld [tilespmem:s1+$0x18C00]  }
0x428: {  	v28 =	vld [tilespmem:s1+$0x18C10]  }
0x429: {  	v29 =	vld [tilespmem:s1+$0x18C20]  }
0x42a: {  	v30 =	vld [tilespmem:s1+$0x18C30]  }
0x42b: {  	v31 =	vld [tilespmem:s1+$0x18C40]  }
0x42c: {  	v32 =	vld [tilespmem:s1+$0x18C50]  }
0x42d: {  	v33 =	vld [tilespmem:s1+$0x18C60]  }
0x42e: {  	v34 =	vld [tilespmem:s1+$0x18C70]  }
0x42f: {  	v35 =	vld [tilespmem:s1+$0x19000]  }
0x430: {  	v36 =	vld [tilespmem:s1+$0x19010]  }
0x431: {  	v37 =	vld [tilespmem:s1+$0x19020]  }
0x432: {  	v38 =	vld [tilespmem:s1+$0x19030]  }
0x433: {  	v39 =	vld [tilespmem:s1+$0x19040]  }
0x434: {  	v40 =	vld [tilespmem:s1+$0x19050]  }
0x435: {  	v41 =	vld [tilespmem:s1+$0x19060]  }
0x436: {  	v42 =	vld [tilespmem:s1+$0x19070]  }
0x437: {  	v43 =	vld [tilespmem:s1+$0x19400]  }
0x438: {  	v44 =	vld [tilespmem:s1+$0x19410]  }
0x439: {  	v45 =	vld [tilespmem:s1+$0x19420]  }
0x43a: {  	v46 =	vld [tilespmem:s1+$0x19430]  }
0x43b: {  	v2 =	vld [tilespmem:s1+$0x19440]  }
0x43c: {  	v1 =	vld [tilespmem:s1+$0x19450]  }
0x43d: {  	v0 =	vld [tilespmem:s1+$0x19460]  }
0x43e: {  	[tilespmem:s1+$0x12000] =	vst.add.f32.msk $0xffff, v3  }
0x43f: {  	[tilespmem:s1+$0x12010] =	vst.add.f32.msk $0xffff, v4  }
0x440: {  	[tilespmem:s1+$0x12020] =	vst.add.f32.msk $0xffff, v5  }
0x441: {  	[tilespmem:s1+$0x12030] =	vst.add.f32.msk $0xffff, v6  }
0x442: {  	[tilespmem:s1+$0x12040] =	vst.add.f32.msk $0xffff, v7  }
0x443: {  	[tilespmem:s1+$0x12050] =	vst.add.f32.msk $0xffff, v8  }
0x444: {  	[tilespmem:s1+$0x12060] =	vst.add.f32.msk $0xffff, v9  }
0x445: {  	[tilespmem:s1+$0x12070] =	vst.add.f32.msk $0xffff, v10  }
0x446: {  	[tilespmem:s1+$0x12400] =	vst.add.f32.msk $0xffff, v11  }
0x447: {  	[tilespmem:s1+$0x12410] =	vst.add.f32.msk $0xffff, v12  }
0x448: {  	[tilespmem:s1+$0x12420] =	vst.add.f32.msk $0xffff, v13  }
0x449: {  	[tilespmem:s1+$0x12430] =	vst.add.f32.msk $0xffff, v14  }
0x44a: {  	[tilespmem:s1+$0x12440] =	vst.add.f32.msk $0xffff, v15  }
0x44b: {  	[tilespmem:s1+$0x12450] =	vst.add.f32.msk $0xffff, v16  }
0x44c: {  	[tilespmem:s1+$0x12460] =	vst.add.f32.msk $0xffff, v17  }
0x44d: {  	[tilespmem:s1+$0x12470] =	vst.add.f32.msk $0xffff, v18  }
0x44e: {  	[tilespmem:s1+$0x12800] =	vst.add.f32.msk $0xffff, v19  }
0x44f: {  	[tilespmem:s1+$0x12810] =	vst.add.f32.msk $0xffff, v20  }
0x450: {  	[tilespmem:s1+$0x12820] =	vst.add.f32.msk $0xffff, v21  }
0x451: {  	[tilespmem:s1+$0x12830] =	vst.add.f32.msk $0xffff, v22  }
0x452: {  	[tilespmem:s1+$0x12840] =	vst.add.f32.msk $0xffff, v23  }
0x453: {  	[tilespmem:s1+$0x12850] =	vst.add.f32.msk $0xffff, v24  }
0x454: {  	[tilespmem:s1+$0x12860] =	vst.add.f32.msk $0xffff, v25  }
0x455: {  	[tilespmem:s1+$0x12870] =	vst.add.f32.msk $0xffff, v26  }
0x456: {  	[tilespmem:s1+$0x12C00] =	vst.add.f32.msk $0xffff, v27  }
0x457: {  	[tilespmem:s1+$0x12C10] =	vst.add.f32.msk $0xffff, v28  }
0x458: {  	[tilespmem:s1+$0x12C20] =	vst.add.f32.msk $0xffff, v29  }
0x459: {  	[tilespmem:s1+$0x12C30] =	vst.add.f32.msk $0xffff, v30  }
0x45a: {  	[tilespmem:s1+$0x12C40] =	vst.add.f32.msk $0xffff, v31  }
0x45b: {  	[tilespmem:s1+$0x12C50] =	vst.add.f32.msk $0xffff, v32  }
0x45c: {  	[tilespmem:s1+$0x12C60] =	vst.add.f32.msk $0xffff, v33  }
0x45d: {  	[tilespmem:s1+$0x12C70] =	vst.add.f32.msk $0xffff, v34  }
0x45e: {  	[tilespmem:s1+$0x13000] =	vst.add.f32.msk $0xffff, v35  }
0x45f: {  	[tilespmem:s1+$0x13010] =	vst.add.f32.msk $0xffff, v36  }
0x460: {  	[tilespmem:s1+$0x13020] =	vst.add.f32.msk $0xffff, v37  }
0x461: {  	[tilespmem:s1+$0x13030] =	vst.add.f32.msk $0xffff, v38  }
0x462: {  	[tilespmem:s1+$0x13040] =	vst.add.f32.msk $0xffff, v39  }
0x463: {  	[tilespmem:s1+$0x13050] =	vst.add.f32.msk $0xffff, v40  }
0x464: {  	[tilespmem:s1+$0x13060] =	vst.add.f32.msk $0xffff, v41  }
.Ltmp3:
0x465: {  	[tilespmem:s1+$0x13070] =	vst.add.f32.msk $0xffff, v42;
	(pc) =	sbr.rel @p1 .LBB2_9-.Ltmp3, $4  }
0x466: {  	[tilespmem:s1+$0x13400] =	vst.add.f32.msk $0xffff, v43  }
0x467: {  	[tilespmem:s1+$0x13410] =	vst.add.f32.msk $0xffff, v44  }
0x468: {  	[tilespmem:s1+$0x13420] =	vst.add.f32.msk $0xffff, v45  }
0x469: {  	s11 =	sshrl.u32 s0, $0x3;
	s0 =	sadd.s32 $0x1, s0;
	[tilespmem:s1+$0x13430] =	vst.add.f32.msk $0xffff, v46  }
0x46a: {  	s0 =	smul.u32 $0x1800, s11;
	[tilespmem:s1+$0x13440] =	vst.add.f32.msk $0xffff, v2;
	s8 =	sadd.s32 $0x80, s25  }
0x46b: {  	[tilespmem:s1+$0x13450] =	vst.add.f32.msk $0xffff, v1;
	s8 =	sand.u32 $0x380, s8  }
0x46c: {  	[tilespmem:s1+$0x13460] =	vst.add.f32.msk $0xffff, v0;
	s0 =	sor.u32 s8, s0  }
0x46d: {  	v60 =	vld [tilespmem:s0+$0x19470]  }
0x46e: {  	v61 =	vld [tilespmem:s0+$0x18000]  }
0x46f: {  	v62 =	vld [tilespmem:s0+$0x18010]  }
0x470: {  	v3 =	vld [tilespmem:s0+$0x18020]  }
0x471: {  	v4 =	vld [tilespmem:s0+$0x18030]  }
0x472: {  	v63 =	vld [tilespmem:s0+$0x18040]  }
0x473: {  	v5 =	vld [tilespmem:s0+$0x18050]  }
0x474: {  	v6 =	vld [tilespmem:s0+$0x18060]  }
0x475: {  	v7 =	vld [tilespmem:s0+$0x18070]  }
0x476: {  	v8 =	vld [tilespmem:s0+$0x18400]  }
0x477: {  	v9 =	vld [tilespmem:s0+$0x18410]  }
0x478: {  	v10 =	vld [tilespmem:s0+$0x18420]  }
0x479: {  	v11 =	vld [tilespmem:s0+$0x18430]  }
0x47a: {  	v12 =	vld [tilespmem:s0+$0x18440]  }
0x47b: {  	v13 =	vld [tilespmem:s0+$0x18450]  }
0x47c: {  	v14 =	vld [tilespmem:s0+$0x18460]  }
0x47d: {  	v15 =	vld [tilespmem:s0+$0x18470]  }
0x47e: {  	v16 =	vld [tilespmem:s0+$0x18800]  }
0x47f: {  	v17 =	vld [tilespmem:s0+$0x18810]  }
0x480: {  	v18 =	vld [tilespmem:s0+$0x18820]  }
0x481: {  	v19 =	vld [tilespmem:s0+$0x18830]  }
0x482: {  	v20 =	vld [tilespmem:s0+$0x18840]  }
0x483: {  	v21 =	vld [tilespmem:s0+$0x18850]  }
0x484: {  	v22 =	vld [tilespmem:s0+$0x18860]  }
0x485: {  	v23 =	vld [tilespmem:s0+$0x18870]  }
0x486: {  	v24 =	vld [tilespmem:s0+$0x18C00]  }
0x487: {  	v25 =	vld [tilespmem:s0+$0x18C10]  }
0x488: {  	v26 =	vld [tilespmem:s0+$0x18C20]  }
0x489: {  	v27 =	vld [tilespmem:s0+$0x18C30]  }
0x48a: {  	v28 =	vld [tilespmem:s0+$0x18C40]  }
0x48b: {  	v29 =	vld [tilespmem:s0+$0x18C50]  }
0x48c: {  	v30 =	vld [tilespmem:s0+$0x18C60]  }
0x48d: {  	v31 =	vld [tilespmem:s0+$0x18C70]  }
0x48e: {  	v32 =	vld [tilespmem:s0+$0x19000]  }
0x48f: {  	v33 =	vld [tilespmem:s0+$0x19010]  }
0x490: {  	v34 =	vld [tilespmem:s0+$0x19020]  }
0x491: {  	v35 =	vld [tilespmem:s0+$0x19030]  }
0x492: {  	v36 =	vld [tilespmem:s0+$0x19040]  }
0x493: {  	v37 =	vld [tilespmem:s0+$0x19050]  }
0x494: {  	v38 =	vld [tilespmem:s0+$0x19060]  }
0x495: {  	v39 =	vld [tilespmem:s0+$0x19070]  }
0x496: {  	v40 =	vld [tilespmem:s0+$0x19400]  }
0x497: {  	v41 =	vld [tilespmem:s0+$0x19410]  }
0x498: {  	v42 =	vld [tilespmem:s0+$0x19420]  }
0x499: {  	v43 =	vld [tilespmem:s0+$0x19430]  }
0x49a: {  	v44 =	vld [tilespmem:s0+$0x19440]  }
0x49b: {  	v45 =	vld [tilespmem:s0+$0x19450]  }
0x49c: {  	v46 =	vld [tilespmem:s0+$0x19460]  }
0x49d: {  	[tilespmem:s0+$0x13470] =	vst.add.f32.msk $0xffff, v60  }
0x49e: {  	[tilespmem:s0+$0x12000] =	vst.add.f32.msk $0xffff, v61  }
0x49f: {  	[tilespmem:s0+$0x12010] =	vst.add.f32.msk $0xffff, v62  }
0x4a0: {  	[tilespmem:s0+$0x12020] =	vst.add.f32.msk $0xffff, v3  }
0x4a1: {  	[tilespmem:s0+$0x12030] =	vst.add.f32.msk $0xffff, v4  }
0x4a2: {  	[tilespmem:s0+$0x12040] =	vst.add.f32.msk $0xffff, v63  }
0x4a3: {  	[tilespmem:s0+$0x12050] =	vst.add.f32.msk $0xffff, v5  }
0x4a4: {  	[tilespmem:s0+$0x12060] =	vst.add.f32.msk $0xffff, v6  }
0x4a5: {  	[tilespmem:s0+$0x12070] =	vst.add.f32.msk $0xffff, v7  }
0x4a6: {  	[tilespmem:s0+$0x12400] =	vst.add.f32.msk $0xffff, v8  }
0x4a7: {  	[tilespmem:s0+$0x12410] =	vst.add.f32.msk $0xffff, v9  }
0x4a8: {  	[tilespmem:s0+$0x12420] =	vst.add.f32.msk $0xffff, v10  }
0x4a9: {  	[tilespmem:s0+$0x12430] =	vst.add.f32.msk $0xffff, v11  }
0x4aa: {  	[tilespmem:s0+$0x12440] =	vst.add.f32.msk $0xffff, v12  }
0x4ab: {  	[tilespmem:s0+$0x12450] =	vst.add.f32.msk $0xffff, v13  }
0x4ac: {  	[tilespmem:s0+$0x12460] =	vst.add.f32.msk $0xffff, v14  }
0x4ad: {  	[tilespmem:s0+$0x12470] =	vst.add.f32.msk $0xffff, v15  }
0x4ae: {  	[tilespmem:s0+$0x12800] =	vst.add.f32.msk $0xffff, v16  }
0x4af: {  	[tilespmem:s0+$0x12810] =	vst.add.f32.msk $0xffff, v17  }
0x4b0: {  	[tilespmem:s0+$0x12820] =	vst.add.f32.msk $0xffff, v18  }
0x4b1: {  	[tilespmem:s0+$0x12830] =	vst.add.f32.msk $0xffff, v19  }
0x4b2: {  	[tilespmem:s0+$0x12840] =	vst.add.f32.msk $0xffff, v20  }
0x4b3: {  	[tilespmem:s0+$0x12850] =	vst.add.f32.msk $0xffff, v21  }
0x4b4: {  	[tilespmem:s0+$0x12860] =	vst.add.f32.msk $0xffff, v22  }
0x4b5: {  	[tilespmem:s0+$0x12870] =	vst.add.f32.msk $0xffff, v23  }
0x4b6: {  	[tilespmem:s0+$0x12C00] =	vst.add.f32.msk $0xffff, v24  }
0x4b7: {  	[tilespmem:s0+$0x12C10] =	vst.add.f32.msk $0xffff, v25  }
0x4b8: {  	[tilespmem:s0+$0x12C20] =	vst.add.f32.msk $0xffff, v26  }
0x4b9: {  	[tilespmem:s0+$0x12C30] =	vst.add.f32.msk $0xffff, v27  }
0x4ba: {  	[tilespmem:s0+$0x12C40] =	vst.add.f32.msk $0xffff, v28  }
0x4bb: {  	[tilespmem:s0+$0x12C50] =	vst.add.f32.msk $0xffff, v29  }
0x4bc: {  	[tilespmem:s0+$0x12C60] =	vst.add.f32.msk $0xffff, v30  }
0x4bd: {  	[tilespmem:s0+$0x12C70] =	vst.add.f32.msk $0xffff, v31  }
0x4be: {  	[tilespmem:s0+$0x13000] =	vst.add.f32.msk $0xffff, v32  }
0x4bf: {  	[tilespmem:s0+$0x13010] =	vst.add.f32.msk $0xffff, v33  }
0x4c0: {  	[tilespmem:s0+$0x13020] =	vst.add.f32.msk $0xffff, v34  }
0x4c1: {  	[tilespmem:s0+$0x13030] =	vst.add.f32.msk $0xffff, v35  }
0x4c2: {  	[tilespmem:s0+$0x13040] =	vst.add.f32.msk $0xffff, v36  }
0x4c3: {  	[tilespmem:s0+$0x13050] =	vst.add.f32.msk $0xffff, v37  }
0x4c4: {  	[tilespmem:s0+$0x13060] =	vst.add.f32.msk $0xffff, v38  }
0x4c5: {  	[tilespmem:s0+$0x13070] =	vst.add.f32.msk $0xffff, v39  }
0x4c6: {  	[tilespmem:s0+$0x13400] =	vst.add.f32.msk $0xffff, v40  }
0x4c7: {  	[tilespmem:s0+$0x13410] =	vst.add.f32.msk $0xffff, v41  }
0x4c8: {  	[tilespmem:s0+$0x13420] =	vst.add.f32.msk $0xffff, v42  }
0x4c9: {  	[tilespmem:s0+$0x13430] =	vst.add.f32.msk $0xffff, v43  }
0x4ca: {  	[tilespmem:s0+$0x13440] =	vst.add.f32.msk $0xffff, v44  }
0x4cb: {  	s1 =	sadd.s32 @!p0 s4, s29;
	[tilespmem:s0+$0x13450] =	vst.add.f32.msk $0xffff, v45  }
0x4cc: {  	s8 =	simm.s32 @!p0 $0x18000;
	[tilespmem:s0+$0x13460] =	vst.add.f32.msk $0xffff, v46;
	s0 =	sadd.s32 @!p0 $0xC00, s1;
	s1 =	simm.s32 @!p0 $0x0  }
0x4cd: {  	[tilespmem:s8], [sflag:$0x9] =	stream.linear.gather @!p0 [hbm4b:s0+s1], $0x6000, $0x38;
	[tilespmem:$0x1E000] =	vst v63  }
0x4ce: {  	p0 =	sne.s32 s28, $0x8  }
.Ltmp4:
0x4cf: {  	_ = 	snop;
	(pc) =	sbr.rel @p0 .LBB2_2-.Ltmp4, $3  }
0x4d0: {  	_ =	sdelay $0x1  }
0x4d1: {  	s31 =	sadd.s32 s5, s26  }
0x4d2: {  	[hbm4b:s31+s6] =	stream.linear.scatter [tilespmem:s17], [sflag:$0x8], $0x6000, $0x38;
	[tilespmem:$0x1E000] =	vst v63  }
0x4d3: {  	_ =	swait.ge [sflag:s20], $0x6000  }
0x4d4: {  	[sflag:s20] =	ssyncset.done $0x0  }
0x4d5: {  	[sflag:s20] =	ssyncadd.s32 $0xFFFFA000  }
0x4d6: {  	_ =	swait.ge [sflag:s21], $0x6000  }
0x4d7: {  	[sflag:s21] =	ssyncset.done $0x0  }
0x4d8: {  	s24 =	sadd.s32 $0x1, s24;
	[sflag:s21] =	ssyncadd.s32 $0xFFFFA000  }
0x4d9: {  	p0 =	sne.s32 s24, s10;
	_ =	swait.ge [sflag:s22], $0x6000  }
.Ltmp5:
0x4da: {  	[sflag:s22] =	ssyncset.done $0x0;
	(pc) =	sbr.rel @p0 .LBB2_1-.Ltmp5, $4  }
0x4db: {  	[sflag:s22] =	ssyncadd.s32 $0xFFFFA000  }
0x4dc: {  	_ =	swait.ge [sflag:s23], $0x6000  }
0x4dd: {  	[sflag:s23] =	ssyncset.done $0x0  }
0x4de: {  	[sflag:s23] =	ssyncadd.s32 $0xFFFFA000  }
0x4df: {  	_ =	sfence.sel $0x180000  }
0x4e0: {  	[bflag:$0x0] =	sbarrier.arrive $0xFFFF  }
0x4e1: {  	_ =	strace $0x90000047  }
0x4e2: {  	s0 =	stileid.u32;
	[bflag:$0x2] =	sbarrier.arrive $0xFFFF  }
0x4e3: {  	p0 =	sne.s32 s0, $0x0;
	s0 =	rddreg [dreg:$0x3]  }
0x4e4: {  	s0 =	sadd.s32 @!p0 $0x100000, s0  }
0x4e5: {  	[sflag:s0] =	ssyncadd.tile.s32 @!p0 $0x1;
	_ =	shalt  }
.Lfunc_end2:
_tile_overlayer_lowered:
.L_overlay_start_2:
0x4e6: {  	(tag) =	ssettag $0x2  }
0x4e7: {  	s0 =	rddreg [dreg:$0x0];
	s2 =	stileid.u32  }
0x4e8: {  	s1 =	rddreg [dreg:$0x1];
	p0 =	sne.s32 s2, $0x0  }
0x4e9: {  	s3 =	rddreg [dreg:$0x2];
	[bflag:$0x3] =	sbarrier.arrive $0xFFFF;
	s2 =	simm.s32 @!p0 $0x1C0A  }
0x4ea: {  	[timem:s3], [sflag:s2] =	dma.local @!p0 [hbm:s0], s1  }
0x4eb: {  	s0 =	simm.s32 @!p0 $0xA  }
0x4ec: {  	_ =	swait.ge @!p0 [sflag:s0], s1  }
0x4ed: {  	s1 =	ssub.s32 @!p0 $0x0, s1;
	[sflag:s0] =	ssyncset.done @!p0 $0x0  }
0x4ee: {  	[sflag:s0] =	ssyncadd.s32 @!p0 s1  }
0x4ef: {  	[bflag:$0x3] =	sbarrier.arrive $0xFFFF  }
0x4f0: {  	_ =	shalt  }

</sc_bundles>
